<compile_context>
chip_gen: v7x
topology: tpu7x:2x2x1
jax: 0.10.2.dev20260603
libtpu: 0.0.44.dev20260713+nightly
codegen_flags: <defaults>
</compile_context>

<pallas_src>
import functools

import jax
import jax.numpy as jnp
from jax import lax
from jax.experimental import pallas as pl
from jax.experimental.pallas import tpu as pltpu
from jax.experimental.pallas import tpu_sc as plsc

_N = 50000
_E = 800000
_C = 16
_K = 128
_H = 64
_NCHUNK = _E // _K
_MAIN = 390
_EXTRA = _NCHUNK - 16 * _MAIN
_ACC_ROWS = 50048
_RPT = _ACC_ROWS // 16

_mesh = plsc.VectorSubcoreMesh(core_axis_name="c", subcore_axis_name="s")


@functools.partial(
    pl.kernel,
    out_type=jax.ShapeDtypeStruct((2 * _ACC_ROWS, 32), jnp.float32),
    mesh=_mesh,
    compiler_params=pltpu.CompilerParams(needs_layout_passes=False,
                                         use_tc_tiling_on_sc=False),
    scratch_types=[
        [pltpu.VMEM((_K,), jnp.int32)] * 2,
        [pltpu.VMEM((2, _H), jnp.int32)] * 2,
        [pltpu.VMEM((16, 136), jnp.float32)] * 2,
        [pltpu.VMEM((48, 136), jnp.float32)] * 2,
        [pltpu.VMEM((_H, 64), jnp.float32)] * 2,
        [pltpu.VMEM((_H, 32), jnp.float32)] * 2,
        [pltpu.VMEM((_H,), jnp.int32)] * 2,
        pltpu.VMEM_SHARED((_ACC_ROWS, 32), jnp.float32),
        [pltpu.SemaphoreType.DMA] * 2,
        [pltpu.SemaphoreType.DMA] * 2,
        [pltpu.SemaphoreType.DMA] * 2,
        [pltpu.SemaphoreType.DMA] * 2,
    ],
)
def _edge_kernel(htab, srcm, nbrm, ea0m, ea1m, out_hbm,
                 nbr, src, ea0, ea1, g, o, idx, acc,
                 semidx, semea, semg, semsc):
    c = lax.axis_index("c")
    s = lax.axis_index("s")
    nt = jnp.where(s < _EXTRA, _MAIN + 1, _MAIN)

    cm = (jnp.zeros((_C,), jnp.int32) + c) == 0
    zeros16 = jnp.zeros((_C,), jnp.float32)
    iota = lax.iota(jnp.int32, _C)
    arow = [iota, iota + 16, iota + 32]

    def _idx_refs(j, r):
        return (
            (nbrm.at[pl.ds(j * _K, _K)], nbr[r].at[pl.ds(0, _K)]),
            (srcm.at[pl.ds(j * _K, _H)], src[r].at[0]),
            (srcm.at[pl.ds(j * _K + _H, _H)], src[r].at[1]),
        )

    def _ea_refs(j, r):
        refs = []
        for q in range(2):
            refs.append((ea0m.at[pl.ds((q * _NCHUNK + j) * 8, 8)],
                         ea0[r].at[pl.ds(q * 8, 8), pl.ds(0, 128)]))
        for q in range(6):
            refs.append((ea1m.at[pl.ds((q * _NCHUNK + j) * 8, 8)],
                         ea1[r].at[pl.ds(q * 8, 8), pl.ds(0, 128)]))
        return refs

    def _issue_lin(j, r):
        for a, b in _idx_refs(j, r):
            pltpu.async_copy(a, b, semidx[r])
        for a, b in _ea_refs(j, r):
            pltpu.async_copy(a, b, semea[r])

    def _wait_idx(j, r):
        for a, b in _idx_refs(j, r):
            pltpu.make_async_copy(a, b, semidx[r]).wait()

    def _wait_ea(j, r):
        for a, b in _ea_refs(j, r):
            pltpu.make_async_copy(a, b, semea[r]).wait()

    def _gather(r, h, p):
        pltpu.async_copy(htab.at[nbr[r].at[pl.ds(h * _H, _H)]], g[p], semg[p])

    def _wait_gather(r, h, p):
        pltpu.make_async_copy(htab.at[nbr[r].at[pl.ds(h * _H, _H)]],
                              g[p], semg[p]).wait()

    def _wait_scatter(h):
        pltpu.make_async_copy(o[h], acc.at[idx[h]], semsc[h]).wait()

    _issue_lin(s, 0)

    @plsc.parallel_loop(0, _H)
    def _zero_row(e):
        o[0][e, pl.ds(0, 16)] = zeros16
        o[0][e, pl.ds(16, 16)] = zeros16

    row0 = s * _RPT
    for k in range(_RPT // _H):
        pltpu.sync_copy(o[0], acc.at[pl.ds(row0 + k * _H, _H)])
    pltpu.sync_copy(o[0].at[pl.ds(0, _RPT % _H)],
                    acc.at[pl.ds(row0 + _RPT // _H * _H, _RPT % _H)])

    _wait_idx(s, 0)
    _gather(0, 0, 0)
    plsc.subcore_barrier()

    def body(u, h, r):
        n = u // 2
        r1 = 1 - r
        j1 = s + (n + 1) * 16

        if h == 0:
            @pl.when(n + 1 < nt)
            def _():
                _issue_lin(j1, r1)
            _gather(r, 1, 1)
            _wait_gather(r, 0, 0)
        else:
            @pl.when(n + 1 < nt)
            def _():
                _wait_idx(j1, r1)
                _gather(r1, 0, 0)
            _wait_gather(r, 1, 1)

        @pl.when(u >= 2)
        def _():
            _wait_scatter(h)

        if h == 0:
            _wait_ea(s + n * 16, r)

        @plsc.parallel_loop(0, _H // _C)
        def _idx_copy(i):
            idx[h][pl.ds(i * _C, _C)] = src[r][h, pl.ds(i * _C, _C)]

        gv, e0v, e1v, ov = g[h], ea0[r], ea1[r], o[h]

        @plsc.parallel_loop(0, _H, unroll=2)
        def _edge(e):
            g0 = gv[e, pl.ds(0, 16)]
            g1x = gv[e, pl.ds(16, 16)]
            g1y = gv[e, pl.ds(32, 16)]
            g1z = gv[e, pl.ds(48, 16)]
            es = jnp.full((_C,), e + h * _H, jnp.int32)
            a0 = plsc.load_gather(e0v, [arow[0], es])
            a1x = plsc.load_gather(e1v, [arow[0], es])
            a1y = plsc.load_gather(e1v, [arow[1], es])
            a1z = plsc.load_gather(e1v, [arow[2], es])
            o0 = g0 * a0 + g1x * a1x + g1y * a1y + g1z * a1z
            px = g0 * a1x + g1x * a0
            py = g0 * a1y + g1y * a0
            pz = g0 * a1z + g1z * a0
            ov[e, pl.ds(0, 16)] = jnp.where(cm, o0, py)
            ov[e, pl.ds(16, 16)] = jnp.where(cm, px, pz)

        pltpu.async_copy(ov, acc.at[idx[h]], semsc[h], add=True)

    def outer(m, _):
        for k in range(4):
            u = m * 4 + k
            body(u, k % 2, (k // 2) % 2)
        return 0

    lax.fori_loop(0, 2 * _MAIN // 4, outer, 0)

    @pl.when(s < _EXTRA)
    def _():
        body(2 * _MAIN, 0, 0)
        body(2 * _MAIN + 1, 1, 0)

    _wait_scatter(0)
    _wait_scatter(1)
    plsc.subcore_barrier()

    pltpu.sync_copy(acc.at[pl.ds(row0, _RPT)],
                    out_hbm.at[pl.ds(c * _ACC_ROWS + row0, _RPT)])


def kernel(h_0, h_1, rel_pos, edge_index, edge_attr_0, edge_attr_1,
           channel_weights):
    del rel_pos, channel_weights
    n = h_0.shape[0]
    nb = _NCHUNK
    htab = jnp.concatenate(
        [h_0, h_1[:, :, 0], h_1[:, :, 1], h_1[:, :, 2],
         jnp.zeros((n, 64), jnp.float32)], axis=1).reshape(2 * n, 64)
    src = edge_index[0].astype(jnp.int32)
    nbr2 = edge_index[1].astype(jnp.int32) * 2
    ea0_t = (edge_attr_0.T.reshape(2, 8, nb, 128)
             .transpose(0, 2, 1, 3).reshape(-1, 128))
    ea1_t = (edge_attr_1.transpose(2, 1, 0).reshape(3, 2, 8, nb, 128)
             .transpose(0, 1, 3, 2, 4).reshape(-1, 128))
    out = _edge_kernel(htab, src, nbr2, ea0_t,
                       ea1_t).reshape(2, _ACC_ROWS, 32)
    a, b = out[0, :n], out[1, :n]
    out0 = a[:, :16]
    out1 = jnp.stack([a[:, 16:], b[:, :16], b[:, 16:]], axis=-1)
    return (out0, out1)

# --- scband reference (transcript-rebuilt; emitter-appended) ---
"""Pipeline reference for scband-atomic-basis-15685220565082 (READ-ONLY COPY).

The authoritative reference and input builder live on the scoring server;
editing this copy changes nothing except your own understanding.
"""

import jax, jax.numpy as jnp
import numpy as np

N_NODES = 50000
N_EDGES = 800000
N_CH = 16
DIM = 3
H_RANK_MAX = 1


def setup_inputs(seed: int = 0) -> dict:
    key = jax.random.key(seed)
    ks = jax.random.split(key, 7)
    h_0 = jax.random.normal(ks[0], (N_NODES, N_CH), dtype=jnp.float32)
    h_1 = jax.random.normal(ks[1], (N_NODES, N_CH, DIM), dtype=jnp.float32)
    rel_pos = jax.random.normal(ks[2], (N_EDGES, DIM), dtype=jnp.float32)
    edge_index = jax.random.randint(ks[3], (2, N_EDGES), 0, N_NODES)
    edge_attr_0 = jax.random.normal(ks[4], (N_EDGES, N_CH), dtype=jnp.float32)
    edge_attr_1 = jax.random.normal(ks[5], (N_EDGES, N_CH, DIM), dtype=jnp.float32)
    channel_weights = jax.random.normal(ks[6], (H_RANK_MAX + 1, N_CH, N_CH), dtype=jnp.float32)
    return {
        'h_0': h_0,
        'h_1': h_1,
        'rel_pos': rel_pos,
        'edge_index': edge_index,
        'edge_attr_0': edge_attr_0,
        'edge_attr_1': edge_attr_1,
        'channel_weights': channel_weights,
    }


def reference(h_0, h_1, rel_pos, edge_index, edge_attr_0, edge_attr_1, channel_weights):
    # gather node features onto edges (neighbour side = edge_index[1])
    nbr = edge_index[1]
    h = [jnp.take(h_0, nbr, axis=0), jnp.take(h_1, nbr, axis=0)]
    # channel mixing (computed as in the original forward; note the original code
    # stores the mixed features in self.h but then contracts the UNMIXED gathered h)
    mixed = [jnp.einsum('ij,kj...->ki...', channel_weights[r], h[r]) for r in range(H_RANK_MAX + 1)]
    del mixed  # dead w.r.t. the returned output, exactly as in the original code

    # CartesianContraction over all valid (h_rank, edge_attr_rank) splits.
    # With h_rank_max=1, self_tp_rank_max=1, basis_rank_max=1 the valid keys are:
    #   '00:0' (n_indices=0 -> c_out=0): elementwise product
    #   '01:1' (n_indices=1 -> c_out=1): h0 outer edge_attr1
    #   '10:1' (n_indices=1 -> c_out=1): h1 outer edge_attr0
    #   '11:0' (n_indices=2 -> c_out=0): full contraction of the two rank-1 legs
    tensors_out = [[], []]
    tensors_out[0].append(h[0] * edge_attr_0)                          # '00:0'
    tensors_out[1].append(h[0][:, :, None] * edge_attr_1)              # '01:1'
    tensors_out[1].append(h[1] * edge_attr_0[:, :, None])              # '10:1'
    tensors_out[0].append(jnp.einsum('eci,eci->ec', h[1], edge_attr_1))  # '11:0'

    a_set = []
    for ts in tensors_out:
        s = jnp.stack(ts, axis=0)
        s = jnp.einsum('i...->...', s)
        a_set.append(jax.ops.segment_sum(s, edge_index[0], num_segments=N_NODES))
    return tuple(a_set)

if __name__ == "__main__":
    import jax
    _d = setup_inputs()
    print(jax.jit(kernel)(*tuple(_d.values())))

</pallas_src>

<mosaic_0001>
#map = affine_map<(d0, d1) -> (0, 0)>
#map1 = affine_map<(d0, d1) -> (0)>
module attributes {stable_mosaic.version = 14 : i64} {
  func.func @_edge_kernel(%arg0: i32, %arg1: i32, %arg2: memref<100000x64xf32, #tpu.memory_space<hbm>>, %arg3: memref<800000xi32, #tpu.memory_space<hbm>>, %arg4: memref<800000xi32, #tpu.memory_space<hbm>>, %arg5: memref<100000x128xf32, #tpu.memory_space<hbm>>, %arg6: memref<300000x128xf32, #tpu.memory_space<hbm>>, %arg7: memref<100096x32xf32, #tpu.memory_space<hbm>>, %arg8: memref<128xi32, #tpu.memory_space<vmem>>, %arg9: memref<128xi32, #tpu.memory_space<vmem>>, %arg10: memref<2x64xi32, #tpu.memory_space<vmem>>, %arg11: memref<2x64xi32, #tpu.memory_space<vmem>>, %arg12: memref<16x136xf32, #tpu.memory_space<vmem>>, %arg13: memref<16x136xf32, #tpu.memory_space<vmem>>, %arg14: memref<48x136xf32, #tpu.memory_space<vmem>>, %arg15: memref<48x136xf32, #tpu.memory_space<vmem>>, %arg16: memref<64x64xf32, #tpu.memory_space<vmem>>, %arg17: memref<64x64xf32, #tpu.memory_space<vmem>>, %arg18: memref<64x32xf32, #tpu.memory_space<vmem>>, %arg19: memref<64x32xf32, #tpu.memory_space<vmem>>, %arg20: memref<64xi32, #tpu.memory_space<vmem>>, %arg21: memref<64xi32, #tpu.memory_space<vmem>>, %arg22: memref<50048x32xf32, #tpu.memory_space<vmem_shared>>, %arg23: memref<!tpu.dma_semaphore, #tpu.memory_space<semaphore_mem>>, %arg24: memref<!tpu.dma_semaphore, #tpu.memory_space<semaphore_mem>>, %arg25: memref<!tpu.dma_semaphore, #tpu.memory_space<semaphore_mem>>, %arg26: memref<!tpu.dma_semaphore, #tpu.memory_space<semaphore_mem>>, %arg27: memref<!tpu.dma_semaphore, #tpu.memory_space<semaphore_mem>>, %arg28: memref<!tpu.dma_semaphore, #tpu.memory_space<semaphore_mem>>, %arg29: memref<!tpu.dma_semaphore, #tpu.memory_space<semaphore_mem>>, %arg30: memref<!tpu.dma_semaphore, #tpu.memory_space<semaphore_mem>>) attributes {dimension_semantics = [#tpu.dimension_semantics<core_parallel>, #tpu.dimension_semantics<subcore_parallel>], iteration_bounds = array<i64: 2, 16>, scalar_prefetch = 0 : i64, scratch_operands = 23 : i64, tpu.core_type = #tpu.core_type<sc_vector_subcore>, window_params = [{transform_indices = #map}, {transform_indices = #map1}, {transform_indices = #map1}, {transform_indices = #map}, {transform_indices = #map}, {transform_indices = #map}]} {
    %lt3A = arith.constant 10 : i32
    %lt3A_0 = arith.cmpi slt, %arg1, %lt3A : i32
    %jit3A = arith.constant 391 : i32
    %jit3A_1 = arith.constant 390 : i32
    %select_n3A = arith.select %lt3A_0, %jit3A, %jit3A_1 : i32
    %broadcast_in_dim3A = arith.constant 0 : i32
    %broadcast_in_dim3A_2 = vector.broadcast %broadcast_in_dim3A : i32 to vector<16xi32>
    %add3A = vector.broadcast %arg0 : i32 to vector<16xi32>
    %add3A_3 = arith.addi %broadcast_in_dim3A_2, %add3A : vector<16xi32>
    %eq3A = arith.constant 0 : i32
    %eq3A_4 = vector.broadcast %eq3A : i32 to vector<16xi32>
    %eq3A_5 = arith.cmpi eq, %add3A_3, %eq3A_4 : vector<16xi32>
    %broadcast_in_dim3A_6 = arith.constant 0.000000e+00 : f32
    %broadcast_in_dim3A_7 = vector.broadcast %broadcast_in_dim3A_6 : f32 to vector<16xf32>
    %iota3A = tpu.iota {dimensions = array<i32: 0>} : vector<16xi32>
    %add3A_8 = arith.constant 16 : i32
    %add3A_9 = vector.broadcast %add3A_8 : i32 to vector<16xi32>
    %add3A_10 = arith.addi %iota3A, %add3A_9 : vector<16xi32>
    %add3A_11 = arith.constant 32 : i32
    %add3A_12 = vector.broadcast %add3A_11 : i32 to vector<16xi32>
    %add3A_13 = arith.addi %iota3A, %add3A_12 : vector<16xi32>
    %mul3A = arith.constant 128 : i32
    %mul3A_14 = arith.muli %arg1, %mul3A : i32
    %mul3A_15 = arith.constant 128 : i32
    %mul3A_16 = arith.muli %arg1, %mul3A_15 : i32
    %mul3A_17 = arith.constant 128 : i32
    %mul3A_18 = arith.muli %arg1, %mul3A_17 : i32
    %add3A_19 = arith.constant 64 : i32
    %add3A_20 = arith.addi %mul3A_18, %add3A_19 : i32
    %dma_start3A = arith.constant 0 : i32
    %dma_start3A_21 = tpu.memref_slice %arg8[%dma_start3A] : memref<128xi32, #tpu.memory_space<vmem>> -> memref<128xi32, #tpu.memory_space<vmem>>
    %dma_start3A_22 = tpu.memref_slice %arg4[%mul3A_14] : memref<800000xi32, #tpu.memory_space<hbm>> -> memref<128xi32, #tpu.memory_space<hbm>>
    %dma_start3A_23 = arith.constant 0 : i32
    %dma_start3A_24 = tpu.memref_slice %arg8[%dma_start3A_23] : memref<128xi32, #tpu.memory_space<vmem>> -> memref<128xi32, #tpu.memory_space<vmem>>
    %dma_start3A_25 = tpu.memref_slice %arg4[%mul3A_14] : memref<800000xi32, #tpu.memory_space<hbm>> -> memref<128xi32, #tpu.memory_space<hbm>>
    tpu.enqueue_dma source(%dma_start3A_25 : memref<128xi32, #tpu.memory_space<hbm>>) target(%dma_start3A_24 : memref<128xi32, #tpu.memory_space<vmem>>) target_semaphore(%arg23 : memref<!tpu.dma_semaphore, #tpu.memory_space<semaphore_mem>>)
    %dma_start3A_26 = arith.constant 0 : i32
    %dma_start3A_27 = arith.constant 0 : i32
    %dma_start3A_28 = tpu.memref_slice %arg10[%dma_start3A_26, %dma_start3A_27] : memref<2x64xi32, #tpu.memory_space<vmem>> -> memref<1x64xi32, #tpu.memory_space<vmem>>
    %dma_start3A_29 = tpu.memref_squeeze %dma_start3A_28 : memref<1x64xi32, #tpu.memory_space<vmem>> -> memref<64xi32, #tpu.memory_space<vmem>>
    %dma_start3A_30 = tpu.memref_slice %arg3[%mul3A_16] : memref<800000xi32, #tpu.memory_space<hbm>> -> memref<64xi32, #tpu.memory_space<hbm>>
    %dma_start3A_31 = arith.constant 0 : i32
    %dma_start3A_32 = tpu.memref_slice %arg10[%dma_start3A_26, %dma_start3A_31] : memref<2x64xi32, #tpu.memory_space<vmem>> -> memref<1x64xi32, #tpu.memory_space<vmem>>
    %dma_start3A_33 = tpu.memref_squeeze %dma_start3A_32 : memref<1x64xi32, #tpu.memory_space<vmem>> -> memref<64xi32, #tpu.memory_space<vmem>>
    %dma_start3A_34 = tpu.memref_slice %arg3[%mul3A_16] : memref<800000xi32, #tpu.memory_space<hbm>> -> memref<64xi32, #tpu.memory_space<hbm>>
    tpu.enqueue_dma source(%dma_start3A_34 : memref<64xi32, #tpu.memory_space<hbm>>) target(%dma_start3A_33 : memref<64xi32, #tpu.memory_space<vmem>>) target_semaphore(%arg23 : memref<!tpu.dma_semaphore, #tpu.memory_space<semaphore_mem>>)
    %dma_start3A_35 = arith.constant 1 : i32
    %dma_start3A_36 = arith.constant 0 : i32
    %dma_start3A_37 = tpu.memref_slice %arg10[%dma_start3A_35, %dma_start3A_36] : memref<2x64xi32, #tpu.memory_space<vmem>> -> memref<1x64xi32, #tpu.memory_space<vmem>>
    %dma_start3A_38 = tpu.memref_squeeze %dma_start3A_37 : memref<1x64xi32, #tpu.memory_space<vmem>> -> memref<64xi32, #tpu.memory_space<vmem>>
    %dma_start3A_39 = tpu.memref_slice %arg3[%add3A_20] : memref<800000xi32, #tpu.memory_space<hbm>> -> memref<64xi32, #tpu.memory_space<hbm>>
    %dma_start3A_40 = arith.constant 0 : i32
    %dma_start3A_41 = tpu.memref_slice %arg10[%dma_start3A_35, %dma_start3A_40] : memref<2x64xi32, #tpu.memory_space<vmem>> -> memref<1x64xi32, #tpu.memory_space<vmem>>
    %dma_start3A_42 = tpu.memref_squeeze %dma_start3A_41 : memref<1x64xi32, #tpu.memory_space<vmem>> -> memref<64xi32, #tpu.memory_space<vmem>>
    %dma_start3A_43 = tpu.memref_slice %arg3[%add3A_20] : memref<800000xi32, #tpu.memory_space<hbm>> -> memref<64xi32, #tpu.memory_space<hbm>>
    tpu.enqueue_dma source(%dma_start3A_43 : memref<64xi32, #tpu.memory_space<hbm>>) target(%dma_start3A_42 : memref<64xi32, #tpu.memory_space<vmem>>) target_semaphore(%arg23 : memref<!tpu.dma_semaphore, #tpu.memory_space<semaphore_mem>>)
    %add3A_44 = arith.constant 0 : i32
    %add3A_45 = arith.addi %add3A_44, %arg1 : i32
    %mul3A_46 = arith.constant 8 : i32
    %mul3A_47 = arith.muli %add3A_45, %mul3A_46 : i32
    %add3A_48 = arith.constant 6250 : i32
    %add3A_49 = arith.addi %add3A_48, %arg1 : i32
    %mul3A_50 = arith.constant 8 : i32
    %mul3A_51 = arith.muli %add3A_49, %mul3A_50 : i32
    %add3A_52 = arith.constant 0 : i32
    %add3A_53 = arith.addi %add3A_52, %arg1 : i32
    %mul3A_54 = arith.constant 8 : i32
    %mul3A_55 = arith.muli %add3A_53, %mul3A_54 : i32
    %add3A_56 = arith.constant 6250 : i32
    %add3A_57 = arith.addi %add3A_56, %arg1 : i32
    %mul3A_58 = arith.constant 8 : i32
    %mul3A_59 = arith.muli %add3A_57, %mul3A_58 : i32
    %add3A_60 = arith.constant 12500 : i32
    %add3A_61 = arith.addi %add3A_60, %arg1 : i32
    %mul3A_62 = arith.constant 8 : i32
    %mul3A_63 = arith.muli %add3A_61, %mul3A_62 : i32
    %add3A_64 = arith.constant 18750 : i32
    %add3A_65 = arith.addi %add3A_64, %arg1 : i32
    %mul3A_66 = arith.constant 8 : i32
    %mul3A_67 = arith.muli %add3A_65, %mul3A_66 : i32
    %add3A_68 = arith.constant 25000 : i32
    %add3A_69 = arith.addi %add3A_68, %arg1 : i32
    %mul3A_70 = arith.constant 8 : i32
    %mul3A_71 = arith.muli %add3A_69, %mul3A_70 : i32
    %add3A_72 = arith.constant 31250 : i32
    %add3A_73 = arith.addi %add3A_72, %arg1 : i32
    %mul3A_74 = arith.constant 8 : i32
    %mul3A_75 = arith.muli %add3A_73, %mul3A_74 : i32
    %dma_start3A_76 = arith.constant 0 : i32
    %dma_start3A_77 = arith.constant 0 : i32
    %dma_start3A_78 = tpu.memref_slice %arg12[%dma_start3A_76, %dma_start3A_77] : memref<16x136xf32, #tpu.memory_space<vmem>> -> memref<8x128xf32, #tpu.memory_space<vmem>>
    %dma_start3A_79 = arith.constant 0 : i32
    %dma_start3A_80 = tpu.memref_slice %arg5[%mul3A_47, %dma_start3A_79] : memref<100000x128xf32, #tpu.memory_space<hbm>> -> memref<8x128xf32, #tpu.memory_space<hbm>>
    %dma_start3A_81 = arith.constant 0 : i32
    %dma_start3A_82 = arith.constant 0 : i32
    %dma_start3A_83 = tpu.memref_slice %arg12[%dma_start3A_81, %dma_start3A_82] : memref<16x136xf32, #tpu.memory_space<vmem>> -> memref<8x128xf32, #tpu.memory_space<vmem>>
    %dma_start3A_84 = arith.constant 0 : i32
    %dma_start3A_85 = tpu.memref_slice %arg5[%mul3A_47, %dma_start3A_84] : memref<100000x128xf32, #tpu.memory_space<hbm>> -> memref<8x128xf32, #tpu.memory_space<hbm>>
    tpu.enqueue_dma source(%dma_start3A_85 : memref<8x128xf32, #tpu.memory_space<hbm>>) target(%dma_start3A_83 : memref<8x128xf32, #tpu.memory_space<vmem>>) target_semaphore(%arg25 : memref<!tpu.dma_semaphore, #tpu.memory_space<semaphore_mem>>)
    %dma_start3A_86 = arith.constant 8 : i32
    %dma_start3A_87 = arith.constant 0 : i32
    %dma_start3A_88 = tpu.memref_slice %arg12[%dma_start3A_86, %dma_start3A_87] : memref<16x136xf32, #tpu.memory_space<vmem>> -> memref<8x128xf32, #tpu.memory_space<vmem>>
    %dma_start3A_89 = arith.constant 0 : i32
    %dma_start3A_90 = tpu.memref_slice %arg5[%mul3A_51, %dma_start3A_89] : memref<100000x128xf32, #tpu.memory_space<hbm>> -> memref<8x128xf32, #tpu.memory_space<hbm>>
    %dma_start3A_91 = arith.constant 8 : i32
    %dma_start3A_92 = arith.constant 0 : i32
    %dma_start3A_93 = tpu.memref_slice %arg12[%dma_start3A_91, %dma_start3A_92] : memref<16x136xf32, #tpu.memory_space<vmem>> -> memref<8x128xf32, #tpu.memory_space<vmem>>
    %dma_start3A_94 = arith.constant 0 : i32
    %dma_start3A_95 = tpu.memref_slice %arg5[%mul3A_51, %dma_start3A_94] : memref<100000x128xf32, #tpu.memory_space<hbm>> -> memref<8x128xf32, #tpu.memory_space<hbm>>
    tpu.enqueue_dma source(%dma_start3A_95 : memref<8x128xf32, #tpu.memory_space<hbm>>) target(%dma_start3A_93 : memref<8x128xf32, #tpu.memory_space<vmem>>) target_semaphore(%arg25 : memref<!tpu.dma_semaphore, #tpu.memory_space<semaphore_mem>>)
    %dma_start3A_96 = arith.constant 0 : i32
    %dma_start3A_97 = arith.constant 0 : i32
    %dma_start3A_98 = tpu.memref_slice %arg14[%dma_start3A_96, %dma_start3A_97] : memref<48x136xf32, #tpu.memory_space<vmem>> -> memref<8x128xf32, #tpu.memory_space<vmem>>
    %dma_start3A_99 = arith.constant 0 : i32
    %dma_start3A_100 = tpu.memref_slice %arg6[%mul3A_55, %dma_start3A_99] : memref<300000x128xf32, #tpu.memory_space<hbm>> -> memref<8x128xf32, #tpu.memory_space<hbm>>
    %dma_start3A_101 = arith.constant 0 : i32
    %dma_start3A_102 = arith.constant 0 : i32
    %dma_start3A_103 = tpu.memref_slice %arg14[%dma_start3A_101, %dma_start3A_102] : memref<48x136xf32, #tpu.memory_space<vmem>> -> memref<8x128xf32, #tpu.memory_space<vmem>>
    %dma_start3A_104 = arith.constant 0 : i32
    %dma_start3A_105 = tpu.memref_slice %arg6[%mul3A_55, %dma_start3A_104] : memref<300000x128xf32, #tpu.memory_space<hbm>> -> memref<8x128xf32, #tpu.memory_space<hbm>>
    tpu.enqueue_dma source(%dma_start3A_105 : memref<8x128xf32, #tpu.memory_space<hbm>>) target(%dma_start3A_103 : memref<8x128xf32, #tpu.memory_space<vmem>>) target_semaphore(%arg25 : memref<!tpu.dma_semaphore, #tpu.memory_space<semaphore_mem>>)
    %dma_start3A_106 = arith.constant 8 : i32
    %dma_start3A_107 = arith.constant 0 : i32
    %dma_start3A_108 = tpu.memref_slice %arg14[%dma_start3A_106, %dma_start3A_107] : memref<48x136xf32, #tpu.memory_space<vmem>> -> memref<8x128xf32, #tpu.memory_space<vmem>>
    %dma_start3A_109 = arith.constant 0 : i32
    %dma_start3A_110 = tpu.memref_slice %arg6[%mul3A_59, %dma_start3A_109] : memref<300000x128xf32, #tpu.memory_space<hbm>> -> memref<8x128xf32, #tpu.memory_space<hbm>>
    %dma_start3A_111 = arith.constant 8 : i32
    %dma_start3A_112 = arith.constant 0 : i32
    %dma_start3A_113 = tpu.memref_slice %arg14[%dma_start3A_111, %dma_start3A_112] : memref<48x136xf32, #tpu.memory_space<vmem>> -> memref<8x128xf32, #tpu.memory_space<vmem>>
    %dma_start3A_114 = arith.constant 0 : i32
    %dma_start3A_115 = tpu.memref_slice %arg6[%mul3A_59, %dma_start3A_114] : memref<300000x128xf32, #tpu.memory_space<hbm>> -> memref<8x128xf32, #tpu.memory_space<hbm>>
    tpu.enqueue_dma source(%dma_start3A_115 : memref<8x128xf32, #tpu.memory_space<hbm>>) target(%dma_start3A_113 : memref<8x128xf32, #tpu.memory_space<vmem>>) target_semaphore(%arg25 : memref<!tpu.dma_semaphore, #tpu.memory_space<semaphore_mem>>)
    %dma_start3A_116 = arith.constant 16 : i32
    %dma_start3A_117 = arith.constant 0 : i32
    %dma_start3A_118 = tpu.memref_slice %arg14[%dma_start3A_116, %dma_start3A_117] : memref<48x136xf32, #tpu.memory_space<vmem>> -> memref<8x128xf32, #tpu.memory_space<vmem>>
    %dma_start3A_119 = arith.constant 0 : i32
    %dma_start3A_120 = tpu.memref_slice %arg6[%mul3A_63, %dma_start3A_119] : memref<300000x128xf32, #tpu.memory_space<hbm>> -> memref<8x128xf32, #tpu.memory_space<hbm>>
    %dma_start3A_121 = arith.constant 16 : i32
    %dma_start3A_122 = arith.constant 0 : i32
    %dma_start3A_123 = tpu.memref_slice %arg14[%dma_start3A_121, %dma_start3A_122] : memref<48x136xf32, #tpu.memory_space<vmem>> -> memref<8x128xf32, #tpu.memory_space<vmem>>
    %dma_start3A_124 = arith.constant 0 : i32
    %dma_start3A_125 = tpu.memref_slice %arg6[%mul3A_63, %dma_start3A_124] : memref<300000x128xf32, #tpu.memory_space<hbm>> -> memref<8x128xf32, #tpu.memory_space<hbm>>
    tpu.enqueue_dma source(%dma_start3A_125 : memref<8x128xf32, #tpu.memory_space<hbm>>) target(%dma_start3A_123 : memref<8x128xf32, #tpu.memory_space<vmem>>) target_semaphore(%arg25 : memref<!tpu.dma_semaphore, #tpu.memory_space<semaphore_mem>>)
    %dma_start3A_126 = arith.constant 24 : i32
    %dma_start3A_127 = arith.constant 0 : i32
    %dma_start3A_128 = tpu.memref_slice %arg14[%dma_start3A_126, %dma_start3A_127] : memref<48x136xf32, #tpu.memory_space<vmem>> -> memref<8x128xf32, #tpu.memory_space<vmem>>
    %dma_start3A_129 = arith.constant 0 : i32
    %dma_start3A_130 = tpu.memref_slice %arg6[%mul3A_67, %dma_start3A_129] : memref<300000x128xf32, #tpu.memory_space<hbm>> -> memref<8x128xf32, #tpu.memory_space<hbm>>
    %dma_start3A_131 = arith.constant 24 : i32
    %dma_start3A_132 = arith.constant 0 : i32
    %dma_start3A_133 = tpu.memref_slice %arg14[%dma_start3A_131, %dma_start3A_132] : memref<48x136xf32, #tpu.memory_space<vmem>> -> memref<8x128xf32, #tpu.memory_space<vmem>>
    %dma_start3A_134 = arith.constant 0 : i32
    %dma_start3A_135 = tpu.memref_slice %arg6[%mul3A_67, %dma_start3A_134] : memref<300000x128xf32, #tpu.memory_space<hbm>> -> memref<8x128xf32, #tpu.memory_space<hbm>>
    tpu.enqueue_dma source(%dma_start3A_135 : memref<8x128xf32, #tpu.memory_space<hbm>>) target(%dma_start3A_133 : memref<8x128xf32, #tpu.memory_space<vmem>>) target_semaphore(%arg25 : memref<!tpu.dma_semaphore, #tpu.memory_space<semaphore_mem>>)
    %dma_start3A_136 = arith.constant 32 : i32
    %dma_start3A_137 = arith.constant 0 : i32
    %dma_start3A_138 = tpu.memref_slice %arg14[%dma_start3A_136, %dma_start3A_137] : memref<48x136xf32, #tpu.memory_space<vmem>> -> memref<8x128xf32, #tpu.memory_space<vmem>>
    %dma_start3A_139 = arith.constant 0 : i32
    %dma_start3A_140 = tpu.memref_slice %arg6[%mul3A_71, %dma_start3A_139] : memref<300000x128xf32, #tpu.memory_space<hbm>> -> memref<8x128xf32, #tpu.memory_space<hbm>>
    %dma_start3A_141 = arith.constant 32 : i32
    %dma_start3A_142 = arith.constant 0 : i32
    %dma_start3A_143 = tpu.memref_slice %arg14[%dma_start3A_141, %dma_start3A_142] : memref<48x136xf32, #tpu.memory_space<vmem>> -> memref<8x128xf32, #tpu.memory_space<vmem>>
    %dma_start3A_144 = arith.constant 0 : i32
    %dma_start3A_145 = tpu.memref_slice %arg6[%mul3A_71, %dma_start3A_144] : memref<300000x128xf32, #tpu.memory_space<hbm>> -> memref<8x128xf32, #tpu.memory_space<hbm>>
    tpu.enqueue_dma source(%dma_start3A_145 : memref<8x128xf32, #tpu.memory_space<hbm>>) target(%dma_start3A_143 : memref<8x128xf32, #tpu.memory_space<vmem>>) target_semaphore(%arg25 : memref<!tpu.dma_semaphore, #tpu.memory_space<semaphore_mem>>)
    %dma_start3A_146 = arith.constant 40 : i32
    %dma_start3A_147 = arith.constant 0 : i32
    %dma_start3A_148 = tpu.memref_slice %arg14[%dma_start3A_146, %dma_start3A_147] : memref<48x136xf32, #tpu.memory_space<vmem>> -> memref<8x128xf32, #tpu.memory_space<vmem>>
    %dma_start3A_149 = arith.constant 0 : i32
    %dma_start3A_150 = tpu.memref_slice %arg6[%mul3A_75, %dma_start3A_149] : memref<300000x128xf32, #tpu.memory_space<hbm>> -> memref<8x128xf32, #tpu.memory_space<hbm>>
    %dma_start3A_151 = arith.constant 40 : i32
    %dma_start3A_152 = arith.constant 0 : i32
    %dma_start3A_153 = tpu.memref_slice %arg14[%dma_start3A_151, %dma_start3A_152] : memref<48x136xf32, #tpu.memory_space<vmem>> -> memref<8x128xf32, #tpu.memory_space<vmem>>
    %dma_start3A_154 = arith.constant 0 : i32
    %dma_start3A_155 = tpu.memref_slice %arg6[%mul3A_75, %dma_start3A_154] : memref<300000x128xf32, #tpu.memory_space<hbm>> -> memref<8x128xf32, #tpu.memory_space<hbm>>
    tpu.enqueue_dma source(%dma_start3A_155 : memref<8x128xf32, #tpu.memory_space<hbm>>) target(%dma_start3A_153 : memref<8x128xf32, #tpu.memory_space<vmem>>) target_semaphore(%arg25 : memref<!tpu.dma_semaphore, #tpu.memory_space<semaphore_mem>>)
    %parallel_loop3A = arith.constant 0 : i32
    %parallel_loop3A_156 = arith.constant 64 : i32
    %parallel_loop3A_157 = arith.constant 1 : i32
    scf.for %parallel_loop3A_313 = %parallel_loop3A to %parallel_loop3A_156 step %parallel_loop3A_157  : i32 {
      %parallel_loop3A_314 = arith.index_cast %parallel_loop3A_313 : i32 to index
      %parallel_loop3A_315 = arith.constant 0 : index
      %parallel_loop3A_316 = tpu.vector_load %arg18[%parallel_loop3A_314, %parallel_loop3A_315] {strides = array<i32>} : memref<64x32xf32, #tpu.memory_space<vmem>>, vector<16xf32>,
      tpu.vector_store %arg18[%parallel_loop3A_314, %parallel_loop3A_315], %broadcast_in_dim3A_7 {strides = array<i32>} : memref<64x32xf32, #tpu.memory_space<vmem>>, vector<16xf32>,
      %parallel_loop3A_317 = arith.index_cast %parallel_loop3A_313 : i32 to index
      %parallel_loop3A_318 = arith.constant 16 : index
      %parallel_loop3A_319 = tpu.vector_load %arg18[%parallel_loop3A_317, %parallel_loop3A_318] {strides = array<i32>} : memref<64x32xf32, #tpu.memory_space<vmem>>, vector<16xf32>,
      tpu.vector_store %arg18[%parallel_loop3A_317, %parallel_loop3A_318], %broadcast_in_dim3A_7 {strides = array<i32>} : memref<64x32xf32, #tpu.memory_space<vmem>>, vector<16xf32>,
    } {sc.loop_unroll_factor = 1 : i64, sc.parallel_access}
    %mul3A_158 = arith.constant 3128 : i32
    %mul3A_159 = arith.muli %arg1, %mul3A_158 : i32
    %add3A_160 = arith.constant 0 : i32
    %add3A_161 = arith.addi %mul3A_159, %add3A_160 : i32
    "tpu.region"() ({
      %run_scoped3A = tpu.sem_alloc : memref<!tpu.dma_semaphore, #tpu.memory_space<semaphore_mem>>
      %dma_start3A_313 = arith.constant 0 : i32
      %dma_start3A_314 = tpu.memref_slice %arg22[%add3A_161, %dma_start3A_313] : memref<50048x32xf32, #tpu.memory_space<vmem_shared>> -> memref<64x32xf32, #tpu.memory_space<vmem_shared>>
      %dma_start3A_315 = arith.constant 0 : i32
      %dma_start3A_316 = tpu.memref_slice %arg22[%add3A_161, %dma_start3A_315] : memref<50048x32xf32, #tpu.memory_space<vmem_shared>> -> memref<64x32xf32, #tpu.memory_space<vmem_shared>>
      tpu.enqueue_dma source(%arg18 : memref<64x32xf32, #tpu.memory_space<vmem>>) target(%dma_start3A_316 : memref<64x32xf32, #tpu.memory_space<vmem_shared>>) target_semaphore(%run_scoped3A : memref<!tpu.dma_semaphore, #tpu.memory_space<semaphore_mem>>)
      %dma_wait3A_317 = arith.constant 0 : i32
      %dma_wait3A_318 = tpu.memref_slice %arg22[%add3A_161, %dma_wait3A_317] : memref<50048x32xf32, #tpu.memory_space<vmem_shared>> -> memref<64x32xf32, #tpu.memory_space<vmem_shared>>
      %dma_wait3A_319 = arith.constant 0 : i32
      %dma_wait3A_320 = tpu.memref_slice %arg22[%add3A_161, %dma_wait3A_319] : memref<50048x32xf32, #tpu.memory_space<vmem_shared>> -> memref<64x32xf32, #tpu.memory_space<vmem_shared>>
      tpu.wait_dma2 semaphore(%run_scoped3A : memref<!tpu.dma_semaphore, #tpu.memory_space<semaphore_mem>>) src(%arg18 : memref<64x32xf32, #tpu.memory_space<vmem>>) dst(%dma_wait3A_320 : memref<64x32xf32, #tpu.memory_space<vmem_shared>>)
      tpu.yield
    }) : () -> ()
    %add3A_162 = arith.constant 64 : i32
    %add3A_163 = arith.addi %mul3A_159, %add3A_162 : i32
    "tpu.region"() ({
      %run_scoped3A = tpu.sem_alloc : memref<!tpu.dma_semaphore, #tpu.memory_space<semaphore_mem>>
      %dma_start3A_313 = arith.constant 0 : i32
      %dma_start3A_314 = tpu.memref_slice %arg22[%add3A_163, %dma_start3A_313] : memref<50048x32xf32, #tpu.memory_space<vmem_shared>> -> memref<64x32xf32, #tpu.memory_space<vmem_shared>>
      %dma_start3A_315 = arith.constant 0 : i32
      %dma_start3A_316 = tpu.memref_slice %arg22[%add3A_163, %dma_start3A_315] : memref<50048x32xf32, #tpu.memory_space<vmem_shared>> -> memref<64x32xf32, #tpu.memory_space<vmem_shared>>
      tpu.enqueue_dma source(%arg18 : memref<64x32xf32, #tpu.memory_space<vmem>>) target(%dma_start3A_316 : memref<64x32xf32, #tpu.memory_space<vmem_shared>>) target_semaphore(%run_scoped3A : memref<!tpu.dma_semaphore, #tpu.memory_space<semaphore_mem>>)
      %dma_wait3A_317 = arith.constant 0 : i32
      %dma_wait3A_318 = tpu.memref_slice %arg22[%add3A_163, %dma_wait3A_317] : memref<50048x32xf32, #tpu.memory_space<vmem_shared>> -> memref<64x32xf32, #tpu.memory_space<vmem_shared>>
      %dma_wait3A_319 = arith.constant 0 : i32
      %dma_wait3A_320 = tpu.memref_slice %arg22[%add3A_163, %dma_wait3A_319] : memref<50048x32xf32, #tpu.memory_space<vmem_shared>> -> memref<64x32xf32, #tpu.memory_space<vmem_shared>>
      tpu.wait_dma2 semaphore(%run_scoped3A : memref<!tpu.dma_semaphore, #tpu.memory_space<semaphore_mem>>) src(%arg18 : memref<64x32xf32, #tpu.memory_space<vmem>>) dst(%dma_wait3A_320 : memref<64x32xf32, #tpu.memory_space<vmem_shared>>)
      tpu.yield
    }) : () -> ()
    %add3A_164 = arith.constant 128 : i32
    %add3A_165 = arith.addi %mul3A_159, %add3A_164 : i32
    "tpu.region"() ({
      %run_scoped3A = tpu.sem_alloc : memref<!tpu.dma_semaphore, #tpu.memory_space<semaphore_mem>>
      %dma_start3A_313 = arith.constant 0 : i32
      %dma_start3A_314 = tpu.memref_slice %arg22[%add3A_165, %dma_start3A_313] : memref<50048x32xf32, #tpu.memory_space<vmem_shared>> -> memref<64x32xf32, #tpu.memory_space<vmem_shared>>
      %dma_start3A_315 = arith.constant 0 : i32
      %dma_start3A_316 = tpu.memref_slice %arg22[%add3A_165, %dma_start3A_315] : memref<50048x32xf32, #tpu.memory_space<vmem_shared>> -> memref<64x32xf32, #tpu.memory_space<vmem_shared>>
      tpu.enqueue_dma source(%arg18 : memref<64x32xf32, #tpu.memory_space<vmem>>) target(%dma_start3A_316 : memref<64x32xf32, #tpu.memory_space<vmem_shared>>) target_semaphore(%run_scoped3A : memref<!tpu.dma_semaphore, #tpu.memory_space<semaphore_mem>>)
      %dma_wait3A_317 = arith.constant 0 : i32
      %dma_wait3A_318 = tpu.memref_slice %arg22[%add3A_165, %dma_wait3A_317] : memref<50048x32xf32, #tpu.memory_space<vmem_shared>> -> memref<64x32xf32, #tpu.memory_space<vmem_shared>>
      %dma_wait3A_319 = arith.constant 0 : i32
      %dma_wait3A_320 = tpu.memref_slice %arg22[%add3A_165, %dma_wait3A_319] : memref<50048x32xf32, #tpu.memory_space<vmem_shared>> -> memref<64x32xf32, #tpu.memory_space<vmem_shared>>
      tpu.wait_dma2 semaphore(%run_scoped3A : memref<!tpu.dma_semaphore, #tpu.memory_space<semaphore_mem>>) src(%arg18 : memref<64x32xf32, #tpu.memory_space<vmem>>) dst(%dma_wait3A_320 : memref<64x32xf32, #tpu.memory_space<vmem_shared>>)
      tpu.yield
    }) : () -> ()
    %add3A_166 = arith.constant 192 : i32
    %add3A_167 = arith.addi %mul3A_159, %add3A_166 : i32
    "tpu.region"() ({
      %run_scoped3A = tpu.sem_alloc : memref<!tpu.dma_semaphore, #tpu.memory_space<semaphore_mem>>
      %dma_start3A_313 = arith.constant 0 : i32
      %dma_start3A_314 = tpu.memref_slice %arg22[%add3A_167, %dma_start3A_313] : memref<50048x32xf32, #tpu.memory_space<vmem_shared>> -> memref<64x32xf32, #tpu.memory_space<vmem_shared>>
      %dma_start3A_315 = arith.constant 0 : i32
      %dma_start3A_316 = tpu.memref_slice %arg22[%add3A_167, %dma_start3A_315] : memref<50048x32xf32, #tpu.memory_space<vmem_shared>> -> memref<64x32xf32, #tpu.memory_space<vmem_shared>>
      tpu.enqueue_dma source(%arg18 : memref<64x32xf32, #tpu.memory_space<vmem>>) target(%dma_start3A_316 : memref<64x32xf32, #tpu.memory_space<vmem_shared>>) target_semaphore(%run_scoped3A : memref<!tpu.dma_semaphore, #tpu.memory_space<semaphore_mem>>)
      %dma_wait3A_317 = arith.constant 0 : i32
      %dma_wait3A_318 = tpu.memref_slice %arg22[%add3A_167, %dma_wait3A_317] : memref<50048x32xf32, #tpu.memory_space<vmem_shared>> -> memref<64x32xf32, #tpu.memory_space<vmem_shared>>
      %dma_wait3A_319 = arith.constant 0 : i32
      %dma_wait3A_320 = tpu.memref_slice %arg22[%add3A_167, %dma_wait3A_319] : memref<50048x32xf32, #tpu.memory_space<vmem_shared>> -> memref<64x32xf32, #tpu.memory_space<vmem_shared>>
      tpu.wait_dma2 semaphore(%run_scoped3A : memref<!tpu.dma_semaphore, #tpu.memory_space<semaphore_mem>>) src(%arg18 : memref<64x32xf32, #tpu.memory_space<vmem>>) dst(%dma_wait3A_320 : memref<64x32xf32, #tpu.memory_space<vmem_shared>>)
      tpu.yield
    }) : () -> ()
    %add3A_168 = arith.constant 256 : i32
    %add3A_169 = arith.addi %mul3A_159, %add3A_168 : i32
    "tpu.region"() ({
      %run_scoped3A = tpu.sem_alloc : memref<!tpu.dma_semaphore, #tpu.memory_space<semaphore_mem>>
      %dma_start3A_313 = arith.constant 0 : i32
      %dma_start3A_314 = tpu.memref_slice %arg22[%add3A_169, %dma_start3A_313] : memref<50048x32xf32, #tpu.memory_space<vmem_shared>> -> memref<64x32xf32, #tpu.memory_space<vmem_shared>>
      %dma_start3A_315 = arith.constant 0 : i32
      %dma_start3A_316 = tpu.memref_slice %arg22[%add3A_169, %dma_start3A_315] : memref<50048x32xf32, #tpu.memory_space<vmem_shared>> -> memref<64x32xf32, #tpu.memory_space<vmem_shared>>
      tpu.enqueue_dma source(%arg18 : memref<64x32xf32, #tpu.memory_space<vmem>>) target(%dma_start3A_316 : memref<64x32xf32, #tpu.memory_space<vmem_shared>>) target_semaphore(%run_scoped3A : memref<!tpu.dma_semaphore, #tpu.memory_space<semaphore_mem>>)
      %dma_wait3A_317 = arith.constant 0 : i32
      %dma_wait3A_318 = tpu.memref_slice %arg22[%add3A_169, %dma_wait3A_317] : memref<50048x32xf32, #tpu.memory_space<vmem_shared>> -> memref<64x32xf32, #tpu.memory_space<vmem_shared>>
      %dma_wait3A_319 = arith.constant 0 : i32
      %dma_wait3A_320 = tpu.memref_slice %arg22[%add3A_169, %dma_wait3A_319] : memref<50048x32xf32, #tpu.memory_space<vmem_shared>> -> memref<64x32xf32, #tpu.memory_space<vmem_shared>>
      tpu.wait_dma2 semaphore(%run_scoped3A : memref<!tpu.dma_semaphore, #tpu.memory_space<semaphore_mem>>) src(%arg18 : memref<64x32xf32, #tpu.memory_space<vmem>>) dst(%dma_wait3A_320 : memref<64x32xf32, #tpu.memory_space<vmem_shared>>)
      tpu.yield
    }) : () -> ()
    %add3A_170 = arith.constant 320 : i32
    %add3A_171 = arith.addi %mul3A_159, %add3A_170 : i32
    "tpu.region"() ({
      %run_scoped3A = tpu.sem_alloc : memref<!tpu.dma_semaphore, #tpu.memory_space<semaphore_mem>>
      %dma_start3A_313 = arith.constant 0 : i32
      %dma_start3A_314 = tpu.memref_slice %arg22[%add3A_171, %dma_start3A_313] : memref<50048x32xf32, #tpu.memory_space<vmem_shared>> -> memref<64x32xf32, #tpu.memory_space<vmem_shared>>
      %dma_start3A_315 = arith.constant 0 : i32
      %dma_start3A_316 = tpu.memref_slice %arg22[%add3A_171, %dma_start3A_315] : memref<50048x32xf32, #tpu.memory_space<vmem_shared>> -> memref<64x32xf32, #tpu.memory_space<vmem_shared>>
      tpu.enqueue_dma source(%arg18 : memref<64x32xf32, #tpu.memory_space<vmem>>) target(%dma_start3A_316 : memref<64x32xf32, #tpu.memory_space<vmem_shared>>) target_semaphore(%run_scoped3A : memref<!tpu.dma_semaphore, #tpu.memory_space<semaphore_mem>>)
      %dma_wait3A_317 = arith.constant 0 : i32
      %dma_wait3A_318 = tpu.memref_slice %arg22[%add3A_171, %dma_wait3A_317] : memref<50048x32xf32, #tpu.memory_space<vmem_shared>> -> memref<64x32xf32, #tpu.memory_space<vmem_shared>>
      %dma_wait3A_319 = arith.constant 0 : i32
      %dma_wait3A_320 = tpu.memref_slice %arg22[%add3A_171, %dma_wait3A_319] : memref<50048x32xf32, #tpu.memory_space<vmem_shared>> -> memref<64x32xf32, #tpu.memory_space<vmem_shared>>
      tpu.wait_dma2 semaphore(%run_scoped3A : memref<!tpu.dma_semaphore, #tpu.memory_space<semaphore_mem>>) src(%arg18 : memref<64x32xf32, #tpu.memory_space<vmem>>) dst(%dma_wait3A_320 : memref<64x32xf32, #tpu.memory_space<vmem_shared>>)
      tpu.yield
    }) : () -> ()
    %add3A_172 = arith.constant 384 : i32
    %add3A_173 = arith.addi %mul3A_159, %add3A_172 : i32
    "tpu.region"() ({
      %run_scoped3A = tpu.sem_alloc : memref<!tpu.dma_semaphore, #tpu.memory_space<semaphore_mem>>
      %dma_start3A_313 = arith.constant 0 : i32
      %dma_start3A_314 = tpu.memref_slice %arg22[%add3A_173, %dma_start3A_313] : memref<50048x32xf32, #tpu.memory_space<vmem_shared>> -> memref<64x32xf32, #tpu.memory_space<vmem_shared>>
      %dma_start3A_315 = arith.constant 0 : i32
      %dma_start3A_316 = tpu.memref_slice %arg22[%add3A_173, %dma_start3A_315] : memref<50048x32xf32, #tpu.memory_space<vmem_shared>> -> memref<64x32xf32, #tpu.memory_space<vmem_shared>>
      tpu.enqueue_dma source(%arg18 : memref<64x32xf32, #tpu.memory_space<vmem>>) target(%dma_start3A_316 : memref<64x32xf32, #tpu.memory_space<vmem_shared>>) target_semaphore(%run_scoped3A : memref<!tpu.dma_semaphore, #tpu.memory_space<semaphore_mem>>)
      %dma_wait3A_317 = arith.constant 0 : i32
      %dma_wait3A_318 = tpu.memref_slice %arg22[%add3A_173, %dma_wait3A_317] : memref<50048x32xf32, #tpu.memory_space<vmem_shared>> -> memref<64x32xf32, #tpu.memory_space<vmem_shared>>
      %dma_wait3A_319 = arith.constant 0 : i32
      %dma_wait3A_320 = tpu.memref_slice %arg22[%add3A_173, %dma_wait3A_319] : memref<50048x32xf32, #tpu.memory_space<vmem_shared>> -> memref<64x32xf32, #tpu.memory_space<vmem_shared>>
      tpu.wait_dma2 semaphore(%run_scoped3A : memref<!tpu.dma_semaphore, #tpu.memory_space<semaphore_mem>>) src(%arg18 : memref<64x32xf32, #tpu.memory_space<vmem>>) dst(%dma_wait3A_320 : memref<64x32xf32, #tpu.memory_space<vmem_shared>>)
      tpu.yield
    }) : () -> ()
    %add3A_174 = arith.constant 448 : i32
    %add3A_175 = arith.addi %mul3A_159, %add3A_174 : i32
    "tpu.region"() ({
      %run_scoped3A = tpu.sem_alloc : memref<!tpu.dma_semaphore, #tpu.memory_space<semaphore_mem>>
      %dma_start3A_313 = arith.constant 0 : i32
      %dma_start3A_314 = tpu.memref_slice %arg22[%add3A_175, %dma_start3A_313] : memref<50048x32xf32, #tpu.memory_space<vmem_shared>> -> memref<64x32xf32, #tpu.memory_space<vmem_shared>>
      %dma_start3A_315 = arith.constant 0 : i32
      %dma_start3A_316 = tpu.memref_slice %arg22[%add3A_175, %dma_start3A_315] : memref<50048x32xf32, #tpu.memory_space<vmem_shared>> -> memref<64x32xf32, #tpu.memory_space<vmem_shared>>
      tpu.enqueue_dma source(%arg18 : memref<64x32xf32, #tpu.memory_space<vmem>>) target(%dma_start3A_316 : memref<64x32xf32, #tpu.memory_space<vmem_shared>>) target_semaphore(%run_scoped3A : memref<!tpu.dma_semaphore, #tpu.memory_space<semaphore_mem>>)
      %dma_wait3A_317 = arith.constant 0 : i32
      %dma_wait3A_318 = tpu.memref_slice %arg22[%add3A_175, %dma_wait3A_317] : memref<50048x32xf32, #tpu.memory_space<vmem_shared>> -> memref<64x32xf32, #tpu.memory_space<vmem_shared>>
      %dma_wait3A_319 = arith.constant 0 : i32
      %dma_wait3A_320 = tpu.memref_slice %arg22[%add3A_175, %dma_wait3A_319] : memref<50048x32xf32, #tpu.memory_space<vmem_shared>> -> memref<64x32xf32, #tpu.memory_space<vmem_shared>>
      tpu.wait_dma2 semaphore(%run_scoped3A : memref<!tpu.dma_semaphore, #tpu.memory_space<semaphore_mem>>) src(%arg18 : memref<64x32xf32, #tpu.memory_space<vmem>>) dst(%dma_wait3A_320 : memref<64x32xf32, #tpu.memory_space<vmem_shared>>)
      tpu.yield
    }) : () -> ()
    %add3A_176 = arith.constant 512 : i32
    %add3A_177 = arith.addi %mul3A_159, %add3A_176 : i32
    "tpu.region"() ({
      %run_scoped3A = tpu.sem_alloc : memref<!tpu.dma_semaphore, #tpu.memory_space<semaphore_mem>>
      %dma_start3A_313 = arith.constant 0 : i32
      %dma_start3A_314 = tpu.memref_slice %arg22[%add3A_177, %dma_start3A_313] : memref<50048x32xf32, #tpu.memory_space<vmem_shared>> -> memref<64x32xf32, #tpu.memory_space<vmem_shared>>
      %dma_start3A_315 = arith.constant 0 : i32
      %dma_start3A_316 = tpu.memref_slice %arg22[%add3A_177, %dma_start3A_315] : memref<50048x32xf32, #tpu.memory_space<vmem_shared>> -> memref<64x32xf32, #tpu.memory_space<vmem_shared>>
      tpu.enqueue_dma source(%arg18 : memref<64x32xf32, #tpu.memory_space<vmem>>) target(%dma_start3A_316 : memref<64x32xf32, #tpu.memory_space<vmem_shared>>) target_semaphore(%run_scoped3A : memref<!tpu.dma_semaphore, #tpu.memory_space<semaphore_mem>>)
      %dma_wait3A_317 = arith.constant 0 : i32
      %dma_wait3A_318 = tpu.memref_slice %arg22[%add3A_177, %dma_wait3A_317] : memref<50048x32xf32, #tpu.memory_space<vmem_shared>> -> memref<64x32xf32, #tpu.memory_space<vmem_shared>>
      %dma_wait3A_319 = arith.constant 0 : i32
      %dma_wait3A_320 = tpu.memref_slice %arg22[%add3A_177, %dma_wait3A_319] : memref<50048x32xf32, #tpu.memory_space<vmem_shared>> -> memref<64x32xf32, #tpu.memory_space<vmem_shared>>
      tpu.wait_dma2 semaphore(%run_scoped3A : memref<!tpu.dma_semaphore, #tpu.memory_space<semaphore_mem>>) src(%arg18 : memref<64x32xf32, #tpu.memory_space<vmem>>) dst(%dma_wait3A_320 : memref<64x32xf32, #tpu.memory_space<vmem_shared>>)
      tpu.yield
    }) : () -> ()
    %add3A_178 = arith.constant 576 : i32
    %add3A_179 = arith.addi %mul3A_159, %add3A_178 : i32
    "tpu.region"() ({
      %run_scoped3A = tpu.sem_alloc : memref<!tpu.dma_semaphore, #tpu.memory_space<semaphore_mem>>
      %dma_start3A_313 = arith.constant 0 : i32
      %dma_start3A_314 = tpu.memref_slice %arg22[%add3A_179, %dma_start3A_313] : memref<50048x32xf32, #tpu.memory_space<vmem_shared>> -> memref<64x32xf32, #tpu.memory_space<vmem_shared>>
      %dma_start3A_315 = arith.constant 0 : i32
      %dma_start3A_316 = tpu.memref_slice %arg22[%add3A_179, %dma_start3A_315] : memref<50048x32xf32, #tpu.memory_space<vmem_shared>> -> memref<64x32xf32, #tpu.memory_space<vmem_shared>>
      tpu.enqueue_dma source(%arg18 : memref<64x32xf32, #tpu.memory_space<vmem>>) target(%dma_start3A_316 : memref<64x32xf32, #tpu.memory_space<vmem_shared>>) target_semaphore(%run_scoped3A : memref<!tpu.dma_semaphore, #tpu.memory_space<semaphore_mem>>)
      %dma_wait3A_317 = arith.constant 0 : i32
      %dma_wait3A_318 = tpu.memref_slice %arg22[%add3A_179, %dma_wait3A_317] : memref<50048x32xf32, #tpu.memory_space<vmem_shared>> -> memref<64x32xf32, #tpu.memory_space<vmem_shared>>
      %dma_wait3A_319 = arith.constant 0 : i32
      %dma_wait3A_320 = tpu.memref_slice %arg22[%add3A_179, %dma_wait3A_319] : memref<50048x32xf32, #tpu.memory_space<vmem_shared>> -> memref<64x32xf32, #tpu.memory_space<vmem_shared>>
      tpu.wait_dma2 semaphore(%run_scoped3A : memref<!tpu.dma_semaphore, #tpu.memory_space<semaphore_mem>>) src(%arg18 : memref<64x32xf32, #tpu.memory_space<vmem>>) dst(%dma_wait3A_320 : memref<64x32xf32, #tpu.memory_space<vmem_shared>>)
      tpu.yield
    }) : () -> ()
    %add3A_180 = arith.constant 640 : i32
    %add3A_181 = arith.addi %mul3A_159, %add3A_180 : i32
    "tpu.region"() ({
      %run_scoped3A = tpu.sem_alloc : memref<!tpu.dma_semaphore, #tpu.memory_space<semaphore_mem>>
      %dma_start3A_313 = arith.constant 0 : i32
      %dma_start3A_314 = tpu.memref_slice %arg22[%add3A_181, %dma_start3A_313] : memref<50048x32xf32, #tpu.memory_space<vmem_shared>> -> memref<64x32xf32, #tpu.memory_space<vmem_shared>>
      %dma_start3A_315 = arith.constant 0 : i32
      %dma_start3A_316 = tpu.memref_slice %arg22[%add3A_181, %dma_start3A_315] : memref<50048x32xf32, #tpu.memory_space<vmem_shared>> -> memref<64x32xf32, #tpu.memory_space<vmem_shared>>
      tpu.enqueue_dma source(%arg18 : memref<64x32xf32, #tpu.memory_space<vmem>>) target(%dma_start3A_316 : memref<64x32xf32, #tpu.memory_space<vmem_shared>>) target_semaphore(%run_scoped3A : memref<!tpu.dma_semaphore, #tpu.memory_space<semaphore_mem>>)
      %dma_wait3A_317 = arith.constant 0 : i32
      %dma_wait3A_318 = tpu.memref_slice %arg22[%add3A_181, %dma_wait3A_317] : memref<50048x32xf32, #tpu.memory_space<vmem_shared>> -> memref<64x32xf32, #tpu.memory_space<vmem_shared>>
      %dma_wait3A_319 = arith.constant 0 : i32
      %dma_wait3A_320 = tpu.memref_slice %arg22[%add3A_181, %dma_wait3A_319] : memref<50048x32xf32, #tpu.memory_space<vmem_shared>> -> memref<64x32xf32, #tpu.memory_space<vmem_shared>>
      tpu.wait_dma2 semaphore(%run_scoped3A : memref<!tpu.dma_semaphore, #tpu.memory_space<semaphore_mem>>) src(%arg18 : memref<64x32xf32, #tpu.memory_space<vmem>>) dst(%dma_wait3A_320 : memref<64x32xf32, #tpu.memory_space<vmem_shared>>)
      tpu.yield
    }) : () -> ()
    %add3A_182 = arith.constant 704 : i32
    %add3A_183 = arith.addi %mul3A_159, %add3A_182 : i32
    "tpu.region"() ({
      %run_scoped3A = tpu.sem_alloc : memref<!tpu.dma_semaphore, #tpu.memory_space<semaphore_mem>>
      %dma_start3A_313 = arith.constant 0 : i32
      %dma_start3A_314 = tpu.memref_slice %arg22[%add3A_183, %dma_start3A_313] : memref<50048x32xf32, #tpu.memory_space<vmem_shared>> -> memref<64x32xf32, #tpu.memory_space<vmem_shared>>
      %dma_start3A_315 = arith.constant 0 : i32
      %dma_start3A_316 = tpu.memref_slice %arg22[%add3A_183, %dma_start3A_315] : memref<50048x32xf32, #tpu.memory_space<vmem_shared>> -> memref<64x32xf32, #tpu.memory_space<vmem_shared>>
      tpu.enqueue_dma source(%arg18 : memref<64x32xf32, #tpu.memory_space<vmem>>) target(%dma_start3A_316 : memref<64x32xf32, #tpu.memory_space<vmem_shared>>) target_semaphore(%run_scoped3A : memref<!tpu.dma_semaphore, #tpu.memory_space<semaphore_mem>>)
      %dma_wait3A_317 = arith.constant 0 : i32
      %dma_wait3A_318 = tpu.memref_slice %arg22[%add3A_183, %dma_wait3A_317] : memref<50048x32xf32, #tpu.memory_space<vmem_shared>> -> memref<64x32xf32, #tpu.memory_space<vmem_shared>>
      %dma_wait3A_319 = arith.constant 0 : i32
      %dma_wait3A_320 = tpu.memref_slice %arg22[%add3A_183, %dma_wait3A_319] : memref<50048x32xf32, #tpu.memory_space<vmem_shared>> -> memref<64x32xf32, #tpu.memory_space<vmem_shared>>
      tpu.wait_dma2 semaphore(%run_scoped3A : memref<!tpu.dma_semaphore, #tpu.memory_space<semaphore_mem>>) src(%arg18 : memref<64x32xf32, #tpu.memory_space<vmem>>) dst(%dma_wait3A_320 : memref<64x32xf32, #tpu.memory_space<vmem_shared>>)
      tpu.yield
    }) : () -> ()
    %add3A_184 = arith.constant 768 : i32
    %add3A_185 = arith.addi %mul3A_159, %add3A_184 : i32
    "tpu.region"() ({
      %run_scoped3A = tpu.sem_alloc : memref<!tpu.dma_semaphore, #tpu.memory_space<semaphore_mem>>
      %dma_start3A_313 = arith.constant 0 : i32
      %dma_start3A_314 = tpu.memref_slice %arg22[%add3A_185, %dma_start3A_313] : memref<50048x32xf32, #tpu.memory_space<vmem_shared>> -> memref<64x32xf32, #tpu.memory_space<vmem_shared>>
      %dma_start3A_315 = arith.constant 0 : i32
      %dma_start3A_316 = tpu.memref_slice %arg22[%add3A_185, %dma_start3A_315] : memref<50048x32xf32, #tpu.memory_space<vmem_shared>> -> memref<64x32xf32, #tpu.memory_space<vmem_shared>>
      tpu.enqueue_dma source(%arg18 : memref<64x32xf32, #tpu.memory_space<vmem>>) target(%dma_start3A_316 : memref<64x32xf32, #tpu.memory_space<vmem_shared>>) target_semaphore(%run_scoped3A : memref<!tpu.dma_semaphore, #tpu.memory_space<semaphore_mem>>)
      %dma_wait3A_317 = arith.constant 0 : i32
      %dma_wait3A_318 = tpu.memref_slice %arg22[%add3A_185, %dma_wait3A_317] : memref<50048x32xf32, #tpu.memory_space<vmem_shared>> -> memref<64x32xf32, #tpu.memory_space<vmem_shared>>
      %dma_wait3A_319 = arith.constant 0 : i32
      %dma_wait3A_320 = tpu.memref_slice %arg22[%add3A_185, %dma_wait3A_319] : memref<50048x32xf32, #tpu.memory_space<vmem_shared>> -> memref<64x32xf32, #tpu.memory_space<vmem_shared>>
      tpu.wait_dma2 semaphore(%run_scoped3A : memref<!tpu.dma_semaphore, #tpu.memory_space<semaphore_mem>>) src(%arg18 : memref<64x32xf32, #tpu.memory_space<vmem>>) dst(%dma_wait3A_320 : memref<64x32xf32, #tpu.memory_space<vmem_shared>>)
      tpu.yield
    }) : () -> ()
    %add3A_186 = arith.constant 832 : i32
    %add3A_187 = arith.addi %mul3A_159, %add3A_186 : i32
    "tpu.region"() ({
      %run_scoped3A = tpu.sem_alloc : memref<!tpu.dma_semaphore, #tpu.memory_space<semaphore_mem>>
      %dma_start3A_313 = arith.constant 0 : i32
      %dma_start3A_314 = tpu.memref_slice %arg22[%add3A_187, %dma_start3A_313] : memref<50048x32xf32, #tpu.memory_space<vmem_shared>> -> memref<64x32xf32, #tpu.memory_space<vmem_shared>>
      %dma_start3A_315 = arith.constant 0 : i32
      %dma_start3A_316 = tpu.memref_slice %arg22[%add3A_187, %dma_start3A_315] : memref<50048x32xf32, #tpu.memory_space<vmem_shared>> -> memref<64x32xf32, #tpu.memory_space<vmem_shared>>
      tpu.enqueue_dma source(%arg18 : memref<64x32xf32, #tpu.memory_space<vmem>>) target(%dma_start3A_316 : memref<64x32xf32, #tpu.memory_space<vmem_shared>>) target_semaphore(%run_scoped3A : memref<!tpu.dma_semaphore, #tpu.memory_space<semaphore_mem>>)
      %dma_wait3A_317 = arith.constant 0 : i32
      %dma_wait3A_318 = tpu.memref_slice %arg22[%add3A_187, %dma_wait3A_317] : memref<50048x32xf32, #tpu.memory_space<vmem_shared>> -> memref<64x32xf32, #tpu.memory_space<vmem_shared>>
      %dma_wait3A_319 = arith.constant 0 : i32
      %dma_wait3A_320 = tpu.memref_slice %arg22[%add3A_187, %dma_wait3A_319] : memref<50048x32xf32, #tpu.memory_space<vmem_shared>> -> memref<64x32xf32, #tpu.memory_space<vmem_shared>>
      tpu.wait_dma2 semaphore(%run_scoped3A : memref<!tpu.dma_semaphore, #tpu.memory_space<semaphore_mem>>) src(%arg18 : memref<64x32xf32, #tpu.memory_space<vmem>>) dst(%dma_wait3A_320 : memref<64x32xf32, #tpu.memory_space<vmem_shared>>)
      tpu.yield
    }) : () -> ()
    %add3A_188 = arith.constant 896 : i32
    %add3A_189 = arith.addi %mul3A_159, %add3A_188 : i32
    "tpu.region"() ({
      %run_scoped3A = tpu.sem_alloc : memref<!tpu.dma_semaphore, #tpu.memory_space<semaphore_mem>>
      %dma_start3A_313 = arith.constant 0 : i32
      %dma_start3A_314 = tpu.memref_slice %arg22[%add3A_189, %dma_start3A_313] : memref<50048x32xf32, #tpu.memory_space<vmem_shared>> -> memref<64x32xf32, #tpu.memory_space<vmem_shared>>
      %dma_start3A_315 = arith.constant 0 : i32
      %dma_start3A_316 = tpu.memref_slice %arg22[%add3A_189, %dma_start3A_315] : memref<50048x32xf32, #tpu.memory_space<vmem_shared>> -> memref<64x32xf32, #tpu.memory_space<vmem_shared>>
      tpu.enqueue_dma source(%arg18 : memref<64x32xf32, #tpu.memory_space<vmem>>) target(%dma_start3A_316 : memref<64x32xf32, #tpu.memory_space<vmem_shared>>) target_semaphore(%run_scoped3A : memref<!tpu.dma_semaphore, #tpu.memory_space<semaphore_mem>>)
      %dma_wait3A_317 = arith.constant 0 : i32
      %dma_wait3A_318 = tpu.memref_slice %arg22[%add3A_189, %dma_wait3A_317] : memref<50048x32xf32, #tpu.memory_space<vmem_shared>> -> memref<64x32xf32, #tpu.memory_space<vmem_shared>>
      %dma_wait3A_319 = arith.constant 0 : i32
      %dma_wait3A_320 = tpu.memref_slice %arg22[%add3A_189, %dma_wait3A_319] : memref<50048x32xf32, #tpu.memory_space<vmem_shared>> -> memref<64x32xf32, #tpu.memory_space<vmem_shared>>
      tpu.wait_dma2 semaphore(%run_scoped3A : memref<!tpu.dma_semaphore, #tpu.memory_space<semaphore_mem>>) src(%arg18 : memref<64x32xf32, #tpu.memory_space<vmem>>) dst(%dma_wait3A_320 : memref<64x32xf32, #tpu.memory_space<vmem_shared>>)
      tpu.yield
    }) : () -> ()
    %add3A_190 = arith.constant 960 : i32
    %add3A_191 = arith.addi %mul3A_159, %add3A_190 : i32
    "tpu.region"() ({
      %run_scoped3A = tpu.sem_alloc : memref<!tpu.dma_semaphore, #tpu.memory_space<semaphore_mem>>
      %dma_start3A_313 = arith.constant 0 : i32
      %dma_start3A_314 = tpu.memref_slice %arg22[%add3A_191, %dma_start3A_313] : memref<50048x32xf32, #tpu.memory_space<vmem_shared>> -> memref<64x32xf32, #tpu.memory_space<vmem_shared>>
      %dma_start3A_315 = arith.constant 0 : i32
      %dma_start3A_316 = tpu.memref_slice %arg22[%add3A_191, %dma_start3A_315] : memref<50048x32xf32, #tpu.memory_space<vmem_shared>> -> memref<64x32xf32, #tpu.memory_space<vmem_shared>>
      tpu.enqueue_dma source(%arg18 : memref<64x32xf32, #tpu.memory_space<vmem>>) target(%dma_start3A_316 : memref<64x32xf32, #tpu.memory_space<vmem_shared>>) target_semaphore(%run_scoped3A : memref<!tpu.dma_semaphore, #tpu.memory_space<semaphore_mem>>)
      %dma_wait3A_317 = arith.constant 0 : i32
      %dma_wait3A_318 = tpu.memref_slice %arg22[%add3A_191, %dma_wait3A_317] : memref<50048x32xf32, #tpu.memory_space<vmem_shared>> -> memref<64x32xf32, #tpu.memory_space<vmem_shared>>
      %dma_wait3A_319 = arith.constant 0 : i32
      %dma_wait3A_320 = tpu.memref_slice %arg22[%add3A_191, %dma_wait3A_319] : memref<50048x32xf32, #tpu.memory_space<vmem_shared>> -> memref<64x32xf32, #tpu.memory_space<vmem_shared>>
      tpu.wait_dma2 semaphore(%run_scoped3A : memref<!tpu.dma_semaphore, #tpu.memory_space<semaphore_mem>>) src(%arg18 : memref<64x32xf32, #tpu.memory_space<vmem>>) dst(%dma_wait3A_320 : memref<64x32xf32, #tpu.memory_space<vmem_shared>>)
      tpu.yield
    }) : () -> ()
    %add3A_192 = arith.constant 1024 : i32
    %add3A_193 = arith.addi %mul3A_159, %add3A_192 : i32
    "tpu.region"() ({
      %run_scoped3A = tpu.sem_alloc : memref<!tpu.dma_semaphore, #tpu.memory_space<semaphore_mem>>
      %dma_start3A_313 = arith.constant 0 : i32
      %dma_start3A_314 = tpu.memref_slice %arg22[%add3A_193, %dma_start3A_313] : memref<50048x32xf32, #tpu.memory_space<vmem_shared>> -> memref<64x32xf32, #tpu.memory_space<vmem_shared>>
      %dma_start3A_315 = arith.constant 0 : i32
      %dma_start3A_316 = tpu.memref_slice %arg22[%add3A_193, %dma_start3A_315] : memref<50048x32xf32, #tpu.memory_space<vmem_shared>> -> memref<64x32xf32, #tpu.memory_space<vmem_shared>>
      tpu.enqueue_dma source(%arg18 : memref<64x32xf32, #tpu.memory_space<vmem>>) target(%dma_start3A_316 : memref<64x32xf32, #tpu.memory_space<vmem_shared>>) target_semaphore(%run_scoped3A : memref<!tpu.dma_semaphore, #tpu.memory_space<semaphore_mem>>)
      %dma_wait3A_317 = arith.constant 0 : i32
      %dma_wait3A_318 = tpu.memref_slice %arg22[%add3A_193, %dma_wait3A_317] : memref<50048x32xf32, #tpu.memory_space<vmem_shared>> -> memref<64x32xf32, #tpu.memory_space<vmem_shared>>
      %dma_wait3A_319 = arith.constant 0 : i32
      %dma_wait3A_320 = tpu.memref_slice %arg22[%add3A_193, %dma_wait3A_319] : memref<50048x32xf32, #tpu.memory_space<vmem_shared>> -> memref<64x32xf32, #tpu.memory_space<vmem_shared>>
      tpu.wait_dma2 semaphore(%run_scoped3A : memref<!tpu.dma_semaphore, #tpu.memory_space<semaphore_mem>>) src(%arg18 : memref<64x32xf32, #tpu.memory_space<vmem>>) dst(%dma_wait3A_320 : memref<64x32xf32, #tpu.memory_space<vmem_shared>>)
      tpu.yield
    }) : () -> ()
    %add3A_194 = arith.constant 1088 : i32
    %add3A_195 = arith.addi %mul3A_159, %add3A_194 : i32
    "tpu.region"() ({
      %run_scoped3A = tpu.sem_alloc : memref<!tpu.dma_semaphore, #tpu.memory_space<semaphore_mem>>
      %dma_start3A_313 = arith.constant 0 : i32
      %dma_start3A_314 = tpu.memref_slice %arg22[%add3A_195, %dma_start3A_313] : memref<50048x32xf32, #tpu.memory_space<vmem_shared>> -> memref<64x32xf32, #tpu.memory_space<vmem_shared>>
      %dma_start3A_315 = arith.constant 0 : i32
      %dma_start3A_316 = tpu.memref_slice %arg22[%add3A_195, %dma_start3A_315] : memref<50048x32xf32, #tpu.memory_space<vmem_shared>> -> memref<64x32xf32, #tpu.memory_space<vmem_shared>>
      tpu.enqueue_dma source(%arg18 : memref<64x32xf32, #tpu.memory_space<vmem>>) target(%dma_start3A_316 : memref<64x32xf32, #tpu.memory_space<vmem_shared>>) target_semaphore(%run_scoped3A : memref<!tpu.dma_semaphore, #tpu.memory_space<semaphore_mem>>)
      %dma_wait3A_317 = arith.constant 0 : i32
      %dma_wait3A_318 = tpu.memref_slice %arg22[%add3A_195, %dma_wait3A_317] : memref<50048x32xf32, #tpu.memory_space<vmem_shared>> -> memref<64x32xf32, #tpu.memory_space<vmem_shared>>
      %dma_wait3A_319 = arith.constant 0 : i32
      %dma_wait3A_320 = tpu.memref_slice %arg22[%add3A_195, %dma_wait3A_319] : memref<50048x32xf32, #tpu.memory_space<vmem_shared>> -> memref<64x32xf32, #tpu.memory_space<vmem_shared>>
      tpu.wait_dma2 semaphore(%run_scoped3A : memref<!tpu.dma_semaphore, #tpu.memory_space<semaphore_mem>>) src(%arg18 : memref<64x32xf32, #tpu.memory_space<vmem>>) dst(%dma_wait3A_320 : memref<64x32xf32, #tpu.memory_space<vmem_shared>>)
      tpu.yield
    }) : () -> ()
    %add3A_196 = arith.constant 1152 : i32
    %add3A_197 = arith.addi %mul3A_159, %add3A_196 : i32
    "tpu.region"() ({
      %run_scoped3A = tpu.sem_alloc : memref<!tpu.dma_semaphore, #tpu.memory_space<semaphore_mem>>
      %dma_start3A_313 = arith.constant 0 : i32
      %dma_start3A_314 = tpu.memref_slice %arg22[%add3A_197, %dma_start3A_313] : memref<50048x32xf32, #tpu.memory_space<vmem_shared>> -> memref<64x32xf32, #tpu.memory_space<vmem_shared>>
      %dma_start3A_315 = arith.constant 0 : i32
      %dma_start3A_316 = tpu.memref_slice %arg22[%add3A_197, %dma_start3A_315] : memref<50048x32xf32, #tpu.memory_space<vmem_shared>> -> memref<64x32xf32, #tpu.memory_space<vmem_shared>>
      tpu.enqueue_dma source(%arg18 : memref<64x32xf32, #tpu.memory_space<vmem>>) target(%dma_start3A_316 : memref<64x32xf32, #tpu.memory_space<vmem_shared>>) target_semaphore(%run_scoped3A : memref<!tpu.dma_semaphore, #tpu.memory_space<semaphore_mem>>)
      %dma_wait3A_317 = arith.constant 0 : i32
      %dma_wait3A_318 = tpu.memref_slice %arg22[%add3A_197, %dma_wait3A_317] : memref<50048x32xf32, #tpu.memory_space<vmem_shared>> -> memref<64x32xf32, #tpu.memory_space<vmem_shared>>
      %dma_wait3A_319 = arith.constant 0 : i32
      %dma_wait3A_320 = tpu.memref_slice %arg22[%add3A_197, %dma_wait3A_319] : memref<50048x32xf32, #tpu.memory_space<vmem_shared>> -> memref<64x32xf32, #tpu.memory_space<vmem_shared>>
      tpu.wait_dma2 semaphore(%run_scoped3A : memref<!tpu.dma_semaphore, #tpu.memory_space<semaphore_mem>>) src(%arg18 : memref<64x32xf32, #tpu.memory_space<vmem>>) dst(%dma_wait3A_320 : memref<64x32xf32, #tpu.memory_space<vmem_shared>>)
      tpu.yield
    }) : () -> ()
    %add3A_198 = arith.constant 1216 : i32
    %add3A_199 = arith.addi %mul3A_159, %add3A_198 : i32
    "tpu.region"() ({
      %run_scoped3A = tpu.sem_alloc : memref<!tpu.dma_semaphore, #tpu.memory_space<semaphore_mem>>
      %dma_start3A_313 = arith.constant 0 : i32
      %dma_start3A_314 = tpu.memref_slice %arg22[%add3A_199, %dma_start3A_313] : memref<50048x32xf32, #tpu.memory_space<vmem_shared>> -> memref<64x32xf32, #tpu.memory_space<vmem_shared>>
      %dma_start3A_315 = arith.constant 0 : i32
      %dma_start3A_316 = tpu.memref_slice %arg22[%add3A_199, %dma_start3A_315] : memref<50048x32xf32, #tpu.memory_space<vmem_shared>> -> memref<64x32xf32, #tpu.memory_space<vmem_shared>>
      tpu.enqueue_dma source(%arg18 : memref<64x32xf32, #tpu.memory_space<vmem>>) target(%dma_start3A_316 : memref<64x32xf32, #tpu.memory_space<vmem_shared>>) target_semaphore(%run_scoped3A : memref<!tpu.dma_semaphore, #tpu.memory_space<semaphore_mem>>)
      %dma_wait3A_317 = arith.constant 0 : i32
      %dma_wait3A_318 = tpu.memref_slice %arg22[%add3A_199, %dma_wait3A_317] : memref<50048x32xf32, #tpu.memory_space<vmem_shared>> -> memref<64x32xf32, #tpu.memory_space<vmem_shared>>
      %dma_wait3A_319 = arith.constant 0 : i32
      %dma_wait3A_320 = tpu.memref_slice %arg22[%add3A_199, %dma_wait3A_319] : memref<50048x32xf32, #tpu.memory_space<vmem_shared>> -> memref<64x32xf32, #tpu.memory_space<vmem_shared>>
      tpu.wait_dma2 semaphore(%run_scoped3A : memref<!tpu.dma_semaphore, #tpu.memory_space<semaphore_mem>>) src(%arg18 : memref<64x32xf32, #tpu.memory_space<vmem>>) dst(%dma_wait3A_320 : memref<64x32xf32, #tpu.memory_space<vmem_shared>>)
      tpu.yield
    }) : () -> ()
    %add3A_200 = arith.constant 1280 : i32
    %add3A_201 = arith.addi %mul3A_159, %add3A_200 : i32
    "tpu.region"() ({
      %run_scoped3A = tpu.sem_alloc : memref<!tpu.dma_semaphore, #tpu.memory_space<semaphore_mem>>
      %dma_start3A_313 = arith.constant 0 : i32
      %dma_start3A_314 = tpu.memref_slice %arg22[%add3A_201, %dma_start3A_313] : memref<50048x32xf32, #tpu.memory_space<vmem_shared>> -> memref<64x32xf32, #tpu.memory_space<vmem_shared>>
      %dma_start3A_315 = arith.constant 0 : i32
      %dma_start3A_316 = tpu.memref_slice %arg22[%add3A_201, %dma_start3A_315] : memref<50048x32xf32, #tpu.memory_space<vmem_shared>> -> memref<64x32xf32, #tpu.memory_space<vmem_shared>>
      tpu.enqueue_dma source(%arg18 : memref<64x32xf32, #tpu.memory_space<vmem>>) target(%dma_start3A_316 : memref<64x32xf32, #tpu.memory_space<vmem_shared>>) target_semaphore(%run_scoped3A : memref<!tpu.dma_semaphore, #tpu.memory_space<semaphore_mem>>)
      %dma_wait3A_317 = arith.constant 0 : i32
      %dma_wait3A_318 = tpu.memref_slice %arg22[%add3A_201, %dma_wait3A_317] : memref<50048x32xf32, #tpu.memory_space<vmem_shared>> -> memref<64x32xf32, #tpu.memory_space<vmem_shared>>
      %dma_wait3A_319 = arith.constant 0 : i32
      %dma_wait3A_320 = tpu.memref_slice %arg22[%add3A_201, %dma_wait3A_319] : memref<50048x32xf32, #tpu.memory_space<vmem_shared>> -> memref<64x32xf32, #tpu.memory_space<vmem_shared>>
      tpu.wait_dma2 semaphore(%run_scoped3A : memref<!tpu.dma_semaphore, #tpu.memory_space<semaphore_mem>>) src(%arg18 : memref<64x32xf32, #tpu.memory_space<vmem>>) dst(%dma_wait3A_320 : memref<64x32xf32, #tpu.memory_space<vmem_shared>>)
      tpu.yield
    }) : () -> ()
    %add3A_202 = arith.constant 1344 : i32
    %add3A_203 = arith.addi %mul3A_159, %add3A_202 : i32
    "tpu.region"() ({
      %run_scoped3A = tpu.sem_alloc : memref<!tpu.dma_semaphore, #tpu.memory_space<semaphore_mem>>
      %dma_start3A_313 = arith.constant 0 : i32
      %dma_start3A_314 = tpu.memref_slice %arg22[%add3A_203, %dma_start3A_313] : memref<50048x32xf32, #tpu.memory_space<vmem_shared>> -> memref<64x32xf32, #tpu.memory_space<vmem_shared>>
      %dma_start3A_315 = arith.constant 0 : i32
      %dma_start3A_316 = tpu.memref_slice %arg22[%add3A_203, %dma_start3A_315] : memref<50048x32xf32, #tpu.memory_space<vmem_shared>> -> memref<64x32xf32, #tpu.memory_space<vmem_shared>>
      tpu.enqueue_dma source(%arg18 : memref<64x32xf32, #tpu.memory_space<vmem>>) target(%dma_start3A_316 : memref<64x32xf32, #tpu.memory_space<vmem_shared>>) target_semaphore(%run_scoped3A : memref<!tpu.dma_semaphore, #tpu.memory_space<semaphore_mem>>)
      %dma_wait3A_317 = arith.constant 0 : i32
      %dma_wait3A_318 = tpu.memref_slice %arg22[%add3A_203, %dma_wait3A_317] : memref<50048x32xf32, #tpu.memory_space<vmem_shared>> -> memref<64x32xf32, #tpu.memory_space<vmem_shared>>
      %dma_wait3A_319 = arith.constant 0 : i32
      %dma_wait3A_320 = tpu.memref_slice %arg22[%add3A_203, %dma_wait3A_319] : memref<50048x32xf32, #tpu.memory_space<vmem_shared>> -> memref<64x32xf32, #tpu.memory_space<vmem_shared>>
      tpu.wait_dma2 semaphore(%run_scoped3A : memref<!tpu.dma_semaphore, #tpu.memory_space<semaphore_mem>>) src(%arg18 : memref<64x32xf32, #tpu.memory_space<vmem>>) dst(%dma_wait3A_320 : memref<64x32xf32, #tpu.memory_space<vmem_shared>>)
      tpu.yield
    }) : () -> ()
    %add3A_204 = arith.constant 1408 : i32
    %add3A_205 = arith.addi %mul3A_159, %add3A_204 : i32
    "tpu.region"() ({
      %run_scoped3A = tpu.sem_alloc : memref<!tpu.dma_semaphore, #tpu.memory_space<semaphore_mem>>
      %dma_start3A_313 = arith.constant 0 : i32
      %dma_start3A_314 = tpu.memref_slice %arg22[%add3A_205, %dma_start3A_313] : memref<50048x32xf32, #tpu.memory_space<vmem_shared>> -> memref<64x32xf32, #tpu.memory_space<vmem_shared>>
      %dma_start3A_315 = arith.constant 0 : i32
      %dma_start3A_316 = tpu.memref_slice %arg22[%add3A_205, %dma_start3A_315] : memref<50048x32xf32, #tpu.memory_space<vmem_shared>> -> memref<64x32xf32, #tpu.memory_space<vmem_shared>>
      tpu.enqueue_dma source(%arg18 : memref<64x32xf32, #tpu.memory_space<vmem>>) target(%dma_start3A_316 : memref<64x32xf32, #tpu.memory_space<vmem_shared>>) target_semaphore(%run_scoped3A : memref<!tpu.dma_semaphore, #tpu.memory_space<semaphore_mem>>)
      %dma_wait3A_317 = arith.constant 0 : i32
      %dma_wait3A_318 = tpu.memref_slice %arg22[%add3A_205, %dma_wait3A_317] : memref<50048x32xf32, #tpu.memory_space<vmem_shared>> -> memref<64x32xf32, #tpu.memory_space<vmem_shared>>
      %dma_wait3A_319 = arith.constant 0 : i32
      %dma_wait3A_320 = tpu.memref_slice %arg22[%add3A_205, %dma_wait3A_319] : memref<50048x32xf32, #tpu.memory_space<vmem_shared>> -> memref<64x32xf32, #tpu.memory_space<vmem_shared>>
      tpu.wait_dma2 semaphore(%run_scoped3A : memref<!tpu.dma_semaphore, #tpu.memory_space<semaphore_mem>>) src(%arg18 : memref<64x32xf32, #tpu.memory_space<vmem>>) dst(%dma_wait3A_320 : memref<64x32xf32, #tpu.memory_space<vmem_shared>>)
      tpu.yield
    }) : () -> ()
    %add3A_206 = arith.constant 1472 : i32
    %add3A_207 = arith.addi %mul3A_159, %add3A_206 : i32
    "tpu.region"() ({
      %run_scoped3A = tpu.sem_alloc : memref<!tpu.dma_semaphore, #tpu.memory_space<semaphore_mem>>
      %dma_start3A_313 = arith.constant 0 : i32
      %dma_start3A_314 = tpu.memref_slice %arg22[%add3A_207, %dma_start3A_313] : memref<50048x32xf32, #tpu.memory_space<vmem_shared>> -> memref<64x32xf32, #tpu.memory_space<vmem_shared>>
      %dma_start3A_315 = arith.constant 0 : i32
      %dma_start3A_316 = tpu.memref_slice %arg22[%add3A_207, %dma_start3A_315] : memref<50048x32xf32, #tpu.memory_space<vmem_shared>> -> memref<64x32xf32, #tpu.memory_space<vmem_shared>>
      tpu.enqueue_dma source(%arg18 : memref<64x32xf32, #tpu.memory_space<vmem>>) target(%dma_start3A_316 : memref<64x32xf32, #tpu.memory_space<vmem_shared>>) target_semaphore(%run_scoped3A : memref<!tpu.dma_semaphore, #tpu.memory_space<semaphore_mem>>)
      %dma_wait3A_317 = arith.constant 0 : i32
      %dma_wait3A_318 = tpu.memref_slice %arg22[%add3A_207, %dma_wait3A_317] : memref<50048x32xf32, #tpu.memory_space<vmem_shared>> -> memref<64x32xf32, #tpu.memory_space<vmem_shared>>
      %dma_wait3A_319 = arith.constant 0 : i32
      %dma_wait3A_320 = tpu.memref_slice %arg22[%add3A_207, %dma_wait3A_319] : memref<50048x32xf32, #tpu.memory_space<vmem_shared>> -> memref<64x32xf32, #tpu.memory_space<vmem_shared>>
      tpu.wait_dma2 semaphore(%run_scoped3A : memref<!tpu.dma_semaphore, #tpu.memory_space<semaphore_mem>>) src(%arg18 : memref<64x32xf32, #tpu.memory_space<vmem>>) dst(%dma_wait3A_320 : memref<64x32xf32, #tpu.memory_space<vmem_shared>>)
      tpu.yield
    }) : () -> ()
    %add3A_208 = arith.constant 1536 : i32
    %add3A_209 = arith.addi %mul3A_159, %add3A_208 : i32
    "tpu.region"() ({
      %run_scoped3A = tpu.sem_alloc : memref<!tpu.dma_semaphore, #tpu.memory_space<semaphore_mem>>
      %dma_start3A_313 = arith.constant 0 : i32
      %dma_start3A_314 = tpu.memref_slice %arg22[%add3A_209, %dma_start3A_313] : memref<50048x32xf32, #tpu.memory_space<vmem_shared>> -> memref<64x32xf32, #tpu.memory_space<vmem_shared>>
      %dma_start3A_315 = arith.constant 0 : i32
      %dma_start3A_316 = tpu.memref_slice %arg22[%add3A_209, %dma_start3A_315] : memref<50048x32xf32, #tpu.memory_space<vmem_shared>> -> memref<64x32xf32, #tpu.memory_space<vmem_shared>>
      tpu.enqueue_dma source(%arg18 : memref<64x32xf32, #tpu.memory_space<vmem>>) target(%dma_start3A_316 : memref<64x32xf32, #tpu.memory_space<vmem_shared>>) target_semaphore(%run_scoped3A : memref<!tpu.dma_semaphore, #tpu.memory_space<semaphore_mem>>)
      %dma_wait3A_317 = arith.constant 0 : i32
      %dma_wait3A_318 = tpu.memref_slice %arg22[%add3A_209, %dma_wait3A_317] : memref<50048x32xf32, #tpu.memory_space<vmem_shared>> -> memref<64x32xf32, #tpu.memory_space<vmem_shared>>
      %dma_wait3A_319 = arith.constant 0 : i32
      %dma_wait3A_320 = tpu.memref_slice %arg22[%add3A_209, %dma_wait3A_319] : memref<50048x32xf32, #tpu.memory_space<vmem_shared>> -> memref<64x32xf32, #tpu.memory_space<vmem_shared>>
      tpu.wait_dma2 semaphore(%run_scoped3A : memref<!tpu.dma_semaphore, #tpu.memory_space<semaphore_mem>>) src(%arg18 : memref<64x32xf32, #tpu.memory_space<vmem>>) dst(%dma_wait3A_320 : memref<64x32xf32, #tpu.memory_space<vmem_shared>>)
      tpu.yield
    }) : () -> ()
    %add3A_210 = arith.constant 1600 : i32
    %add3A_211 = arith.addi %mul3A_159, %add3A_210 : i32
    "tpu.region"() ({
      %run_scoped3A = tpu.sem_alloc : memref<!tpu.dma_semaphore, #tpu.memory_space<semaphore_mem>>
      %dma_start3A_313 = arith.constant 0 : i32
      %dma_start3A_314 = tpu.memref_slice %arg22[%add3A_211, %dma_start3A_313] : memref<50048x32xf32, #tpu.memory_space<vmem_shared>> -> memref<64x32xf32, #tpu.memory_space<vmem_shared>>
      %dma_start3A_315 = arith.constant 0 : i32
      %dma_start3A_316 = tpu.memref_slice %arg22[%add3A_211, %dma_start3A_315] : memref<50048x32xf32, #tpu.memory_space<vmem_shared>> -> memref<64x32xf32, #tpu.memory_space<vmem_shared>>
      tpu.enqueue_dma source(%arg18 : memref<64x32xf32, #tpu.memory_space<vmem>>) target(%dma_start3A_316 : memref<64x32xf32, #tpu.memory_space<vmem_shared>>) target_semaphore(%run_scoped3A : memref<!tpu.dma_semaphore, #tpu.memory_space<semaphore_mem>>)
      %dma_wait3A_317 = arith.constant 0 : i32
      %dma_wait3A_318 = tpu.memref_slice %arg22[%add3A_211, %dma_wait3A_317] : memref<50048x32xf32, #tpu.memory_space<vmem_shared>> -> memref<64x32xf32, #tpu.memory_space<vmem_shared>>
      %dma_wait3A_319 = arith.constant 0 : i32
      %dma_wait3A_320 = tpu.memref_slice %arg22[%add3A_211, %dma_wait3A_319] : memref<50048x32xf32, #tpu.memory_space<vmem_shared>> -> memref<64x32xf32, #tpu.memory_space<vmem_shared>>
      tpu.wait_dma2 semaphore(%run_scoped3A : memref<!tpu.dma_semaphore, #tpu.memory_space<semaphore_mem>>) src(%arg18 : memref<64x32xf32, #tpu.memory_space<vmem>>) dst(%dma_wait3A_320 : memref<64x32xf32, #tpu.memory_space<vmem_shared>>)
      tpu.yield
    }) : () -> ()
    %add3A_212 = arith.constant 1664 : i32
    %add3A_213 = arith.addi %mul3A_159, %add3A_212 : i32
    "tpu.region"() ({
      %run_scoped3A = tpu.sem_alloc : memref<!tpu.dma_semaphore, #tpu.memory_space<semaphore_mem>>
      %dma_start3A_313 = arith.constant 0 : i32
      %dma_start3A_314 = tpu.memref_slice %arg22[%add3A_213, %dma_start3A_313] : memref<50048x32xf32, #tpu.memory_space<vmem_shared>> -> memref<64x32xf32, #tpu.memory_space<vmem_shared>>
      %dma_start3A_315 = arith.constant 0 : i32
      %dma_start3A_316 = tpu.memref_slice %arg22[%add3A_213, %dma_start3A_315] : memref<50048x32xf32, #tpu.memory_space<vmem_shared>> -> memref<64x32xf32, #tpu.memory_space<vmem_shared>>
      tpu.enqueue_dma source(%arg18 : memref<64x32xf32, #tpu.memory_space<vmem>>) target(%dma_start3A_316 : memref<64x32xf32, #tpu.memory_space<vmem_shared>>) target_semaphore(%run_scoped3A : memref<!tpu.dma_semaphore, #tpu.memory_space<semaphore_mem>>)
      %dma_wait3A_317 = arith.constant 0 : i32
      %dma_wait3A_318 = tpu.memref_slice %arg22[%add3A_213, %dma_wait3A_317] : memref<50048x32xf32, #tpu.memory_space<vmem_shared>> -> memref<64x32xf32, #tpu.memory_space<vmem_shared>>
      %dma_wait3A_319 = arith.constant 0 : i32
      %dma_wait3A_320 = tpu.memref_slice %arg22[%add3A_213, %dma_wait3A_319] : memref<50048x32xf32, #tpu.memory_space<vmem_shared>> -> memref<64x32xf32, #tpu.memory_space<vmem_shared>>
      tpu.wait_dma2 semaphore(%run_scoped3A : memref<!tpu.dma_semaphore, #tpu.memory_space<semaphore_mem>>) src(%arg18 : memref<64x32xf32, #tpu.memory_space<vmem>>) dst(%dma_wait3A_320 : memref<64x32xf32, #tpu.memory_space<vmem_shared>>)
      tpu.yield
    }) : () -> ()
    %add3A_214 = arith.constant 1728 : i32
    %add3A_215 = arith.addi %mul3A_159, %add3A_214 : i32
    "tpu.region"() ({
      %run_scoped3A = tpu.sem_alloc : memref<!tpu.dma_semaphore, #tpu.memory_space<semaphore_mem>>
      %dma_start3A_313 = arith.constant 0 : i32
      %dma_start3A_314 = tpu.memref_slice %arg22[%add3A_215, %dma_start3A_313] : memref<50048x32xf32, #tpu.memory_space<vmem_shared>> -> memref<64x32xf32, #tpu.memory_space<vmem_shared>>
      %dma_start3A_315 = arith.constant 0 : i32
      %dma_start3A_316 = tpu.memref_slice %arg22[%add3A_215, %dma_start3A_315] : memref<50048x32xf32, #tpu.memory_space<vmem_shared>> -> memref<64x32xf32, #tpu.memory_space<vmem_shared>>
      tpu.enqueue_dma source(%arg18 : memref<64x32xf32, #tpu.memory_space<vmem>>) target(%dma_start3A_316 : memref<64x32xf32, #tpu.memory_space<vmem_shared>>) target_semaphore(%run_scoped3A : memref<!tpu.dma_semaphore, #tpu.memory_space<semaphore_mem>>)
      %dma_wait3A_317 = arith.constant 0 : i32
      %dma_wait3A_318 = tpu.memref_slice %arg22[%add3A_215, %dma_wait3A_317] : memref<50048x32xf32, #tpu.memory_space<vmem_shared>> -> memref<64x32xf32, #tpu.memory_space<vmem_shared>>
      %dma_wait3A_319 = arith.constant 0 : i32
      %dma_wait3A_320 = tpu.memref_slice %arg22[%add3A_215, %dma_wait3A_319] : memref<50048x32xf32, #tpu.memory_space<vmem_shared>> -> memref<64x32xf32, #tpu.memory_space<vmem_shared>>
      tpu.wait_dma2 semaphore(%run_scoped3A : memref<!tpu.dma_semaphore, #tpu.memory_space<semaphore_mem>>) src(%arg18 : memref<64x32xf32, #tpu.memory_space<vmem>>) dst(%dma_wait3A_320 : memref<64x32xf32, #tpu.memory_space<vmem_shared>>)
      tpu.yield
    }) : () -> ()
    %add3A_216 = arith.constant 1792 : i32
    %add3A_217 = arith.addi %mul3A_159, %add3A_216 : i32
    "tpu.region"() ({
      %run_scoped3A = tpu.sem_alloc : memref<!tpu.dma_semaphore, #tpu.memory_space<semaphore_mem>>
      %dma_start3A_313 = arith.constant 0 : i32
      %dma_start3A_314 = tpu.memref_slice %arg22[%add3A_217, %dma_start3A_313] : memref<50048x32xf32, #tpu.memory_space<vmem_shared>> -> memref<64x32xf32, #tpu.memory_space<vmem_shared>>
      %dma_start3A_315 = arith.constant 0 : i32
      %dma_start3A_316 = tpu.memref_slice %arg22[%add3A_217, %dma_start3A_315] : memref<50048x32xf32, #tpu.memory_space<vmem_shared>> -> memref<64x32xf32, #tpu.memory_space<vmem_shared>>
      tpu.enqueue_dma source(%arg18 : memref<64x32xf32, #tpu.memory_space<vmem>>) target(%dma_start3A_316 : memref<64x32xf32, #tpu.memory_space<vmem_shared>>) target_semaphore(%run_scoped3A : memref<!tpu.dma_semaphore, #tpu.memory_space<semaphore_mem>>)
      %dma_wait3A_317 = arith.constant 0 : i32
      %dma_wait3A_318 = tpu.memref_slice %arg22[%add3A_217, %dma_wait3A_317] : memref<50048x32xf32, #tpu.memory_space<vmem_shared>> -> memref<64x32xf32, #tpu.memory_space<vmem_shared>>
      %dma_wait3A_319 = arith.constant 0 : i32
      %dma_wait3A_320 = tpu.memref_slice %arg22[%add3A_217, %dma_wait3A_319] : memref<50048x32xf32, #tpu.memory_space<vmem_shared>> -> memref<64x32xf32, #tpu.memory_space<vmem_shared>>
      tpu.wait_dma2 semaphore(%run_scoped3A : memref<!tpu.dma_semaphore, #tpu.memory_space<semaphore_mem>>) src(%arg18 : memref<64x32xf32, #tpu.memory_space<vmem>>) dst(%dma_wait3A_320 : memref<64x32xf32, #tpu.memory_space<vmem_shared>>)
      tpu.yield
    }) : () -> ()
    %add3A_218 = arith.constant 1856 : i32
    %add3A_219 = arith.addi %mul3A_159, %add3A_218 : i32
    "tpu.region"() ({
      %run_scoped3A = tpu.sem_alloc : memref<!tpu.dma_semaphore, #tpu.memory_space<semaphore_mem>>
      %dma_start3A_313 = arith.constant 0 : i32
      %dma_start3A_314 = tpu.memref_slice %arg22[%add3A_219, %dma_start3A_313] : memref<50048x32xf32, #tpu.memory_space<vmem_shared>> -> memref<64x32xf32, #tpu.memory_space<vmem_shared>>
      %dma_start3A_315 = arith.constant 0 : i32
      %dma_start3A_316 = tpu.memref_slice %arg22[%add3A_219, %dma_start3A_315] : memref<50048x32xf32, #tpu.memory_space<vmem_shared>> -> memref<64x32xf32, #tpu.memory_space<vmem_shared>>
      tpu.enqueue_dma source(%arg18 : memref<64x32xf32, #tpu.memory_space<vmem>>) target(%dma_start3A_316 : memref<64x32xf32, #tpu.memory_space<vmem_shared>>) target_semaphore(%run_scoped3A : memref<!tpu.dma_semaphore, #tpu.memory_space<semaphore_mem>>)
      %dma_wait3A_317 = arith.constant 0 : i32
      %dma_wait3A_318 = tpu.memref_slice %arg22[%add3A_219, %dma_wait3A_317] : memref<50048x32xf32, #tpu.memory_space<vmem_shared>> -> memref<64x32xf32, #tpu.memory_space<vmem_shared>>
      %dma_wait3A_319 = arith.constant 0 : i32
      %dma_wait3A_320 = tpu.memref_slice %arg22[%add3A_219, %dma_wait3A_319] : memref<50048x32xf32, #tpu.memory_space<vmem_shared>> -> memref<64x32xf32, #tpu.memory_space<vmem_shared>>
      tpu.wait_dma2 semaphore(%run_scoped3A : memref<!tpu.dma_semaphore, #tpu.memory_space<semaphore_mem>>) src(%arg18 : memref<64x32xf32, #tpu.memory_space<vmem>>) dst(%dma_wait3A_320 : memref<64x32xf32, #tpu.memory_space<vmem_shared>>)
      tpu.yield
    }) : () -> ()
    %add3A_220 = arith.constant 1920 : i32
    %add3A_221 = arith.addi %mul3A_159, %add3A_220 : i32
    "tpu.region"() ({
      %run_scoped3A = tpu.sem_alloc : memref<!tpu.dma_semaphore, #tpu.memory_space<semaphore_mem>>
      %dma_start3A_313 = arith.constant 0 : i32
      %dma_start3A_314 = tpu.memref_slice %arg22[%add3A_221, %dma_start3A_313] : memref<50048x32xf32, #tpu.memory_space<vmem_shared>> -> memref<64x32xf32, #tpu.memory_space<vmem_shared>>
      %dma_start3A_315 = arith.constant 0 : i32
      %dma_start3A_316 = tpu.memref_slice %arg22[%add3A_221, %dma_start3A_315] : memref<50048x32xf32, #tpu.memory_space<vmem_shared>> -> memref<64x32xf32, #tpu.memory_space<vmem_shared>>
      tpu.enqueue_dma source(%arg18 : memref<64x32xf32, #tpu.memory_space<vmem>>) target(%dma_start3A_316 : memref<64x32xf32, #tpu.memory_space<vmem_shared>>) target_semaphore(%run_scoped3A : memref<!tpu.dma_semaphore, #tpu.memory_space<semaphore_mem>>)
      %dma_wait3A_317 = arith.constant 0 : i32
      %dma_wait3A_318 = tpu.memref_slice %arg22[%add3A_221, %dma_wait3A_317] : memref<50048x32xf32, #tpu.memory_space<vmem_shared>> -> memref<64x32xf32, #tpu.memory_space<vmem_shared>>
      %dma_wait3A_319 = arith.constant 0 : i32
      %dma_wait3A_320 = tpu.memref_slice %arg22[%add3A_221, %dma_wait3A_319] : memref<50048x32xf32, #tpu.memory_space<vmem_shared>> -> memref<64x32xf32, #tpu.memory_space<vmem_shared>>
      tpu.wait_dma2 semaphore(%run_scoped3A : memref<!tpu.dma_semaphore, #tpu.memory_space<semaphore_mem>>) src(%arg18 : memref<64x32xf32, #tpu.memory_space<vmem>>) dst(%dma_wait3A_320 : memref<64x32xf32, #tpu.memory_space<vmem_shared>>)
      tpu.yield
    }) : () -> ()
    %add3A_222 = arith.constant 1984 : i32
    %add3A_223 = arith.addi %mul3A_159, %add3A_222 : i32
    "tpu.region"() ({
      %run_scoped3A = tpu.sem_alloc : memref<!tpu.dma_semaphore, #tpu.memory_space<semaphore_mem>>
      %dma_start3A_313 = arith.constant 0 : i32
      %dma_start3A_314 = tpu.memref_slice %arg22[%add3A_223, %dma_start3A_313] : memref<50048x32xf32, #tpu.memory_space<vmem_shared>> -> memref<64x32xf32, #tpu.memory_space<vmem_shared>>
      %dma_start3A_315 = arith.constant 0 : i32
      %dma_start3A_316 = tpu.memref_slice %arg22[%add3A_223, %dma_start3A_315] : memref<50048x32xf32, #tpu.memory_space<vmem_shared>> -> memref<64x32xf32, #tpu.memory_space<vmem_shared>>
      tpu.enqueue_dma source(%arg18 : memref<64x32xf32, #tpu.memory_space<vmem>>) target(%dma_start3A_316 : memref<64x32xf32, #tpu.memory_space<vmem_shared>>) target_semaphore(%run_scoped3A : memref<!tpu.dma_semaphore, #tpu.memory_space<semaphore_mem>>)
      %dma_wait3A_317 = arith.constant 0 : i32
      %dma_wait3A_318 = tpu.memref_slice %arg22[%add3A_223, %dma_wait3A_317] : memref<50048x32xf32, #tpu.memory_space<vmem_shared>> -> memref<64x32xf32, #tpu.memory_space<vmem_shared>>
      %dma_wait3A_319 = arith.constant 0 : i32
      %dma_wait3A_320 = tpu.memref_slice %arg22[%add3A_223, %dma_wait3A_319] : memref<50048x32xf32, #tpu.memory_space<vmem_shared>> -> memref<64x32xf32, #tpu.memory_space<vmem_shared>>
      tpu.wait_dma2 semaphore(%run_scoped3A : memref<!tpu.dma_semaphore, #tpu.memory_space<semaphore_mem>>) src(%arg18 : memref<64x32xf32, #tpu.memory_space<vmem>>) dst(%dma_wait3A_320 : memref<64x32xf32, #tpu.memory_space<vmem_shared>>)
      tpu.yield
    }) : () -> ()
    %add3A_224 = arith.constant 2048 : i32
    %add3A_225 = arith.addi %mul3A_159, %add3A_224 : i32
    "tpu.region"() ({
      %run_scoped3A = tpu.sem_alloc : memref<!tpu.dma_semaphore, #tpu.memory_space<semaphore_mem>>
      %dma_start3A_313 = arith.constant 0 : i32
      %dma_start3A_314 = tpu.memref_slice %arg22[%add3A_225, %dma_start3A_313] : memref<50048x32xf32, #tpu.memory_space<vmem_shared>> -> memref<64x32xf32, #tpu.memory_space<vmem_shared>>
      %dma_start3A_315 = arith.constant 0 : i32
      %dma_start3A_316 = tpu.memref_slice %arg22[%add3A_225, %dma_start3A_315] : memref<50048x32xf32, #tpu.memory_space<vmem_shared>> -> memref<64x32xf32, #tpu.memory_space<vmem_shared>>
      tpu.enqueue_dma source(%arg18 : memref<64x32xf32, #tpu.memory_space<vmem>>) target(%dma_start3A_316 : memref<64x32xf32, #tpu.memory_space<vmem_shared>>) target_semaphore(%run_scoped3A : memref<!tpu.dma_semaphore, #tpu.memory_space<semaphore_mem>>)
      %dma_wait3A_317 = arith.constant 0 : i32
      %dma_wait3A_318 = tpu.memref_slice %arg22[%add3A_225, %dma_wait3A_317] : memref<50048x32xf32, #tpu.memory_space<vmem_shared>> -> memref<64x32xf32, #tpu.memory_space<vmem_shared>>
      %dma_wait3A_319 = arith.constant 0 : i32
      %dma_wait3A_320 = tpu.memref_slice %arg22[%add3A_225, %dma_wait3A_319] : memref<50048x32xf32, #tpu.memory_space<vmem_shared>> -> memref<64x32xf32, #tpu.memory_space<vmem_shared>>
      tpu.wait_dma2 semaphore(%run_scoped3A : memref<!tpu.dma_semaphore, #tpu.memory_space<semaphore_mem>>) src(%arg18 : memref<64x32xf32, #tpu.memory_space<vmem>>) dst(%dma_wait3A_320 : memref<64x32xf32, #tpu.memory_space<vmem_shared>>)
      tpu.yield
    }) : () -> ()
    %add3A_226 = arith.constant 2112 : i32
    %add3A_227 = arith.addi %mul3A_159, %add3A_226 : i32
    "tpu.region"() ({
      %run_scoped3A = tpu.sem_alloc : memref<!tpu.dma_semaphore, #tpu.memory_space<semaphore_mem>>
      %dma_start3A_313 = arith.constant 0 : i32
      %dma_start3A_314 = tpu.memref_slice %arg22[%add3A_227, %dma_start3A_313] : memref<50048x32xf32, #tpu.memory_space<vmem_shared>> -> memref<64x32xf32, #tpu.memory_space<vmem_shared>>
      %dma_start3A_315 = arith.constant 0 : i32
      %dma_start3A_316 = tpu.memref_slice %arg22[%add3A_227, %dma_start3A_315] : memref<50048x32xf32, #tpu.memory_space<vmem_shared>> -> memref<64x32xf32, #tpu.memory_space<vmem_shared>>
      tpu.enqueue_dma source(%arg18 : memref<64x32xf32, #tpu.memory_space<vmem>>) target(%dma_start3A_316 : memref<64x32xf32, #tpu.memory_space<vmem_shared>>) target_semaphore(%run_scoped3A : memref<!tpu.dma_semaphore, #tpu.memory_space<semaphore_mem>>)
      %dma_wait3A_317 = arith.constant 0 : i32
      %dma_wait3A_318 = tpu.memref_slice %arg22[%add3A_227, %dma_wait3A_317] : memref<50048x32xf32, #tpu.memory_space<vmem_shared>> -> memref<64x32xf32, #tpu.memory_space<vmem_shared>>
      %dma_wait3A_319 = arith.constant 0 : i32
      %dma_wait3A_320 = tpu.memref_slice %arg22[%add3A_227, %dma_wait3A_319] : memref<50048x32xf32, #tpu.memory_space<vmem_shared>> -> memref<64x32xf32, #tpu.memory_space<vmem_shared>>
      tpu.wait_dma2 semaphore(%run_scoped3A : memref<!tpu.dma_semaphore, #tpu.memory_space<semaphore_mem>>) src(%arg18 : memref<64x32xf32, #tpu.memory_space<vmem>>) dst(%dma_wait3A_320 : memref<64x32xf32, #tpu.memory_space<vmem_shared>>)
      tpu.yield
    }) : () -> ()
    %add3A_228 = arith.constant 2176 : i32
    %add3A_229 = arith.addi %mul3A_159, %add3A_228 : i32
    "tpu.region"() ({
      %run_scoped3A = tpu.sem_alloc : memref<!tpu.dma_semaphore, #tpu.memory_space<semaphore_mem>>
      %dma_start3A_313 = arith.constant 0 : i32
      %dma_start3A_314 = tpu.memref_slice %arg22[%add3A_229, %dma_start3A_313] : memref<50048x32xf32, #tpu.memory_space<vmem_shared>> -> memref<64x32xf32, #tpu.memory_space<vmem_shared>>
      %dma_start3A_315 = arith.constant 0 : i32
      %dma_start3A_316 = tpu.memref_slice %arg22[%add3A_229, %dma_start3A_315] : memref<50048x32xf32, #tpu.memory_space<vmem_shared>> -> memref<64x32xf32, #tpu.memory_space<vmem_shared>>
      tpu.enqueue_dma source(%arg18 : memref<64x32xf32, #tpu.memory_space<vmem>>) target(%dma_start3A_316 : memref<64x32xf32, #tpu.memory_space<vmem_shared>>) target_semaphore(%run_scoped3A : memref<!tpu.dma_semaphore, #tpu.memory_space<semaphore_mem>>)
      %dma_wait3A_317 = arith.constant 0 : i32
      %dma_wait3A_318 = tpu.memref_slice %arg22[%add3A_229, %dma_wait3A_317] : memref<50048x32xf32, #tpu.memory_space<vmem_shared>> -> memref<64x32xf32, #tpu.memory_space<vmem_shared>>
      %dma_wait3A_319 = arith.constant 0 : i32
      %dma_wait3A_320 = tpu.memref_slice %arg22[%add3A_229, %dma_wait3A_319] : memref<50048x32xf32, #tpu.memory_space<vmem_shared>> -> memref<64x32xf32, #tpu.memory_space<vmem_shared>>
      tpu.wait_dma2 semaphore(%run_scoped3A : memref<!tpu.dma_semaphore, #tpu.memory_space<semaphore_mem>>) src(%arg18 : memref<64x32xf32, #tpu.memory_space<vmem>>) dst(%dma_wait3A_320 : memref<64x32xf32, #tpu.memory_space<vmem_shared>>)
      tpu.yield
    }) : () -> ()
    %add3A_230 = arith.constant 2240 : i32
    %add3A_231 = arith.addi %mul3A_159, %add3A_230 : i32
    "tpu.region"() ({
      %run_scoped3A = tpu.sem_alloc : memref<!tpu.dma_semaphore, #tpu.memory_space<semaphore_mem>>
      %dma_start3A_313 = arith.constant 0 : i32
      %dma_start3A_314 = tpu.memref_slice %arg22[%add3A_231, %dma_start3A_313] : memref<50048x32xf32, #tpu.memory_space<vmem_shared>> -> memref<64x32xf32, #tpu.memory_space<vmem_shared>>
      %dma_start3A_315 = arith.constant 0 : i32
      %dma_start3A_316 = tpu.memref_slice %arg22[%add3A_231, %dma_start3A_315] : memref<50048x32xf32, #tpu.memory_space<vmem_shared>> -> memref<64x32xf32, #tpu.memory_space<vmem_shared>>
      tpu.enqueue_dma source(%arg18 : memref<64x32xf32, #tpu.memory_space<vmem>>) target(%dma_start3A_316 : memref<64x32xf32, #tpu.memory_space<vmem_shared>>) target_semaphore(%run_scoped3A : memref<!tpu.dma_semaphore, #tpu.memory_space<semaphore_mem>>)
      %dma_wait3A_317 = arith.constant 0 : i32
      %dma_wait3A_318 = tpu.memref_slice %arg22[%add3A_231, %dma_wait3A_317] : memref<50048x32xf32, #tpu.memory_space<vmem_shared>> -> memref<64x32xf32, #tpu.memory_space<vmem_shared>>
      %dma_wait3A_319 = arith.constant 0 : i32
      %dma_wait3A_320 = tpu.memref_slice %arg22[%add3A_231, %dma_wait3A_319] : memref<50048x32xf32, #tpu.memory_space<vmem_shared>> -> memref<64x32xf32, #tpu.memory_space<vmem_shared>>
      tpu.wait_dma2 semaphore(%run_scoped3A : memref<!tpu.dma_semaphore, #tpu.memory_space<semaphore_mem>>) src(%arg18 : memref<64x32xf32, #tpu.memory_space<vmem>>) dst(%dma_wait3A_320 : memref<64x32xf32, #tpu.memory_space<vmem_shared>>)
      tpu.yield
    }) : () -> ()
    %add3A_232 = arith.constant 2304 : i32
    %add3A_233 = arith.addi %mul3A_159, %add3A_232 : i32
    "tpu.region"() ({
      %run_scoped3A = tpu.sem_alloc : memref<!tpu.dma_semaphore, #tpu.memory_space<semaphore_mem>>
      %dma_start3A_313 = arith.constant 0 : i32
      %dma_start3A_314 = tpu.memref_slice %arg22[%add3A_233, %dma_start3A_313] : memref<50048x32xf32, #tpu.memory_space<vmem_shared>> -> memref<64x32xf32, #tpu.memory_space<vmem_shared>>
      %dma_start3A_315 = arith.constant 0 : i32
      %dma_start3A_316 = tpu.memref_slice %arg22[%add3A_233, %dma_start3A_315] : memref<50048x32xf32, #tpu.memory_space<vmem_shared>> -> memref<64x32xf32, #tpu.memory_space<vmem_shared>>
      tpu.enqueue_dma source(%arg18 : memref<64x32xf32, #tpu.memory_space<vmem>>) target(%dma_start3A_316 : memref<64x32xf32, #tpu.memory_space<vmem_shared>>) target_semaphore(%run_scoped3A : memref<!tpu.dma_semaphore, #tpu.memory_space<semaphore_mem>>)
      %dma_wait3A_317 = arith.constant 0 : i32
      %dma_wait3A_318 = tpu.memref_slice %arg22[%add3A_233, %dma_wait3A_317] : memref<50048x32xf32, #tpu.memory_space<vmem_shared>> -> memref<64x32xf32, #tpu.memory_space<vmem_shared>>
      %dma_wait3A_319 = arith.constant 0 : i32
      %dma_wait3A_320 = tpu.memref_slice %arg22[%add3A_233, %dma_wait3A_319] : memref<50048x32xf32, #tpu.memory_space<vmem_shared>> -> memref<64x32xf32, #tpu.memory_space<vmem_shared>>
      tpu.wait_dma2 semaphore(%run_scoped3A : memref<!tpu.dma_semaphore, #tpu.memory_space<semaphore_mem>>) src(%arg18 : memref<64x32xf32, #tpu.memory_space<vmem>>) dst(%dma_wait3A_320 : memref<64x32xf32, #tpu.memory_space<vmem_shared>>)
      tpu.yield
    }) : () -> ()
    %add3A_234 = arith.constant 2368 : i32
    %add3A_235 = arith.addi %mul3A_159, %add3A_234 : i32
    "tpu.region"() ({
      %run_scoped3A = tpu.sem_alloc : memref<!tpu.dma_semaphore, #tpu.memory_space<semaphore_mem>>
      %dma_start3A_313 = arith.constant 0 : i32
      %dma_start3A_314 = tpu.memref_slice %arg22[%add3A_235, %dma_start3A_313] : memref<50048x32xf32, #tpu.memory_space<vmem_shared>> -> memref<64x32xf32, #tpu.memory_space<vmem_shared>>
      %dma_start3A_315 = arith.constant 0 : i32
      %dma_start3A_316 = tpu.memref_slice %arg22[%add3A_235, %dma_start3A_315] : memref<50048x32xf32, #tpu.memory_space<vmem_shared>> -> memref<64x32xf32, #tpu.memory_space<vmem_shared>>
      tpu.enqueue_dma source(%arg18 : memref<64x32xf32, #tpu.memory_space<vmem>>) target(%dma_start3A_316 : memref<64x32xf32, #tpu.memory_space<vmem_shared>>) target_semaphore(%run_scoped3A : memref<!tpu.dma_semaphore, #tpu.memory_space<semaphore_mem>>)
      %dma_wait3A_317 = arith.constant 0 : i32
      %dma_wait3A_318 = tpu.memref_slice %arg22[%add3A_235, %dma_wait3A_317] : memref<50048x32xf32, #tpu.memory_space<vmem_shared>> -> memref<64x32xf32, #tpu.memory_space<vmem_shared>>
      %dma_wait3A_319 = arith.constant 0 : i32
      %dma_wait3A_320 = tpu.memref_slice %arg22[%add3A_235, %dma_wait3A_319] : memref<50048x32xf32, #tpu.memory_space<vmem_shared>> -> memref<64x32xf32, #tpu.memory_space<vmem_shared>>
      tpu.wait_dma2 semaphore(%run_scoped3A : memref<!tpu.dma_semaphore, #tpu.memory_space<semaphore_mem>>) src(%arg18 : memref<64x32xf32, #tpu.memory_space<vmem>>) dst(%dma_wait3A_320 : memref<64x32xf32, #tpu.memory_space<vmem_shared>>)
      tpu.yield
    }) : () -> ()
    %add3A_236 = arith.constant 2432 : i32
    %add3A_237 = arith.addi %mul3A_159, %add3A_236 : i32
    "tpu.region"() ({
      %run_scoped3A = tpu.sem_alloc : memref<!tpu.dma_semaphore, #tpu.memory_space<semaphore_mem>>
      %dma_start3A_313 = arith.constant 0 : i32
      %dma_start3A_314 = tpu.memref_slice %arg22[%add3A_237, %dma_start3A_313] : memref<50048x32xf32, #tpu.memory_space<vmem_shared>> -> memref<64x32xf32, #tpu.memory_space<vmem_shared>>
      %dma_start3A_315 = arith.constant 0 : i32
      %dma_start3A_316 = tpu.memref_slice %arg22[%add3A_237, %dma_start3A_315] : memref<50048x32xf32, #tpu.memory_space<vmem_shared>> -> memref<64x32xf32, #tpu.memory_space<vmem_shared>>
      tpu.enqueue_dma source(%arg18 : memref<64x32xf32, #tpu.memory_space<vmem>>) target(%dma_start3A_316 : memref<64x32xf32, #tpu.memory_space<vmem_shared>>) target_semaphore(%run_scoped3A : memref<!tpu.dma_semaphore, #tpu.memory_space<semaphore_mem>>)
      %dma_wait3A_317 = arith.constant 0 : i32
      %dma_wait3A_318 = tpu.memref_slice %arg22[%add3A_237, %dma_wait3A_317] : memref<50048x32xf32, #tpu.memory_space<vmem_shared>> -> memref<64x32xf32, #tpu.memory_space<vmem_shared>>
      %dma_wait3A_319 = arith.constant 0 : i32
      %dma_wait3A_320 = tpu.memref_slice %arg22[%add3A_237, %dma_wait3A_319] : memref<50048x32xf32, #tpu.memory_space<vmem_shared>> -> memref<64x32xf32, #tpu.memory_space<vmem_shared>>
      tpu.wait_dma2 semaphore(%run_scoped3A : memref<!tpu.dma_semaphore, #tpu.memory_space<semaphore_mem>>) src(%arg18 : memref<64x32xf32, #tpu.memory_space<vmem>>) dst(%dma_wait3A_320 : memref<64x32xf32, #tpu.memory_space<vmem_shared>>)
      tpu.yield
    }) : () -> ()
    %add3A_238 = arith.constant 2496 : i32
    %add3A_239 = arith.addi %mul3A_159, %add3A_238 : i32
    "tpu.region"() ({
      %run_scoped3A = tpu.sem_alloc : memref<!tpu.dma_semaphore, #tpu.memory_space<semaphore_mem>>
      %dma_start3A_313 = arith.constant 0 : i32
      %dma_start3A_314 = tpu.memref_slice %arg22[%add3A_239, %dma_start3A_313] : memref<50048x32xf32, #tpu.memory_space<vmem_shared>> -> memref<64x32xf32, #tpu.memory_space<vmem_shared>>
      %dma_start3A_315 = arith.constant 0 : i32
      %dma_start3A_316 = tpu.memref_slice %arg22[%add3A_239, %dma_start3A_315] : memref<50048x32xf32, #tpu.memory_space<vmem_shared>> -> memref<64x32xf32, #tpu.memory_space<vmem_shared>>
      tpu.enqueue_dma source(%arg18 : memref<64x32xf32, #tpu.memory_space<vmem>>) target(%dma_start3A_316 : memref<64x32xf32, #tpu.memory_space<vmem_shared>>) target_semaphore(%run_scoped3A : memref<!tpu.dma_semaphore, #tpu.memory_space<semaphore_mem>>)
      %dma_wait3A_317 = arith.constant 0 : i32
      %dma_wait3A_318 = tpu.memref_slice %arg22[%add3A_239, %dma_wait3A_317] : memref<50048x32xf32, #tpu.memory_space<vmem_shared>> -> memref<64x32xf32, #tpu.memory_space<vmem_shared>>
      %dma_wait3A_319 = arith.constant 0 : i32
      %dma_wait3A_320 = tpu.memref_slice %arg22[%add3A_239, %dma_wait3A_319] : memref<50048x32xf32, #tpu.memory_space<vmem_shared>> -> memref<64x32xf32, #tpu.memory_space<vmem_shared>>
      tpu.wait_dma2 semaphore(%run_scoped3A : memref<!tpu.dma_semaphore, #tpu.memory_space<semaphore_mem>>) src(%arg18 : memref<64x32xf32, #tpu.memory_space<vmem>>) dst(%dma_wait3A_320 : memref<64x32xf32, #tpu.memory_space<vmem_shared>>)
      tpu.yield
    }) : () -> ()
    %add3A_240 = arith.constant 2560 : i32
    %add3A_241 = arith.addi %mul3A_159, %add3A_240 : i32
    "tpu.region"() ({
      %run_scoped3A = tpu.sem_alloc : memref<!tpu.dma_semaphore, #tpu.memory_space<semaphore_mem>>
      %dma_start3A_313 = arith.constant 0 : i32
      %dma_start3A_314 = tpu.memref_slice %arg22[%add3A_241, %dma_start3A_313] : memref<50048x32xf32, #tpu.memory_space<vmem_shared>> -> memref<64x32xf32, #tpu.memory_space<vmem_shared>>
      %dma_start3A_315 = arith.constant 0 : i32
      %dma_start3A_316 = tpu.memref_slice %arg22[%add3A_241, %dma_start3A_315] : memref<50048x32xf32, #tpu.memory_space<vmem_shared>> -> memref<64x32xf32, #tpu.memory_space<vmem_shared>>
      tpu.enqueue_dma source(%arg18 : memref<64x32xf32, #tpu.memory_space<vmem>>) target(%dma_start3A_316 : memref<64x32xf32, #tpu.memory_space<vmem_shared>>) target_semaphore(%run_scoped3A : memref<!tpu.dma_semaphore, #tpu.memory_space<semaphore_mem>>)
      %dma_wait3A_317 = arith.constant 0 : i32
      %dma_wait3A_318 = tpu.memref_slice %arg22[%add3A_241, %dma_wait3A_317] : memref<50048x32xf32, #tpu.memory_space<vmem_shared>> -> memref<64x32xf32, #tpu.memory_space<vmem_shared>>
      %dma_wait3A_319 = arith.constant 0 : i32
      %dma_wait3A_320 = tpu.memref_slice %arg22[%add3A_241, %dma_wait3A_319] : memref<50048x32xf32, #tpu.memory_space<vmem_shared>> -> memref<64x32xf32, #tpu.memory_space<vmem_shared>>
      tpu.wait_dma2 semaphore(%run_scoped3A : memref<!tpu.dma_semaphore, #tpu.memory_space<semaphore_mem>>) src(%arg18 : memref<64x32xf32, #tpu.memory_space<vmem>>) dst(%dma_wait3A_320 : memref<64x32xf32, #tpu.memory_space<vmem_shared>>)
      tpu.yield
    }) : () -> ()
    %add3A_242 = arith.constant 2624 : i32
    %add3A_243 = arith.addi %mul3A_159, %add3A_242 : i32
    "tpu.region"() ({
      %run_scoped3A = tpu.sem_alloc : memref<!tpu.dma_semaphore, #tpu.memory_space<semaphore_mem>>
      %dma_start3A_313 = arith.constant 0 : i32
      %dma_start3A_314 = tpu.memref_slice %arg22[%add3A_243, %dma_start3A_313] : memref<50048x32xf32, #tpu.memory_space<vmem_shared>> -> memref<64x32xf32, #tpu.memory_space<vmem_shared>>
      %dma_start3A_315 = arith.constant 0 : i32
      %dma_start3A_316 = tpu.memref_slice %arg22[%add3A_243, %dma_start3A_315] : memref<50048x32xf32, #tpu.memory_space<vmem_shared>> -> memref<64x32xf32, #tpu.memory_space<vmem_shared>>
      tpu.enqueue_dma source(%arg18 : memref<64x32xf32, #tpu.memory_space<vmem>>) target(%dma_start3A_316 : memref<64x32xf32, #tpu.memory_space<vmem_shared>>) target_semaphore(%run_scoped3A : memref<!tpu.dma_semaphore, #tpu.memory_space<semaphore_mem>>)
      %dma_wait3A_317 = arith.constant 0 : i32
      %dma_wait3A_318 = tpu.memref_slice %arg22[%add3A_243, %dma_wait3A_317] : memref<50048x32xf32, #tpu.memory_space<vmem_shared>> -> memref<64x32xf32, #tpu.memory_space<vmem_shared>>
      %dma_wait3A_319 = arith.constant 0 : i32
      %dma_wait3A_320 = tpu.memref_slice %arg22[%add3A_243, %dma_wait3A_319] : memref<50048x32xf32, #tpu.memory_space<vmem_shared>> -> memref<64x32xf32, #tpu.memory_space<vmem_shared>>
      tpu.wait_dma2 semaphore(%run_scoped3A : memref<!tpu.dma_semaphore, #tpu.memory_space<semaphore_mem>>) src(%arg18 : memref<64x32xf32, #tpu.memory_space<vmem>>) dst(%dma_wait3A_320 : memref<64x32xf32, #tpu.memory_space<vmem_shared>>)
      tpu.yield
    }) : () -> ()
    %add3A_244 = arith.constant 2688 : i32
    %add3A_245 = arith.addi %mul3A_159, %add3A_244 : i32
    "tpu.region"() ({
      %run_scoped3A = tpu.sem_alloc : memref<!tpu.dma_semaphore, #tpu.memory_space<semaphore_mem>>
      %dma_start3A_313 = arith.constant 0 : i32
      %dma_start3A_314 = tpu.memref_slice %arg22[%add3A_245, %dma_start3A_313] : memref<50048x32xf32, #tpu.memory_space<vmem_shared>> -> memref<64x32xf32, #tpu.memory_space<vmem_shared>>
      %dma_start3A_315 = arith.constant 0 : i32
      %dma_start3A_316 = tpu.memref_slice %arg22[%add3A_245, %dma_start3A_315] : memref<50048x32xf32, #tpu.memory_space<vmem_shared>> -> memref<64x32xf32, #tpu.memory_space<vmem_shared>>
      tpu.enqueue_dma source(%arg18 : memref<64x32xf32, #tpu.memory_space<vmem>>) target(%dma_start3A_316 : memref<64x32xf32, #tpu.memory_space<vmem_shared>>) target_semaphore(%run_scoped3A : memref<!tpu.dma_semaphore, #tpu.memory_space<semaphore_mem>>)
      %dma_wait3A_317 = arith.constant 0 : i32
      %dma_wait3A_318 = tpu.memref_slice %arg22[%add3A_245, %dma_wait3A_317] : memref<50048x32xf32, #tpu.memory_space<vmem_shared>> -> memref<64x32xf32, #tpu.memory_space<vmem_shared>>
      %dma_wait3A_319 = arith.constant 0 : i32
      %dma_wait3A_320 = tpu.memref_slice %arg22[%add3A_245, %dma_wait3A_319] : memref<50048x32xf32, #tpu.memory_space<vmem_shared>> -> memref<64x32xf32, #tpu.memory_space<vmem_shared>>
      tpu.wait_dma2 semaphore(%run_scoped3A : memref<!tpu.dma_semaphore, #tpu.memory_space<semaphore_mem>>) src(%arg18 : memref<64x32xf32, #tpu.memory_space<vmem>>) dst(%dma_wait3A_320 : memref<64x32xf32, #tpu.memory_space<vmem_shared>>)
      tpu.yield
    }) : () -> ()
    %add3A_246 = arith.constant 2752 : i32
    %add3A_247 = arith.addi %mul3A_159, %add3A_246 : i32
    "tpu.region"() ({
      %run_scoped3A = tpu.sem_alloc : memref<!tpu.dma_semaphore, #tpu.memory_space<semaphore_mem>>
      %dma_start3A_313 = arith.constant 0 : i32
      %dma_start3A_314 = tpu.memref_slice %arg22[%add3A_247, %dma_start3A_313] : memref<50048x32xf32, #tpu.memory_space<vmem_shared>> -> memref<64x32xf32, #tpu.memory_space<vmem_shared>>
      %dma_start3A_315 = arith.constant 0 : i32
      %dma_start3A_316 = tpu.memref_slice %arg22[%add3A_247, %dma_start3A_315] : memref<50048x32xf32, #tpu.memory_space<vmem_shared>> -> memref<64x32xf32, #tpu.memory_space<vmem_shared>>
      tpu.enqueue_dma source(%arg18 : memref<64x32xf32, #tpu.memory_space<vmem>>) target(%dma_start3A_316 : memref<64x32xf32, #tpu.memory_space<vmem_shared>>) target_semaphore(%run_scoped3A : memref<!tpu.dma_semaphore, #tpu.memory_space<semaphore_mem>>)
      %dma_wait3A_317 = arith.constant 0 : i32
      %dma_wait3A_318 = tpu.memref_slice %arg22[%add3A_247, %dma_wait3A_317] : memref<50048x32xf32, #tpu.memory_space<vmem_shared>> -> memref<64x32xf32, #tpu.memory_space<vmem_shared>>
      %dma_wait3A_319 = arith.constant 0 : i32
      %dma_wait3A_320 = tpu.memref_slice %arg22[%add3A_247, %dma_wait3A_319] : memref<50048x32xf32, #tpu.memory_space<vmem_shared>> -> memref<64x32xf32, #tpu.memory_space<vmem_shared>>
      tpu.wait_dma2 semaphore(%run_scoped3A : memref<!tpu.dma_semaphore, #tpu.memory_space<semaphore_mem>>) src(%arg18 : memref<64x32xf32, #tpu.memory_space<vmem>>) dst(%dma_wait3A_320 : memref<64x32xf32, #tpu.memory_space<vmem_shared>>)
      tpu.yield
    }) : () -> ()
    %add3A_248 = arith.constant 2816 : i32
    %add3A_249 = arith.addi %mul3A_159, %add3A_248 : i32
    "tpu.region"() ({
      %run_scoped3A = tpu.sem_alloc : memref<!tpu.dma_semaphore, #tpu.memory_space<semaphore_mem>>
      %dma_start3A_313 = arith.constant 0 : i32
      %dma_start3A_314 = tpu.memref_slice %arg22[%add3A_249, %dma_start3A_313] : memref<50048x32xf32, #tpu.memory_space<vmem_shared>> -> memref<64x32xf32, #tpu.memory_space<vmem_shared>>
      %dma_start3A_315 = arith.constant 0 : i32
      %dma_start3A_316 = tpu.memref_slice %arg22[%add3A_249, %dma_start3A_315] : memref<50048x32xf32, #tpu.memory_space<vmem_shared>> -> memref<64x32xf32, #tpu.memory_space<vmem_shared>>
      tpu.enqueue_dma source(%arg18 : memref<64x32xf32, #tpu.memory_space<vmem>>) target(%dma_start3A_316 : memref<64x32xf32, #tpu.memory_space<vmem_shared>>) target_semaphore(%run_scoped3A : memref<!tpu.dma_semaphore, #tpu.memory_space<semaphore_mem>>)
      %dma_wait3A_317 = arith.constant 0 : i32
      %dma_wait3A_318 = tpu.memref_slice %arg22[%add3A_249, %dma_wait3A_317] : memref<50048x32xf32, #tpu.memory_space<vmem_shared>> -> memref<64x32xf32, #tpu.memory_space<vmem_shared>>
      %dma_wait3A_319 = arith.constant 0 : i32
      %dma_wait3A_320 = tpu.memref_slice %arg22[%add3A_249, %dma_wait3A_319] : memref<50048x32xf32, #tpu.memory_space<vmem_shared>> -> memref<64x32xf32, #tpu.memory_space<vmem_shared>>
      tpu.wait_dma2 semaphore(%run_scoped3A : memref<!tpu.dma_semaphore, #tpu.memory_space<semaphore_mem>>) src(%arg18 : memref<64x32xf32, #tpu.memory_space<vmem>>) dst(%dma_wait3A_320 : memref<64x32xf32, #tpu.memory_space<vmem_shared>>)
      tpu.yield
    }) : () -> ()
    %add3A_250 = arith.constant 2880 : i32
    %add3A_251 = arith.addi %mul3A_159, %add3A_250 : i32
    "tpu.region"() ({
      %run_scoped3A = tpu.sem_alloc : memref<!tpu.dma_semaphore, #tpu.memory_space<semaphore_mem>>
      %dma_start3A_313 = arith.constant 0 : i32
      %dma_start3A_314 = tpu.memref_slice %arg22[%add3A_251, %dma_start3A_313] : memref<50048x32xf32, #tpu.memory_space<vmem_shared>> -> memref<64x32xf32, #tpu.memory_space<vmem_shared>>
      %dma_start3A_315 = arith.constant 0 : i32
      %dma_start3A_316 = tpu.memref_slice %arg22[%add3A_251, %dma_start3A_315] : memref<50048x32xf32, #tpu.memory_space<vmem_shared>> -> memref<64x32xf32, #tpu.memory_space<vmem_shared>>
      tpu.enqueue_dma source(%arg18 : memref<64x32xf32, #tpu.memory_space<vmem>>) target(%dma_start3A_316 : memref<64x32xf32, #tpu.memory_space<vmem_shared>>) target_semaphore(%run_scoped3A : memref<!tpu.dma_semaphore, #tpu.memory_space<semaphore_mem>>)
      %dma_wait3A_317 = arith.constant 0 : i32
      %dma_wait3A_318 = tpu.memref_slice %arg22[%add3A_251, %dma_wait3A_317] : memref<50048x32xf32, #tpu.memory_space<vmem_shared>> -> memref<64x32xf32, #tpu.memory_space<vmem_shared>>
      %dma_wait3A_319 = arith.constant 0 : i32
      %dma_wait3A_320 = tpu.memref_slice %arg22[%add3A_251, %dma_wait3A_319] : memref<50048x32xf32, #tpu.memory_space<vmem_shared>> -> memref<64x32xf32, #tpu.memory_space<vmem_shared>>
      tpu.wait_dma2 semaphore(%run_scoped3A : memref<!tpu.dma_semaphore, #tpu.memory_space<semaphore_mem>>) src(%arg18 : memref<64x32xf32, #tpu.memory_space<vmem>>) dst(%dma_wait3A_320 : memref<64x32xf32, #tpu.memory_space<vmem_shared>>)
      tpu.yield
    }) : () -> ()
    %add3A_252 = arith.constant 2944 : i32
    %add3A_253 = arith.addi %mul3A_159, %add3A_252 : i32
    "tpu.region"() ({
      %run_scoped3A = tpu.sem_alloc : memref<!tpu.dma_semaphore, #tpu.memory_space<semaphore_mem>>
      %dma_start3A_313 = arith.constant 0 : i32
      %dma_start3A_314 = tpu.memref_slice %arg22[%add3A_253, %dma_start3A_313] : memref<50048x32xf32, #tpu.memory_space<vmem_shared>> -> memref<64x32xf32, #tpu.memory_space<vmem_shared>>
      %dma_start3A_315 = arith.constant 0 : i32
      %dma_start3A_316 = tpu.memref_slice %arg22[%add3A_253, %dma_start3A_315] : memref<50048x32xf32, #tpu.memory_space<vmem_shared>> -> memref<64x32xf32, #tpu.memory_space<vmem_shared>>
      tpu.enqueue_dma source(%arg18 : memref<64x32xf32, #tpu.memory_space<vmem>>) target(%dma_start3A_316 : memref<64x32xf32, #tpu.memory_space<vmem_shared>>) target_semaphore(%run_scoped3A : memref<!tpu.dma_semaphore, #tpu.memory_space<semaphore_mem>>)
      %dma_wait3A_317 = arith.constant 0 : i32
      %dma_wait3A_318 = tpu.memref_slice %arg22[%add3A_253, %dma_wait3A_317] : memref<50048x32xf32, #tpu.memory_space<vmem_shared>> -> memref<64x32xf32, #tpu.memory_space<vmem_shared>>
      %dma_wait3A_319 = arith.constant 0 : i32
      %dma_wait3A_320 = tpu.memref_slice %arg22[%add3A_253, %dma_wait3A_319] : memref<50048x32xf32, #tpu.memory_space<vmem_shared>> -> memref<64x32xf32, #tpu.memory_space<vmem_shared>>
      tpu.wait_dma2 semaphore(%run_scoped3A : memref<!tpu.dma_semaphore, #tpu.memory_space<semaphore_mem>>) src(%arg18 : memref<64x32xf32, #tpu.memory_space<vmem>>) dst(%dma_wait3A_320 : memref<64x32xf32, #tpu.memory_space<vmem_shared>>)
      tpu.yield
    }) : () -> ()
    %add3A_254 = arith.constant 3008 : i32
    %add3A_255 = arith.addi %mul3A_159, %add3A_254 : i32
    "tpu.region"() ({
      %run_scoped3A = tpu.sem_alloc : memref<!tpu.dma_semaphore, #tpu.memory_space<semaphore_mem>>
      %dma_start3A_313 = arith.constant 0 : i32
      %dma_start3A_314 = tpu.memref_slice %arg22[%add3A_255, %dma_start3A_313] : memref<50048x32xf32, #tpu.memory_space<vmem_shared>> -> memref<64x32xf32, #tpu.memory_space<vmem_shared>>
      %dma_start3A_315 = arith.constant 0 : i32
      %dma_start3A_316 = tpu.memref_slice %arg22[%add3A_255, %dma_start3A_315] : memref<50048x32xf32, #tpu.memory_space<vmem_shared>> -> memref<64x32xf32, #tpu.memory_space<vmem_shared>>
      tpu.enqueue_dma source(%arg18 : memref<64x32xf32, #tpu.memory_space<vmem>>) target(%dma_start3A_316 : memref<64x32xf32, #tpu.memory_space<vmem_shared>>) target_semaphore(%run_scoped3A : memref<!tpu.dma_semaphore, #tpu.memory_space<semaphore_mem>>)
      %dma_wait3A_317 = arith.constant 0 : i32
      %dma_wait3A_318 = tpu.memref_slice %arg22[%add3A_255, %dma_wait3A_317] : memref<50048x32xf32, #tpu.memory_space<vmem_shared>> -> memref<64x32xf32, #tpu.memory_space<vmem_shared>>
      %dma_wait3A_319 = arith.constant 0 : i32
      %dma_wait3A_320 = tpu.memref_slice %arg22[%add3A_255, %dma_wait3A_319] : memref<50048x32xf32, #tpu.memory_space<vmem_shared>> -> memref<64x32xf32, #tpu.memory_space<vmem_shared>>
      tpu.wait_dma2 semaphore(%run_scoped3A : memref<!tpu.dma_semaphore, #tpu.memory_space<semaphore_mem>>) src(%arg18 : memref<64x32xf32, #tpu.memory_space<vmem>>) dst(%dma_wait3A_320 : memref<64x32xf32, #tpu.memory_space<vmem_shared>>)
      tpu.yield
    }) : () -> ()
    %add3A_256 = arith.constant 3072 : i32
    %add3A_257 = arith.addi %mul3A_159, %add3A_256 : i32
    "tpu.region"() ({
      %run_scoped3A = tpu.sem_alloc : memref<!tpu.dma_semaphore, #tpu.memory_space<semaphore_mem>>
      %dma_start3A_313 = arith.constant 0 : i32
      %dma_start3A_314 = arith.constant 0 : i32
      %dma_start3A_315 = tpu.memref_slice %arg18[%dma_start3A_313, %dma_start3A_314] : memref<64x32xf32, #tpu.memory_space<vmem>> -> memref<56x32xf32, #tpu.memory_space<vmem>>
      %dma_start3A_316 = arith.constant 0 : i32
      %dma_start3A_317 = tpu.memref_slice %arg22[%add3A_257, %dma_start3A_316] : memref<50048x32xf32, #tpu.memory_space<vmem_shared>> -> memref<56x32xf32, #tpu.memory_space<vmem_shared>>
      %dma_start3A_318 = arith.constant 0 : i32
      %dma_start3A_319 = tpu.memref_slice %arg22[%add3A_257, %dma_start3A_318] : memref<50048x32xf32, #tpu.memory_space<vmem_shared>> -> memref<56x32xf32, #tpu.memory_space<vmem_shared>>
      %dma_start3A_320 = arith.constant 0 : i32
      %dma_start3A_321 = arith.constant 0 : i32
      %dma_start3A_322 = tpu.memref_slice %arg18[%dma_start3A_320, %dma_start3A_321] : memref<64x32xf32, #tpu.memory_space<vmem>> -> memref<56x32xf32, #tpu.memory_space<vmem>>
      tpu.enqueue_dma source(%dma_start3A_322 : memref<56x32xf32, #tpu.memory_space<vmem>>) target(%dma_start3A_319 : memref<56x32xf32, #tpu.memory_space<vmem_shared>>) target_semaphore(%run_scoped3A : memref<!tpu.dma_semaphore, #tpu.memory_space<semaphore_mem>>)
      %dma_wait3A_323 = arith.constant 0 : i32
      %dma_wait3A_324 = arith.constant 0 : i32
      %dma_wait3A_325 = tpu.memref_slice %arg18[%dma_wait3A_323, %dma_wait3A_324] : memref<64x32xf32, #tpu.memory_space<vmem>> -> memref<56x32xf32, #tpu.memory_space<vmem>>
      %dma_wait3A_326 = arith.constant 0 : i32
      %dma_wait3A_327 = tpu.memref_slice %arg22[%add3A_257, %dma_wait3A_326] : memref<50048x32xf32, #tpu.memory_space<vmem_shared>> -> memref<56x32xf32, #tpu.memory_space<vmem_shared>>
      %dma_wait3A_328 = arith.constant 0 : i32
      %dma_wait3A_329 = tpu.memref_slice %arg22[%add3A_257, %dma_wait3A_328] : memref<50048x32xf32, #tpu.memory_space<vmem_shared>> -> memref<56x32xf32, #tpu.memory_space<vmem_shared>>
      %dma_wait3A_330 = arith.constant 0 : i32
      %dma_wait3A_331 = arith.constant 0 : i32
      %dma_wait3A_332 = tpu.memref_slice %arg18[%dma_wait3A_330, %dma_wait3A_331] : memref<64x32xf32, #tpu.memory_space<vmem>> -> memref<56x32xf32, #tpu.memory_space<vmem>>
      tpu.wait_dma2 semaphore(%run_scoped3A : memref<!tpu.dma_semaphore, #tpu.memory_space<semaphore_mem>>) src(%dma_wait3A_332 : memref<56x32xf32, #tpu.memory_space<vmem>>) dst(%dma_wait3A_329 : memref<56x32xf32, #tpu.memory_space<vmem_shared>>)
      tpu.yield
    }) : () -> ()
    %mul3A_258 = arith.constant 128 : i32
    %mul3A_259 = arith.muli %arg1, %mul3A_258 : i32
    %mul3A_260 = arith.constant 128 : i32
    %mul3A_261 = arith.muli %arg1, %mul3A_260 : i32
    %mul3A_262 = arith.constant 128 : i32
    %mul3A_263 = arith.muli %arg1, %mul3A_262 : i32
    %add3A_264 = arith.constant 64 : i32
    %add3A_265 = arith.addi %mul3A_263, %add3A_264 : i32
    %dma_wait3A = arith.constant 0 : i32
    %dma_wait3A_266 = tpu.memref_slice %arg8[%dma_wait3A] : memref<128xi32, #tpu.memory_space<vmem>> -> memref<128xi32, #tpu.memory_space<vmem>>
    %dma_wait3A_267 = tpu.memref_slice %arg4[%mul3A_259] : memref<800000xi32, #tpu.memory_space<hbm>> -> memref<128xi32, #tpu.memory_space<hbm>>
    %dma_wait3A_268 = arith.constant 0 : i32
    %dma_wait3A_269 = tpu.memref_slice %arg8[%dma_wait3A_268] : memref<128xi32, #tpu.memory_space<vmem>> -> memref<128xi32, #tpu.memory_space<vmem>>
    %dma_wait3A_270 = tpu.memref_slice %arg4[%mul3A_259] : memref<800000xi32, #tpu.memory_space<hbm>> -> memref<128xi32, #tpu.memory_space<hbm>>
    tpu.wait_dma2 semaphore(%arg23 : memref<!tpu.dma_semaphore, #tpu.memory_space<semaphore_mem>>) src(%dma_wait3A_270 : memref<128xi32, #tpu.memory_space<hbm>>) dst(%dma_wait3A_269 : memref<128xi32, #tpu.memory_space<vmem>>)
    %dma_wait3A_271 = arith.constant 0 : i32
    %dma_wait3A_272 = arith.constant 0 : i32
    %dma_wait3A_273 = tpu.memref_slice %arg10[%dma_wait3A_271, %dma_wait3A_272] : memref<2x64xi32, #tpu.memory_space<vmem>> -> memref<1x64xi32, #tpu.memory_space<vmem>>
    %dma_wait3A_274 = tpu.memref_squeeze %dma_wait3A_273 : memref<1x64xi32, #tpu.memory_space<vmem>> -> memref<64xi32, #tpu.memory_space<vmem>>
    %dma_wait3A_275 = tpu.memref_slice %arg3[%mul3A_261] : memref<800000xi32, #tpu.memory_space<hbm>> -> memref<64xi32, #tpu.memory_space<hbm>>
    %dma_wait3A_276 = arith.constant 0 : i32
    %dma_wait3A_277 = tpu.memref_slice %arg10[%dma_wait3A_271, %dma_wait3A_276] : memref<2x64xi32, #tpu.memory_space<vmem>> -> memref<1x64xi32, #tpu.memory_space<vmem>>
    %dma_wait3A_278 = tpu.memref_squeeze %dma_wait3A_277 : memref<1x64xi32, #tpu.memory_space<vmem>> -> memref<64xi32, #tpu.memory_space<vmem>>
    %dma_wait3A_279 = tpu.memref_slice %arg3[%mul3A_261] : memref<800000xi32, #tpu.memory_space<hbm>> -> memref<64xi32, #tpu.memory_space<hbm>>
    tpu.wait_dma2 semaphore(%arg23 : memref<!tpu.dma_semaphore, #tpu.memory_space<semaphore_mem>>) src(%dma_wait3A_279 : memref<64xi32, #tpu.memory_space<hbm>>) dst(%dma_wait3A_278 : memref<64xi32, #tpu.memory_space<vmem>>)
    %dma_wait3A_280 = arith.constant 1 : i32
    %dma_wait3A_281 = arith.constant 0 : i32
    %dma_wait3A_282 = tpu.memref_slice %arg10[%dma_wait3A_280, %dma_wait3A_281] : memref<2x64xi32, #tpu.memory_space<vmem>> -> memref<1x64xi32, #tpu.memory_space<vmem>>
    %dma_wait3A_283 = tpu.memref_squeeze %dma_wait3A_282 : memref<1x64xi32, #tpu.memory_space<vmem>> -> memref<64xi32, #tpu.memory_space<vmem>>
    %dma_wait3A_284 = tpu.memref_slice %arg3[%add3A_265] : memref<800000xi32, #tpu.memory_space<hbm>> -> memref<64xi32, #tpu.memory_space<hbm>>
    %dma_wait3A_285 = arith.constant 0 : i32
    %dma_wait3A_286 = tpu.memref_slice %arg10[%dma_wait3A_280, %dma_wait3A_285] : memref<2x64xi32, #tpu.memory_space<vmem>> -> memref<1x64xi32, #tpu.memory_space<vmem>>
    %dma_wait3A_287 = tpu.memref_squeeze %dma_wait3A_286 : memref<1x64xi32, #tpu.memory_space<vmem>> -> memref<64xi32, #tpu.memory_space<vmem>>
    %dma_wait3A_288 = tpu.memref_slice %arg3[%add3A_265] : memref<800000xi32, #tpu.memory_space<hbm>> -> memref<64xi32, #tpu.memory_space<hbm>>
    tpu.wait_dma2 semaphore(%arg23 : memref<!tpu.dma_semaphore, #tpu.memory_space<semaphore_mem>>) src(%dma_wait3A_288 : memref<64xi32, #tpu.memory_space<hbm>>) dst(%dma_wait3A_287 : memref<64xi32, #tpu.memory_space<vmem>>)
    %dma_start3A_289 = arith.constant 0 : i32
    %dma_start3A_290 = tpu.memref_slice %arg8[%dma_start3A_289] : memref<128xi32, #tpu.memory_space<vmem>> -> memref<64xi32, #tpu.memory_space<vmem>>
    %dma_start3A_291 = arith.constant 0 : i32
    %dma_start3A_292 = arith.constant 0 : i32
    %dma_start3A_293 = tpu.memref_slice %arg2[%dma_start3A_291, %dma_start3A_292] : memref<100000x64xf32, #tpu.memory_space<hbm>> -> memref<100000x64xf32, #tpu.memory_space<hbm>>
    tpu.enqueue_indirect_dma source(%dma_start3A_293 : memref<100000x64xf32, #tpu.memory_space<hbm>>) target(%arg16 : memref<64x64xf32, #tpu.memory_space<vmem>>) offsets(%dma_start3A_290 : memref<64xi32, #tpu.memory_space<vmem>>) semaphore(%arg27 : memref<!tpu.dma_semaphore, #tpu.memory_space<semaphore_mem>>)
    %barrier3A = arith.constant 0 : index
    tpu.barrier barrier_id(%barrier3A)
    %scan3A = arith.constant 0 : i32
    %scan3A_294 = arith.constant 0 : i32
    %scan3A_295 = arith.constant 195 : i32
    %scan3A_296 = arith.addi %scan3A_294, %scan3A_295 : i32
    %scan3A_297 = arith.constant 1 : i32
    %scan3A_298 = scf.for %scan3A_313 = %scan3A_294 to %scan3A_296 step %scan3A_297 iter_args(%scan3A_314 = %scan3A) -> (i32)  : i32 {
      %mul3A_315 = arith.constant 4 : i32
      %mul3A_316 = arith.muli %scan3A_313, %mul3A_315 : i32
      %add3A_317 = arith.constant 0 : i32
      %add3A_318 = arith.addi %mul3A_316, %add3A_317 : i32
      %jit3A_319 = arith.constant 2 : i32
      %div3A = arith.divsi %add3A_318, %jit3A_319 : i32
      %sign3A = arith.constant 0 : i32
      %sign3A_320 = arith.cmpi sgt, %add3A_318, %sign3A : i32
      %sign3A_321 = arith.extui %sign3A_320 : i1 to i32
      %sign3A_322 = arith.constant 0 : i32
      %sign3A_323 = arith.cmpi slt, %add3A_318, %sign3A_322 : i32
      %sign3A_324 = arith.extui %sign3A_323 : i1 to i32
      %sign3A_325 = arith.subi %sign3A_321, %sign3A_324 : i32
      %sign3A_326 = arith.constant 0 : i32
      %sign3A_327 = arith.cmpi sgt, %jit3A_319, %sign3A_326 : i32
      %sign3A_328 = arith.extui %sign3A_327 : i1 to i32
      %sign3A_329 = arith.constant 0 : i32
      %sign3A_330 = arith.cmpi slt, %jit3A_319, %sign3A_329 : i32
      %sign3A_331 = arith.extui %sign3A_330 : i1 to i32
      %sign3A_332 = arith.subi %sign3A_328, %sign3A_331 : i32
      %ne3A = arith.cmpi ne, %sign3A_325, %sign3A_332 : i32
      %rem3A = arith.remsi %add3A_318, %jit3A_319 : i32
      %ne3A_333 = arith.constant 0 : i32
      %ne3A_334 = arith.cmpi ne, %rem3A, %ne3A_333 : i32
      %and3A = arith.andi %ne3A, %ne3A_334 : i1
      %sub3A = arith.constant 1 : i32
      %sub3A_335 = arith.subi %div3A, %sub3A : i32
      %select_n3A_336 = arith.select %and3A, %sub3A_335, %div3A : i32
      %add3A_337 = arith.constant 1 : i32
      %add3A_338 = arith.addi %select_n3A_336, %add3A_337 : i32
      %mul3A_339 = arith.constant 16 : i32
      %mul3A_340 = arith.muli %add3A_338, %mul3A_339 : i32
      %add3A_341 = arith.addi %arg1, %mul3A_340 : i32
      %add3A_342 = arith.constant 1 : i32
      %add3A_343 = arith.addi %select_n3A_336, %add3A_342 : i32
      %lt3A_344 = arith.cmpi slt, %add3A_343, %select_n3A : i32
      %convert_element_type3A_345 = arith.extui %lt3A_344 : i1 to i32
      %cond3A_346 = arith.constant 0 : i32
      %cond3A_347 = arith.cmpi ne, %convert_element_type3A_345, %cond3A_346 : i32
      scf.if %cond3A_347 {
        %mul3A_781 = arith.constant 128 : i32
        %mul3A_782 = arith.muli %add3A_341, %mul3A_781 : i32
        %mul3A_783 = arith.constant 128 : i32
        %mul3A_784 = arith.muli %add3A_341, %mul3A_783 : i32
        %mul3A_785 = arith.constant 128 : i32
        %mul3A_786 = arith.muli %add3A_341, %mul3A_785 : i32
        %add3A_787 = arith.constant 64 : i32
        %add3A_788 = arith.addi %mul3A_786, %add3A_787 : i32
        %dma_start3A_789 = arith.constant 0 : i32
        %dma_start3A_790 = tpu.memref_slice %arg9[%dma_start3A_789] : memref<128xi32, #tpu.memory_space<vmem>> -> memref<128xi32, #tpu.memory_space<vmem>>
        %dma_start3A_791 = tpu.memref_slice %arg4[%mul3A_782] : memref<800000xi32, #tpu.memory_space<hbm>> -> memref<128xi32, #tpu.memory_space<hbm>>
        %dma_start3A_792 = arith.constant 0 : i32
        %dma_start3A_793 = tpu.memref_slice %arg9[%dma_start3A_792] : memref<128xi32, #tpu.memory_space<vmem>> -> memref<128xi32, #tpu.memory_space<vmem>>
        %dma_start3A_794 = tpu.memref_slice %arg4[%mul3A_782] : memref<800000xi32, #tpu.memory_space<hbm>> -> memref<128xi32, #tpu.memory_space<hbm>>
        tpu.enqueue_dma source(%dma_start3A_794 : memref<128xi32, #tpu.memory_space<hbm>>) target(%dma_start3A_793 : memref<128xi32, #tpu.memory_space<vmem>>) target_semaphore(%arg24 : memref<!tpu.dma_semaphore, #tpu.memory_space<semaphore_mem>>)
        %dma_start3A_795 = arith.constant 0 : i32
        %dma_start3A_796 = arith.constant 0 : i32
        %dma_start3A_797 = tpu.memref_slice %arg11[%dma_start3A_795, %dma_start3A_796] : memref<2x64xi32, #tpu.memory_space<vmem>> -> memref<1x64xi32, #tpu.memory_space<vmem>>
        %dma_start3A_798 = tpu.memref_squeeze %dma_start3A_797 : memref<1x64xi32, #tpu.memory_space<vmem>> -> memref<64xi32, #tpu.memory_space<vmem>>
        %dma_start3A_799 = tpu.memref_slice %arg3[%mul3A_784] : memref<800000xi32, #tpu.memory_space<hbm>> -> memref<64xi32, #tpu.memory_space<hbm>>
        %dma_start3A_800 = arith.constant 0 : i32
        %dma_start3A_801 = tpu.memref_slice %arg11[%dma_start3A_795, %dma_start3A_800] : memref<2x64xi32, #tpu.memory_space<vmem>> -> memref<1x64xi32, #tpu.memory_space<vmem>>
        %dma_start3A_802 = tpu.memref_squeeze %dma_start3A_801 : memref<1x64xi32, #tpu.memory_space<vmem>> -> memref<64xi32, #tpu.memory_space<vmem>>
        %dma_start3A_803 = tpu.memref_slice %arg3[%mul3A_784] : memref<800000xi32, #tpu.memory_space<hbm>> -> memref<64xi32, #tpu.memory_space<hbm>>
        tpu.enqueue_dma source(%dma_start3A_803 : memref<64xi32, #tpu.memory_space<hbm>>) target(%dma_start3A_802 : memref<64xi32, #tpu.memory_space<vmem>>) target_semaphore(%arg24 : memref<!tpu.dma_semaphore, #tpu.memory_space<semaphore_mem>>)
        %dma_start3A_804 = arith.constant 1 : i32
        %dma_start3A_805 = arith.constant 0 : i32
        %dma_start3A_806 = tpu.memref_slice %arg11[%dma_start3A_804, %dma_start3A_805] : memref<2x64xi32, #tpu.memory_space<vmem>> -> memref<1x64xi32, #tpu.memory_space<vmem>>
        %dma_start3A_807 = tpu.memref_squeeze %dma_start3A_806 : memref<1x64xi32, #tpu.memory_space<vmem>> -> memref<64xi32, #tpu.memory_space<vmem>>
        %dma_start3A_808 = tpu.memref_slice %arg3[%add3A_788] : memref<800000xi32, #tpu.memory_space<hbm>> -> memref<64xi32, #tpu.memory_space<hbm>>
        %dma_start3A_809 = arith.constant 0 : i32
        %dma_start3A_810 = tpu.memref_slice %arg11[%dma_start3A_804, %dma_start3A_809] : memref<2x64xi32, #tpu.memory_space<vmem>> -> memref<1x64xi32, #tpu.memory_space<vmem>>
        %dma_start3A_811 = tpu.memref_squeeze %dma_start3A_810 : memref<1x64xi32, #tpu.memory_space<vmem>> -> memref<64xi32, #tpu.memory_space<vmem>>
        %dma_start3A_812 = tpu.memref_slice %arg3[%add3A_788] : memref<800000xi32, #tpu.memory_space<hbm>> -> memref<64xi32, #tpu.memory_space<hbm>>
        tpu.enqueue_dma source(%dma_start3A_812 : memref<64xi32, #tpu.memory_space<hbm>>) target(%dma_start3A_811 : memref<64xi32, #tpu.memory_space<vmem>>) target_semaphore(%arg24 : memref<!tpu.dma_semaphore, #tpu.memory_space<semaphore_mem>>)
        %add3A_813 = arith.constant 0 : i32
        %add3A_814 = arith.addi %add3A_813, %add3A_341 : i32
        %mul3A_815 = arith.constant 8 : i32
        %mul3A_816 = arith.muli %add3A_814, %mul3A_815 : i32
        %add3A_817 = arith.constant 6250 : i32
        %add3A_818 = arith.addi %add3A_817, %add3A_341 : i32
        %mul3A_819 = arith.constant 8 : i32
        %mul3A_820 = arith.muli %add3A_818, %mul3A_819 : i32
        %add3A_821 = arith.constant 0 : i32
        %add3A_822 = arith.addi %add3A_821, %add3A_341 : i32
        %mul3A_823 = arith.constant 8 : i32
        %mul3A_824 = arith.muli %add3A_822, %mul3A_823 : i32
        %add3A_825 = arith.constant 6250 : i32
        %add3A_826 = arith.addi %add3A_825, %add3A_341 : i32
        %mul3A_827 = arith.constant 8 : i32
        %mul3A_828 = arith.muli %add3A_826, %mul3A_827 : i32
        %add3A_829 = arith.constant 12500 : i32
        %add3A_830 = arith.addi %add3A_829, %add3A_341 : i32
        %mul3A_831 = arith.constant 8 : i32
        %mul3A_832 = arith.muli %add3A_830, %mul3A_831 : i32
        %add3A_833 = arith.constant 18750 : i32
        %add3A_834 = arith.addi %add3A_833, %add3A_341 : i32
        %mul3A_835 = arith.constant 8 : i32
        %mul3A_836 = arith.muli %add3A_834, %mul3A_835 : i32
        %add3A_837 = arith.constant 25000 : i32
        %add3A_838 = arith.addi %add3A_837, %add3A_341 : i32
        %mul3A_839 = arith.constant 8 : i32
        %mul3A_840 = arith.muli %add3A_838, %mul3A_839 : i32
        %add3A_841 = arith.constant 31250 : i32
        %add3A_842 = arith.addi %add3A_841, %add3A_341 : i32
        %mul3A_843 = arith.constant 8 : i32
        %mul3A_844 = arith.muli %add3A_842, %mul3A_843 : i32
        %dma_start3A_845 = arith.constant 0 : i32
        %dma_start3A_846 = arith.constant 0 : i32
        %dma_start3A_847 = tpu.memref_slice %arg13[%dma_start3A_845, %dma_start3A_846] : memref<16x136xf32, #tpu.memory_space<vmem>> -> memref<8x128xf32, #tpu.memory_space<vmem>>
        %dma_start3A_848 = arith.constant 0 : i32
        %dma_start3A_849 = tpu.memref_slice %arg5[%mul3A_816, %dma_start3A_848] : memref<100000x128xf32, #tpu.memory_space<hbm>> -> memref<8x128xf32, #tpu.memory_space<hbm>>
        %dma_start3A_850 = arith.constant 0 : i32
        %dma_start3A_851 = arith.constant 0 : i32
        %dma_start3A_852 = tpu.memref_slice %arg13[%dma_start3A_850, %dma_start3A_851] : memref<16x136xf32, #tpu.memory_space<vmem>> -> memref<8x128xf32, #tpu.memory_space<vmem>>
        %dma_start3A_853 = arith.constant 0 : i32
        %dma_start3A_854 = tpu.memref_slice %arg5[%mul3A_816, %dma_start3A_853] : memref<100000x128xf32, #tpu.memory_space<hbm>> -> memref<8x128xf32, #tpu.memory_space<hbm>>
        tpu.enqueue_dma source(%dma_start3A_854 : memref<8x128xf32, #tpu.memory_space<hbm>>) target(%dma_start3A_852 : memref<8x128xf32, #tpu.memory_space<vmem>>) target_semaphore(%arg26 : memref<!tpu.dma_semaphore, #tpu.memory_space<semaphore_mem>>)
        %dma_start3A_855 = arith.constant 8 : i32
        %dma_start3A_856 = arith.constant 0 : i32
        %dma_start3A_857 = tpu.memref_slice %arg13[%dma_start3A_855, %dma_start3A_856] : memref<16x136xf32, #tpu.memory_space<vmem>> -> memref<8x128xf32, #tpu.memory_space<vmem>>
        %dma_start3A_858 = arith.constant 0 : i32
        %dma_start3A_859 = tpu.memref_slice %arg5[%mul3A_820, %dma_start3A_858] : memref<100000x128xf32, #tpu.memory_space<hbm>> -> memref<8x128xf32, #tpu.memory_space<hbm>>
        %dma_start3A_860 = arith.constant 8 : i32
        %dma_start3A_861 = arith.constant 0 : i32
        %dma_start3A_862 = tpu.memref_slice %arg13[%dma_start3A_860, %dma_start3A_861] : memref<16x136xf32, #tpu.memory_space<vmem>> -> memref<8x128xf32, #tpu.memory_space<vmem>>
        %dma_start3A_863 = arith.constant 0 : i32
        %dma_start3A_864 = tpu.memref_slice %arg5[%mul3A_820, %dma_start3A_863] : memref<100000x128xf32, #tpu.memory_space<hbm>> -> memref<8x128xf32, #tpu.memory_space<hbm>>
        tpu.enqueue_dma source(%dma_start3A_864 : memref<8x128xf32, #tpu.memory_space<hbm>>) target(%dma_start3A_862 : memref<8x128xf32, #tpu.memory_space<vmem>>) target_semaphore(%arg26 : memref<!tpu.dma_semaphore, #tpu.memory_space<semaphore_mem>>)
        %dma_start3A_865 = arith.constant 0 : i32
        %dma_start3A_866 = arith.constant 0 : i32
        %dma_start3A_867 = tpu.memref_slice %arg15[%dma_start3A_865, %dma_start3A_866] : memref<48x136xf32, #tpu.memory_space<vmem>> -> memref<8x128xf32, #tpu.memory_space<vmem>>
        %dma_start3A_868 = arith.constant 0 : i32
        %dma_start3A_869 = tpu.memref_slice %arg6[%mul3A_824, %dma_start3A_868] : memref<300000x128xf32, #tpu.memory_space<hbm>> -> memref<8x128xf32, #tpu.memory_space<hbm>>
        %dma_start3A_870 = arith.constant 0 : i32
        %dma_start3A_871 = arith.constant 0 : i32
        %dma_start3A_872 = tpu.memref_slice %arg15[%dma_start3A_870, %dma_start3A_871] : memref<48x136xf32, #tpu.memory_space<vmem>> -> memref<8x128xf32, #tpu.memory_space<vmem>>
        %dma_start3A_873 = arith.constant 0 : i32
        %dma_start3A_874 = tpu.memref_slice %arg6[%mul3A_824, %dma_start3A_873] : memref<300000x128xf32, #tpu.memory_space<hbm>> -> memref<8x128xf32, #tpu.memory_space<hbm>>
        tpu.enqueue_dma source(%dma_start3A_874 : memref<8x128xf32, #tpu.memory_space<hbm>>) target(%dma_start3A_872 : memref<8x128xf32, #tpu.memory_space<vmem>>) target_semaphore(%arg26 : memref<!tpu.dma_semaphore, #tpu.memory_space<semaphore_mem>>)
        %dma_start3A_875 = arith.constant 8 : i32
        %dma_start3A_876 = arith.constant 0 : i32
        %dma_start3A_877 = tpu.memref_slice %arg15[%dma_start3A_875, %dma_start3A_876] : memref<48x136xf32, #tpu.memory_space<vmem>> -> memref<8x128xf32, #tpu.memory_space<vmem>>
        %dma_start3A_878 = arith.constant 0 : i32
        %dma_start3A_879 = tpu.memref_slice %arg6[%mul3A_828, %dma_start3A_878] : memref<300000x128xf32, #tpu.memory_space<hbm>> -> memref<8x128xf32, #tpu.memory_space<hbm>>
        %dma_start3A_880 = arith.constant 8 : i32
        %dma_start3A_881 = arith.constant 0 : i32
        %dma_start3A_882 = tpu.memref_slice %arg15[%dma_start3A_880, %dma_start3A_881] : memref<48x136xf32, #tpu.memory_space<vmem>> -> memref<8x128xf32, #tpu.memory_space<vmem>>
        %dma_start3A_883 = arith.constant 0 : i32
        %dma_start3A_884 = tpu.memref_slice %arg6[%mul3A_828, %dma_start3A_883] : memref<300000x128xf32, #tpu.memory_space<hbm>> -> memref<8x128xf32, #tpu.memory_space<hbm>>
        tpu.enqueue_dma source(%dma_start3A_884 : memref<8x128xf32, #tpu.memory_space<hbm>>) target(%dma_start3A_882 : memref<8x128xf32, #tpu.memory_space<vmem>>) target_semaphore(%arg26 : memref<!tpu.dma_semaphore, #tpu.memory_space<semaphore_mem>>)
        %dma_start3A_885 = arith.constant 16 : i32
        %dma_start3A_886 = arith.constant 0 : i32
        %dma_start3A_887 = tpu.memref_slice %arg15[%dma_start3A_885, %dma_start3A_886] : memref<48x136xf32, #tpu.memory_space<vmem>> -> memref<8x128xf32, #tpu.memory_space<vmem>>
        %dma_start3A_888 = arith.constant 0 : i32
        %dma_start3A_889 = tpu.memref_slice %arg6[%mul3A_832, %dma_start3A_888] : memref<300000x128xf32, #tpu.memory_space<hbm>> -> memref<8x128xf32, #tpu.memory_space<hbm>>
        %dma_start3A_890 = arith.constant 16 : i32
        %dma_start3A_891 = arith.constant 0 : i32
        %dma_start3A_892 = tpu.memref_slice %arg15[%dma_start3A_890, %dma_start3A_891] : memref<48x136xf32, #tpu.memory_space<vmem>> -> memref<8x128xf32, #tpu.memory_space<vmem>>
        %dma_start3A_893 = arith.constant 0 : i32
        %dma_start3A_894 = tpu.memref_slice %arg6[%mul3A_832, %dma_start3A_893] : memref<300000x128xf32, #tpu.memory_space<hbm>> -> memref<8x128xf32, #tpu.memory_space<hbm>>
        tpu.enqueue_dma source(%dma_start3A_894 : memref<8x128xf32, #tpu.memory_space<hbm>>) target(%dma_start3A_892 : memref<8x128xf32, #tpu.memory_space<vmem>>) target_semaphore(%arg26 : memref<!tpu.dma_semaphore, #tpu.memory_space<semaphore_mem>>)
        %dma_start3A_895 = arith.constant 24 : i32
        %dma_start3A_896 = arith.constant 0 : i32
        %dma_start3A_897 = tpu.memref_slice %arg15[%dma_start3A_895, %dma_start3A_896] : memref<48x136xf32, #tpu.memory_space<vmem>> -> memref<8x128xf32, #tpu.memory_space<vmem>>
        %dma_start3A_898 = arith.constant 0 : i32
        %dma_start3A_899 = tpu.memref_slice %arg6[%mul3A_836, %dma_start3A_898] : memref<300000x128xf32, #tpu.memory_space<hbm>> -> memref<8x128xf32, #tpu.memory_space<hbm>>
        %dma_start3A_900 = arith.constant 24 : i32
        %dma_start3A_901 = arith.constant 0 : i32
        %dma_start3A_902 = tpu.memref_slice %arg15[%dma_start3A_900, %dma_start3A_901] : memref<48x136xf32, #tpu.memory_space<vmem>> -> memref<8x128xf32, #tpu.memory_space<vmem>>
        %dma_start3A_903 = arith.constant 0 : i32
        %dma_start3A_904 = tpu.memref_slice %arg6[%mul3A_836, %dma_start3A_903] : memref<300000x128xf32, #tpu.memory_space<hbm>> -> memref<8x128xf32, #tpu.memory_space<hbm>>
        tpu.enqueue_dma source(%dma_start3A_904 : memref<8x128xf32, #tpu.memory_space<hbm>>) target(%dma_start3A_902 : memref<8x128xf32, #tpu.memory_space<vmem>>) target_semaphore(%arg26 : memref<!tpu.dma_semaphore, #tpu.memory_space<semaphore_mem>>)
        %dma_start3A_905 = arith.constant 32 : i32
        %dma_start3A_906 = arith.constant 0 : i32
        %dma_start3A_907 = tpu.memref_slice %arg15[%dma_start3A_905, %dma_start3A_906] : memref<48x136xf32, #tpu.memory_space<vmem>> -> memref<8x128xf32, #tpu.memory_space<vmem>>
        %dma_start3A_908 = arith.constant 0 : i32
        %dma_start3A_909 = tpu.memref_slice %arg6[%mul3A_840, %dma_start3A_908] : memref<300000x128xf32, #tpu.memory_space<hbm>> -> memref<8x128xf32, #tpu.memory_space<hbm>>
        %dma_start3A_910 = arith.constant 32 : i32
        %dma_start3A_911 = arith.constant 0 : i32
        %dma_start3A_912 = tpu.memref_slice %arg15[%dma_start3A_910, %dma_start3A_911] : memref<48x136xf32, #tpu.memory_space<vmem>> -> memref<8x128xf32, #tpu.memory_space<vmem>>
        %dma_start3A_913 = arith.constant 0 : i32
        %dma_start3A_914 = tpu.memref_slice %arg6[%mul3A_840, %dma_start3A_913] : memref<300000x128xf32, #tpu.memory_space<hbm>> -> memref<8x128xf32, #tpu.memory_space<hbm>>
        tpu.enqueue_dma source(%dma_start3A_914 : memref<8x128xf32, #tpu.memory_space<hbm>>) target(%dma_start3A_912 : memref<8x128xf32, #tpu.memory_space<vmem>>) target_semaphore(%arg26 : memref<!tpu.dma_semaphore, #tpu.memory_space<semaphore_mem>>)
        %dma_start3A_915 = arith.constant 40 : i32
        %dma_start3A_916 = arith.constant 0 : i32
        %dma_start3A_917 = tpu.memref_slice %arg15[%dma_start3A_915, %dma_start3A_916] : memref<48x136xf32, #tpu.memory_space<vmem>> -> memref<8x128xf32, #tpu.memory_space<vmem>>
        %dma_start3A_918 = arith.constant 0 : i32
        %dma_start3A_919 = tpu.memref_slice %arg6[%mul3A_844, %dma_start3A_918] : memref<300000x128xf32, #tpu.memory_space<hbm>> -> memref<8x128xf32, #tpu.memory_space<hbm>>
        %dma_start3A_920 = arith.constant 40 : i32
        %dma_start3A_921 = arith.constant 0 : i32
        %dma_start3A_922 = tpu.memref_slice %arg15[%dma_start3A_920, %dma_start3A_921] : memref<48x136xf32, #tpu.memory_space<vmem>> -> memref<8x128xf32, #tpu.memory_space<vmem>>
        %dma_start3A_923 = arith.constant 0 : i32
        %dma_start3A_924 = tpu.memref_slice %arg6[%mul3A_844, %dma_start3A_923] : memref<300000x128xf32, #tpu.memory_space<hbm>> -> memref<8x128xf32, #tpu.memory_space<hbm>>
        tpu.enqueue_dma source(%dma_start3A_924 : memref<8x128xf32, #tpu.memory_space<hbm>>) target(%dma_start3A_922 : memref<8x128xf32, #tpu.memory_space<vmem>>) target_semaphore(%arg26 : memref<!tpu.dma_semaphore, #tpu.memory_space<semaphore_mem>>)
      } else {
      }
      %dma_start3A_348 = arith.constant 64 : i32
      %dma_start3A_349 = tpu.memref_slice %arg8[%dma_start3A_348] : memref<128xi32, #tpu.memory_space<vmem>> -> memref<64xi32, #tpu.memory_space<vmem>>
      %dma_start3A_350 = arith.constant 0 : i32
      %dma_start3A_351 = arith.constant 0 : i32
      %dma_start3A_352 = tpu.memref_slice %arg2[%dma_start3A_350, %dma_start3A_351] : memref<100000x64xf32, #tpu.memory_space<hbm>> -> memref<100000x64xf32, #tpu.memory_space<hbm>>
      tpu.enqueue_indirect_dma source(%dma_start3A_352 : memref<100000x64xf32, #tpu.memory_space<hbm>>) target(%arg17 : memref<64x64xf32, #tpu.memory_space<vmem>>) offsets(%dma_start3A_349 : memref<64xi32, #tpu.memory_space<vmem>>) semaphore(%arg28 : memref<!tpu.dma_semaphore, #tpu.memory_space<semaphore_mem>>)
      %dma_wait3A_353 = arith.constant 0 : i32
      %dma_wait3A_354 = tpu.memref_slice %arg8[%dma_wait3A_353] : memref<128xi32, #tpu.memory_space<vmem>> -> memref<64xi32, #tpu.memory_space<vmem>>
      %dma_wait3A_355 = arith.constant 0 : i32
      %dma_wait3A_356 = arith.constant 0 : i32
      %dma_wait3A_357 = tpu.memref_slice %arg2[%dma_wait3A_355, %dma_wait3A_356] : memref<100000x64xf32, #tpu.memory_space<hbm>> -> memref<100000x64xf32, #tpu.memory_space<hbm>>
      tpu.wait_indirect_dma semaphore(%arg27 : memref<!tpu.dma_semaphore, #tpu.memory_space<semaphore_mem>>) src(%dma_wait3A_357 : memref<100000x64xf32, #tpu.memory_space<hbm>>) dst(%arg16 : memref<64x64xf32, #tpu.memory_space<vmem>>)
      %ge3A = arith.constant 2 : i32
      %ge3A_358 = arith.cmpi sge, %add3A_318, %ge3A : i32
      %convert_element_type3A_359 = arith.extui %ge3A_358 : i1 to i32
      %cond3A_360 = arith.constant 0 : i32
      %cond3A_361 = arith.cmpi ne, %convert_element_type3A_359, %cond3A_360 : i32
      scf.if %cond3A_361 {
        %dma_wait3A_781 = arith.constant 0 : i32
        %dma_wait3A_782 = arith.constant 0 : i32
        %dma_wait3A_783 = tpu.memref_slice %arg22[%dma_wait3A_781, %dma_wait3A_782] : memref<50048x32xf32, #tpu.memory_space<vmem_shared>> -> memref<50048x32xf32, #tpu.memory_space<vmem_shared>>
        tpu.wait_indirect_dma semaphore(%arg29 : memref<!tpu.dma_semaphore, #tpu.memory_space<semaphore_mem>>) src(%arg18 : memref<64x32xf32, #tpu.memory_space<vmem>>) dst(%dma_wait3A_783 : memref<50048x32xf32, #tpu.memory_space<vmem_shared>>)
      } else {
      }
      %mul3A_362 = arith.constant 16 : i32
      %mul3A_363 = arith.muli %select_n3A_336, %mul3A_362 : i32
      %add3A_364 = arith.addi %arg1, %mul3A_363 : i32
      %add3A_365 = arith.constant 0 : i32
      %add3A_366 = arith.addi %add3A_365, %add3A_364 : i32
      %mul3A_367 = arith.constant 8 : i32
      %mul3A_368 = arith.muli %add3A_366, %mul3A_367 : i32
      %add3A_369 = arith.constant 6250 : i32
      %add3A_370 = arith.addi %add3A_369, %add3A_364 : i32
      %mul3A_371 = arith.constant 8 : i32
      %mul3A_372 = arith.muli %add3A_370, %mul3A_371 : i32
      %add3A_373 = arith.constant 0 : i32
      %add3A_374 = arith.addi %add3A_373, %add3A_364 : i32
      %mul3A_375 = arith.constant 8 : i32
      %mul3A_376 = arith.muli %add3A_374, %mul3A_375 : i32
      %add3A_377 = arith.constant 6250 : i32
      %add3A_378 = arith.addi %add3A_377, %add3A_364 : i32
      %mul3A_379 = arith.constant 8 : i32
      %mul3A_380 = arith.muli %add3A_378, %mul3A_379 : i32
      %add3A_381 = arith.constant 12500 : i32
      %add3A_382 = arith.addi %add3A_381, %add3A_364 : i32
      %mul3A_383 = arith.constant 8 : i32
      %mul3A_384 = arith.muli %add3A_382, %mul3A_383 : i32
      %add3A_385 = arith.constant 18750 : i32
      %add3A_386 = arith.addi %add3A_385, %add3A_364 : i32
      %mul3A_387 = arith.constant 8 : i32
      %mul3A_388 = arith.muli %add3A_386, %mul3A_387 : i32
      %add3A_389 = arith.constant 25000 : i32
      %add3A_390 = arith.addi %add3A_389, %add3A_364 : i32
      %mul3A_391 = arith.constant 8 : i32
      %mul3A_392 = arith.muli %add3A_390, %mul3A_391 : i32
      %add3A_393 = arith.constant 31250 : i32
      %add3A_394 = arith.addi %add3A_393, %add3A_364 : i32
      %mul3A_395 = arith.constant 8 : i32
      %mul3A_396 = arith.muli %add3A_394, %mul3A_395 : i32
      %dma_wait3A_397 = arith.constant 0 : i32
      %dma_wait3A_398 = arith.constant 0 : i32
      %dma_wait3A_399 = tpu.memref_slice %arg12[%dma_wait3A_397, %dma_wait3A_398] : memref<16x136xf32, #tpu.memory_space<vmem>> -> memref<8x128xf32, #tpu.memory_space<vmem>>
      %dma_wait3A_400 = arith.constant 0 : i32
      %dma_wait3A_401 = tpu.memref_slice %arg5[%mul3A_368, %dma_wait3A_400] : memref<100000x128xf32, #tpu.memory_space<hbm>> -> memref<8x128xf32, #tpu.memory_space<hbm>>
      %dma_wait3A_402 = arith.constant 0 : i32
      %dma_wait3A_403 = arith.constant 0 : i32
      %dma_wait3A_404 = tpu.memref_slice %arg12[%dma_wait3A_402, %dma_wait3A_403] : memref<16x136xf32, #tpu.memory_space<vmem>> -> memref<8x128xf32, #tpu.memory_space<vmem>>
      %dma_wait3A_405 = arith.constant 0 : i32
      %dma_wait3A_406 = tpu.memref_slice %arg5[%mul3A_368, %dma_wait3A_405] : memref<100000x128xf32, #tpu.memory_space<hbm>> -> memref<8x128xf32, #tpu.memory_space<hbm>>
      tpu.wait_dma2 semaphore(%arg25 : memref<!tpu.dma_semaphore, #tpu.memory_space<semaphore_mem>>) src(%dma_wait3A_406 : memref<8x128xf32, #tpu.memory_space<hbm>>) dst(%dma_wait3A_404 : memref<8x128xf32, #tpu.memory_space<vmem>>)
      %dma_wait3A_407 = arith.constant 8 : i32
      %dma_wait3A_408 = arith.constant 0 : i32
      %dma_wait3A_409 = tpu.memref_slice %arg12[%dma_wait3A_407, %dma_wait3A_408] : memref<16x136xf32, #tpu.memory_space<vmem>> -> memref<8x128xf32, #tpu.memory_space<vmem>>
      %dma_wait3A_410 = arith.constant 0 : i32
      %dma_wait3A_411 = tpu.memref_slice %arg5[%mul3A_372, %dma_wait3A_410] : memref<100000x128xf32, #tpu.memory_space<hbm>> -> memref<8x128xf32, #tpu.memory_space<hbm>>
      %dma_wait3A_412 = arith.constant 8 : i32
      %dma_wait3A_413 = arith.constant 0 : i32
      %dma_wait3A_414 = tpu.memref_slice %arg12[%dma_wait3A_412, %dma_wait3A_413] : memref<16x136xf32, #tpu.memory_space<vmem>> -> memref<8x128xf32, #tpu.memory_space<vmem>>
      %dma_wait3A_415 = arith.constant 0 : i32
      %dma_wait3A_416 = tpu.memref_slice %arg5[%mul3A_372, %dma_wait3A_415] : memref<100000x128xf32, #tpu.memory_space<hbm>> -> memref<8x128xf32, #tpu.memory_space<hbm>>
      tpu.wait_dma2 semaphore(%arg25 : memref<!tpu.dma_semaphore, #tpu.memory_space<semaphore_mem>>) src(%dma_wait3A_416 : memref<8x128xf32, #tpu.memory_space<hbm>>) dst(%dma_wait3A_414 : memref<8x128xf32, #tpu.memory_space<vmem>>)
      %dma_wait3A_417 = arith.constant 0 : i32
      %dma_wait3A_418 = arith.constant 0 : i32
      %dma_wait3A_419 = tpu.memref_slice %arg14[%dma_wait3A_417, %dma_wait3A_418] : memref<48x136xf32, #tpu.memory_space<vmem>> -> memref<8x128xf32, #tpu.memory_space<vmem>>
      %dma_wait3A_420 = arith.constant 0 : i32
      %dma_wait3A_421 = tpu.memref_slice %arg6[%mul3A_376, %dma_wait3A_420] : memref<300000x128xf32, #tpu.memory_space<hbm>> -> memref<8x128xf32, #tpu.memory_space<hbm>>
      %dma_wait3A_422 = arith.constant 0 : i32
      %dma_wait3A_423 = arith.constant 0 : i32
      %dma_wait3A_424 = tpu.memref_slice %arg14[%dma_wait3A_422, %dma_wait3A_423] : memref<48x136xf32, #tpu.memory_space<vmem>> -> memref<8x128xf32, #tpu.memory_space<vmem>>
      %dma_wait3A_425 = arith.constant 0 : i32
      %dma_wait3A_426 = tpu.memref_slice %arg6[%mul3A_376, %dma_wait3A_425] : memref<300000x128xf32, #tpu.memory_space<hbm>> -> memref<8x128xf32, #tpu.memory_space<hbm>>
      tpu.wait_dma2 semaphore(%arg25 : memref<!tpu.dma_semaphore, #tpu.memory_space<semaphore_mem>>) src(%dma_wait3A_426 : memref<8x128xf32, #tpu.memory_space<hbm>>) dst(%dma_wait3A_424 : memref<8x128xf32, #tpu.memory_space<vmem>>)
      %dma_wait3A_427 = arith.constant 8 : i32
      %dma_wait3A_428 = arith.constant 0 : i32
      %dma_wait3A_429 = tpu.memref_slice %arg14[%dma_wait3A_427, %dma_wait3A_428] : memref<48x136xf32, #tpu.memory_space<vmem>> -> memref<8x128xf32, #tpu.memory_space<vmem>>
      %dma_wait3A_430 = arith.constant 0 : i32
      %dma_wait3A_431 = tpu.memref_slice %arg6[%mul3A_380, %dma_wait3A_430] : memref<300000x128xf32, #tpu.memory_space<hbm>> -> memref<8x128xf32, #tpu.memory_space<hbm>>
      %dma_wait3A_432 = arith.constant 8 : i32
      %dma_wait3A_433 = arith.constant 0 : i32
      %dma_wait3A_434 = tpu.memref_slice %arg14[%dma_wait3A_432, %dma_wait3A_433] : memref<48x136xf32, #tpu.memory_space<vmem>> -> memref<8x128xf32, #tpu.memory_space<vmem>>
      %dma_wait3A_435 = arith.constant 0 : i32
      %dma_wait3A_436 = tpu.memref_slice %arg6[%mul3A_380, %dma_wait3A_435] : memref<300000x128xf32, #tpu.memory_space<hbm>> -> memref<8x128xf32, #tpu.memory_space<hbm>>
      tpu.wait_dma2 semaphore(%arg25 : memref<!tpu.dma_semaphore, #tpu.memory_space<semaphore_mem>>) src(%dma_wait3A_436 : memref<8x128xf32, #tpu.memory_space<hbm>>) dst(%dma_wait3A_434 : memref<8x128xf32, #tpu.memory_space<vmem>>)
      %dma_wait3A_437 = arith.constant 16 : i32
      %dma_wait3A_438 = arith.constant 0 : i32
      %dma_wait3A_439 = tpu.memref_slice %arg14[%dma_wait3A_437, %dma_wait3A_438] : memref<48x136xf32, #tpu.memory_space<vmem>> -> memref<8x128xf32, #tpu.memory_space<vmem>>
      %dma_wait3A_440 = arith.constant 0 : i32
      %dma_wait3A_441 = tpu.memref_slice %arg6[%mul3A_384, %dma_wait3A_440] : memref<300000x128xf32, #tpu.memory_space<hbm>> -> memref<8x128xf32, #tpu.memory_space<hbm>>
      %dma_wait3A_442 = arith.constant 16 : i32
      %dma_wait3A_443 = arith.constant 0 : i32
      %dma_wait3A_444 = tpu.memref_slice %arg14[%dma_wait3A_442, %dma_wait3A_443] : memref<48x136xf32, #tpu.memory_space<vmem>> -> memref<8x128xf32, #tpu.memory_space<vmem>>
      %dma_wait3A_445 = arith.constant 0 : i32
      %dma_wait3A_446 = tpu.memref_slice %arg6[%mul3A_384, %dma_wait3A_445] : memref<300000x128xf32, #tpu.memory_space<hbm>> -> memref<8x128xf32, #tpu.memory_space<hbm>>
      tpu.wait_dma2 semaphore(%arg25 : memref<!tpu.dma_semaphore, #tpu.memory_space<semaphore_mem>>) src(%dma_wait3A_446 : memref<8x128xf32, #tpu.memory_space<hbm>>) dst(%dma_wait3A_444 : memref<8x128xf32, #tpu.memory_space<vmem>>)
      %dma_wait3A_447 = arith.constant 24 : i32
      %dma_wait3A_448 = arith.constant 0 : i32
      %dma_wait3A_449 = tpu.memref_slice %arg14[%dma_wait3A_447, %dma_wait3A_448] : memref<48x136xf32, #tpu.memory_space<vmem>> -> memref<8x128xf32, #tpu.memory_space<vmem>>
      %dma_wait3A_450 = arith.constant 0 : i32
      %dma_wait3A_451 = tpu.memref_slice %arg6[%mul3A_388, %dma_wait3A_450] : memref<300000x128xf32, #tpu.memory_space<hbm>> -> memref<8x128xf32, #tpu.memory_space<hbm>>
      %dma_wait3A_452 = arith.constant 24 : i32
      %dma_wait3A_453 = arith.constant 0 : i32
      %dma_wait3A_454 = tpu.memref_slice %arg14[%dma_wait3A_452, %dma_wait3A_453] : memref<48x136xf32, #tpu.memory_space<vmem>> -> memref<8x128xf32, #tpu.memory_space<vmem>>
      %dma_wait3A_455 = arith.constant 0 : i32
      %dma_wait3A_456 = tpu.memref_slice %arg6[%mul3A_388, %dma_wait3A_455] : memref<300000x128xf32, #tpu.memory_space<hbm>> -> memref<8x128xf32, #tpu.memory_space<hbm>>
      tpu.wait_dma2 semaphore(%arg25 : memref<!tpu.dma_semaphore, #tpu.memory_space<semaphore_mem>>) src(%dma_wait3A_456 : memref<8x128xf32, #tpu.memory_space<hbm>>) dst(%dma_wait3A_454 : memref<8x128xf32, #tpu.memory_space<vmem>>)
      %dma_wait3A_457 = arith.constant 32 : i32
      %dma_wait3A_458 = arith.constant 0 : i32
      %dma_wait3A_459 = tpu.memref_slice %arg14[%dma_wait3A_457, %dma_wait3A_458] : memref<48x136xf32, #tpu.memory_space<vmem>> -> memref<8x128xf32, #tpu.memory_space<vmem>>
      %dma_wait3A_460 = arith.constant 0 : i32
      %dma_wait3A_461 = tpu.memref_slice %arg6[%mul3A_392, %dma_wait3A_460] : memref<300000x128xf32, #tpu.memory_space<hbm>> -> memref<8x128xf32, #tpu.memory_space<hbm>>
      %dma_wait3A_462 = arith.constant 32 : i32
      %dma_wait3A_463 = arith.constant 0 : i32
      %dma_wait3A_464 = tpu.memref_slice %arg14[%dma_wait3A_462, %dma_wait3A_463] : memref<48x136xf32, #tpu.memory_space<vmem>> -> memref<8x128xf32, #tpu.memory_space<vmem>>
      %dma_wait3A_465 = arith.constant 0 : i32
      %dma_wait3A_466 = tpu.memref_slice %arg6[%mul3A_392, %dma_wait3A_465] : memref<300000x128xf32, #tpu.memory_space<hbm>> -> memref<8x128xf32, #tpu.memory_space<hbm>>
      tpu.wait_dma2 semaphore(%arg25 : memref<!tpu.dma_semaphore, #tpu.memory_space<semaphore_mem>>) src(%dma_wait3A_466 : memref<8x128xf32, #tpu.memory_space<hbm>>) dst(%dma_wait3A_464 : memref<8x128xf32, #tpu.memory_space<vmem>>)
      %dma_wait3A_467 = arith.constant 40 : i32
      %dma_wait3A_468 = arith.constant 0 : i32
      %dma_wait3A_469 = tpu.memref_slice %arg14[%dma_wait3A_467, %dma_wait3A_468] : memref<48x136xf32, #tpu.memory_space<vmem>> -> memref<8x128xf32, #tpu.memory_space<vmem>>
      %dma_wait3A_470 = arith.constant 0 : i32
      %dma_wait3A_471 = tpu.memref_slice %arg6[%mul3A_396, %dma_wait3A_470] : memref<300000x128xf32, #tpu.memory_space<hbm>> -> memref<8x128xf32, #tpu.memory_space<hbm>>
      %dma_wait3A_472 = arith.constant 40 : i32
      %dma_wait3A_473 = arith.constant 0 : i32
      %dma_wait3A_474 = tpu.memref_slice %arg14[%dma_wait3A_472, %dma_wait3A_473] : memref<48x136xf32, #tpu.memory_space<vmem>> -> memref<8x128xf32, #tpu.memory_space<vmem>>
      %dma_wait3A_475 = arith.constant 0 : i32
      %dma_wait3A_476 = tpu.memref_slice %arg6[%mul3A_396, %dma_wait3A_475] : memref<300000x128xf32, #tpu.memory_space<hbm>> -> memref<8x128xf32, #tpu.memory_space<hbm>>
      tpu.wait_dma2 semaphore(%arg25 : memref<!tpu.dma_semaphore, #tpu.memory_space<semaphore_mem>>) src(%dma_wait3A_476 : memref<8x128xf32, #tpu.memory_space<hbm>>) dst(%dma_wait3A_474 : memref<8x128xf32, #tpu.memory_space<vmem>>)
      %parallel_loop3A_477 = arith.constant 0 : i32
      %parallel_loop3A_478 = arith.constant 4 : i32
      %parallel_loop3A_479 = arith.constant 1 : i32
      scf.for %parallel_loop3A_781 = %parallel_loop3A_477 to %parallel_loop3A_478 step %parallel_loop3A_479  : i32 {
        %parallel_loop3A_782 = arith.constant 16 : i32
        %parallel_loop3A_783 = arith.muli %parallel_loop3A_781, %parallel_loop3A_782 : i32
        %parallel_loop3A_784 = arith.constant 0 : i32
        %parallel_loop3A_785 = arith.index_cast %parallel_loop3A_784 : i32 to index
        %parallel_loop3A_786 = arith.index_cast %parallel_loop3A_783 : i32 to index
        %parallel_loop3A_787 = tpu.vector_load %arg10[%parallel_loop3A_785, %parallel_loop3A_786] {strides = array<i32>} : memref<2x64xi32, #tpu.memory_space<vmem>>, vector<16xi32>,
        %parallel_loop3A_788 = arith.constant 16 : i32
        %parallel_loop3A_789 = arith.muli %parallel_loop3A_781, %parallel_loop3A_788 : i32
        %parallel_loop3A_790 = arith.index_cast %parallel_loop3A_789 : i32 to index
        %parallel_loop3A_791 = tpu.vector_load %arg20[%parallel_loop3A_790] {strides = array<i32>} : memref<64xi32, #tpu.memory_space<vmem>>, vector<16xi32>,
        tpu.vector_store %arg20[%parallel_loop3A_790], %parallel_loop3A_787 {strides = array<i32>} : memref<64xi32, #tpu.memory_space<vmem>>, vector<16xi32>,
      } {sc.loop_unroll_factor = 1 : i64, sc.parallel_access}
      %parallel_loop3A_480 = arith.constant 0 : i32
      %parallel_loop3A_481 = arith.constant 64 : i32
      %parallel_loop3A_482 = arith.constant 1 : i32
      scf.for %parallel_loop3A_781 = %parallel_loop3A_480 to %parallel_loop3A_481 step %parallel_loop3A_482  : i32 {
        %parallel_loop3A_782 = arith.index_cast %parallel_loop3A_781 : i32 to index
        %parallel_loop3A_783 = arith.constant 0 : index
        %parallel_loop3A_784 = tpu.vector_load %arg16[%parallel_loop3A_782, %parallel_loop3A_783] {strides = array<i32>} : memref<64x64xf32, #tpu.memory_space<vmem>>, vector<16xf32>,
        %parallel_loop3A_785 = arith.index_cast %parallel_loop3A_781 : i32 to index
        %parallel_loop3A_786 = arith.constant 16 : index
        %parallel_loop3A_787 = tpu.vector_load %arg16[%parallel_loop3A_785, %parallel_loop3A_786] {strides = array<i32>} : memref<64x64xf32, #tpu.memory_space<vmem>>, vector<16xf32>,
        %parallel_loop3A_788 = arith.index_cast %parallel_loop3A_781 : i32 to index
        %parallel_loop3A_789 = arith.constant 32 : index
        %parallel_loop3A_790 = tpu.vector_load %arg16[%parallel_loop3A_788, %parallel_loop3A_789] {strides = array<i32>} : memref<64x64xf32, #tpu.memory_space<vmem>>, vector<16xf32>,
        %parallel_loop3A_791 = arith.index_cast %parallel_loop3A_781 : i32 to index
        %parallel_loop3A_792 = arith.constant 48 : index
        %parallel_loop3A_793 = tpu.vector_load %arg16[%parallel_loop3A_791, %parallel_loop3A_792] {strides = array<i32>} : memref<64x64xf32, #tpu.memory_space<vmem>>, vector<16xf32>,
        %parallel_loop3A_794 = arith.constant 0 : i32
        %parallel_loop3A_795 = arith.addi %parallel_loop3A_781, %parallel_loop3A_794 : i32
        %parallel_loop3A_796 = vector.broadcast %parallel_loop3A_795 : i32 to vector<16xi32>
        %parallel_loop3A_797 = tpu.vector_load_idx %arg12[%iota3A, %parallel_loop3A_796] : memref<16x136xf32, #tpu.memory_space<vmem>>[vector<16xi32>, vector<16xi32>], vector<16xf32>,
        %parallel_loop3A_798 = tpu.vector_load_idx %arg14[%iota3A, %parallel_loop3A_796] : memref<48x136xf32, #tpu.memory_space<vmem>>[vector<16xi32>, vector<16xi32>], vector<16xf32>,
        %parallel_loop3A_799 = tpu.vector_load_idx %arg14[%add3A_10, %parallel_loop3A_796] : memref<48x136xf32, #tpu.memory_space<vmem>>[vector<16xi32>, vector<16xi32>], vector<16xf32>,
        %parallel_loop3A_800 = tpu.vector_load_idx %arg14[%add3A_13, %parallel_loop3A_796] : memref<48x136xf32, #tpu.memory_space<vmem>>[vector<16xi32>, vector<16xi32>], vector<16xf32>,
        %parallel_loop3A_801 = arith.mulf %parallel_loop3A_784, %parallel_loop3A_797 : vector<16xf32>
        %parallel_loop3A_802 = arith.mulf %parallel_loop3A_787, %parallel_loop3A_798 : vector<16xf32>
        %parallel_loop3A_803 = arith.addf %parallel_loop3A_801, %parallel_loop3A_802 : vector<16xf32>
        %parallel_loop3A_804 = arith.mulf %parallel_loop3A_790, %parallel_loop3A_799 : vector<16xf32>
        %parallel_loop3A_805 = arith.addf %parallel_loop3A_803, %parallel_loop3A_804 : vector<16xf32>
        %parallel_loop3A_806 = arith.mulf %parallel_loop3A_793, %parallel_loop3A_800 : vector<16xf32>
        %parallel_loop3A_807 = arith.addf %parallel_loop3A_805, %parallel_loop3A_806 : vector<16xf32>
        %parallel_loop3A_808 = arith.mulf %parallel_loop3A_784, %parallel_loop3A_798 : vector<16xf32>
        %parallel_loop3A_809 = arith.mulf %parallel_loop3A_787, %parallel_loop3A_797 : vector<16xf32>
        %parallel_loop3A_810 = arith.addf %parallel_loop3A_808, %parallel_loop3A_809 : vector<16xf32>
        %parallel_loop3A_811 = arith.mulf %parallel_loop3A_784, %parallel_loop3A_799 : vector<16xf32>
        %parallel_loop3A_812 = arith.mulf %parallel_loop3A_790, %parallel_loop3A_797 : vector<16xf32>
        %parallel_loop3A_813 = arith.addf %parallel_loop3A_811, %parallel_loop3A_812 : vector<16xf32>
        %parallel_loop3A_814 = arith.mulf %parallel_loop3A_784, %parallel_loop3A_800 : vector<16xf32>
        %parallel_loop3A_815 = arith.mulf %parallel_loop3A_793, %parallel_loop3A_797 : vector<16xf32>
        %parallel_loop3A_816 = arith.addf %parallel_loop3A_814, %parallel_loop3A_815 : vector<16xf32>
        %parallel_loop3A_817 = arith.select %eq3A_5, %parallel_loop3A_807, %parallel_loop3A_813 : vector<16xi1>, vector<16xf32>
        %parallel_loop3A_818 = arith.index_cast %parallel_loop3A_781 : i32 to index
        %parallel_loop3A_819 = arith.constant 0 : index
        %parallel_loop3A_820 = tpu.vector_load %arg18[%parallel_loop3A_818, %parallel_loop3A_819] {strides = array<i32>} : memref<64x32xf32, #tpu.memory_space<vmem>>, vector<16xf32>,
        tpu.vector_store %arg18[%parallel_loop3A_818, %parallel_loop3A_819], %parallel_loop3A_817 {strides = array<i32>} : memref<64x32xf32, #tpu.memory_space<vmem>>, vector<16xf32>,
        %parallel_loop3A_821 = arith.select %eq3A_5, %parallel_loop3A_810, %parallel_loop3A_816 : vector<16xi1>, vector<16xf32>
        %parallel_loop3A_822 = arith.index_cast %parallel_loop3A_781 : i32 to index
        %parallel_loop3A_823 = arith.constant 16 : index
        %parallel_loop3A_824 = tpu.vector_load %arg18[%parallel_loop3A_822, %parallel_loop3A_823] {strides = array<i32>} : memref<64x32xf32, #tpu.memory_space<vmem>>, vector<16xf32>,
        tpu.vector_store %arg18[%parallel_loop3A_822, %parallel_loop3A_823], %parallel_loop3A_821 {strides = array<i32>} : memref<64x32xf32, #tpu.memory_space<vmem>>, vector<16xf32>,
      } {sc.loop_unroll_factor = 2 : i64, sc.parallel_access}
      %dma_start3A_483 = arith.constant 0 : i32
      %dma_start3A_484 = arith.constant 0 : i32
      %dma_start3A_485 = tpu.memref_slice %arg22[%dma_start3A_483, %dma_start3A_484] : memref<50048x32xf32, #tpu.memory_space<vmem_shared>> -> memref<50048x32xf32, #tpu.memory_space<vmem_shared>>
      tpu.enqueue_indirect_dma source(%arg18 : memref<64x32xf32, #tpu.memory_space<vmem>>) target(%dma_start3A_485 : memref<50048x32xf32, #tpu.memory_space<vmem_shared>>) offsets(%arg20 : memref<64xi32, #tpu.memory_space<vmem>>) semaphore(%arg29 : memref<!tpu.dma_semaphore, #tpu.memory_space<semaphore_mem>>) {add = true}
      %mul3A_486 = arith.constant 4 : i32
      %mul3A_487 = arith.muli %scan3A_313, %mul3A_486 : i32
      %add3A_488 = arith.constant 1 : i32
      %add3A_489 = arith.addi %mul3A_487, %add3A_488 : i32
      %jit3A_490 = arith.constant 2 : i32
      %div3A_491 = arith.divsi %add3A_489, %jit3A_490 : i32
      %sign3A_492 = arith.constant 0 : i32
      %sign3A_493 = arith.cmpi sgt, %add3A_489, %sign3A_492 : i32
      %sign3A_494 = arith.extui %sign3A_493 : i1 to i32
      %sign3A_495 = arith.constant 0 : i32
      %sign3A_496 = arith.cmpi slt, %add3A_489, %sign3A_495 : i32
      %sign3A_497 = arith.extui %sign3A_496 : i1 to i32
      %sign3A_498 = arith.subi %sign3A_494, %sign3A_497 : i32
      %sign3A_499 = arith.constant 0 : i32
      %sign3A_500 = arith.cmpi sgt, %jit3A_490, %sign3A_499 : i32
      %sign3A_501 = arith.extui %sign3A_500 : i1 to i32
      %sign3A_502 = arith.constant 0 : i32
      %sign3A_503 = arith.cmpi slt, %jit3A_490, %sign3A_502 : i32
      %sign3A_504 = arith.extui %sign3A_503 : i1 to i32
      %sign3A_505 = arith.subi %sign3A_501, %sign3A_504 : i32
      %ne3A_506 = arith.cmpi ne, %sign3A_498, %sign3A_505 : i32
      %rem3A_507 = arith.remsi %add3A_489, %jit3A_490 : i32
      %ne3A_508 = arith.constant 0 : i32
      %ne3A_509 = arith.cmpi ne, %rem3A_507, %ne3A_508 : i32
      %and3A_510 = arith.andi %ne3A_506, %ne3A_509 : i1
      %sub3A_511 = arith.constant 1 : i32
      %sub3A_512 = arith.subi %div3A_491, %sub3A_511 : i32
      %select_n3A_513 = arith.select %and3A_510, %sub3A_512, %div3A_491 : i32
      %add3A_514 = arith.constant 1 : i32
      %add3A_515 = arith.addi %select_n3A_513, %add3A_514 : i32
      %mul3A_516 = arith.constant 16 : i32
      %mul3A_517 = arith.muli %add3A_515, %mul3A_516 : i32
      %add3A_518 = arith.addi %arg1, %mul3A_517 : i32
      %add3A_519 = arith.constant 1 : i32
      %add3A_520 = arith.addi %select_n3A_513, %add3A_519 : i32
      %lt3A_521 = arith.cmpi slt, %add3A_520, %select_n3A : i32
      %convert_element_type3A_522 = arith.extui %lt3A_521 : i1 to i32
      %cond3A_523 = arith.constant 0 : i32
      %cond3A_524 = arith.cmpi ne, %convert_element_type3A_522, %cond3A_523 : i32
      scf.if %cond3A_524 {
        %mul3A_781 = arith.constant 128 : i32
        %mul3A_782 = arith.muli %add3A_518, %mul3A_781 : i32
        %mul3A_783 = arith.constant 128 : i32
        %mul3A_784 = arith.muli %add3A_518, %mul3A_783 : i32
        %mul3A_785 = arith.constant 128 : i32
        %mul3A_786 = arith.muli %add3A_518, %mul3A_785 : i32
        %add3A_787 = arith.constant 64 : i32
        %add3A_788 = arith.addi %mul3A_786, %add3A_787 : i32
        %dma_wait3A_789 = arith.constant 0 : i32
        %dma_wait3A_790 = tpu.memref_slice %arg9[%dma_wait3A_789] : memref<128xi32, #tpu.memory_space<vmem>> -> memref<128xi32, #tpu.memory_space<vmem>>
        %dma_wait3A_791 = tpu.memref_slice %arg4[%mul3A_782] : memref<800000xi32, #tpu.memory_space<hbm>> -> memref<128xi32, #tpu.memory_space<hbm>>
        %dma_wait3A_792 = arith.constant 0 : i32
        %dma_wait3A_793 = tpu.memref_slice %arg9[%dma_wait3A_792] : memref<128xi32, #tpu.memory_space<vmem>> -> memref<128xi32, #tpu.memory_space<vmem>>
        %dma_wait3A_794 = tpu.memref_slice %arg4[%mul3A_782] : memref<800000xi32, #tpu.memory_space<hbm>> -> memref<128xi32, #tpu.memory_space<hbm>>
        tpu.wait_dma2 semaphore(%arg24 : memref<!tpu.dma_semaphore, #tpu.memory_space<semaphore_mem>>) src(%dma_wait3A_794 : memref<128xi32, #tpu.memory_space<hbm>>) dst(%dma_wait3A_793 : memref<128xi32, #tpu.memory_space<vmem>>)
        %dma_wait3A_795 = arith.constant 0 : i32
        %dma_wait3A_796 = arith.constant 0 : i32
        %dma_wait3A_797 = tpu.memref_slice %arg11[%dma_wait3A_795, %dma_wait3A_796] : memref<2x64xi32, #tpu.memory_space<vmem>> -> memref<1x64xi32, #tpu.memory_space<vmem>>
        %dma_wait3A_798 = tpu.memref_squeeze %dma_wait3A_797 : memref<1x64xi32, #tpu.memory_space<vmem>> -> memref<64xi32, #tpu.memory_space<vmem>>
        %dma_wait3A_799 = tpu.memref_slice %arg3[%mul3A_784] : memref<800000xi32, #tpu.memory_space<hbm>> -> memref<64xi32, #tpu.memory_space<hbm>>
        %dma_wait3A_800 = arith.constant 0 : i32
        %dma_wait3A_801 = tpu.memref_slice %arg11[%dma_wait3A_795, %dma_wait3A_800] : memref<2x64xi32, #tpu.memory_space<vmem>> -> memref<1x64xi32, #tpu.memory_space<vmem>>
        %dma_wait3A_802 = tpu.memref_squeeze %dma_wait3A_801 : memref<1x64xi32, #tpu.memory_space<vmem>> -> memref<64xi32, #tpu.memory_space<vmem>>
        %dma_wait3A_803 = tpu.memref_slice %arg3[%mul3A_784] : memref<800000xi32, #tpu.memory_space<hbm>> -> memref<64xi32, #tpu.memory_space<hbm>>
        tpu.wait_dma2 semaphore(%arg24 : memref<!tpu.dma_semaphore, #tpu.memory_space<semaphore_mem>>) src(%dma_wait3A_803 : memref<64xi32, #tpu.memory_space<hbm>>) dst(%dma_wait3A_802 : memref<64xi32, #tpu.memory_space<vmem>>)
        %dma_wait3A_804 = arith.constant 1 : i32
        %dma_wait3A_805 = arith.constant 0 : i32
        %dma_wait3A_806 = tpu.memref_slice %arg11[%dma_wait3A_804, %dma_wait3A_805] : memref<2x64xi32, #tpu.memory_space<vmem>> -> memref<1x64xi32, #tpu.memory_space<vmem>>
        %dma_wait3A_807 = tpu.memref_squeeze %dma_wait3A_806 : memref<1x64xi32, #tpu.memory_space<vmem>> -> memref<64xi32, #tpu.memory_space<vmem>>
        %dma_wait3A_808 = tpu.memref_slice %arg3[%add3A_788] : memref<800000xi32, #tpu.memory_space<hbm>> -> memref<64xi32, #tpu.memory_space<hbm>>
        %dma_wait3A_809 = arith.constant 0 : i32
        %dma_wait3A_810 = tpu.memref_slice %arg11[%dma_wait3A_804, %dma_wait3A_809] : memref<2x64xi32, #tpu.memory_space<vmem>> -> memref<1x64xi32, #tpu.memory_space<vmem>>
        %dma_wait3A_811 = tpu.memref_squeeze %dma_wait3A_810 : memref<1x64xi32, #tpu.memory_space<vmem>> -> memref<64xi32, #tpu.memory_space<vmem>>
        %dma_wait3A_812 = tpu.memref_slice %arg3[%add3A_788] : memref<800000xi32, #tpu.memory_space<hbm>> -> memref<64xi32, #tpu.memory_space<hbm>>
        tpu.wait_dma2 semaphore(%arg24 : memref<!tpu.dma_semaphore, #tpu.memory_space<semaphore_mem>>) src(%dma_wait3A_812 : memref<64xi32, #tpu.memory_space<hbm>>) dst(%dma_wait3A_811 : memref<64xi32, #tpu.memory_space<vmem>>)
        %dma_start3A_813 = arith.constant 0 : i32
        %dma_start3A_814 = tpu.memref_slice %arg9[%dma_start3A_813] : memref<128xi32, #tpu.memory_space<vmem>> -> memref<64xi32, #tpu.memory_space<vmem>>
        %dma_start3A_815 = arith.constant 0 : i32
        %dma_start3A_816 = arith.constant 0 : i32
        %dma_start3A_817 = tpu.memref_slice %arg2[%dma_start3A_815, %dma_start3A_816] : memref<100000x64xf32, #tpu.memory_space<hbm>> -> memref<100000x64xf32, #tpu.memory_space<hbm>>
        tpu.enqueue_indirect_dma source(%dma_start3A_817 : memref<100000x64xf32, #tpu.memory_space<hbm>>) target(%arg16 : memref<64x64xf32, #tpu.memory_space<vmem>>) offsets(%dma_start3A_814 : memref<64xi32, #tpu.memory_space<vmem>>) semaphore(%arg27 : memref<!tpu.dma_semaphore, #tpu.memory_space<semaphore_mem>>)
      } else {
      }
      %dma_wait3A_525 = arith.constant 64 : i32
      %dma_wait3A_526 = tpu.memref_slice %arg8[%dma_wait3A_525] : memref<128xi32, #tpu.memory_space<vmem>> -> memref<64xi32, #tpu.memory_space<vmem>>
      %dma_wait3A_527 = arith.constant 0 : i32
      %dma_wait3A_528 = arith.constant 0 : i32
      %dma_wait3A_529 = tpu.memref_slice %arg2[%dma_wait3A_527, %dma_wait3A_528] : memref<100000x64xf32, #tpu.memory_space<hbm>> -> memref<100000x64xf32, #tpu.memory_space<hbm>>
      tpu.wait_indirect_dma semaphore(%arg28 : memref<!tpu.dma_semaphore, #tpu.memory_space<semaphore_mem>>) src(%dma_wait3A_529 : memref<100000x64xf32, #tpu.memory_space<hbm>>) dst(%arg17 : memref<64x64xf32, #tpu.memory_space<vmem>>)
      %ge3A_530 = arith.constant 2 : i32
      %ge3A_531 = arith.cmpi sge, %add3A_489, %ge3A_530 : i32
      %convert_element_type3A_532 = arith.extui %ge3A_531 : i1 to i32
      %cond3A_533 = arith.constant 0 : i32
      %cond3A_534 = arith.cmpi ne, %convert_element_type3A_532, %cond3A_533 : i32
      scf.if %cond3A_534 {
        %dma_wait3A_781 = arith.constant 0 : i32
        %dma_wait3A_782 = arith.constant 0 : i32
        %dma_wait3A_783 = tpu.memref_slice %arg22[%dma_wait3A_781, %dma_wait3A_782] : memref<50048x32xf32, #tpu.memory_space<vmem_shared>> -> memref<50048x32xf32, #tpu.memory_space<vmem_shared>>
        tpu.wait_indirect_dma semaphore(%arg30 : memref<!tpu.dma_semaphore, #tpu.memory_space<semaphore_mem>>) src(%arg19 : memref<64x32xf32, #tpu.memory_space<vmem>>) dst(%dma_wait3A_783 : memref<50048x32xf32, #tpu.memory_space<vmem_shared>>)
      } else {
      }
      %parallel_loop3A_535 = arith.constant 0 : i32
      %parallel_loop3A_536 = arith.constant 4 : i32
      %parallel_loop3A_537 = arith.constant 1 : i32
      scf.for %parallel_loop3A_781 = %parallel_loop3A_535 to %parallel_loop3A_536 step %parallel_loop3A_537  : i32 {
        %parallel_loop3A_782 = arith.constant 16 : i32
        %parallel_loop3A_783 = arith.muli %parallel_loop3A_781, %parallel_loop3A_782 : i32
        %parallel_loop3A_784 = arith.constant 1 : i32
        %parallel_loop3A_785 = arith.index_cast %parallel_loop3A_784 : i32 to index
        %parallel_loop3A_786 = arith.index_cast %parallel_loop3A_783 : i32 to index
        %parallel_loop3A_787 = tpu.vector_load %arg10[%parallel_loop3A_785, %parallel_loop3A_786] {strides = array<i32>} : memref<2x64xi32, #tpu.memory_space<vmem>>, vector<16xi32>,
        %parallel_loop3A_788 = arith.constant 16 : i32
        %parallel_loop3A_789 = arith.muli %parallel_loop3A_781, %parallel_loop3A_788 : i32
        %parallel_loop3A_790 = arith.index_cast %parallel_loop3A_789 : i32 to index
        %parallel_loop3A_791 = tpu.vector_load %arg21[%parallel_loop3A_790] {strides = array<i32>} : memref<64xi32, #tpu.memory_space<vmem>>, vector<16xi32>,
        tpu.vector_store %arg21[%parallel_loop3A_790], %parallel_loop3A_787 {strides = array<i32>} : memref<64xi32, #tpu.memory_space<vmem>>, vector<16xi32>,
      } {sc.loop_unroll_factor = 1 : i64, sc.parallel_access}
      %parallel_loop3A_538 = arith.constant 0 : i32
      %parallel_loop3A_539 = arith.constant 64 : i32
      %parallel_loop3A_540 = arith.constant 1 : i32
      scf.for %parallel_loop3A_781 = %parallel_loop3A_538 to %parallel_loop3A_539 step %parallel_loop3A_540  : i32 {
        %parallel_loop3A_782 = arith.index_cast %parallel_loop3A_781 : i32 to index
        %parallel_loop3A_783 = arith.constant 0 : index
        %parallel_loop3A_784 = tpu.vector_load %arg17[%parallel_loop3A_782, %parallel_loop3A_783] {strides = array<i32>} : memref<64x64xf32, #tpu.memory_space<vmem>>, vector<16xf32>,
        %parallel_loop3A_785 = arith.index_cast %parallel_loop3A_781 : i32 to index
        %parallel_loop3A_786 = arith.constant 16 : index
        %parallel_loop3A_787 = tpu.vector_load %arg17[%parallel_loop3A_785, %parallel_loop3A_786] {strides = array<i32>} : memref<64x64xf32, #tpu.memory_space<vmem>>, vector<16xf32>,
        %parallel_loop3A_788 = arith.index_cast %parallel_loop3A_781 : i32 to index
        %parallel_loop3A_789 = arith.constant 32 : index
        %parallel_loop3A_790 = tpu.vector_load %arg17[%parallel_loop3A_788, %parallel_loop3A_789] {strides = array<i32>} : memref<64x64xf32, #tpu.memory_space<vmem>>, vector<16xf32>,
        %parallel_loop3A_791 = arith.index_cast %parallel_loop3A_781 : i32 to index
        %parallel_loop3A_792 = arith.constant 48 : index
        %parallel_loop3A_793 = tpu.vector_load %arg17[%parallel_loop3A_791, %parallel_loop3A_792] {strides = array<i32>} : memref<64x64xf32, #tpu.memory_space<vmem>>, vector<16xf32>,
        %parallel_loop3A_794 = arith.constant 64 : i32
        %parallel_loop3A_795 = arith.addi %parallel_loop3A_781, %parallel_loop3A_794 : i32
        %parallel_loop3A_796 = vector.broadcast %parallel_loop3A_795 : i32 to vector<16xi32>
        %parallel_loop3A_797 = tpu.vector_load_idx %arg12[%iota3A, %parallel_loop3A_796] : memref<16x136xf32, #tpu.memory_space<vmem>>[vector<16xi32>, vector<16xi32>], vector<16xf32>,
        %parallel_loop3A_798 = tpu.vector_load_idx %arg14[%iota3A, %parallel_loop3A_796] : memref<48x136xf32, #tpu.memory_space<vmem>>[vector<16xi32>, vector<16xi32>], vector<16xf32>,
        %parallel_loop3A_799 = tpu.vector_load_idx %arg14[%add3A_10, %parallel_loop3A_796] : memref<48x136xf32, #tpu.memory_space<vmem>>[vector<16xi32>, vector<16xi32>], vector<16xf32>,
        %parallel_loop3A_800 = tpu.vector_load_idx %arg14[%add3A_13, %parallel_loop3A_796] : memref<48x136xf32, #tpu.memory_space<vmem>>[vector<16xi32>, vector<16xi32>], vector<16xf32>,
        %parallel_loop3A_801 = arith.mulf %parallel_loop3A_784, %parallel_loop3A_797 : vector<16xf32>
        %parallel_loop3A_802 = arith.mulf %parallel_loop3A_787, %parallel_loop3A_798 : vector<16xf32>
        %parallel_loop3A_803 = arith.addf %parallel_loop3A_801, %parallel_loop3A_802 : vector<16xf32>
        %parallel_loop3A_804 = arith.mulf %parallel_loop3A_790, %parallel_loop3A_799 : vector<16xf32>
        %parallel_loop3A_805 = arith.addf %parallel_loop3A_803, %parallel_loop3A_804 : vector<16xf32>
        %parallel_loop3A_806 = arith.mulf %parallel_loop3A_793, %parallel_loop3A_800 : vector<16xf32>
        %parallel_loop3A_807 = arith.addf %parallel_loop3A_805, %parallel_loop3A_806 : vector<16xf32>
        %parallel_loop3A_808 = arith.mulf %parallel_loop3A_784, %parallel_loop3A_798 : vector<16xf32>
        %parallel_loop3A_809 = arith.mulf %parallel_loop3A_787, %parallel_loop3A_797 : vector<16xf32>
        %parallel_loop3A_810 = arith.addf %parallel_loop3A_808, %parallel_loop3A_809 : vector<16xf32>
        %parallel_loop3A_811 = arith.mulf %parallel_loop3A_784, %parallel_loop3A_799 : vector<16xf32>
        %parallel_loop3A_812 = arith.mulf %parallel_loop3A_790, %parallel_loop3A_797 : vector<16xf32>
        %parallel_loop3A_813 = arith.addf %parallel_loop3A_811, %parallel_loop3A_812 : vector<16xf32>
        %parallel_loop3A_814 = arith.mulf %parallel_loop3A_784, %parallel_loop3A_800 : vector<16xf32>
        %parallel_loop3A_815 = arith.mulf %parallel_loop3A_793, %parallel_loop3A_797 : vector<16xf32>
        %parallel_loop3A_816 = arith.addf %parallel_loop3A_814, %parallel_loop3A_815 : vector<16xf32>
        %parallel_loop3A_817 = arith.select %eq3A_5, %parallel_loop3A_807, %parallel_loop3A_813 : vector<16xi1>, vector<16xf32>
        %parallel_loop3A_818 = arith.index_cast %parallel_loop3A_781 : i32 to index
        %parallel_loop3A_819 = arith.constant 0 : index
        %parallel_loop3A_820 = tpu.vector_load %arg19[%parallel_loop3A_818, %parallel_loop3A_819] {strides = array<i32>} : memref<64x32xf32, #tpu.memory_space<vmem>>, vector<16xf32>,
        tpu.vector_store %arg19[%parallel_loop3A_818, %parallel_loop3A_819], %parallel_loop3A_817 {strides = array<i32>} : memref<64x32xf32, #tpu.memory_space<vmem>>, vector<16xf32>,
        %parallel_loop3A_821 = arith.select %eq3A_5, %parallel_loop3A_810, %parallel_loop3A_816 : vector<16xi1>, vector<16xf32>
        %parallel_loop3A_822 = arith.index_cast %parallel_loop3A_781 : i32 to index
        %parallel_loop3A_823 = arith.constant 16 : index
        %parallel_loop3A_824 = tpu.vector_load %arg19[%parallel_loop3A_822, %parallel_loop3A_823] {strides = array<i32>} : memref<64x32xf32, #tpu.memory_space<vmem>>, vector<16xf32>,
        tpu.vector_store %arg19[%parallel_loop3A_822, %parallel_loop3A_823], %parallel_loop3A_821 {strides = array<i32>} : memref<64x32xf32, #tpu.memory_space<vmem>>, vector<16xf32>,
      } {sc.loop_unroll_factor = 2 : i64, sc.parallel_access}
      %dma_start3A_541 = arith.constant 0 : i32
      %dma_start3A_542 = arith.constant 0 : i32
      %dma_start3A_543 = tpu.memref_slice %arg22[%dma_start3A_541, %dma_start3A_542] : memref<50048x32xf32, #tpu.memory_space<vmem_shared>> -> memref<50048x32xf32, #tpu.memory_space<vmem_shared>>
      tpu.enqueue_indirect_dma source(%arg19 : memref<64x32xf32, #tpu.memory_space<vmem>>) target(%dma_start3A_543 : memref<50048x32xf32, #tpu.memory_space<vmem_shared>>) offsets(%arg21 : memref<64xi32, #tpu.memory_space<vmem>>) semaphore(%arg30 : memref<!tpu.dma_semaphore, #tpu.memory_space<semaphore_mem>>) {add = true}
      %mul3A_544 = arith.constant 4 : i32
      %mul3A_545 = arith.muli %scan3A_313, %mul3A_544 : i32
      %add3A_546 = arith.constant 2 : i32
      %add3A_547 = arith.addi %mul3A_545, %add3A_546 : i32
      %jit3A_548 = arith.constant 2 : i32
      %div3A_549 = arith.divsi %add3A_547, %jit3A_548 : i32
      %sign3A_550 = arith.constant 0 : i32
      %sign3A_551 = arith.cmpi sgt, %add3A_547, %sign3A_550 : i32
      %sign3A_552 = arith.extui %sign3A_551 : i1 to i32
      %sign3A_553 = arith.constant 0 : i32
      %sign3A_554 = arith.cmpi slt, %add3A_547, %sign3A_553 : i32
      %sign3A_555 = arith.extui %sign3A_554 : i1 to i32
      %sign3A_556 = arith.subi %sign3A_552, %sign3A_555 : i32
      %sign3A_557 = arith.constant 0 : i32
      %sign3A_558 = arith.cmpi sgt, %jit3A_548, %sign3A_557 : i32
      %sign3A_559 = arith.extui %sign3A_558 : i1 to i32
      %sign3A_560 = arith.constant 0 : i32
      %sign3A_561 = arith.cmpi slt, %jit3A_548, %sign3A_560 : i32
      %sign3A_562 = arith.extui %sign3A_561 : i1 to i32
      %sign3A_563 = arith.subi %sign3A_559, %sign3A_562 : i32
      %ne3A_564 = arith.cmpi ne, %sign3A_556, %sign3A_563 : i32
      %rem3A_565 = arith.remsi %add3A_547, %jit3A_548 : i32
      %ne3A_566 = arith.constant 0 : i32
      %ne3A_567 = arith.cmpi ne, %rem3A_565, %ne3A_566 : i32
      %and3A_568 = arith.andi %ne3A_564, %ne3A_567 : i1
      %sub3A_569 = arith.constant 1 : i32
      %sub3A_570 = arith.subi %div3A_549, %sub3A_569 : i32
      %select_n3A_571 = arith.select %and3A_568, %sub3A_570, %div3A_549 : i32
      %add3A_572 = arith.constant 1 : i32
      %add3A_573 = arith.addi %select_n3A_571, %add3A_572 : i32
      %mul3A_574 = arith.constant 16 : i32
      %mul3A_575 = arith.muli %add3A_573, %mul3A_574 : i32
      %add3A_576 = arith.addi %arg1, %mul3A_575 : i32
      %add3A_577 = arith.constant 1 : i32
      %add3A_578 = arith.addi %select_n3A_571, %add3A_577 : i32
      %lt3A_579 = arith.cmpi slt, %add3A_578, %select_n3A : i32
      %convert_element_type3A_580 = arith.extui %lt3A_579 : i1 to i32
      %cond3A_581 = arith.constant 0 : i32
      %cond3A_582 = arith.cmpi ne, %convert_element_type3A_580, %cond3A_581 : i32
      scf.if %cond3A_582 {
        %mul3A_781 = arith.constant 128 : i32
        %mul3A_782 = arith.muli %add3A_576, %mul3A_781 : i32
        %mul3A_783 = arith.constant 128 : i32
        %mul3A_784 = arith.muli %add3A_576, %mul3A_783 : i32
        %mul3A_785 = arith.constant 128 : i32
        %mul3A_786 = arith.muli %add3A_576, %mul3A_785 : i32
        %add3A_787 = arith.constant 64 : i32
        %add3A_788 = arith.addi %mul3A_786, %add3A_787 : i32
        %dma_start3A_789 = arith.constant 0 : i32
        %dma_start3A_790 = tpu.memref_slice %arg8[%dma_start3A_789] : memref<128xi32, #tpu.memory_space<vmem>> -> memref<128xi32, #tpu.memory_space<vmem>>
        %dma_start3A_791 = tpu.memref_slice %arg4[%mul3A_782] : memref<800000xi32, #tpu.memory_space<hbm>> -> memref<128xi32, #tpu.memory_space<hbm>>
        %dma_start3A_792 = arith.constant 0 : i32
        %dma_start3A_793 = tpu.memref_slice %arg8[%dma_start3A_792] : memref<128xi32, #tpu.memory_space<vmem>> -> memref<128xi32, #tpu.memory_space<vmem>>
        %dma_start3A_794 = tpu.memref_slice %arg4[%mul3A_782] : memref<800000xi32, #tpu.memory_space<hbm>> -> memref<128xi32, #tpu.memory_space<hbm>>
        tpu.enqueue_dma source(%dma_start3A_794 : memref<128xi32, #tpu.memory_space<hbm>>) target(%dma_start3A_793 : memref<128xi32, #tpu.memory_space<vmem>>) target_semaphore(%arg23 : memref<!tpu.dma_semaphore, #tpu.memory_space<semaphore_mem>>)
        %dma_start3A_795 = arith.constant 0 : i32
        %dma_start3A_796 = arith.constant 0 : i32
        %dma_start3A_797 = tpu.memref_slice %arg10[%dma_start3A_795, %dma_start3A_796] : memref<2x64xi32, #tpu.memory_space<vmem>> -> memref<1x64xi32, #tpu.memory_space<vmem>>
        %dma_start3A_798 = tpu.memref_squeeze %dma_start3A_797 : memref<1x64xi32, #tpu.memory_space<vmem>> -> memref<64xi32, #tpu.memory_space<vmem>>
        %dma_start3A_799 = tpu.memref_slice %arg3[%mul3A_784] : memref<800000xi32, #tpu.memory_space<hbm>> -> memref<64xi32, #tpu.memory_space<hbm>>
        %dma_start3A_800 = arith.constant 0 : i32
        %dma_start3A_801 = tpu.memref_slice %arg10[%dma_start3A_795, %dma_start3A_800] : memref<2x64xi32, #tpu.memory_space<vmem>> -> memref<1x64xi32, #tpu.memory_space<vmem>>
        %dma_start3A_802 = tpu.memref_squeeze %dma_start3A_801 : memref<1x64xi32, #tpu.memory_space<vmem>> -> memref<64xi32, #tpu.memory_space<vmem>>
        %dma_start3A_803 = tpu.memref_slice %arg3[%mul3A_784] : memref<800000xi32, #tpu.memory_space<hbm>> -> memref<64xi32, #tpu.memory_space<hbm>>
        tpu.enqueue_dma source(%dma_start3A_803 : memref<64xi32, #tpu.memory_space<hbm>>) target(%dma_start3A_802 : memref<64xi32, #tpu.memory_space<vmem>>) target_semaphore(%arg23 : memref<!tpu.dma_semaphore, #tpu.memory_space<semaphore_mem>>)
        %dma_start3A_804 = arith.constant 1 : i32
        %dma_start3A_805 = arith.constant 0 : i32
        %dma_start3A_806 = tpu.memref_slice %arg10[%dma_start3A_804, %dma_start3A_805] : memref<2x64xi32, #tpu.memory_space<vmem>> -> memref<1x64xi32, #tpu.memory_space<vmem>>
        %dma_start3A_807 = tpu.memref_squeeze %dma_start3A_806 : memref<1x64xi32, #tpu.memory_space<vmem>> -> memref<64xi32, #tpu.memory_space<vmem>>
        %dma_start3A_808 = tpu.memref_slice %arg3[%add3A_788] : memref<800000xi32, #tpu.memory_space<hbm>> -> memref<64xi32, #tpu.memory_space<hbm>>
        %dma_start3A_809 = arith.constant 0 : i32
        %dma_start3A_810 = tpu.memref_slice %arg10[%dma_start3A_804, %dma_start3A_809] : memref<2x64xi32, #tpu.memory_space<vmem>> -> memref<1x64xi32, #tpu.memory_space<vmem>>
        %dma_start3A_811 = tpu.memref_squeeze %dma_start3A_810 : memref<1x64xi32, #tpu.memory_space<vmem>> -> memref<64xi32, #tpu.memory_space<vmem>>
        %dma_start3A_812 = tpu.memref_slice %arg3[%add3A_788] : memref<800000xi32, #tpu.memory_space<hbm>> -> memref<64xi32, #tpu.memory_space<hbm>>
        tpu.enqueue_dma source(%dma_start3A_812 : memref<64xi32, #tpu.memory_space<hbm>>) target(%dma_start3A_811 : memref<64xi32, #tpu.memory_space<vmem>>) target_semaphore(%arg23 : memref<!tpu.dma_semaphore, #tpu.memory_space<semaphore_mem>>)
        %add3A_813 = arith.constant 0 : i32
        %add3A_814 = arith.addi %add3A_813, %add3A_576 : i32
        %mul3A_815 = arith.constant 8 : i32
        %mul3A_816 = arith.muli %add3A_814, %mul3A_815 : i32
        %add3A_817 = arith.constant 6250 : i32
        %add3A_818 = arith.addi %add3A_817, %add3A_576 : i32
        %mul3A_819 = arith.constant 8 : i32
        %mul3A_820 = arith.muli %add3A_818, %mul3A_819 : i32
        %add3A_821 = arith.constant 0 : i32
        %add3A_822 = arith.addi %add3A_821, %add3A_576 : i32
        %mul3A_823 = arith.constant 8 : i32
        %mul3A_824 = arith.muli %add3A_822, %mul3A_823 : i32
        %add3A_825 = arith.constant 6250 : i32
        %add3A_826 = arith.addi %add3A_825, %add3A_576 : i32
        %mul3A_827 = arith.constant 8 : i32
        %mul3A_828 = arith.muli %add3A_826, %mul3A_827 : i32
        %add3A_829 = arith.constant 12500 : i32
        %add3A_830 = arith.addi %add3A_829, %add3A_576 : i32
        %mul3A_831 = arith.constant 8 : i32
        %mul3A_832 = arith.muli %add3A_830, %mul3A_831 : i32
        %add3A_833 = arith.constant 18750 : i32
        %add3A_834 = arith.addi %add3A_833, %add3A_576 : i32
        %mul3A_835 = arith.constant 8 : i32
        %mul3A_836 = arith.muli %add3A_834, %mul3A_835 : i32
        %add3A_837 = arith.constant 25000 : i32
        %add3A_838 = arith.addi %add3A_837, %add3A_576 : i32
        %mul3A_839 = arith.constant 8 : i32
        %mul3A_840 = arith.muli %add3A_838, %mul3A_839 : i32
        %add3A_841 = arith.constant 31250 : i32
        %add3A_842 = arith.addi %add3A_841, %add3A_576 : i32
        %mul3A_843 = arith.constant 8 : i32
        %mul3A_844 = arith.muli %add3A_842, %mul3A_843 : i32
        %dma_start3A_845 = arith.constant 0 : i32
        %dma_start3A_846 = arith.constant 0 : i32
        %dma_start3A_847 = tpu.memref_slice %arg12[%dma_start3A_845, %dma_start3A_846] : memref<16x136xf32, #tpu.memory_space<vmem>> -> memref<8x128xf32, #tpu.memory_space<vmem>>
        %dma_start3A_848 = arith.constant 0 : i32
        %dma_start3A_849 = tpu.memref_slice %arg5[%mul3A_816, %dma_start3A_848] : memref<100000x128xf32, #tpu.memory_space<hbm>> -> memref<8x128xf32, #tpu.memory_space<hbm>>
        %dma_start3A_850 = arith.constant 0 : i32
        %dma_start3A_851 = arith.constant 0 : i32
        %dma_start3A_852 = tpu.memref_slice %arg12[%dma_start3A_850, %dma_start3A_851] : memref<16x136xf32, #tpu.memory_space<vmem>> -> memref<8x128xf32, #tpu.memory_space<vmem>>
        %dma_start3A_853 = arith.constant 0 : i32
        %dma_start3A_854 = tpu.memref_slice %arg5[%mul3A_816, %dma_start3A_853] : memref<100000x128xf32, #tpu.memory_space<hbm>> -> memref<8x128xf32, #tpu.memory_space<hbm>>
        tpu.enqueue_dma source(%dma_start3A_854 : memref<8x128xf32, #tpu.memory_space<hbm>>) target(%dma_start3A_852 : memref<8x128xf32, #tpu.memory_space<vmem>>) target_semaphore(%arg25 : memref<!tpu.dma_semaphore, #tpu.memory_space<semaphore_mem>>)
        %dma_start3A_855 = arith.constant 8 : i32
        %dma_start3A_856 = arith.constant 0 : i32
        %dma_start3A_857 = tpu.memref_slice %arg12[%dma_start3A_855, %dma_start3A_856] : memref<16x136xf32, #tpu.memory_space<vmem>> -> memref<8x128xf32, #tpu.memory_space<vmem>>
        %dma_start3A_858 = arith.constant 0 : i32
        %dma_start3A_859 = tpu.memref_slice %arg5[%mul3A_820, %dma_start3A_858] : memref<100000x128xf32, #tpu.memory_space<hbm>> -> memref<8x128xf32, #tpu.memory_space<hbm>>
        %dma_start3A_860 = arith.constant 8 : i32
        %dma_start3A_861 = arith.constant 0 : i32
        %dma_start3A_862 = tpu.memref_slice %arg12[%dma_start3A_860, %dma_start3A_861] : memref<16x136xf32, #tpu.memory_space<vmem>> -> memref<8x128xf32, #tpu.memory_space<vmem>>
        %dma_start3A_863 = arith.constant 0 : i32
        %dma_start3A_864 = tpu.memref_slice %arg5[%mul3A_820, %dma_start3A_863] : memref<100000x128xf32, #tpu.memory_space<hbm>> -> memref<8x128xf32, #tpu.memory_space<hbm>>
        tpu.enqueue_dma source(%dma_start3A_864 : memref<8x128xf32, #tpu.memory_space<hbm>>) target(%dma_start3A_862 : memref<8x128xf32, #tpu.memory_space<vmem>>) target_semaphore(%arg25 : memref<!tpu.dma_semaphore, #tpu.memory_space<semaphore_mem>>)
        %dma_start3A_865 = arith.constant 0 : i32
        %dma_start3A_866 = arith.constant 0 : i32
        %dma_start3A_867 = tpu.memref_slice %arg14[%dma_start3A_865, %dma_start3A_866] : memref<48x136xf32, #tpu.memory_space<vmem>> -> memref<8x128xf32, #tpu.memory_space<vmem>>
        %dma_start3A_868 = arith.constant 0 : i32
        %dma_start3A_869 = tpu.memref_slice %arg6[%mul3A_824, %dma_start3A_868] : memref<300000x128xf32, #tpu.memory_space<hbm>> -> memref<8x128xf32, #tpu.memory_space<hbm>>
        %dma_start3A_870 = arith.constant 0 : i32
        %dma_start3A_871 = arith.constant 0 : i32
        %dma_start3A_872 = tpu.memref_slice %arg14[%dma_start3A_870, %dma_start3A_871] : memref<48x136xf32, #tpu.memory_space<vmem>> -> memref<8x128xf32, #tpu.memory_space<vmem>>
        %dma_start3A_873 = arith.constant 0 : i32
        %dma_start3A_874 = tpu.memref_slice %arg6[%mul3A_824, %dma_start3A_873] : memref<300000x128xf32, #tpu.memory_space<hbm>> -> memref<8x128xf32, #tpu.memory_space<hbm>>
        tpu.enqueue_dma source(%dma_start3A_874 : memref<8x128xf32, #tpu.memory_space<hbm>>) target(%dma_start3A_872 : memref<8x128xf32, #tpu.memory_space<vmem>>) target_semaphore(%arg25 : memref<!tpu.dma_semaphore, #tpu.memory_space<semaphore_mem>>)
        %dma_start3A_875 = arith.constant 8 : i32
        %dma_start3A_876 = arith.constant 0 : i32
        %dma_start3A_877 = tpu.memref_slice %arg14[%dma_start3A_875, %dma_start3A_876] : memref<48x136xf32, #tpu.memory_space<vmem>> -> memref<8x128xf32, #tpu.memory_space<vmem>>
        %dma_start3A_878 = arith.constant 0 : i32
        %dma_start3A_879 = tpu.memref_slice %arg6[%mul3A_828, %dma_start3A_878] : memref<300000x128xf32, #tpu.memory_space<hbm>> -> memref<8x128xf32, #tpu.memory_space<hbm>>
        %dma_start3A_880 = arith.constant 8 : i32
        %dma_start3A_881 = arith.constant 0 : i32
        %dma_start3A_882 = tpu.memref_slice %arg14[%dma_start3A_880, %dma_start3A_881] : memref<48x136xf32, #tpu.memory_space<vmem>> -> memref<8x128xf32, #tpu.memory_space<vmem>>
        %dma_start3A_883 = arith.constant 0 : i32
        %dma_start3A_884 = tpu.memref_slice %arg6[%mul3A_828, %dma_start3A_883] : memref<300000x128xf32, #tpu.memory_space<hbm>> -> memref<8x128xf32, #tpu.memory_space<hbm>>
        tpu.enqueue_dma source(%dma_start3A_884 : memref<8x128xf32, #tpu.memory_space<hbm>>) target(%dma_start3A_882 : memref<8x128xf32, #tpu.memory_space<vmem>>) target_semaphore(%arg25 : memref<!tpu.dma_semaphore, #tpu.memory_space<semaphore_mem>>)
        %dma_start3A_885 = arith.constant 16 : i32
        %dma_start3A_886 = arith.constant 0 : i32
        %dma_start3A_887 = tpu.memref_slice %arg14[%dma_start3A_885, %dma_start3A_886] : memref<48x136xf32, #tpu.memory_space<vmem>> -> memref<8x128xf32, #tpu.memory_space<vmem>>
        %dma_start3A_888 = arith.constant 0 : i32
        %dma_start3A_889 = tpu.memref_slice %arg6[%mul3A_832, %dma_start3A_888] : memref<300000x128xf32, #tpu.memory_space<hbm>> -> memref<8x128xf32, #tpu.memory_space<hbm>>
        %dma_start3A_890 = arith.constant 16 : i32
        %dma_start3A_891 = arith.constant 0 : i32
        %dma_start3A_892 = tpu.memref_slice %arg14[%dma_start3A_890, %dma_start3A_891] : memref<48x136xf32, #tpu.memory_space<vmem>> -> memref<8x128xf32, #tpu.memory_space<vmem>>
        %dma_start3A_893 = arith.constant 0 : i32
        %dma_start3A_894 = tpu.memref_slice %arg6[%mul3A_832, %dma_start3A_893] : memref<300000x128xf32, #tpu.memory_space<hbm>> -> memref<8x128xf32, #tpu.memory_space<hbm>>
        tpu.enqueue_dma source(%dma_start3A_894 : memref<8x128xf32, #tpu.memory_space<hbm>>) target(%dma_start3A_892 : memref<8x128xf32, #tpu.memory_space<vmem>>) target_semaphore(%arg25 : memref<!tpu.dma_semaphore, #tpu.memory_space<semaphore_mem>>)
        %dma_start3A_895 = arith.constant 24 : i32
        %dma_start3A_896 = arith.constant 0 : i32
        %dma_start3A_897 = tpu.memref_slice %arg14[%dma_start3A_895, %dma_start3A_896] : memref<48x136xf32, #tpu.memory_space<vmem>> -> memref<8x128xf32, #tpu.memory_space<vmem>>
        %dma_start3A_898 = arith.constant 0 : i32
        %dma_start3A_899 = tpu.memref_slice %arg6[%mul3A_836, %dma_start3A_898] : memref<300000x128xf32, #tpu.memory_space<hbm>> -> memref<8x128xf32, #tpu.memory_space<hbm>>
        %dma_start3A_900 = arith.constant 24 : i32
        %dma_start3A_901 = arith.constant 0 : i32
        %dma_start3A_902 = tpu.memref_slice %arg14[%dma_start3A_900, %dma_start3A_901] : memref<48x136xf32, #tpu.memory_space<vmem>> -> memref<8x128xf32, #tpu.memory_space<vmem>>
        %dma_start3A_903 = arith.constant 0 : i32
        %dma_start3A_904 = tpu.memref_slice %arg6[%mul3A_836, %dma_start3A_903] : memref<300000x128xf32, #tpu.memory_space<hbm>> -> memref<8x128xf32, #tpu.memory_space<hbm>>
        tpu.enqueue_dma source(%dma_start3A_904 : memref<8x128xf32, #tpu.memory_space<hbm>>) target(%dma_start3A_902 : memref<8x128xf32, #tpu.memory_space<vmem>>) target_semaphore(%arg25 : memref<!tpu.dma_semaphore, #tpu.memory_space<semaphore_mem>>)
        %dma_start3A_905 = arith.constant 32 : i32
        %dma_start3A_906 = arith.constant 0 : i32
        %dma_start3A_907 = tpu.memref_slice %arg14[%dma_start3A_905, %dma_start3A_906] : memref<48x136xf32, #tpu.memory_space<vmem>> -> memref<8x128xf32, #tpu.memory_space<vmem>>
        %dma_start3A_908 = arith.constant 0 : i32
        %dma_start3A_909 = tpu.memref_slice %arg6[%mul3A_840, %dma_start3A_908] : memref<300000x128xf32, #tpu.memory_space<hbm>> -> memref<8x128xf32, #tpu.memory_space<hbm>>
        %dma_start3A_910 = arith.constant 32 : i32
        %dma_start3A_911 = arith.constant 0 : i32
        %dma_start3A_912 = tpu.memref_slice %arg14[%dma_start3A_910, %dma_start3A_911] : memref<48x136xf32, #tpu.memory_space<vmem>> -> memref<8x128xf32, #tpu.memory_space<vmem>>
        %dma_start3A_913 = arith.constant 0 : i32
        %dma_start3A_914 = tpu.memref_slice %arg6[%mul3A_840, %dma_start3A_913] : memref<300000x128xf32, #tpu.memory_space<hbm>> -> memref<8x128xf32, #tpu.memory_space<hbm>>
        tpu.enqueue_dma source(%dma_start3A_914 : memref<8x128xf32, #tpu.memory_space<hbm>>) target(%dma_start3A_912 : memref<8x128xf32, #tpu.memory_space<vmem>>) target_semaphore(%arg25 : memref<!tpu.dma_semaphore, #tpu.memory_space<semaphore_mem>>)
        %dma_start3A_915 = arith.constant 40 : i32
        %dma_start3A_916 = arith.constant 0 : i32
        %dma_start3A_917 = tpu.memref_slice %arg14[%dma_start3A_915, %dma_start3A_916] : memref<48x136xf32, #tpu.memory_space<vmem>> -> memref<8x128xf32, #tpu.memory_space<vmem>>
        %dma_start3A_918 = arith.constant 0 : i32
        %dma_start3A_919 = tpu.memref_slice %arg6[%mul3A_844, %dma_start3A_918] : memref<300000x128xf32, #tpu.memory_space<hbm>> -> memref<8x128xf32, #tpu.memory_space<hbm>>
        %dma_start3A_920 = arith.constant 40 : i32
        %dma_start3A_921 = arith.constant 0 : i32
        %dma_start3A_922 = tpu.memref_slice %arg14[%dma_start3A_920, %dma_start3A_921] : memref<48x136xf32, #tpu.memory_space<vmem>> -> memref<8x128xf32, #tpu.memory_space<vmem>>
        %dma_start3A_923 = arith.constant 0 : i32
        %dma_start3A_924 = tpu.memref_slice %arg6[%mul3A_844, %dma_start3A_923] : memref<300000x128xf32, #tpu.memory_space<hbm>> -> memref<8x128xf32, #tpu.memory_space<hbm>>
        tpu.enqueue_dma source(%dma_start3A_924 : memref<8x128xf32, #tpu.memory_space<hbm>>) target(%dma_start3A_922 : memref<8x128xf32, #tpu.memory_space<vmem>>) target_semaphore(%arg25 : memref<!tpu.dma_semaphore, #tpu.memory_space<semaphore_mem>>)
      } else {
      }
      %dma_start3A_583 = arith.constant 64 : i32
      %dma_start3A_584 = tpu.memref_slice %arg9[%dma_start3A_583] : memref<128xi32, #tpu.memory_space<vmem>> -> memref<64xi32, #tpu.memory_space<vmem>>
      %dma_start3A_585 = arith.constant 0 : i32
      %dma_start3A_586 = arith.constant 0 : i32
      %dma_start3A_587 = tpu.memref_slice %arg2[%dma_start3A_585, %dma_start3A_586] : memref<100000x64xf32, #tpu.memory_space<hbm>> -> memref<100000x64xf32, #tpu.memory_space<hbm>>
      tpu.enqueue_indirect_dma source(%dma_start3A_587 : memref<100000x64xf32, #tpu.memory_space<hbm>>) target(%arg17 : memref<64x64xf32, #tpu.memory_space<vmem>>) offsets(%dma_start3A_584 : memref<64xi32, #tpu.memory_space<vmem>>) semaphore(%arg28 : memref<!tpu.dma_semaphore, #tpu.memory_space<semaphore_mem>>)
      %dma_wait3A_588 = arith.constant 0 : i32
      %dma_wait3A_589 = tpu.memref_slice %arg9[%dma_wait3A_588] : memref<128xi32, #tpu.memory_space<vmem>> -> memref<64xi32, #tpu.memory_space<vmem>>
      %dma_wait3A_590 = arith.constant 0 : i32
      %dma_wait3A_591 = arith.constant 0 : i32
      %dma_wait3A_592 = tpu.memref_slice %arg2[%dma_wait3A_590, %dma_wait3A_591] : memref<100000x64xf32, #tpu.memory_space<hbm>> -> memref<100000x64xf32, #tpu.memory_space<hbm>>
      tpu.wait_indirect_dma semaphore(%arg27 : memref<!tpu.dma_semaphore, #tpu.memory_space<semaphore_mem>>) src(%dma_wait3A_592 : memref<100000x64xf32, #tpu.memory_space<hbm>>) dst(%arg16 : memref<64x64xf32, #tpu.memory_space<vmem>>)
      %ge3A_593 = arith.constant 2 : i32
      %ge3A_594 = arith.cmpi sge, %add3A_547, %ge3A_593 : i32
      %convert_element_type3A_595 = arith.extui %ge3A_594 : i1 to i32
      %cond3A_596 = arith.constant 0 : i32
      %cond3A_597 = arith.cmpi ne, %convert_element_type3A_595, %cond3A_596 : i32
      scf.if %cond3A_597 {
        %dma_wait3A_781 = arith.constant 0 : i32
        %dma_wait3A_782 = arith.constant 0 : i32
        %dma_wait3A_783 = tpu.memref_slice %arg22[%dma_wait3A_781, %dma_wait3A_782] : memref<50048x32xf32, #tpu.memory_space<vmem_shared>> -> memref<50048x32xf32, #tpu.memory_space<vmem_shared>>
        tpu.wait_indirect_dma semaphore(%arg29 : memref<!tpu.dma_semaphore, #tpu.memory_space<semaphore_mem>>) src(%arg18 : memref<64x32xf32, #tpu.memory_space<vmem>>) dst(%dma_wait3A_783 : memref<50048x32xf32, #tpu.memory_space<vmem_shared>>)
      } else {
      }
      %mul3A_598 = arith.constant 16 : i32
      %mul3A_599 = arith.muli %select_n3A_571, %mul3A_598 : i32
      %add3A_600 = arith.addi %arg1, %mul3A_599 : i32
      %add3A_601 = arith.constant 0 : i32
      %add3A_602 = arith.addi %add3A_601, %add3A_600 : i32
      %mul3A_603 = arith.constant 8 : i32
      %mul3A_604 = arith.muli %add3A_602, %mul3A_603 : i32
      %add3A_605 = arith.constant 6250 : i32
      %add3A_606 = arith.addi %add3A_605, %add3A_600 : i32
      %mul3A_607 = arith.constant 8 : i32
      %mul3A_608 = arith.muli %add3A_606, %mul3A_607 : i32
      %add3A_609 = arith.constant 0 : i32
      %add3A_610 = arith.addi %add3A_609, %add3A_600 : i32
      %mul3A_611 = arith.constant 8 : i32
      %mul3A_612 = arith.muli %add3A_610, %mul3A_611 : i32
      %add3A_613 = arith.constant 6250 : i32
      %add3A_614 = arith.addi %add3A_613, %add3A_600 : i32
      %mul3A_615 = arith.constant 8 : i32
      %mul3A_616 = arith.muli %add3A_614, %mul3A_615 : i32
      %add3A_617 = arith.constant 12500 : i32
      %add3A_618 = arith.addi %add3A_617, %add3A_600 : i32
      %mul3A_619 = arith.constant 8 : i32
      %mul3A_620 = arith.muli %add3A_618, %mul3A_619 : i32
      %add3A_621 = arith.constant 18750 : i32
      %add3A_622 = arith.addi %add3A_621, %add3A_600 : i32
      %mul3A_623 = arith.constant 8 : i32
      %mul3A_624 = arith.muli %add3A_622, %mul3A_623 : i32
      %add3A_625 = arith.constant 25000 : i32
      %add3A_626 = arith.addi %add3A_625, %add3A_600 : i32
      %mul3A_627 = arith.constant 8 : i32
      %mul3A_628 = arith.muli %add3A_626, %mul3A_627 : i32
      %add3A_629 = arith.constant 31250 : i32
      %add3A_630 = arith.addi %add3A_629, %add3A_600 : i32
      %mul3A_631 = arith.constant 8 : i32
      %mul3A_632 = arith.muli %add3A_630, %mul3A_631 : i32
      %dma_wait3A_633 = arith.constant 0 : i32
      %dma_wait3A_634 = arith.constant 0 : i32
      %dma_wait3A_635 = tpu.memref_slice %arg13[%dma_wait3A_633, %dma_wait3A_634] : memref<16x136xf32, #tpu.memory_space<vmem>> -> memref<8x128xf32, #tpu.memory_space<vmem>>
      %dma_wait3A_636 = arith.constant 0 : i32
      %dma_wait3A_637 = tpu.memref_slice %arg5[%mul3A_604, %dma_wait3A_636] : memref<100000x128xf32, #tpu.memory_space<hbm>> -> memref<8x128xf32, #tpu.memory_space<hbm>>
      %dma_wait3A_638 = arith.constant 0 : i32
      %dma_wait3A_639 = arith.constant 0 : i32
      %dma_wait3A_640 = tpu.memref_slice %arg13[%dma_wait3A_638, %dma_wait3A_639] : memref<16x136xf32, #tpu.memory_space<vmem>> -> memref<8x128xf32, #tpu.memory_space<vmem>>
      %dma_wait3A_641 = arith.constant 0 : i32
      %dma_wait3A_642 = tpu.memref_slice %arg5[%mul3A_604, %dma_wait3A_641] : memref<100000x128xf32, #tpu.memory_space<hbm>> -> memref<8x128xf32, #tpu.memory_space<hbm>>
      tpu.wait_dma2 semaphore(%arg26 : memref<!tpu.dma_semaphore, #tpu.memory_space<semaphore_mem>>) src(%dma_wait3A_642 : memref<8x128xf32, #tpu.memory_space<hbm>>) dst(%dma_wait3A_640 : memref<8x128xf32, #tpu.memory_space<vmem>>)
      %dma_wait3A_643 = arith.constant 8 : i32
      %dma_wait3A_644 = arith.constant 0 : i32
      %dma_wait3A_645 = tpu.memref_slice %arg13[%dma_wait3A_643, %dma_wait3A_644] : memref<16x136xf32, #tpu.memory_space<vmem>> -> memref<8x128xf32, #tpu.memory_space<vmem>>
      %dma_wait3A_646 = arith.constant 0 : i32
      %dma_wait3A_647 = tpu.memref_slice %arg5[%mul3A_608, %dma_wait3A_646] : memref<100000x128xf32, #tpu.memory_space<hbm>> -> memref<8x128xf32, #tpu.memory_space<hbm>>
      %dma_wait3A_648 = arith.constant 8 : i32
      %dma_wait3A_649 = arith.constant 0 : i32
      %dma_wait3A_650 = tpu.memref_slice %arg13[%dma_wait3A_648, %dma_wait3A_649] : memref<16x136xf32, #tpu.memory_space<vmem>> -> memref<8x128xf32, #tpu.memory_space<vmem>>
      %dma_wait3A_651 = arith.constant 0 : i32
      %dma_wait3A_652 = tpu.memref_slice %arg5[%mul3A_608, %dma_wait3A_651] : memref<100000x128xf32, #tpu.memory_space<hbm>> -> memref<8x128xf32, #tpu.memory_space<hbm>>
      tpu.wait_dma2 semaphore(%arg26 : memref<!tpu.dma_semaphore, #tpu.memory_space<semaphore_mem>>) src(%dma_wait3A_652 : memref<8x128xf32, #tpu.memory_space<hbm>>) dst(%dma_wait3A_650 : memref<8x128xf32, #tpu.memory_space<vmem>>)
      %dma_wait3A_653 = arith.constant 0 : i32
      %dma_wait3A_654 = arith.constant 0 : i32
      %dma_wait3A_655 = tpu.memref_slice %arg15[%dma_wait3A_653, %dma_wait3A_654] : memref<48x136xf32, #tpu.memory_space<vmem>> -> memref<8x128xf32, #tpu.memory_space<vmem>>
      %dma_wait3A_656 = arith.constant 0 : i32
      %dma_wait3A_657 = tpu.memref_slice %arg6[%mul3A_612, %dma_wait3A_656] : memref<300000x128xf32, #tpu.memory_space<hbm>> -> memref<8x128xf32, #tpu.memory_space<hbm>>
      %dma_wait3A_658 = arith.constant 0 : i32
      %dma_wait3A_659 = arith.constant 0 : i32
      %dma_wait3A_660 = tpu.memref_slice %arg15[%dma_wait3A_658, %dma_wait3A_659] : memref<48x136xf32, #tpu.memory_space<vmem>> -> memref<8x128xf32, #tpu.memory_space<vmem>>
      %dma_wait3A_661 = arith.constant 0 : i32
      %dma_wait3A_662 = tpu.memref_slice %arg6[%mul3A_612, %dma_wait3A_661] : memref<300000x128xf32, #tpu.memory_space<hbm>> -> memref<8x128xf32, #tpu.memory_space<hbm>>
      tpu.wait_dma2 semaphore(%arg26 : memref<!tpu.dma_semaphore, #tpu.memory_space<semaphore_mem>>) src(%dma_wait3A_662 : memref<8x128xf32, #tpu.memory_space<hbm>>) dst(%dma_wait3A_660 : memref<8x128xf32, #tpu.memory_space<vmem>>)
      %dma_wait3A_663 = arith.constant 8 : i32
      %dma_wait3A_664 = arith.constant 0 : i32
      %dma_wait3A_665 = tpu.memref_slice %arg15[%dma_wait3A_663, %dma_wait3A_664] : memref<48x136xf32, #tpu.memory_space<vmem>> -> memref<8x128xf32, #tpu.memory_space<vmem>>
      %dma_wait3A_666 = arith.constant 0 : i32
      %dma_wait3A_667 = tpu.memref_slice %arg6[%mul3A_616, %dma_wait3A_666] : memref<300000x128xf32, #tpu.memory_space<hbm>> -> memref<8x128xf32, #tpu.memory_space<hbm>>
      %dma_wait3A_668 = arith.constant 8 : i32
      %dma_wait3A_669 = arith.constant 0 : i32
      %dma_wait3A_670 = tpu.memref_slice %arg15[%dma_wait3A_668, %dma_wait3A_669] : memref<48x136xf32, #tpu.memory_space<vmem>> -> memref<8x128xf32, #tpu.memory_space<vmem>>
      %dma_wait3A_671 = arith.constant 0 : i32
      %dma_wait3A_672 = tpu.memref_slice %arg6[%mul3A_616, %dma_wait3A_671] : memref<300000x128xf32, #tpu.memory_space<hbm>> -> memref<8x128xf32, #tpu.memory_space<hbm>>
      tpu.wait_dma2 semaphore(%arg26 : memref<!tpu.dma_semaphore, #tpu.memory_space<semaphore_mem>>) src(%dma_wait3A_672 : memref<8x128xf32, #tpu.memory_space<hbm>>) dst(%dma_wait3A_670 : memref<8x128xf32, #tpu.memory_space<vmem>>)
      %dma_wait3A_673 = arith.constant 16 : i32
      %dma_wait3A_674 = arith.constant 0 : i32
      %dma_wait3A_675 = tpu.memref_slice %arg15[%dma_wait3A_673, %dma_wait3A_674] : memref<48x136xf32, #tpu.memory_space<vmem>> -> memref<8x128xf32, #tpu.memory_space<vmem>>
      %dma_wait3A_676 = arith.constant 0 : i32
      %dma_wait3A_677 = tpu.memref_slice %arg6[%mul3A_620, %dma_wait3A_676] : memref<300000x128xf32, #tpu.memory_space<hbm>> -> memref<8x128xf32, #tpu.memory_space<hbm>>
      %dma_wait3A_678 = arith.constant 16 : i32
      %dma_wait3A_679 = arith.constant 0 : i32
      %dma_wait3A_680 = tpu.memref_slice %arg15[%dma_wait3A_678, %dma_wait3A_679] : memref<48x136xf32, #tpu.memory_space<vmem>> -> memref<8x128xf32, #tpu.memory_space<vmem>>
      %dma_wait3A_681 = arith.constant 0 : i32
      %dma_wait3A_682 = tpu.memref_slice %arg6[%mul3A_620, %dma_wait3A_681] : memref<300000x128xf32, #tpu.memory_space<hbm>> -> memref<8x128xf32, #tpu.memory_space<hbm>>
      tpu.wait_dma2 semaphore(%arg26 : memref<!tpu.dma_semaphore, #tpu.memory_space<semaphore_mem>>) src(%dma_wait3A_682 : memref<8x128xf32, #tpu.memory_space<hbm>>) dst(%dma_wait3A_680 : memref<8x128xf32, #tpu.memory_space<vmem>>)
      %dma_wait3A_683 = arith.constant 24 : i32
      %dma_wait3A_684 = arith.constant 0 : i32
      %dma_wait3A_685 = tpu.memref_slice %arg15[%dma_wait3A_683, %dma_wait3A_684] : memref<48x136xf32, #tpu.memory_space<vmem>> -> memref<8x128xf32, #tpu.memory_space<vmem>>
      %dma_wait3A_686 = arith.constant 0 : i32
      %dma_wait3A_687 = tpu.memref_slice %arg6[%mul3A_624, %dma_wait3A_686] : memref<300000x128xf32, #tpu.memory_space<hbm>> -> memref<8x128xf32, #tpu.memory_space<hbm>>
      %dma_wait3A_688 = arith.constant 24 : i32
      %dma_wait3A_689 = arith.constant 0 : i32
      %dma_wait3A_690 = tpu.memref_slice %arg15[%dma_wait3A_688, %dma_wait3A_689] : memref<48x136xf32, #tpu.memory_space<vmem>> -> memref<8x128xf32, #tpu.memory_space<vmem>>
      %dma_wait3A_691 = arith.constant 0 : i32
      %dma_wait3A_692 = tpu.memref_slice %arg6[%mul3A_624, %dma_wait3A_691] : memref<300000x128xf32, #tpu.memory_space<hbm>> -> memref<8x128xf32, #tpu.memory_space<hbm>>
      tpu.wait_dma2 semaphore(%arg26 : memref<!tpu.dma_semaphore, #tpu.memory_space<semaphore_mem>>) src(%dma_wait3A_692 : memref<8x128xf32, #tpu.memory_space<hbm>>) dst(%dma_wait3A_690 : memref<8x128xf32, #tpu.memory_space<vmem>>)
      %dma_wait3A_693 = arith.constant 32 : i32
      %dma_wait3A_694 = arith.constant 0 : i32
      %dma_wait3A_695 = tpu.memref_slice %arg15[%dma_wait3A_693, %dma_wait3A_694] : memref<48x136xf32, #tpu.memory_space<vmem>> -> memref<8x128xf32, #tpu.memory_space<vmem>>
      %dma_wait3A_696 = arith.constant 0 : i32
      %dma_wait3A_697 = tpu.memref_slice %arg6[%mul3A_628, %dma_wait3A_696] : memref<300000x128xf32, #tpu.memory_space<hbm>> -> memref<8x128xf32, #tpu.memory_space<hbm>>
      %dma_wait3A_698 = arith.constant 32 : i32
      %dma_wait3A_699 = arith.constant 0 : i32
      %dma_wait3A_700 = tpu.memref_slice %arg15[%dma_wait3A_698, %dma_wait3A_699] : memref<48x136xf32, #tpu.memory_space<vmem>> -> memref<8x128xf32, #tpu.memory_space<vmem>>
      %dma_wait3A_701 = arith.constant 0 : i32
      %dma_wait3A_702 = tpu.memref_slice %arg6[%mul3A_628, %dma_wait3A_701] : memref<300000x128xf32, #tpu.memory_space<hbm>> -> memref<8x128xf32, #tpu.memory_space<hbm>>
      tpu.wait_dma2 semaphore(%arg26 : memref<!tpu.dma_semaphore, #tpu.memory_space<semaphore_mem>>) src(%dma_wait3A_702 : memref<8x128xf32, #tpu.memory_space<hbm>>) dst(%dma_wait3A_700 : memref<8x128xf32, #tpu.memory_space<vmem>>)
      %dma_wait3A_703 = arith.constant 40 : i32
      %dma_wait3A_704 = arith.constant 0 : i32
      %dma_wait3A_705 = tpu.memref_slice %arg15[%dma_wait3A_703, %dma_wait3A_704] : memref<48x136xf32, #tpu.memory_space<vmem>> -> memref<8x128xf32, #tpu.memory_space<vmem>>
      %dma_wait3A_706 = arith.constant 0 : i32
      %dma_wait3A_707 = tpu.memref_slice %arg6[%mul3A_632, %dma_wait3A_706] : memref<300000x128xf32, #tpu.memory_space<hbm>> -> memref<8x128xf32, #tpu.memory_space<hbm>>
      %dma_wait3A_708 = arith.constant 40 : i32
      %dma_wait3A_709 = arith.constant 0 : i32
      %dma_wait3A_710 = tpu.memref_slice %arg15[%dma_wait3A_708, %dma_wait3A_709] : memref<48x136xf32, #tpu.memory_space<vmem>> -> memref<8x128xf32, #tpu.memory_space<vmem>>
      %dma_wait3A_711 = arith.constant 0 : i32
      %dma_wait3A_712 = tpu.memref_slice %arg6[%mul3A_632, %dma_wait3A_711] : memref<300000x128xf32, #tpu.memory_space<hbm>> -> memref<8x128xf32, #tpu.memory_space<hbm>>
      tpu.wait_dma2 semaphore(%arg26 : memref<!tpu.dma_semaphore, #tpu.memory_space<semaphore_mem>>) src(%dma_wait3A_712 : memref<8x128xf32, #tpu.memory_space<hbm>>) dst(%dma_wait3A_710 : memref<8x128xf32, #tpu.memory_space<vmem>>)
      %parallel_loop3A_713 = arith.constant 0 : i32
      %parallel_loop3A_714 = arith.constant 4 : i32
      %parallel_loop3A_715 = arith.constant 1 : i32
      scf.for %parallel_loop3A_781 = %parallel_loop3A_713 to %parallel_loop3A_714 step %parallel_loop3A_715  : i32 {
        %parallel_loop3A_782 = arith.constant 16 : i32
        %parallel_loop3A_783 = arith.muli %parallel_loop3A_781, %parallel_loop3A_782 : i32
        %parallel_loop3A_784 = arith.constant 0 : i32
        %parallel_loop3A_785 = arith.index_cast %parallel_loop3A_784 : i32 to index
        %parallel_loop3A_786 = arith.index_cast %parallel_loop3A_783 : i32 to index
        %parallel_loop3A_787 = tpu.vector_load %arg11[%parallel_loop3A_785, %parallel_loop3A_786] {strides = array<i32>} : memref<2x64xi32, #tpu.memory_space<vmem>>, vector<16xi32>,
        %parallel_loop3A_788 = arith.constant 16 : i32
        %parallel_loop3A_789 = arith.muli %parallel_loop3A_781, %parallel_loop3A_788 : i32
        %parallel_loop3A_790 = arith.index_cast %parallel_loop3A_789 : i32 to index
        %parallel_loop3A_791 = tpu.vector_load %arg20[%parallel_loop3A_790] {strides = array<i32>} : memref<64xi32, #tpu.memory_space<vmem>>, vector<16xi32>,
        tpu.vector_store %arg20[%parallel_loop3A_790], %parallel_loop3A_787 {strides = array<i32>} : memref<64xi32, #tpu.memory_space<vmem>>, vector<16xi32>,
      } {sc.loop_unroll_factor = 1 : i64, sc.parallel_access}
      %parallel_loop3A_716 = arith.constant 0 : i32
      %parallel_loop3A_717 = arith.constant 64 : i32
      %parallel_loop3A_718 = arith.constant 1 : i32
      scf.for %parallel_loop3A_781 = %parallel_loop3A_716 to %parallel_loop3A_717 step %parallel_loop3A_718  : i32 {
        %parallel_loop3A_782 = arith.index_cast %parallel_loop3A_781 : i32 to index
        %parallel_loop3A_783 = arith.constant 0 : index
        %parallel_loop3A_784 = tpu.vector_load %arg16[%parallel_loop3A_782, %parallel_loop3A_783] {strides = array<i32>} : memref<64x64xf32, #tpu.memory_space<vmem>>, vector<16xf32>,
        %parallel_loop3A_785 = arith.index_cast %parallel_loop3A_781 : i32 to index
        %parallel_loop3A_786 = arith.constant 16 : index
        %parallel_loop3A_787 = tpu.vector_load %arg16[%parallel_loop3A_785, %parallel_loop3A_786] {strides = array<i32>} : memref<64x64xf32, #tpu.memory_space<vmem>>, vector<16xf32>,
        %parallel_loop3A_788 = arith.index_cast %parallel_loop3A_781 : i32 to index
        %parallel_loop3A_789 = arith.constant 32 : index
        %parallel_loop3A_790 = tpu.vector_load %arg16[%parallel_loop3A_788, %parallel_loop3A_789] {strides = array<i32>} : memref<64x64xf32, #tpu.memory_space<vmem>>, vector<16xf32>,
        %parallel_loop3A_791 = arith.index_cast %parallel_loop3A_781 : i32 to index
        %parallel_loop3A_792 = arith.constant 48 : index
        %parallel_loop3A_793 = tpu.vector_load %arg16[%parallel_loop3A_791, %parallel_loop3A_792] {strides = array<i32>} : memref<64x64xf32, #tpu.memory_space<vmem>>, vector<16xf32>,
        %parallel_loop3A_794 = arith.constant 0 : i32
        %parallel_loop3A_795 = arith.addi %parallel_loop3A_781, %parallel_loop3A_794 : i32
        %parallel_loop3A_796 = vector.broadcast %parallel_loop3A_795 : i32 to vector<16xi32>
        %parallel_loop3A_797 = tpu.vector_load_idx %arg13[%iota3A, %parallel_loop3A_796] : memref<16x136xf32, #tpu.memory_space<vmem>>[vector<16xi32>, vector<16xi32>], vector<16xf32>,
        %parallel_loop3A_798 = tpu.vector_load_idx %arg15[%iota3A, %parallel_loop3A_796] : memref<48x136xf32, #tpu.memory_space<vmem>>[vector<16xi32>, vector<16xi32>], vector<16xf32>,
        %parallel_loop3A_799 = tpu.vector_load_idx %arg15[%add3A_10, %parallel_loop3A_796] : memref<48x136xf32, #tpu.memory_space<vmem>>[vector<16xi32>, vector<16xi32>], vector<16xf32>,
        %parallel_loop3A_800 = tpu.vector_load_idx %arg15[%add3A_13, %parallel_loop3A_796] : memref<48x136xf32, #tpu.memory_space<vmem>>[vector<16xi32>, vector<16xi32>], vector<16xf32>,
        %parallel_loop3A_801 = arith.mulf %parallel_loop3A_784, %parallel_loop3A_797 : vector<16xf32>
        %parallel_loop3A_802 = arith.mulf %parallel_loop3A_787, %parallel_loop3A_798 : vector<16xf32>
        %parallel_loop3A_803 = arith.addf %parallel_loop3A_801, %parallel_loop3A_802 : vector<16xf32>
        %parallel_loop3A_804 = arith.mulf %parallel_loop3A_790, %parallel_loop3A_799 : vector<16xf32>
        %parallel_loop3A_805 = arith.addf %parallel_loop3A_803, %parallel_loop3A_804 : vector<16xf32>
        %parallel_loop3A_806 = arith.mulf %parallel_loop3A_793, %parallel_loop3A_800 : vector<16xf32>
        %parallel_loop3A_807 = arith.addf %parallel_loop3A_805, %parallel_loop3A_806 : vector<16xf32>
        %parallel_loop3A_808 = arith.mulf %parallel_loop3A_784, %parallel_loop3A_798 : vector<16xf32>
        %parallel_loop3A_809 = arith.mulf %parallel_loop3A_787, %parallel_loop3A_797 : vector<16xf32>
        %parallel_loop3A_810 = arith.addf %parallel_loop3A_808, %parallel_loop3A_809 : vector<16xf32>
        %parallel_loop3A_811 = arith.mulf %parallel_loop3A_784, %parallel_loop3A_799 : vector<16xf32>
        %parallel_loop3A_812 = arith.mulf %parallel_loop3A_790, %parallel_loop3A_797 : vector<16xf32>
        %parallel_loop3A_813 = arith.addf %parallel_loop3A_811, %parallel_loop3A_812 : vector<16xf32>
        %parallel_loop3A_814 = arith.mulf %parallel_loop3A_784, %parallel_loop3A_800 : vector<16xf32>
        %parallel_loop3A_815 = arith.mulf %parallel_loop3A_793, %parallel_loop3A_797 : vector<16xf32>
        %parallel_loop3A_816 = arith.addf %parallel_loop3A_814, %parallel_loop3A_815 : vector<16xf32>
        %parallel_loop3A_817 = arith.select %eq3A_5, %parallel_loop3A_807, %parallel_loop3A_813 : vector<16xi1>, vector<16xf32>
        %parallel_loop3A_818 = arith.index_cast %parallel_loop3A_781 : i32 to index
        %parallel_loop3A_819 = arith.constant 0 : index
        %parallel_loop3A_820 = tpu.vector_load %arg18[%parallel_loop3A_818, %parallel_loop3A_819] {strides = array<i32>} : memref<64x32xf32, #tpu.memory_space<vmem>>, vector<16xf32>,
        tpu.vector_store %arg18[%parallel_loop3A_818, %parallel_loop3A_819], %parallel_loop3A_817 {strides = array<i32>} : memref<64x32xf32, #tpu.memory_space<vmem>>, vector<16xf32>,
        %parallel_loop3A_821 = arith.select %eq3A_5, %parallel_loop3A_810, %parallel_loop3A_816 : vector<16xi1>, vector<16xf32>
        %parallel_loop3A_822 = arith.index_cast %parallel_loop3A_781 : i32 to index
        %parallel_loop3A_823 = arith.constant 16 : index
        %parallel_loop3A_824 = tpu.vector_load %arg18[%parallel_loop3A_822, %parallel_loop3A_823] {strides = array<i32>} : memref<64x32xf32, #tpu.memory_space<vmem>>, vector<16xf32>,
        tpu.vector_store %arg18[%parallel_loop3A_822, %parallel_loop3A_823], %parallel_loop3A_821 {strides = array<i32>} : memref<64x32xf32, #tpu.memory_space<vmem>>, vector<16xf32>,
      } {sc.loop_unroll_factor = 2 : i64, sc.parallel_access}
      %dma_start3A_719 = arith.constant 0 : i32
      %dma_start3A_720 = arith.constant 0 : i32
      %dma_start3A_721 = tpu.memref_slice %arg22[%dma_start3A_719, %dma_start3A_720] : memref<50048x32xf32, #tpu.memory_space<vmem_shared>> -> memref<50048x32xf32, #tpu.memory_space<vmem_shared>>
      tpu.enqueue_indirect_dma source(%arg18 : memref<64x32xf32, #tpu.memory_space<vmem>>) target(%dma_start3A_721 : memref<50048x32xf32, #tpu.memory_space<vmem_shared>>) offsets(%arg20 : memref<64xi32, #tpu.memory_space<vmem>>) semaphore(%arg29 : memref<!tpu.dma_semaphore, #tpu.memory_space<semaphore_mem>>) {add = true}
      %mul3A_722 = arith.constant 4 : i32
      %mul3A_723 = arith.muli %scan3A_313, %mul3A_722 : i32
      %add3A_724 = arith.constant 3 : i32
      %add3A_725 = arith.addi %mul3A_723, %add3A_724 : i32
      %jit3A_726 = arith.constant 2 : i32
      %div3A_727 = arith.divsi %add3A_725, %jit3A_726 : i32
      %sign3A_728 = arith.constant 0 : i32
      %sign3A_729 = arith.cmpi sgt, %add3A_725, %sign3A_728 : i32
      %sign3A_730 = arith.extui %sign3A_729 : i1 to i32
      %sign3A_731 = arith.constant 0 : i32
      %sign3A_732 = arith.cmpi slt, %add3A_725, %sign3A_731 : i32
      %sign3A_733 = arith.extui %sign3A_732 : i1 to i32
      %sign3A_734 = arith.subi %sign3A_730, %sign3A_733 : i32
      %sign3A_735 = arith.constant 0 : i32
      %sign3A_736 = arith.cmpi sgt, %jit3A_726, %sign3A_735 : i32
      %sign3A_737 = arith.extui %sign3A_736 : i1 to i32
      %sign3A_738 = arith.constant 0 : i32
      %sign3A_739 = arith.cmpi slt, %jit3A_726, %sign3A_738 : i32
      %sign3A_740 = arith.extui %sign3A_739 : i1 to i32
      %sign3A_741 = arith.subi %sign3A_737, %sign3A_740 : i32
      %ne3A_742 = arith.cmpi ne, %sign3A_734, %sign3A_741 : i32
      %rem3A_743 = arith.remsi %add3A_725, %jit3A_726 : i32
      %ne3A_744 = arith.constant 0 : i32
      %ne3A_745 = arith.cmpi ne, %rem3A_743, %ne3A_744 : i32
      %and3A_746 = arith.andi %ne3A_742, %ne3A_745 : i1
      %sub3A_747 = arith.constant 1 : i32
      %sub3A_748 = arith.subi %div3A_727, %sub3A_747 : i32
      %select_n3A_749 = arith.select %and3A_746, %sub3A_748, %div3A_727 : i32
      %add3A_750 = arith.constant 1 : i32
      %add3A_751 = arith.addi %select_n3A_749, %add3A_750 : i32
      %mul3A_752 = arith.constant 16 : i32
      %mul3A_753 = arith.muli %add3A_751, %mul3A_752 : i32
      %add3A_754 = arith.addi %arg1, %mul3A_753 : i32
      %add3A_755 = arith.constant 1 : i32
      %add3A_756 = arith.addi %select_n3A_749, %add3A_755 : i32
      %lt3A_757 = arith.cmpi slt, %add3A_756, %select_n3A : i32
      %convert_element_type3A_758 = arith.extui %lt3A_757 : i1 to i32
      %cond3A_759 = arith.constant 0 : i32
      %cond3A_760 = arith.cmpi ne, %convert_element_type3A_758, %cond3A_759 : i32
      scf.if %cond3A_760 {
        %mul3A_781 = arith.constant 128 : i32
        %mul3A_782 = arith.muli %add3A_754, %mul3A_781 : i32
        %mul3A_783 = arith.constant 128 : i32
        %mul3A_784 = arith.muli %add3A_754, %mul3A_783 : i32
        %mul3A_785 = arith.constant 128 : i32
        %mul3A_786 = arith.muli %add3A_754, %mul3A_785 : i32
        %add3A_787 = arith.constant 64 : i32
        %add3A_788 = arith.addi %mul3A_786, %add3A_787 : i32
        %dma_wait3A_789 = arith.constant 0 : i32
        %dma_wait3A_790 = tpu.memref_slice %arg8[%dma_wait3A_789] : memref<128xi32, #tpu.memory_space<vmem>> -> memref<128xi32, #tpu.memory_space<vmem>>
        %dma_wait3A_791 = tpu.memref_slice %arg4[%mul3A_782] : memref<800000xi32, #tpu.memory_space<hbm>> -> memref<128xi32, #tpu.memory_space<hbm>>
        %dma_wait3A_792 = arith.constant 0 : i32
        %dma_wait3A_793 = tpu.memref_slice %arg8[%dma_wait3A_792] : memref<128xi32, #tpu.memory_space<vmem>> -> memref<128xi32, #tpu.memory_space<vmem>>
        %dma_wait3A_794 = tpu.memref_slice %arg4[%mul3A_782] : memref<800000xi32, #tpu.memory_space<hbm>> -> memref<128xi32, #tpu.memory_space<hbm>>
        tpu.wait_dma2 semaphore(%arg23 : memref<!tpu.dma_semaphore, #tpu.memory_space<semaphore_mem>>) src(%dma_wait3A_794 : memref<128xi32, #tpu.memory_space<hbm>>) dst(%dma_wait3A_793 : memref<128xi32, #tpu.memory_space<vmem>>)
        %dma_wait3A_795 = arith.constant 0 : i32
        %dma_wait3A_796 = arith.constant 0 : i32
        %dma_wait3A_797 = tpu.memref_slice %arg10[%dma_wait3A_795, %dma_wait3A_796] : memref<2x64xi32, #tpu.memory_space<vmem>> -> memref<1x64xi32, #tpu.memory_space<vmem>>
        %dma_wait3A_798 = tpu.memref_squeeze %dma_wait3A_797 : memref<1x64xi32, #tpu.memory_space<vmem>> -> memref<64xi32, #tpu.memory_space<vmem>>
        %dma_wait3A_799 = tpu.memref_slice %arg3[%mul3A_784] : memref<800000xi32, #tpu.memory_space<hbm>> -> memref<64xi32, #tpu.memory_space<hbm>>
        %dma_wait3A_800 = arith.constant 0 : i32
        %dma_wait3A_801 = tpu.memref_slice %arg10[%dma_wait3A_795, %dma_wait3A_800] : memref<2x64xi32, #tpu.memory_space<vmem>> -> memref<1x64xi32, #tpu.memory_space<vmem>>
        %dma_wait3A_802 = tpu.memref_squeeze %dma_wait3A_801 : memref<1x64xi32, #tpu.memory_space<vmem>> -> memref<64xi32, #tpu.memory_space<vmem>>
        %dma_wait3A_803 = tpu.memref_slice %arg3[%mul3A_784] : memref<800000xi32, #tpu.memory_space<hbm>> -> memref<64xi32, #tpu.memory_space<hbm>>
        tpu.wait_dma2 semaphore(%arg23 : memref<!tpu.dma_semaphore, #tpu.memory_space<semaphore_mem>>) src(%dma_wait3A_803 : memref<64xi32, #tpu.memory_space<hbm>>) dst(%dma_wait3A_802 : memref<64xi32, #tpu.memory_space<vmem>>)
        %dma_wait3A_804 = arith.constant 1 : i32
        %dma_wait3A_805 = arith.constant 0 : i32
        %dma_wait3A_806 = tpu.memref_slice %arg10[%dma_wait3A_804, %dma_wait3A_805] : memref<2x64xi32, #tpu.memory_space<vmem>> -> memref<1x64xi32, #tpu.memory_space<vmem>>
        %dma_wait3A_807 = tpu.memref_squeeze %dma_wait3A_806 : memref<1x64xi32, #tpu.memory_space<vmem>> -> memref<64xi32, #tpu.memory_space<vmem>>
        %dma_wait3A_808 = tpu.memref_slice %arg3[%add3A_788] : memref<800000xi32, #tpu.memory_space<hbm>> -> memref<64xi32, #tpu.memory_space<hbm>>
        %dma_wait3A_809 = arith.constant 0 : i32
        %dma_wait3A_810 = tpu.memref_slice %arg10[%dma_wait3A_804, %dma_wait3A_809] : memref<2x64xi32, #tpu.memory_space<vmem>> -> memref<1x64xi32, #tpu.memory_space<vmem>>
        %dma_wait3A_811 = tpu.memref_squeeze %dma_wait3A_810 : memref<1x64xi32, #tpu.memory_space<vmem>> -> memref<64xi32, #tpu.memory_space<vmem>>
        %dma_wait3A_812 = tpu.memref_slice %arg3[%add3A_788] : memref<800000xi32, #tpu.memory_space<hbm>> -> memref<64xi32, #tpu.memory_space<hbm>>
        tpu.wait_dma2 semaphore(%arg23 : memref<!tpu.dma_semaphore, #tpu.memory_space<semaphore_mem>>) src(%dma_wait3A_812 : memref<64xi32, #tpu.memory_space<hbm>>) dst(%dma_wait3A_811 : memref<64xi32, #tpu.memory_space<vmem>>)
        %dma_start3A_813 = arith.constant 0 : i32
        %dma_start3A_814 = tpu.memref_slice %arg8[%dma_start3A_813] : memref<128xi32, #tpu.memory_space<vmem>> -> memref<64xi32, #tpu.memory_space<vmem>>
        %dma_start3A_815 = arith.constant 0 : i32
        %dma_start3A_816 = arith.constant 0 : i32
        %dma_start3A_817 = tpu.memref_slice %arg2[%dma_start3A_815, %dma_start3A_816] : memref<100000x64xf32, #tpu.memory_space<hbm>> -> memref<100000x64xf32, #tpu.memory_space<hbm>>
        tpu.enqueue_indirect_dma source(%dma_start3A_817 : memref<100000x64xf32, #tpu.memory_space<hbm>>) target(%arg16 : memref<64x64xf32, #tpu.memory_space<vmem>>) offsets(%dma_start3A_814 : memref<64xi32, #tpu.memory_space<vmem>>) semaphore(%arg27 : memref<!tpu.dma_semaphore, #tpu.memory_space<semaphore_mem>>)
      } else {
      }
      %dma_wait3A_761 = arith.constant 64 : i32
      %dma_wait3A_762 = tpu.memref_slice %arg9[%dma_wait3A_761] : memref<128xi32, #tpu.memory_space<vmem>> -> memref<64xi32, #tpu.memory_space<vmem>>
      %dma_wait3A_763 = arith.constant 0 : i32
      %dma_wait3A_764 = arith.constant 0 : i32
      %dma_wait3A_765 = tpu.memref_slice %arg2[%dma_wait3A_763, %dma_wait3A_764] : memref<100000x64xf32, #tpu.memory_space<hbm>> -> memref<100000x64xf32, #tpu.memory_space<hbm>>
      tpu.wait_indirect_dma semaphore(%arg28 : memref<!tpu.dma_semaphore, #tpu.memory_space<semaphore_mem>>) src(%dma_wait3A_765 : memref<100000x64xf32, #tpu.memory_space<hbm>>) dst(%arg17 : memref<64x64xf32, #tpu.memory_space<vmem>>)
      %ge3A_766 = arith.constant 2 : i32
      %ge3A_767 = arith.cmpi sge, %add3A_725, %ge3A_766 : i32
      %convert_element_type3A_768 = arith.extui %ge3A_767 : i1 to i32
      %cond3A_769 = arith.constant 0 : i32
      %cond3A_770 = arith.cmpi ne, %convert_element_type3A_768, %cond3A_769 : i32
      scf.if %cond3A_770 {
        %dma_wait3A_781 = arith.constant 0 : i32
        %dma_wait3A_782 = arith.constant 0 : i32
        %dma_wait3A_783 = tpu.memref_slice %arg22[%dma_wait3A_781, %dma_wait3A_782] : memref<50048x32xf32, #tpu.memory_space<vmem_shared>> -> memref<50048x32xf32, #tpu.memory_space<vmem_shared>>
        tpu.wait_indirect_dma semaphore(%arg30 : memref<!tpu.dma_semaphore, #tpu.memory_space<semaphore_mem>>) src(%arg19 : memref<64x32xf32, #tpu.memory_space<vmem>>) dst(%dma_wait3A_783 : memref<50048x32xf32, #tpu.memory_space<vmem_shared>>)
      } else {
      }
      %parallel_loop3A_771 = arith.constant 0 : i32
      %parallel_loop3A_772 = arith.constant 4 : i32
      %parallel_loop3A_773 = arith.constant 1 : i32
      scf.for %parallel_loop3A_781 = %parallel_loop3A_771 to %parallel_loop3A_772 step %parallel_loop3A_773  : i32 {
        %parallel_loop3A_782 = arith.constant 16 : i32
        %parallel_loop3A_783 = arith.muli %parallel_loop3A_781, %parallel_loop3A_782 : i32
        %parallel_loop3A_784 = arith.constant 1 : i32
        %parallel_loop3A_785 = arith.index_cast %parallel_loop3A_784 : i32 to index
        %parallel_loop3A_786 = arith.index_cast %parallel_loop3A_783 : i32 to index
        %parallel_loop3A_787 = tpu.vector_load %arg11[%parallel_loop3A_785, %parallel_loop3A_786] {strides = array<i32>} : memref<2x64xi32, #tpu.memory_space<vmem>>, vector<16xi32>,
        %parallel_loop3A_788 = arith.constant 16 : i32
        %parallel_loop3A_789 = arith.muli %parallel_loop3A_781, %parallel_loop3A_788 : i32
        %parallel_loop3A_790 = arith.index_cast %parallel_loop3A_789 : i32 to index
        %parallel_loop3A_791 = tpu.vector_load %arg21[%parallel_loop3A_790] {strides = array<i32>} : memref<64xi32, #tpu.memory_space<vmem>>, vector<16xi32>,
        tpu.vector_store %arg21[%parallel_loop3A_790], %parallel_loop3A_787 {strides = array<i32>} : memref<64xi32, #tpu.memory_space<vmem>>, vector<16xi32>,
      } {sc.loop_unroll_factor = 1 : i64, sc.parallel_access}
      %parallel_loop3A_774 = arith.constant 0 : i32
      %parallel_loop3A_775 = arith.constant 64 : i32
      %parallel_loop3A_776 = arith.constant 1 : i32
      scf.for %parallel_loop3A_781 = %parallel_loop3A_774 to %parallel_loop3A_775 step %parallel_loop3A_776  : i32 {
        %parallel_loop3A_782 = arith.index_cast %parallel_loop3A_781 : i32 to index
        %parallel_loop3A_783 = arith.constant 0 : index
        %parallel_loop3A_784 = tpu.vector_load %arg17[%parallel_loop3A_782, %parallel_loop3A_783] {strides = array<i32>} : memref<64x64xf32, #tpu.memory_space<vmem>>, vector<16xf32>,
        %parallel_loop3A_785 = arith.index_cast %parallel_loop3A_781 : i32 to index
        %parallel_loop3A_786 = arith.constant 16 : index
        %parallel_loop3A_787 = tpu.vector_load %arg17[%parallel_loop3A_785, %parallel_loop3A_786] {strides = array<i32>} : memref<64x64xf32, #tpu.memory_space<vmem>>, vector<16xf32>,
        %parallel_loop3A_788 = arith.index_cast %parallel_loop3A_781 : i32 to index
        %parallel_loop3A_789 = arith.constant 32 : index
        %parallel_loop3A_790 = tpu.vector_load %arg17[%parallel_loop3A_788, %parallel_loop3A_789] {strides = array<i32>} : memref<64x64xf32, #tpu.memory_space<vmem>>, vector<16xf32>,
        %parallel_loop3A_791 = arith.index_cast %parallel_loop3A_781 : i32 to index
        %parallel_loop3A_792 = arith.constant 48 : index
        %parallel_loop3A_793 = tpu.vector_load %arg17[%parallel_loop3A_791, %parallel_loop3A_792] {strides = array<i32>} : memref<64x64xf32, #tpu.memory_space<vmem>>, vector<16xf32>,
        %parallel_loop3A_794 = arith.constant 64 : i32
        %parallel_loop3A_795 = arith.addi %parallel_loop3A_781, %parallel_loop3A_794 : i32
        %parallel_loop3A_796 = vector.broadcast %parallel_loop3A_795 : i32 to vector<16xi32>
        %parallel_loop3A_797 = tpu.vector_load_idx %arg13[%iota3A, %parallel_loop3A_796] : memref<16x136xf32, #tpu.memory_space<vmem>>[vector<16xi32>, vector<16xi32>], vector<16xf32>,
        %parallel_loop3A_798 = tpu.vector_load_idx %arg15[%iota3A, %parallel_loop3A_796] : memref<48x136xf32, #tpu.memory_space<vmem>>[vector<16xi32>, vector<16xi32>], vector<16xf32>,
        %parallel_loop3A_799 = tpu.vector_load_idx %arg15[%add3A_10, %parallel_loop3A_796] : memref<48x136xf32, #tpu.memory_space<vmem>>[vector<16xi32>, vector<16xi32>], vector<16xf32>,
        %parallel_loop3A_800 = tpu.vector_load_idx %arg15[%add3A_13, %parallel_loop3A_796] : memref<48x136xf32, #tpu.memory_space<vmem>>[vector<16xi32>, vector<16xi32>], vector<16xf32>,
        %parallel_loop3A_801 = arith.mulf %parallel_loop3A_784, %parallel_loop3A_797 : vector<16xf32>
        %parallel_loop3A_802 = arith.mulf %parallel_loop3A_787, %parallel_loop3A_798 : vector<16xf32>
        %parallel_loop3A_803 = arith.addf %parallel_loop3A_801, %parallel_loop3A_802 : vector<16xf32>
        %parallel_loop3A_804 = arith.mulf %parallel_loop3A_790, %parallel_loop3A_799 : vector<16xf32>
        %parallel_loop3A_805 = arith.addf %parallel_loop3A_803, %parallel_loop3A_804 : vector<16xf32>
        %parallel_loop3A_806 = arith.mulf %parallel_loop3A_793, %parallel_loop3A_800 : vector<16xf32>
        %parallel_loop3A_807 = arith.addf %parallel_loop3A_805, %parallel_loop3A_806 : vector<16xf32>
        %parallel_loop3A_808 = arith.mulf %parallel_loop3A_784, %parallel_loop3A_798 : vector<16xf32>
        %parallel_loop3A_809 = arith.mulf %parallel_loop3A_787, %parallel_loop3A_797 : vector<16xf32>
        %parallel_loop3A_810 = arith.addf %parallel_loop3A_808, %parallel_loop3A_809 : vector<16xf32>
        %parallel_loop3A_811 = arith.mulf %parallel_loop3A_784, %parallel_loop3A_799 : vector<16xf32>
        %parallel_loop3A_812 = arith.mulf %parallel_loop3A_790, %parallel_loop3A_797 : vector<16xf32>
        %parallel_loop3A_813 = arith.addf %parallel_loop3A_811, %parallel_loop3A_812 : vector<16xf32>
        %parallel_loop3A_814 = arith.mulf %parallel_loop3A_784, %parallel_loop3A_800 : vector<16xf32>
        %parallel_loop3A_815 = arith.mulf %parallel_loop3A_793, %parallel_loop3A_797 : vector<16xf32>
        %parallel_loop3A_816 = arith.addf %parallel_loop3A_814, %parallel_loop3A_815 : vector<16xf32>
        %parallel_loop3A_817 = arith.select %eq3A_5, %parallel_loop3A_807, %parallel_loop3A_813 : vector<16xi1>, vector<16xf32>
        %parallel_loop3A_818 = arith.index_cast %parallel_loop3A_781 : i32 to index
        %parallel_loop3A_819 = arith.constant 0 : index
        %parallel_loop3A_820 = tpu.vector_load %arg19[%parallel_loop3A_818, %parallel_loop3A_819] {strides = array<i32>} : memref<64x32xf32, #tpu.memory_space<vmem>>, vector<16xf32>,
        tpu.vector_store %arg19[%parallel_loop3A_818, %parallel_loop3A_819], %parallel_loop3A_817 {strides = array<i32>} : memref<64x32xf32, #tpu.memory_space<vmem>>, vector<16xf32>,
        %parallel_loop3A_821 = arith.select %eq3A_5, %parallel_loop3A_810, %parallel_loop3A_816 : vector<16xi1>, vector<16xf32>
        %parallel_loop3A_822 = arith.index_cast %parallel_loop3A_781 : i32 to index
        %parallel_loop3A_823 = arith.constant 16 : index
        %parallel_loop3A_824 = tpu.vector_load %arg19[%parallel_loop3A_822, %parallel_loop3A_823] {strides = array<i32>} : memref<64x32xf32, #tpu.memory_space<vmem>>, vector<16xf32>,
        tpu.vector_store %arg19[%parallel_loop3A_822, %parallel_loop3A_823], %parallel_loop3A_821 {strides = array<i32>} : memref<64x32xf32, #tpu.memory_space<vmem>>, vector<16xf32>,
      } {sc.loop_unroll_factor = 2 : i64, sc.parallel_access}
      %dma_start3A_777 = arith.constant 0 : i32
      %dma_start3A_778 = arith.constant 0 : i32
      %dma_start3A_779 = tpu.memref_slice %arg22[%dma_start3A_777, %dma_start3A_778] : memref<50048x32xf32, #tpu.memory_space<vmem_shared>> -> memref<50048x32xf32, #tpu.memory_space<vmem_shared>>
      tpu.enqueue_indirect_dma source(%arg19 : memref<64x32xf32, #tpu.memory_space<vmem>>) target(%dma_start3A_779 : memref<50048x32xf32, #tpu.memory_space<vmem_shared>>) offsets(%arg21 : memref<64xi32, #tpu.memory_space<vmem>>) semaphore(%arg30 : memref<!tpu.dma_semaphore, #tpu.memory_space<semaphore_mem>>) {add = true}
      %scan3A_780 = arith.constant 0 : i32
      scf.yield %scan3A_780 : i32
    }
    %scan3A_299 = arith.constant 195 : i32
    %lt3A_300 = arith.constant 10 : i32
    %lt3A_301 = arith.cmpi slt, %arg1, %lt3A_300 : i32
    %convert_element_type3A = arith.extui %lt3A_301 : i1 to i32
    %cond3A = arith.constant 0 : i32
    %cond3A_302 = arith.cmpi ne, %convert_element_type3A, %cond3A : i32
    scf.if %cond3A_302 {
      %add3A_313 = arith.constant 6256 : i32
      %add3A_314 = arith.addi %arg1, %add3A_313 : i32
      %gt3A = arith.constant 391 : i32
      %gt3A_315 = arith.cmpi sgt, %select_n3A, %gt3A : i32
      %convert_element_type3A_316 = arith.extui %gt3A_315 : i1 to i32
      %cond3A_317 = arith.constant 0 : i32
      %cond3A_318 = arith.cmpi ne, %convert_element_type3A_316, %cond3A_317 : i32
      scf.if %cond3A_318 {
        %mul3A_479 = arith.constant 128 : i32
        %mul3A_480 = arith.muli %add3A_314, %mul3A_479 : i32
        %mul3A_481 = arith.constant 128 : i32
        %mul3A_482 = arith.muli %add3A_314, %mul3A_481 : i32
        %mul3A_483 = arith.constant 128 : i32
        %mul3A_484 = arith.muli %add3A_314, %mul3A_483 : i32
        %add3A_485 = arith.constant 64 : i32
        %add3A_486 = arith.addi %mul3A_484, %add3A_485 : i32
        %dma_start3A_487 = arith.constant 0 : i32
        %dma_start3A_488 = tpu.memref_slice %arg9[%dma_start3A_487] : memref<128xi32, #tpu.memory_space<vmem>> -> memref<128xi32, #tpu.memory_space<vmem>>
        %dma_start3A_489 = tpu.memref_slice %arg4[%mul3A_480] : memref<800000xi32, #tpu.memory_space<hbm>> -> memref<128xi32, #tpu.memory_space<hbm>>
        %dma_start3A_490 = arith.constant 0 : i32
        %dma_start3A_491 = tpu.memref_slice %arg9[%dma_start3A_490] : memref<128xi32, #tpu.memory_space<vmem>> -> memref<128xi32, #tpu.memory_space<vmem>>
        %dma_start3A_492 = tpu.memref_slice %arg4[%mul3A_480] : memref<800000xi32, #tpu.memory_space<hbm>> -> memref<128xi32, #tpu.memory_space<hbm>>
        tpu.enqueue_dma source(%dma_start3A_492 : memref<128xi32, #tpu.memory_space<hbm>>) target(%dma_start3A_491 : memref<128xi32, #tpu.memory_space<vmem>>) target_semaphore(%arg24 : memref<!tpu.dma_semaphore, #tpu.memory_space<semaphore_mem>>)
        %dma_start3A_493 = arith.constant 0 : i32
        %dma_start3A_494 = arith.constant 0 : i32
        %dma_start3A_495 = tpu.memref_slice %arg11[%dma_start3A_493, %dma_start3A_494] : memref<2x64xi32, #tpu.memory_space<vmem>> -> memref<1x64xi32, #tpu.memory_space<vmem>>
        %dma_start3A_496 = tpu.memref_squeeze %dma_start3A_495 : memref<1x64xi32, #tpu.memory_space<vmem>> -> memref<64xi32, #tpu.memory_space<vmem>>
        %dma_start3A_497 = tpu.memref_slice %arg3[%mul3A_482] : memref<800000xi32, #tpu.memory_space<hbm>> -> memref<64xi32, #tpu.memory_space<hbm>>
        %dma_start3A_498 = arith.constant 0 : i32
        %dma_start3A_499 = tpu.memref_slice %arg11[%dma_start3A_493, %dma_start3A_498] : memref<2x64xi32, #tpu.memory_space<vmem>> -> memref<1x64xi32, #tpu.memory_space<vmem>>
        %dma_start3A_500 = tpu.memref_squeeze %dma_start3A_499 : memref<1x64xi32, #tpu.memory_space<vmem>> -> memref<64xi32, #tpu.memory_space<vmem>>
        %dma_start3A_501 = tpu.memref_slice %arg3[%mul3A_482] : memref<800000xi32, #tpu.memory_space<hbm>> -> memref<64xi32, #tpu.memory_space<hbm>>
        tpu.enqueue_dma source(%dma_start3A_501 : memref<64xi32, #tpu.memory_space<hbm>>) target(%dma_start3A_500 : memref<64xi32, #tpu.memory_space<vmem>>) target_semaphore(%arg24 : memref<!tpu.dma_semaphore, #tpu.memory_space<semaphore_mem>>)
        %dma_start3A_502 = arith.constant 1 : i32
        %dma_start3A_503 = arith.constant 0 : i32
        %dma_start3A_504 = tpu.memref_slice %arg11[%dma_start3A_502, %dma_start3A_503] : memref<2x64xi32, #tpu.memory_space<vmem>> -> memref<1x64xi32, #tpu.memory_space<vmem>>
        %dma_start3A_505 = tpu.memref_squeeze %dma_start3A_504 : memref<1x64xi32, #tpu.memory_space<vmem>> -> memref<64xi32, #tpu.memory_space<vmem>>
        %dma_start3A_506 = tpu.memref_slice %arg3[%add3A_486] : memref<800000xi32, #tpu.memory_space<hbm>> -> memref<64xi32, #tpu.memory_space<hbm>>
        %dma_start3A_507 = arith.constant 0 : i32
        %dma_start3A_508 = tpu.memref_slice %arg11[%dma_start3A_502, %dma_start3A_507] : memref<2x64xi32, #tpu.memory_space<vmem>> -> memref<1x64xi32, #tpu.memory_space<vmem>>
        %dma_start3A_509 = tpu.memref_squeeze %dma_start3A_508 : memref<1x64xi32, #tpu.memory_space<vmem>> -> memref<64xi32, #tpu.memory_space<vmem>>
        %dma_start3A_510 = tpu.memref_slice %arg3[%add3A_486] : memref<800000xi32, #tpu.memory_space<hbm>> -> memref<64xi32, #tpu.memory_space<hbm>>
        tpu.enqueue_dma source(%dma_start3A_510 : memref<64xi32, #tpu.memory_space<hbm>>) target(%dma_start3A_509 : memref<64xi32, #tpu.memory_space<vmem>>) target_semaphore(%arg24 : memref<!tpu.dma_semaphore, #tpu.memory_space<semaphore_mem>>)
        %add3A_511 = arith.constant 0 : i32
        %add3A_512 = arith.addi %add3A_511, %add3A_314 : i32
        %mul3A_513 = arith.constant 8 : i32
        %mul3A_514 = arith.muli %add3A_512, %mul3A_513 : i32
        %add3A_515 = arith.constant 6250 : i32
        %add3A_516 = arith.addi %add3A_515, %add3A_314 : i32
        %mul3A_517 = arith.constant 8 : i32
        %mul3A_518 = arith.muli %add3A_516, %mul3A_517 : i32
        %add3A_519 = arith.constant 0 : i32
        %add3A_520 = arith.addi %add3A_519, %add3A_314 : i32
        %mul3A_521 = arith.constant 8 : i32
        %mul3A_522 = arith.muli %add3A_520, %mul3A_521 : i32
        %add3A_523 = arith.constant 6250 : i32
        %add3A_524 = arith.addi %add3A_523, %add3A_314 : i32
        %mul3A_525 = arith.constant 8 : i32
        %mul3A_526 = arith.muli %add3A_524, %mul3A_525 : i32
        %add3A_527 = arith.constant 12500 : i32
        %add3A_528 = arith.addi %add3A_527, %add3A_314 : i32
        %mul3A_529 = arith.constant 8 : i32
        %mul3A_530 = arith.muli %add3A_528, %mul3A_529 : i32
        %add3A_531 = arith.constant 18750 : i32
        %add3A_532 = arith.addi %add3A_531, %add3A_314 : i32
        %mul3A_533 = arith.constant 8 : i32
        %mul3A_534 = arith.muli %add3A_532, %mul3A_533 : i32
        %add3A_535 = arith.constant 25000 : i32
        %add3A_536 = arith.addi %add3A_535, %add3A_314 : i32
        %mul3A_537 = arith.constant 8 : i32
        %mul3A_538 = arith.muli %add3A_536, %mul3A_537 : i32
        %add3A_539 = arith.constant 31250 : i32
        %add3A_540 = arith.addi %add3A_539, %add3A_314 : i32
        %mul3A_541 = arith.constant 8 : i32
        %mul3A_542 = arith.muli %add3A_540, %mul3A_541 : i32
        %dma_start3A_543 = arith.constant 0 : i32
        %dma_start3A_544 = arith.constant 0 : i32
        %dma_start3A_545 = tpu.memref_slice %arg13[%dma_start3A_543, %dma_start3A_544] : memref<16x136xf32, #tpu.memory_space<vmem>> -> memref<8x128xf32, #tpu.memory_space<vmem>>
        %dma_start3A_546 = arith.constant 0 : i32
        %dma_start3A_547 = tpu.memref_slice %arg5[%mul3A_514, %dma_start3A_546] : memref<100000x128xf32, #tpu.memory_space<hbm>> -> memref<8x128xf32, #tpu.memory_space<hbm>>
        %dma_start3A_548 = arith.constant 0 : i32
        %dma_start3A_549 = arith.constant 0 : i32
        %dma_start3A_550 = tpu.memref_slice %arg13[%dma_start3A_548, %dma_start3A_549] : memref<16x136xf32, #tpu.memory_space<vmem>> -> memref<8x128xf32, #tpu.memory_space<vmem>>
        %dma_start3A_551 = arith.constant 0 : i32
        %dma_start3A_552 = tpu.memref_slice %arg5[%mul3A_514, %dma_start3A_551] : memref<100000x128xf32, #tpu.memory_space<hbm>> -> memref<8x128xf32, #tpu.memory_space<hbm>>
        tpu.enqueue_dma source(%dma_start3A_552 : memref<8x128xf32, #tpu.memory_space<hbm>>) target(%dma_start3A_550 : memref<8x128xf32, #tpu.memory_space<vmem>>) target_semaphore(%arg26 : memref<!tpu.dma_semaphore, #tpu.memory_space<semaphore_mem>>)
        %dma_start3A_553 = arith.constant 8 : i32
        %dma_start3A_554 = arith.constant 0 : i32
        %dma_start3A_555 = tpu.memref_slice %arg13[%dma_start3A_553, %dma_start3A_554] : memref<16x136xf32, #tpu.memory_space<vmem>> -> memref<8x128xf32, #tpu.memory_space<vmem>>
        %dma_start3A_556 = arith.constant 0 : i32
        %dma_start3A_557 = tpu.memref_slice %arg5[%mul3A_518, %dma_start3A_556] : memref<100000x128xf32, #tpu.memory_space<hbm>> -> memref<8x128xf32, #tpu.memory_space<hbm>>
        %dma_start3A_558 = arith.constant 8 : i32
        %dma_start3A_559 = arith.constant 0 : i32
        %dma_start3A_560 = tpu.memref_slice %arg13[%dma_start3A_558, %dma_start3A_559] : memref<16x136xf32, #tpu.memory_space<vmem>> -> memref<8x128xf32, #tpu.memory_space<vmem>>
        %dma_start3A_561 = arith.constant 0 : i32
        %dma_start3A_562 = tpu.memref_slice %arg5[%mul3A_518, %dma_start3A_561] : memref<100000x128xf32, #tpu.memory_space<hbm>> -> memref<8x128xf32, #tpu.memory_space<hbm>>
        tpu.enqueue_dma source(%dma_start3A_562 : memref<8x128xf32, #tpu.memory_space<hbm>>) target(%dma_start3A_560 : memref<8x128xf32, #tpu.memory_space<vmem>>) target_semaphore(%arg26 : memref<!tpu.dma_semaphore, #tpu.memory_space<semaphore_mem>>)
        %dma_start3A_563 = arith.constant 0 : i32
        %dma_start3A_564 = arith.constant 0 : i32
        %dma_start3A_565 = tpu.memref_slice %arg15[%dma_start3A_563, %dma_start3A_564] : memref<48x136xf32, #tpu.memory_space<vmem>> -> memref<8x128xf32, #tpu.memory_space<vmem>>
        %dma_start3A_566 = arith.constant 0 : i32
        %dma_start3A_567 = tpu.memref_slice %arg6[%mul3A_522, %dma_start3A_566] : memref<300000x128xf32, #tpu.memory_space<hbm>> -> memref<8x128xf32, #tpu.memory_space<hbm>>
        %dma_start3A_568 = arith.constant 0 : i32
        %dma_start3A_569 = arith.constant 0 : i32
        %dma_start3A_570 = tpu.memref_slice %arg15[%dma_start3A_568, %dma_start3A_569] : memref<48x136xf32, #tpu.memory_space<vmem>> -> memref<8x128xf32, #tpu.memory_space<vmem>>
        %dma_start3A_571 = arith.constant 0 : i32
        %dma_start3A_572 = tpu.memref_slice %arg6[%mul3A_522, %dma_start3A_571] : memref<300000x128xf32, #tpu.memory_space<hbm>> -> memref<8x128xf32, #tpu.memory_space<hbm>>
        tpu.enqueue_dma source(%dma_start3A_572 : memref<8x128xf32, #tpu.memory_space<hbm>>) target(%dma_start3A_570 : memref<8x128xf32, #tpu.memory_space<vmem>>) target_semaphore(%arg26 : memref<!tpu.dma_semaphore, #tpu.memory_space<semaphore_mem>>)
        %dma_start3A_573 = arith.constant 8 : i32
        %dma_start3A_574 = arith.constant 0 : i32
        %dma_start3A_575 = tpu.memref_slice %arg15[%dma_start3A_573, %dma_start3A_574] : memref<48x136xf32, #tpu.memory_space<vmem>> -> memref<8x128xf32, #tpu.memory_space<vmem>>
        %dma_start3A_576 = arith.constant 0 : i32
        %dma_start3A_577 = tpu.memref_slice %arg6[%mul3A_526, %dma_start3A_576] : memref<300000x128xf32, #tpu.memory_space<hbm>> -> memref<8x128xf32, #tpu.memory_space<hbm>>
        %dma_start3A_578 = arith.constant 8 : i32
        %dma_start3A_579 = arith.constant 0 : i32
        %dma_start3A_580 = tpu.memref_slice %arg15[%dma_start3A_578, %dma_start3A_579] : memref<48x136xf32, #tpu.memory_space<vmem>> -> memref<8x128xf32, #tpu.memory_space<vmem>>
        %dma_start3A_581 = arith.constant 0 : i32
        %dma_start3A_582 = tpu.memref_slice %arg6[%mul3A_526, %dma_start3A_581] : memref<300000x128xf32, #tpu.memory_space<hbm>> -> memref<8x128xf32, #tpu.memory_space<hbm>>
        tpu.enqueue_dma source(%dma_start3A_582 : memref<8x128xf32, #tpu.memory_space<hbm>>) target(%dma_start3A_580 : memref<8x128xf32, #tpu.memory_space<vmem>>) target_semaphore(%arg26 : memref<!tpu.dma_semaphore, #tpu.memory_space<semaphore_mem>>)
        %dma_start3A_583 = arith.constant 16 : i32
        %dma_start3A_584 = arith.constant 0 : i32
        %dma_start3A_585 = tpu.memref_slice %arg15[%dma_start3A_583, %dma_start3A_584] : memref<48x136xf32, #tpu.memory_space<vmem>> -> memref<8x128xf32, #tpu.memory_space<vmem>>
        %dma_start3A_586 = arith.constant 0 : i32
        %dma_start3A_587 = tpu.memref_slice %arg6[%mul3A_530, %dma_start3A_586] : memref<300000x128xf32, #tpu.memory_space<hbm>> -> memref<8x128xf32, #tpu.memory_space<hbm>>
        %dma_start3A_588 = arith.constant 16 : i32
        %dma_start3A_589 = arith.constant 0 : i32
        %dma_start3A_590 = tpu.memref_slice %arg15[%dma_start3A_588, %dma_start3A_589] : memref<48x136xf32, #tpu.memory_space<vmem>> -> memref<8x128xf32, #tpu.memory_space<vmem>>
        %dma_start3A_591 = arith.constant 0 : i32
        %dma_start3A_592 = tpu.memref_slice %arg6[%mul3A_530, %dma_start3A_591] : memref<300000x128xf32, #tpu.memory_space<hbm>> -> memref<8x128xf32, #tpu.memory_space<hbm>>
        tpu.enqueue_dma source(%dma_start3A_592 : memref<8x128xf32, #tpu.memory_space<hbm>>) target(%dma_start3A_590 : memref<8x128xf32, #tpu.memory_space<vmem>>) target_semaphore(%arg26 : memref<!tpu.dma_semaphore, #tpu.memory_space<semaphore_mem>>)
        %dma_start3A_593 = arith.constant 24 : i32
        %dma_start3A_594 = arith.constant 0 : i32
        %dma_start3A_595 = tpu.memref_slice %arg15[%dma_start3A_593, %dma_start3A_594] : memref<48x136xf32, #tpu.memory_space<vmem>> -> memref<8x128xf32, #tpu.memory_space<vmem>>
        %dma_start3A_596 = arith.constant 0 : i32
        %dma_start3A_597 = tpu.memref_slice %arg6[%mul3A_534, %dma_start3A_596] : memref<300000x128xf32, #tpu.memory_space<hbm>> -> memref<8x128xf32, #tpu.memory_space<hbm>>
        %dma_start3A_598 = arith.constant 24 : i32
        %dma_start3A_599 = arith.constant 0 : i32
        %dma_start3A_600 = tpu.memref_slice %arg15[%dma_start3A_598, %dma_start3A_599] : memref<48x136xf32, #tpu.memory_space<vmem>> -> memref<8x128xf32, #tpu.memory_space<vmem>>
        %dma_start3A_601 = arith.constant 0 : i32
        %dma_start3A_602 = tpu.memref_slice %arg6[%mul3A_534, %dma_start3A_601] : memref<300000x128xf32, #tpu.memory_space<hbm>> -> memref<8x128xf32, #tpu.memory_space<hbm>>
        tpu.enqueue_dma source(%dma_start3A_602 : memref<8x128xf32, #tpu.memory_space<hbm>>) target(%dma_start3A_600 : memref<8x128xf32, #tpu.memory_space<vmem>>) target_semaphore(%arg26 : memref<!tpu.dma_semaphore, #tpu.memory_space<semaphore_mem>>)
        %dma_start3A_603 = arith.constant 32 : i32
        %dma_start3A_604 = arith.constant 0 : i32
        %dma_start3A_605 = tpu.memref_slice %arg15[%dma_start3A_603, %dma_start3A_604] : memref<48x136xf32, #tpu.memory_space<vmem>> -> memref<8x128xf32, #tpu.memory_space<vmem>>
        %dma_start3A_606 = arith.constant 0 : i32
        %dma_start3A_607 = tpu.memref_slice %arg6[%mul3A_538, %dma_start3A_606] : memref<300000x128xf32, #tpu.memory_space<hbm>> -> memref<8x128xf32, #tpu.memory_space<hbm>>
        %dma_start3A_608 = arith.constant 32 : i32
        %dma_start3A_609 = arith.constant 0 : i32
        %dma_start3A_610 = tpu.memref_slice %arg15[%dma_start3A_608, %dma_start3A_609] : memref<48x136xf32, #tpu.memory_space<vmem>> -> memref<8x128xf32, #tpu.memory_space<vmem>>
        %dma_start3A_611 = arith.constant 0 : i32
        %dma_start3A_612 = tpu.memref_slice %arg6[%mul3A_538, %dma_start3A_611] : memref<300000x128xf32, #tpu.memory_space<hbm>> -> memref<8x128xf32, #tpu.memory_space<hbm>>
        tpu.enqueue_dma source(%dma_start3A_612 : memref<8x128xf32, #tpu.memory_space<hbm>>) target(%dma_start3A_610 : memref<8x128xf32, #tpu.memory_space<vmem>>) target_semaphore(%arg26 : memref<!tpu.dma_semaphore, #tpu.memory_space<semaphore_mem>>)
        %dma_start3A_613 = arith.constant 40 : i32
        %dma_start3A_614 = arith.constant 0 : i32
        %dma_start3A_615 = tpu.memref_slice %arg15[%dma_start3A_613, %dma_start3A_614] : memref<48x136xf32, #tpu.memory_space<vmem>> -> memref<8x128xf32, #tpu.memory_space<vmem>>
        %dma_start3A_616 = arith.constant 0 : i32
        %dma_start3A_617 = tpu.memref_slice %arg6[%mul3A_542, %dma_start3A_616] : memref<300000x128xf32, #tpu.memory_space<hbm>> -> memref<8x128xf32, #tpu.memory_space<hbm>>
        %dma_start3A_618 = arith.constant 40 : i32
        %dma_start3A_619 = arith.constant 0 : i32
        %dma_start3A_620 = tpu.memref_slice %arg15[%dma_start3A_618, %dma_start3A_619] : memref<48x136xf32, #tpu.memory_space<vmem>> -> memref<8x128xf32, #tpu.memory_space<vmem>>
        %dma_start3A_621 = arith.constant 0 : i32
        %dma_start3A_622 = tpu.memref_slice %arg6[%mul3A_542, %dma_start3A_621] : memref<300000x128xf32, #tpu.memory_space<hbm>> -> memref<8x128xf32, #tpu.memory_space<hbm>>
        tpu.enqueue_dma source(%dma_start3A_622 : memref<8x128xf32, #tpu.memory_space<hbm>>) target(%dma_start3A_620 : memref<8x128xf32, #tpu.memory_space<vmem>>) target_semaphore(%arg26 : memref<!tpu.dma_semaphore, #tpu.memory_space<semaphore_mem>>)
      } else {
      }
      %dma_start3A_319 = arith.constant 64 : i32
      %dma_start3A_320 = tpu.memref_slice %arg8[%dma_start3A_319] : memref<128xi32, #tpu.memory_space<vmem>> -> memref<64xi32, #tpu.memory_space<vmem>>
      %dma_start3A_321 = arith.constant 0 : i32
      %dma_start3A_322 = arith.constant 0 : i32
      %dma_start3A_323 = tpu.memref_slice %arg2[%dma_start3A_321, %dma_start3A_322] : memref<100000x64xf32, #tpu.memory_space<hbm>> -> memref<100000x64xf32, #tpu.memory_space<hbm>>
      tpu.enqueue_indirect_dma source(%dma_start3A_323 : memref<100000x64xf32, #tpu.memory_space<hbm>>) target(%arg17 : memref<64x64xf32, #tpu.memory_space<vmem>>) offsets(%dma_start3A_320 : memref<64xi32, #tpu.memory_space<vmem>>) semaphore(%arg28 : memref<!tpu.dma_semaphore, #tpu.memory_space<semaphore_mem>>)
      %dma_wait3A_324 = arith.constant 0 : i32
      %dma_wait3A_325 = tpu.memref_slice %arg8[%dma_wait3A_324] : memref<128xi32, #tpu.memory_space<vmem>> -> memref<64xi32, #tpu.memory_space<vmem>>
      %dma_wait3A_326 = arith.constant 0 : i32
      %dma_wait3A_327 = arith.constant 0 : i32
      %dma_wait3A_328 = tpu.memref_slice %arg2[%dma_wait3A_326, %dma_wait3A_327] : memref<100000x64xf32, #tpu.memory_space<hbm>> -> memref<100000x64xf32, #tpu.memory_space<hbm>>
      tpu.wait_indirect_dma semaphore(%arg27 : memref<!tpu.dma_semaphore, #tpu.memory_space<semaphore_mem>>) src(%dma_wait3A_328 : memref<100000x64xf32, #tpu.memory_space<hbm>>) dst(%arg16 : memref<64x64xf32, #tpu.memory_space<vmem>>)
      %dma_wait3A_329 = arith.constant 0 : i32
      %dma_wait3A_330 = arith.constant 0 : i32
      %dma_wait3A_331 = tpu.memref_slice %arg22[%dma_wait3A_329, %dma_wait3A_330] : memref<50048x32xf32, #tpu.memory_space<vmem_shared>> -> memref<50048x32xf32, #tpu.memory_space<vmem_shared>>
      tpu.wait_indirect_dma semaphore(%arg29 : memref<!tpu.dma_semaphore, #tpu.memory_space<semaphore_mem>>) src(%arg18 : memref<64x32xf32, #tpu.memory_space<vmem>>) dst(%dma_wait3A_331 : memref<50048x32xf32, #tpu.memory_space<vmem_shared>>)
      %add3A_332 = arith.constant 6240 : i32
      %add3A_333 = arith.addi %arg1, %add3A_332 : i32
      %add3A_334 = arith.constant 0 : i32
      %add3A_335 = arith.addi %add3A_334, %add3A_333 : i32
      %mul3A_336 = arith.constant 8 : i32
      %mul3A_337 = arith.muli %add3A_335, %mul3A_336 : i32
      %add3A_338 = arith.constant 6250 : i32
      %add3A_339 = arith.addi %add3A_338, %add3A_333 : i32
      %mul3A_340 = arith.constant 8 : i32
      %mul3A_341 = arith.muli %add3A_339, %mul3A_340 : i32
      %add3A_342 = arith.constant 0 : i32
      %add3A_343 = arith.addi %add3A_342, %add3A_333 : i32
      %mul3A_344 = arith.constant 8 : i32
      %mul3A_345 = arith.muli %add3A_343, %mul3A_344 : i32
      %add3A_346 = arith.constant 6250 : i32
      %add3A_347 = arith.addi %add3A_346, %add3A_333 : i32
      %mul3A_348 = arith.constant 8 : i32
      %mul3A_349 = arith.muli %add3A_347, %mul3A_348 : i32
      %add3A_350 = arith.constant 12500 : i32
      %add3A_351 = arith.addi %add3A_350, %add3A_333 : i32
      %mul3A_352 = arith.constant 8 : i32
      %mul3A_353 = arith.muli %add3A_351, %mul3A_352 : i32
      %add3A_354 = arith.constant 18750 : i32
      %add3A_355 = arith.addi %add3A_354, %add3A_333 : i32
      %mul3A_356 = arith.constant 8 : i32
      %mul3A_357 = arith.muli %add3A_355, %mul3A_356 : i32
      %add3A_358 = arith.constant 25000 : i32
      %add3A_359 = arith.addi %add3A_358, %add3A_333 : i32
      %mul3A_360 = arith.constant 8 : i32
      %mul3A_361 = arith.muli %add3A_359, %mul3A_360 : i32
      %add3A_362 = arith.constant 31250 : i32
      %add3A_363 = arith.addi %add3A_362, %add3A_333 : i32
      %mul3A_364 = arith.constant 8 : i32
      %mul3A_365 = arith.muli %add3A_363, %mul3A_364 : i32
      %dma_wait3A_366 = arith.constant 0 : i32
      %dma_wait3A_367 = arith.constant 0 : i32
      %dma_wait3A_368 = tpu.memref_slice %arg12[%dma_wait3A_366, %dma_wait3A_367] : memref<16x136xf32, #tpu.memory_space<vmem>> -> memref<8x128xf32, #tpu.memory_space<vmem>>
      %dma_wait3A_369 = arith.constant 0 : i32
      %dma_wait3A_370 = tpu.memref_slice %arg5[%mul3A_337, %dma_wait3A_369] : memref<100000x128xf32, #tpu.memory_space<hbm>> -> memref<8x128xf32, #tpu.memory_space<hbm>>
      %dma_wait3A_371 = arith.constant 0 : i32
      %dma_wait3A_372 = arith.constant 0 : i32
      %dma_wait3A_373 = tpu.memref_slice %arg12[%dma_wait3A_371, %dma_wait3A_372] : memref<16x136xf32, #tpu.memory_space<vmem>> -> memref<8x128xf32, #tpu.memory_space<vmem>>
      %dma_wait3A_374 = arith.constant 0 : i32
      %dma_wait3A_375 = tpu.memref_slice %arg5[%mul3A_337, %dma_wait3A_374] : memref<100000x128xf32, #tpu.memory_space<hbm>> -> memref<8x128xf32, #tpu.memory_space<hbm>>
      tpu.wait_dma2 semaphore(%arg25 : memref<!tpu.dma_semaphore, #tpu.memory_space<semaphore_mem>>) src(%dma_wait3A_375 : memref<8x128xf32, #tpu.memory_space<hbm>>) dst(%dma_wait3A_373 : memref<8x128xf32, #tpu.memory_space<vmem>>)
      %dma_wait3A_376 = arith.constant 8 : i32
      %dma_wait3A_377 = arith.constant 0 : i32
      %dma_wait3A_378 = tpu.memref_slice %arg12[%dma_wait3A_376, %dma_wait3A_377] : memref<16x136xf32, #tpu.memory_space<vmem>> -> memref<8x128xf32, #tpu.memory_space<vmem>>
      %dma_wait3A_379 = arith.constant 0 : i32
      %dma_wait3A_380 = tpu.memref_slice %arg5[%mul3A_341, %dma_wait3A_379] : memref<100000x128xf32, #tpu.memory_space<hbm>> -> memref<8x128xf32, #tpu.memory_space<hbm>>
      %dma_wait3A_381 = arith.constant 8 : i32
      %dma_wait3A_382 = arith.constant 0 : i32
      %dma_wait3A_383 = tpu.memref_slice %arg12[%dma_wait3A_381, %dma_wait3A_382] : memref<16x136xf32, #tpu.memory_space<vmem>> -> memref<8x128xf32, #tpu.memory_space<vmem>>
      %dma_wait3A_384 = arith.constant 0 : i32
      %dma_wait3A_385 = tpu.memref_slice %arg5[%mul3A_341, %dma_wait3A_384] : memref<100000x128xf32, #tpu.memory_space<hbm>> -> memref<8x128xf32, #tpu.memory_space<hbm>>
      tpu.wait_dma2 semaphore(%arg25 : memref<!tpu.dma_semaphore, #tpu.memory_space<semaphore_mem>>) src(%dma_wait3A_385 : memref<8x128xf32, #tpu.memory_space<hbm>>) dst(%dma_wait3A_383 : memref<8x128xf32, #tpu.memory_space<vmem>>)
      %dma_wait3A_386 = arith.constant 0 : i32
      %dma_wait3A_387 = arith.constant 0 : i32
      %dma_wait3A_388 = tpu.memref_slice %arg14[%dma_wait3A_386, %dma_wait3A_387] : memref<48x136xf32, #tpu.memory_space<vmem>> -> memref<8x128xf32, #tpu.memory_space<vmem>>
      %dma_wait3A_389 = arith.constant 0 : i32
      %dma_wait3A_390 = tpu.memref_slice %arg6[%mul3A_345, %dma_wait3A_389] : memref<300000x128xf32, #tpu.memory_space<hbm>> -> memref<8x128xf32, #tpu.memory_space<hbm>>
      %dma_wait3A_391 = arith.constant 0 : i32
      %dma_wait3A_392 = arith.constant 0 : i32
      %dma_wait3A_393 = tpu.memref_slice %arg14[%dma_wait3A_391, %dma_wait3A_392] : memref<48x136xf32, #tpu.memory_space<vmem>> -> memref<8x128xf32, #tpu.memory_space<vmem>>
      %dma_wait3A_394 = arith.constant 0 : i32
      %dma_wait3A_395 = tpu.memref_slice %arg6[%mul3A_345, %dma_wait3A_394] : memref<300000x128xf32, #tpu.memory_space<hbm>> -> memref<8x128xf32, #tpu.memory_space<hbm>>
      tpu.wait_dma2 semaphore(%arg25 : memref<!tpu.dma_semaphore, #tpu.memory_space<semaphore_mem>>) src(%dma_wait3A_395 : memref<8x128xf32, #tpu.memory_space<hbm>>) dst(%dma_wait3A_393 : memref<8x128xf32, #tpu.memory_space<vmem>>)
      %dma_wait3A_396 = arith.constant 8 : i32
      %dma_wait3A_397 = arith.constant 0 : i32
      %dma_wait3A_398 = tpu.memref_slice %arg14[%dma_wait3A_396, %dma_wait3A_397] : memref<48x136xf32, #tpu.memory_space<vmem>> -> memref<8x128xf32, #tpu.memory_space<vmem>>
      %dma_wait3A_399 = arith.constant 0 : i32
      %dma_wait3A_400 = tpu.memref_slice %arg6[%mul3A_349, %dma_wait3A_399] : memref<300000x128xf32, #tpu.memory_space<hbm>> -> memref<8x128xf32, #tpu.memory_space<hbm>>
      %dma_wait3A_401 = arith.constant 8 : i32
      %dma_wait3A_402 = arith.constant 0 : i32
      %dma_wait3A_403 = tpu.memref_slice %arg14[%dma_wait3A_401, %dma_wait3A_402] : memref<48x136xf32, #tpu.memory_space<vmem>> -> memref<8x128xf32, #tpu.memory_space<vmem>>
      %dma_wait3A_404 = arith.constant 0 : i32
      %dma_wait3A_405 = tpu.memref_slice %arg6[%mul3A_349, %dma_wait3A_404] : memref<300000x128xf32, #tpu.memory_space<hbm>> -> memref<8x128xf32, #tpu.memory_space<hbm>>
      tpu.wait_dma2 semaphore(%arg25 : memref<!tpu.dma_semaphore, #tpu.memory_space<semaphore_mem>>) src(%dma_wait3A_405 : memref<8x128xf32, #tpu.memory_space<hbm>>) dst(%dma_wait3A_403 : memref<8x128xf32, #tpu.memory_space<vmem>>)
      %dma_wait3A_406 = arith.constant 16 : i32
      %dma_wait3A_407 = arith.constant 0 : i32
      %dma_wait3A_408 = tpu.memref_slice %arg14[%dma_wait3A_406, %dma_wait3A_407] : memref<48x136xf32, #tpu.memory_space<vmem>> -> memref<8x128xf32, #tpu.memory_space<vmem>>
      %dma_wait3A_409 = arith.constant 0 : i32
      %dma_wait3A_410 = tpu.memref_slice %arg6[%mul3A_353, %dma_wait3A_409] : memref<300000x128xf32, #tpu.memory_space<hbm>> -> memref<8x128xf32, #tpu.memory_space<hbm>>
      %dma_wait3A_411 = arith.constant 16 : i32
      %dma_wait3A_412 = arith.constant 0 : i32
      %dma_wait3A_413 = tpu.memref_slice %arg14[%dma_wait3A_411, %dma_wait3A_412] : memref<48x136xf32, #tpu.memory_space<vmem>> -> memref<8x128xf32, #tpu.memory_space<vmem>>
      %dma_wait3A_414 = arith.constant 0 : i32
      %dma_wait3A_415 = tpu.memref_slice %arg6[%mul3A_353, %dma_wait3A_414] : memref<300000x128xf32, #tpu.memory_space<hbm>> -> memref<8x128xf32, #tpu.memory_space<hbm>>
      tpu.wait_dma2 semaphore(%arg25 : memref<!tpu.dma_semaphore, #tpu.memory_space<semaphore_mem>>) src(%dma_wait3A_415 : memref<8x128xf32, #tpu.memory_space<hbm>>) dst(%dma_wait3A_413 : memref<8x128xf32, #tpu.memory_space<vmem>>)
      %dma_wait3A_416 = arith.constant 24 : i32
      %dma_wait3A_417 = arith.constant 0 : i32
      %dma_wait3A_418 = tpu.memref_slice %arg14[%dma_wait3A_416, %dma_wait3A_417] : memref<48x136xf32, #tpu.memory_space<vmem>> -> memref<8x128xf32, #tpu.memory_space<vmem>>
      %dma_wait3A_419 = arith.constant 0 : i32
      %dma_wait3A_420 = tpu.memref_slice %arg6[%mul3A_357, %dma_wait3A_419] : memref<300000x128xf32, #tpu.memory_space<hbm>> -> memref<8x128xf32, #tpu.memory_space<hbm>>
      %dma_wait3A_421 = arith.constant 24 : i32
      %dma_wait3A_422 = arith.constant 0 : i32
      %dma_wait3A_423 = tpu.memref_slice %arg14[%dma_wait3A_421, %dma_wait3A_422] : memref<48x136xf32, #tpu.memory_space<vmem>> -> memref<8x128xf32, #tpu.memory_space<vmem>>
      %dma_wait3A_424 = arith.constant 0 : i32
      %dma_wait3A_425 = tpu.memref_slice %arg6[%mul3A_357, %dma_wait3A_424] : memref<300000x128xf32, #tpu.memory_space<hbm>> -> memref<8x128xf32, #tpu.memory_space<hbm>>
      tpu.wait_dma2 semaphore(%arg25 : memref<!tpu.dma_semaphore, #tpu.memory_space<semaphore_mem>>) src(%dma_wait3A_425 : memref<8x128xf32, #tpu.memory_space<hbm>>) dst(%dma_wait3A_423 : memref<8x128xf32, #tpu.memory_space<vmem>>)
      %dma_wait3A_426 = arith.constant 32 : i32
      %dma_wait3A_427 = arith.constant 0 : i32
      %dma_wait3A_428 = tpu.memref_slice %arg14[%dma_wait3A_426, %dma_wait3A_427] : memref<48x136xf32, #tpu.memory_space<vmem>> -> memref<8x128xf32, #tpu.memory_space<vmem>>
      %dma_wait3A_429 = arith.constant 0 : i32
      %dma_wait3A_430 = tpu.memref_slice %arg6[%mul3A_361, %dma_wait3A_429] : memref<300000x128xf32, #tpu.memory_space<hbm>> -> memref<8x128xf32, #tpu.memory_space<hbm>>
      %dma_wait3A_431 = arith.constant 32 : i32
      %dma_wait3A_432 = arith.constant 0 : i32
      %dma_wait3A_433 = tpu.memref_slice %arg14[%dma_wait3A_431, %dma_wait3A_432] : memref<48x136xf32, #tpu.memory_space<vmem>> -> memref<8x128xf32, #tpu.memory_space<vmem>>
      %dma_wait3A_434 = arith.constant 0 : i32
      %dma_wait3A_435 = tpu.memref_slice %arg6[%mul3A_361, %dma_wait3A_434] : memref<300000x128xf32, #tpu.memory_space<hbm>> -> memref<8x128xf32, #tpu.memory_space<hbm>>
      tpu.wait_dma2 semaphore(%arg25 : memref<!tpu.dma_semaphore, #tpu.memory_space<semaphore_mem>>) src(%dma_wait3A_435 : memref<8x128xf32, #tpu.memory_space<hbm>>) dst(%dma_wait3A_433 : memref<8x128xf32, #tpu.memory_space<vmem>>)
      %dma_wait3A_436 = arith.constant 40 : i32
      %dma_wait3A_437 = arith.constant 0 : i32
      %dma_wait3A_438 = tpu.memref_slice %arg14[%dma_wait3A_436, %dma_wait3A_437] : memref<48x136xf32, #tpu.memory_space<vmem>> -> memref<8x128xf32, #tpu.memory_space<vmem>>
      %dma_wait3A_439 = arith.constant 0 : i32
      %dma_wait3A_440 = tpu.memref_slice %arg6[%mul3A_365, %dma_wait3A_439] : memref<300000x128xf32, #tpu.memory_space<hbm>> -> memref<8x128xf32, #tpu.memory_space<hbm>>
      %dma_wait3A_441 = arith.constant 40 : i32
      %dma_wait3A_442 = arith.constant 0 : i32
      %dma_wait3A_443 = tpu.memref_slice %arg14[%dma_wait3A_441, %dma_wait3A_442] : memref<48x136xf32, #tpu.memory_space<vmem>> -> memref<8x128xf32, #tpu.memory_space<vmem>>
      %dma_wait3A_444 = arith.constant 0 : i32
      %dma_wait3A_445 = tpu.memref_slice %arg6[%mul3A_365, %dma_wait3A_444] : memref<300000x128xf32, #tpu.memory_space<hbm>> -> memref<8x128xf32, #tpu.memory_space<hbm>>
      tpu.wait_dma2 semaphore(%arg25 : memref<!tpu.dma_semaphore, #tpu.memory_space<semaphore_mem>>) src(%dma_wait3A_445 : memref<8x128xf32, #tpu.memory_space<hbm>>) dst(%dma_wait3A_443 : memref<8x128xf32, #tpu.memory_space<vmem>>)
      %parallel_loop3A_446 = arith.constant 0 : i32
      %parallel_loop3A_447 = arith.constant 4 : i32
      %parallel_loop3A_448 = arith.constant 1 : i32
      scf.for %parallel_loop3A_479 = %parallel_loop3A_446 to %parallel_loop3A_447 step %parallel_loop3A_448  : i32 {
        %parallel_loop3A_480 = arith.constant 16 : i32
        %parallel_loop3A_481 = arith.muli %parallel_loop3A_479, %parallel_loop3A_480 : i32
        %parallel_loop3A_482 = arith.constant 0 : i32
        %parallel_loop3A_483 = arith.index_cast %parallel_loop3A_482 : i32 to index
        %parallel_loop3A_484 = arith.index_cast %parallel_loop3A_481 : i32 to index
        %parallel_loop3A_485 = tpu.vector_load %arg10[%parallel_loop3A_483, %parallel_loop3A_484] {strides = array<i32>} : memref<2x64xi32, #tpu.memory_space<vmem>>, vector<16xi32>,
        %parallel_loop3A_486 = arith.constant 16 : i32
        %parallel_loop3A_487 = arith.muli %parallel_loop3A_479, %parallel_loop3A_486 : i32
        %parallel_loop3A_488 = arith.index_cast %parallel_loop3A_487 : i32 to index
        %parallel_loop3A_489 = tpu.vector_load %arg20[%parallel_loop3A_488] {strides = array<i32>} : memref<64xi32, #tpu.memory_space<vmem>>, vector<16xi32>,
        tpu.vector_store %arg20[%parallel_loop3A_488], %parallel_loop3A_485 {strides = array<i32>} : memref<64xi32, #tpu.memory_space<vmem>>, vector<16xi32>,
      } {sc.loop_unroll_factor = 1 : i64, sc.parallel_access}
      %parallel_loop3A_449 = arith.constant 0 : i32
      %parallel_loop3A_450 = arith.constant 64 : i32
      %parallel_loop3A_451 = arith.constant 1 : i32
      scf.for %parallel_loop3A_479 = %parallel_loop3A_449 to %parallel_loop3A_450 step %parallel_loop3A_451  : i32 {
        %parallel_loop3A_480 = arith.index_cast %parallel_loop3A_479 : i32 to index
        %parallel_loop3A_481 = arith.constant 0 : index
        %parallel_loop3A_482 = tpu.vector_load %arg16[%parallel_loop3A_480, %parallel_loop3A_481] {strides = array<i32>} : memref<64x64xf32, #tpu.memory_space<vmem>>, vector<16xf32>,
        %parallel_loop3A_483 = arith.index_cast %parallel_loop3A_479 : i32 to index
        %parallel_loop3A_484 = arith.constant 16 : index
        %parallel_loop3A_485 = tpu.vector_load %arg16[%parallel_loop3A_483, %parallel_loop3A_484] {strides = array<i32>} : memref<64x64xf32, #tpu.memory_space<vmem>>, vector<16xf32>,
        %parallel_loop3A_486 = arith.index_cast %parallel_loop3A_479 : i32 to index
        %parallel_loop3A_487 = arith.constant 32 : index
        %parallel_loop3A_488 = tpu.vector_load %arg16[%parallel_loop3A_486, %parallel_loop3A_487] {strides = array<i32>} : memref<64x64xf32, #tpu.memory_space<vmem>>, vector<16xf32>,
        %parallel_loop3A_489 = arith.index_cast %parallel_loop3A_479 : i32 to index
        %parallel_loop3A_490 = arith.constant 48 : index
        %parallel_loop3A_491 = tpu.vector_load %arg16[%parallel_loop3A_489, %parallel_loop3A_490] {strides = array<i32>} : memref<64x64xf32, #tpu.memory_space<vmem>>, vector<16xf32>,
        %parallel_loop3A_492 = arith.constant 0 : i32
        %parallel_loop3A_493 = arith.addi %parallel_loop3A_479, %parallel_loop3A_492 : i32
        %parallel_loop3A_494 = vector.broadcast %parallel_loop3A_493 : i32 to vector<16xi32>
        %parallel_loop3A_495 = tpu.vector_load_idx %arg12[%iota3A, %parallel_loop3A_494] : memref<16x136xf32, #tpu.memory_space<vmem>>[vector<16xi32>, vector<16xi32>], vector<16xf32>,
        %parallel_loop3A_496 = tpu.vector_load_idx %arg14[%iota3A, %parallel_loop3A_494] : memref<48x136xf32, #tpu.memory_space<vmem>>[vector<16xi32>, vector<16xi32>], vector<16xf32>,
        %parallel_loop3A_497 = tpu.vector_load_idx %arg14[%add3A_10, %parallel_loop3A_494] : memref<48x136xf32, #tpu.memory_space<vmem>>[vector<16xi32>, vector<16xi32>], vector<16xf32>,
        %parallel_loop3A_498 = tpu.vector_load_idx %arg14[%add3A_13, %parallel_loop3A_494] : memref<48x136xf32, #tpu.memory_space<vmem>>[vector<16xi32>, vector<16xi32>], vector<16xf32>,
        %parallel_loop3A_499 = arith.mulf %parallel_loop3A_482, %parallel_loop3A_495 : vector<16xf32>
        %parallel_loop3A_500 = arith.mulf %parallel_loop3A_485, %parallel_loop3A_496 : vector<16xf32>
        %parallel_loop3A_501 = arith.addf %parallel_loop3A_499, %parallel_loop3A_500 : vector<16xf32>
        %parallel_loop3A_502 = arith.mulf %parallel_loop3A_488, %parallel_loop3A_497 : vector<16xf32>
        %parallel_loop3A_503 = arith.addf %parallel_loop3A_501, %parallel_loop3A_502 : vector<16xf32>
        %parallel_loop3A_504 = arith.mulf %parallel_loop3A_491, %parallel_loop3A_498 : vector<16xf32>
        %parallel_loop3A_505 = arith.addf %parallel_loop3A_503, %parallel_loop3A_504 : vector<16xf32>
        %parallel_loop3A_506 = arith.mulf %parallel_loop3A_482, %parallel_loop3A_496 : vector<16xf32>
        %parallel_loop3A_507 = arith.mulf %parallel_loop3A_485, %parallel_loop3A_495 : vector<16xf32>
        %parallel_loop3A_508 = arith.addf %parallel_loop3A_506, %parallel_loop3A_507 : vector<16xf32>
        %parallel_loop3A_509 = arith.mulf %parallel_loop3A_482, %parallel_loop3A_497 : vector<16xf32>
        %parallel_loop3A_510 = arith.mulf %parallel_loop3A_488, %parallel_loop3A_495 : vector<16xf32>
        %parallel_loop3A_511 = arith.addf %parallel_loop3A_509, %parallel_loop3A_510 : vector<16xf32>
        %parallel_loop3A_512 = arith.mulf %parallel_loop3A_482, %parallel_loop3A_498 : vector<16xf32>
        %parallel_loop3A_513 = arith.mulf %parallel_loop3A_491, %parallel_loop3A_495 : vector<16xf32>
        %parallel_loop3A_514 = arith.addf %parallel_loop3A_512, %parallel_loop3A_513 : vector<16xf32>
        %parallel_loop3A_515 = arith.select %eq3A_5, %parallel_loop3A_505, %parallel_loop3A_511 : vector<16xi1>, vector<16xf32>
        %parallel_loop3A_516 = arith.index_cast %parallel_loop3A_479 : i32 to index
        %parallel_loop3A_517 = arith.constant 0 : index
        %parallel_loop3A_518 = tpu.vector_load %arg18[%parallel_loop3A_516, %parallel_loop3A_517] {strides = array<i32>} : memref<64x32xf32, #tpu.memory_space<vmem>>, vector<16xf32>,
        tpu.vector_store %arg18[%parallel_loop3A_516, %parallel_loop3A_517], %parallel_loop3A_515 {strides = array<i32>} : memref<64x32xf32, #tpu.memory_space<vmem>>, vector<16xf32>,
        %parallel_loop3A_519 = arith.select %eq3A_5, %parallel_loop3A_508, %parallel_loop3A_514 : vector<16xi1>, vector<16xf32>
        %parallel_loop3A_520 = arith.index_cast %parallel_loop3A_479 : i32 to index
        %parallel_loop3A_521 = arith.constant 16 : index
        %parallel_loop3A_522 = tpu.vector_load %arg18[%parallel_loop3A_520, %parallel_loop3A_521] {strides = array<i32>} : memref<64x32xf32, #tpu.memory_space<vmem>>, vector<16xf32>,
        tpu.vector_store %arg18[%parallel_loop3A_520, %parallel_loop3A_521], %parallel_loop3A_519 {strides = array<i32>} : memref<64x32xf32, #tpu.memory_space<vmem>>, vector<16xf32>,
      } {sc.loop_unroll_factor = 2 : i64, sc.parallel_access}
      %dma_start3A_452 = arith.constant 0 : i32
      %dma_start3A_453 = arith.constant 0 : i32
      %dma_start3A_454 = tpu.memref_slice %arg22[%dma_start3A_452, %dma_start3A_453] : memref<50048x32xf32, #tpu.memory_space<vmem_shared>> -> memref<50048x32xf32, #tpu.memory_space<vmem_shared>>
      tpu.enqueue_indirect_dma source(%arg18 : memref<64x32xf32, #tpu.memory_space<vmem>>) target(%dma_start3A_454 : memref<50048x32xf32, #tpu.memory_space<vmem_shared>>) offsets(%arg20 : memref<64xi32, #tpu.memory_space<vmem>>) semaphore(%arg29 : memref<!tpu.dma_semaphore, #tpu.memory_space<semaphore_mem>>) {add = true}
      %add3A_455 = arith.constant 6256 : i32
      %add3A_456 = arith.addi %arg1, %add3A_455 : i32
      %gt3A_457 = arith.constant 391 : i32
      %gt3A_458 = arith.cmpi sgt, %select_n3A, %gt3A_457 : i32
      %convert_element_type3A_459 = arith.extui %gt3A_458 : i1 to i32
      %cond3A_460 = arith.constant 0 : i32
      %cond3A_461 = arith.cmpi ne, %convert_element_type3A_459, %cond3A_460 : i32
      scf.if %cond3A_461 {
        %mul3A_479 = arith.constant 128 : i32
        %mul3A_480 = arith.muli %add3A_456, %mul3A_479 : i32
        %mul3A_481 = arith.constant 128 : i32
        %mul3A_482 = arith.muli %add3A_456, %mul3A_481 : i32
        %mul3A_483 = arith.constant 128 : i32
        %mul3A_484 = arith.muli %add3A_456, %mul3A_483 : i32
        %add3A_485 = arith.constant 64 : i32
        %add3A_486 = arith.addi %mul3A_484, %add3A_485 : i32
        %dma_wait3A_487 = arith.constant 0 : i32
        %dma_wait3A_488 = tpu.memref_slice %arg9[%dma_wait3A_487] : memref<128xi32, #tpu.memory_space<vmem>> -> memref<128xi32, #tpu.memory_space<vmem>>
        %dma_wait3A_489 = tpu.memref_slice %arg4[%mul3A_480] : memref<800000xi32, #tpu.memory_space<hbm>> -> memref<128xi32, #tpu.memory_space<hbm>>
        %dma_wait3A_490 = arith.constant 0 : i32
        %dma_wait3A_491 = tpu.memref_slice %arg9[%dma_wait3A_490] : memref<128xi32, #tpu.memory_space<vmem>> -> memref<128xi32, #tpu.memory_space<vmem>>
        %dma_wait3A_492 = tpu.memref_slice %arg4[%mul3A_480] : memref<800000xi32, #tpu.memory_space<hbm>> -> memref<128xi32, #tpu.memory_space<hbm>>
        tpu.wait_dma2 semaphore(%arg24 : memref<!tpu.dma_semaphore, #tpu.memory_space<semaphore_mem>>) src(%dma_wait3A_492 : memref<128xi32, #tpu.memory_space<hbm>>) dst(%dma_wait3A_491 : memref<128xi32, #tpu.memory_space<vmem>>)
        %dma_wait3A_493 = arith.constant 0 : i32
        %dma_wait3A_494 = arith.constant 0 : i32
        %dma_wait3A_495 = tpu.memref_slice %arg11[%dma_wait3A_493, %dma_wait3A_494] : memref<2x64xi32, #tpu.memory_space<vmem>> -> memref<1x64xi32, #tpu.memory_space<vmem>>
        %dma_wait3A_496 = tpu.memref_squeeze %dma_wait3A_495 : memref<1x64xi32, #tpu.memory_space<vmem>> -> memref<64xi32, #tpu.memory_space<vmem>>
        %dma_wait3A_497 = tpu.memref_slice %arg3[%mul3A_482] : memref<800000xi32, #tpu.memory_space<hbm>> -> memref<64xi32, #tpu.memory_space<hbm>>
        %dma_wait3A_498 = arith.constant 0 : i32
        %dma_wait3A_499 = tpu.memref_slice %arg11[%dma_wait3A_493, %dma_wait3A_498] : memref<2x64xi32, #tpu.memory_space<vmem>> -> memref<1x64xi32, #tpu.memory_space<vmem>>
        %dma_wait3A_500 = tpu.memref_squeeze %dma_wait3A_499 : memref<1x64xi32, #tpu.memory_space<vmem>> -> memref<64xi32, #tpu.memory_space<vmem>>
        %dma_wait3A_501 = tpu.memref_slice %arg3[%mul3A_482] : memref<800000xi32, #tpu.memory_space<hbm>> -> memref<64xi32, #tpu.memory_space<hbm>>
        tpu.wait_dma2 semaphore(%arg24 : memref<!tpu.dma_semaphore, #tpu.memory_space<semaphore_mem>>) src(%dma_wait3A_501 : memref<64xi32, #tpu.memory_space<hbm>>) dst(%dma_wait3A_500 : memref<64xi32, #tpu.memory_space<vmem>>)
        %dma_wait3A_502 = arith.constant 1 : i32
        %dma_wait3A_503 = arith.constant 0 : i32
        %dma_wait3A_504 = tpu.memref_slice %arg11[%dma_wait3A_502, %dma_wait3A_503] : memref<2x64xi32, #tpu.memory_space<vmem>> -> memref<1x64xi32, #tpu.memory_space<vmem>>
        %dma_wait3A_505 = tpu.memref_squeeze %dma_wait3A_504 : memref<1x64xi32, #tpu.memory_space<vmem>> -> memref<64xi32, #tpu.memory_space<vmem>>
        %dma_wait3A_506 = tpu.memref_slice %arg3[%add3A_486] : memref<800000xi32, #tpu.memory_space<hbm>> -> memref<64xi32, #tpu.memory_space<hbm>>
        %dma_wait3A_507 = arith.constant 0 : i32
        %dma_wait3A_508 = tpu.memref_slice %arg11[%dma_wait3A_502, %dma_wait3A_507] : memref<2x64xi32, #tpu.memory_space<vmem>> -> memref<1x64xi32, #tpu.memory_space<vmem>>
        %dma_wait3A_509 = tpu.memref_squeeze %dma_wait3A_508 : memref<1x64xi32, #tpu.memory_space<vmem>> -> memref<64xi32, #tpu.memory_space<vmem>>
        %dma_wait3A_510 = tpu.memref_slice %arg3[%add3A_486] : memref<800000xi32, #tpu.memory_space<hbm>> -> memref<64xi32, #tpu.memory_space<hbm>>
        tpu.wait_dma2 semaphore(%arg24 : memref<!tpu.dma_semaphore, #tpu.memory_space<semaphore_mem>>) src(%dma_wait3A_510 : memref<64xi32, #tpu.memory_space<hbm>>) dst(%dma_wait3A_509 : memref<64xi32, #tpu.memory_space<vmem>>)
        %dma_start3A_511 = arith.constant 0 : i32
        %dma_start3A_512 = tpu.memref_slice %arg9[%dma_start3A_511] : memref<128xi32, #tpu.memory_space<vmem>> -> memref<64xi32, #tpu.memory_space<vmem>>
        %dma_start3A_513 = arith.constant 0 : i32
        %dma_start3A_514 = arith.constant 0 : i32
        %dma_start3A_515 = tpu.memref_slice %arg2[%dma_start3A_513, %dma_start3A_514] : memref<100000x64xf32, #tpu.memory_space<hbm>> -> memref<100000x64xf32, #tpu.memory_space<hbm>>
        tpu.enqueue_indirect_dma source(%dma_start3A_515 : memref<100000x64xf32, #tpu.memory_space<hbm>>) target(%arg16 : memref<64x64xf32, #tpu.memory_space<vmem>>) offsets(%dma_start3A_512 : memref<64xi32, #tpu.memory_space<vmem>>) semaphore(%arg27 : memref<!tpu.dma_semaphore, #tpu.memory_space<semaphore_mem>>)
      } else {
      }
      %dma_wait3A_462 = arith.constant 64 : i32
      %dma_wait3A_463 = tpu.memref_slice %arg8[%dma_wait3A_462] : memref<128xi32, #tpu.memory_space<vmem>> -> memref<64xi32, #tpu.memory_space<vmem>>
      %dma_wait3A_464 = arith.constant 0 : i32
      %dma_wait3A_465 = arith.constant 0 : i32
      %dma_wait3A_466 = tpu.memref_slice %arg2[%dma_wait3A_464, %dma_wait3A_465] : memref<100000x64xf32, #tpu.memory_space<hbm>> -> memref<100000x64xf32, #tpu.memory_space<hbm>>
      tpu.wait_indirect_dma semaphore(%arg28 : memref<!tpu.dma_semaphore, #tpu.memory_space<semaphore_mem>>) src(%dma_wait3A_466 : memref<100000x64xf32, #tpu.memory_space<hbm>>) dst(%arg17 : memref<64x64xf32, #tpu.memory_space<vmem>>)
      %dma_wait3A_467 = arith.constant 0 : i32
      %dma_wait3A_468 = arith.constant 0 : i32
      %dma_wait3A_469 = tpu.memref_slice %arg22[%dma_wait3A_467, %dma_wait3A_468] : memref<50048x32xf32, #tpu.memory_space<vmem_shared>> -> memref<50048x32xf32, #tpu.memory_space<vmem_shared>>
      tpu.wait_indirect_dma semaphore(%arg30 : memref<!tpu.dma_semaphore, #tpu.memory_space<semaphore_mem>>) src(%arg19 : memref<64x32xf32, #tpu.memory_space<vmem>>) dst(%dma_wait3A_469 : memref<50048x32xf32, #tpu.memory_space<vmem_shared>>)
      %parallel_loop3A_470 = arith.constant 0 : i32
      %parallel_loop3A_471 = arith.constant 4 : i32
      %parallel_loop3A_472 = arith.constant 1 : i32
      scf.for %parallel_loop3A_479 = %parallel_loop3A_470 to %parallel_loop3A_471 step %parallel_loop3A_472  : i32 {
        %parallel_loop3A_480 = arith.constant 16 : i32
        %parallel_loop3A_481 = arith.muli %parallel_loop3A_479, %parallel_loop3A_480 : i32
        %parallel_loop3A_482 = arith.constant 1 : i32
        %parallel_loop3A_483 = arith.index_cast %parallel_loop3A_482 : i32 to index
        %parallel_loop3A_484 = arith.index_cast %parallel_loop3A_481 : i32 to index
        %parallel_loop3A_485 = tpu.vector_load %arg10[%parallel_loop3A_483, %parallel_loop3A_484] {strides = array<i32>} : memref<2x64xi32, #tpu.memory_space<vmem>>, vector<16xi32>,
        %parallel_loop3A_486 = arith.constant 16 : i32
        %parallel_loop3A_487 = arith.muli %parallel_loop3A_479, %parallel_loop3A_486 : i32
        %parallel_loop3A_488 = arith.index_cast %parallel_loop3A_487 : i32 to index
        %parallel_loop3A_489 = tpu.vector_load %arg21[%parallel_loop3A_488] {strides = array<i32>} : memref<64xi32, #tpu.memory_space<vmem>>, vector<16xi32>,
        tpu.vector_store %arg21[%parallel_loop3A_488], %parallel_loop3A_485 {strides = array<i32>} : memref<64xi32, #tpu.memory_space<vmem>>, vector<16xi32>,
      } {sc.loop_unroll_factor = 1 : i64, sc.parallel_access}
      %parallel_loop3A_473 = arith.constant 0 : i32
      %parallel_loop3A_474 = arith.constant 64 : i32
      %parallel_loop3A_475 = arith.constant 1 : i32
      scf.for %parallel_loop3A_479 = %parallel_loop3A_473 to %parallel_loop3A_474 step %parallel_loop3A_475  : i32 {
        %parallel_loop3A_480 = arith.index_cast %parallel_loop3A_479 : i32 to index
        %parallel_loop3A_481 = arith.constant 0 : index
        %parallel_loop3A_482 = tpu.vector_load %arg17[%parallel_loop3A_480, %parallel_loop3A_481] {strides = array<i32>} : memref<64x64xf32, #tpu.memory_space<vmem>>, vector<16xf32>,
        %parallel_loop3A_483 = arith.index_cast %parallel_loop3A_479 : i32 to index
        %parallel_loop3A_484 = arith.constant 16 : index
        %parallel_loop3A_485 = tpu.vector_load %arg17[%parallel_loop3A_483, %parallel_loop3A_484] {strides = array<i32>} : memref<64x64xf32, #tpu.memory_space<vmem>>, vector<16xf32>,
        %parallel_loop3A_486 = arith.index_cast %parallel_loop3A_479 : i32 to index
        %parallel_loop3A_487 = arith.constant 32 : index
        %parallel_loop3A_488 = tpu.vector_load %arg17[%parallel_loop3A_486, %parallel_loop3A_487] {strides = array<i32>} : memref<64x64xf32, #tpu.memory_space<vmem>>, vector<16xf32>,
        %parallel_loop3A_489 = arith.index_cast %parallel_loop3A_479 : i32 to index
        %parallel_loop3A_490 = arith.constant 48 : index
        %parallel_loop3A_491 = tpu.vector_load %arg17[%parallel_loop3A_489, %parallel_loop3A_490] {strides = array<i32>} : memref<64x64xf32, #tpu.memory_space<vmem>>, vector<16xf32>,
        %parallel_loop3A_492 = arith.constant 64 : i32
        %parallel_loop3A_493 = arith.addi %parallel_loop3A_479, %parallel_loop3A_492 : i32
        %parallel_loop3A_494 = vector.broadcast %parallel_loop3A_493 : i32 to vector<16xi32>
        %parallel_loop3A_495 = tpu.vector_load_idx %arg12[%iota3A, %parallel_loop3A_494] : memref<16x136xf32, #tpu.memory_space<vmem>>[vector<16xi32>, vector<16xi32>], vector<16xf32>,
        %parallel_loop3A_496 = tpu.vector_load_idx %arg14[%iota3A, %parallel_loop3A_494] : memref<48x136xf32, #tpu.memory_space<vmem>>[vector<16xi32>, vector<16xi32>], vector<16xf32>,
        %parallel_loop3A_497 = tpu.vector_load_idx %arg14[%add3A_10, %parallel_loop3A_494] : memref<48x136xf32, #tpu.memory_space<vmem>>[vector<16xi32>, vector<16xi32>], vector<16xf32>,
        %parallel_loop3A_498 = tpu.vector_load_idx %arg14[%add3A_13, %parallel_loop3A_494] : memref<48x136xf32, #tpu.memory_space<vmem>>[vector<16xi32>, vector<16xi32>], vector<16xf32>,
        %parallel_loop3A_499 = arith.mulf %parallel_loop3A_482, %parallel_loop3A_495 : vector<16xf32>
        %parallel_loop3A_500 = arith.mulf %parallel_loop3A_485, %parallel_loop3A_496 : vector<16xf32>
        %parallel_loop3A_501 = arith.addf %parallel_loop3A_499, %parallel_loop3A_500 : vector<16xf32>
        %parallel_loop3A_502 = arith.mulf %parallel_loop3A_488, %parallel_loop3A_497 : vector<16xf32>
        %parallel_loop3A_503 = arith.addf %parallel_loop3A_501, %parallel_loop3A_502 : vector<16xf32>
        %parallel_loop3A_504 = arith.mulf %parallel_loop3A_491, %parallel_loop3A_498 : vector<16xf32>
        %parallel_loop3A_505 = arith.addf %parallel_loop3A_503, %parallel_loop3A_504 : vector<16xf32>
        %parallel_loop3A_506 = arith.mulf %parallel_loop3A_482, %parallel_loop3A_496 : vector<16xf32>
        %parallel_loop3A_507 = arith.mulf %parallel_loop3A_485, %parallel_loop3A_495 : vector<16xf32>
        %parallel_loop3A_508 = arith.addf %parallel_loop3A_506, %parallel_loop3A_507 : vector<16xf32>
        %parallel_loop3A_509 = arith.mulf %parallel_loop3A_482, %parallel_loop3A_497 : vector<16xf32>
        %parallel_loop3A_510 = arith.mulf %parallel_loop3A_488, %parallel_loop3A_495 : vector<16xf32>
        %parallel_loop3A_511 = arith.addf %parallel_loop3A_509, %parallel_loop3A_510 : vector<16xf32>
        %parallel_loop3A_512 = arith.mulf %parallel_loop3A_482, %parallel_loop3A_498 : vector<16xf32>
        %parallel_loop3A_513 = arith.mulf %parallel_loop3A_491, %parallel_loop3A_495 : vector<16xf32>
        %parallel_loop3A_514 = arith.addf %parallel_loop3A_512, %parallel_loop3A_513 : vector<16xf32>
        %parallel_loop3A_515 = arith.select %eq3A_5, %parallel_loop3A_505, %parallel_loop3A_511 : vector<16xi1>, vector<16xf32>
        %parallel_loop3A_516 = arith.index_cast %parallel_loop3A_479 : i32 to index
        %parallel_loop3A_517 = arith.constant 0 : index
        %parallel_loop3A_518 = tpu.vector_load %arg19[%parallel_loop3A_516, %parallel_loop3A_517] {strides = array<i32>} : memref<64x32xf32, #tpu.memory_space<vmem>>, vector<16xf32>,
        tpu.vector_store %arg19[%parallel_loop3A_516, %parallel_loop3A_517], %parallel_loop3A_515 {strides = array<i32>} : memref<64x32xf32, #tpu.memory_space<vmem>>, vector<16xf32>,
        %parallel_loop3A_519 = arith.select %eq3A_5, %parallel_loop3A_508, %parallel_loop3A_514 : vector<16xi1>, vector<16xf32>
        %parallel_loop3A_520 = arith.index_cast %parallel_loop3A_479 : i32 to index
        %parallel_loop3A_521 = arith.constant 16 : index
        %parallel_loop3A_522 = tpu.vector_load %arg19[%parallel_loop3A_520, %parallel_loop3A_521] {strides = array<i32>} : memref<64x32xf32, #tpu.memory_space<vmem>>, vector<16xf32>,
        tpu.vector_store %arg19[%parallel_loop3A_520, %parallel_loop3A_521], %parallel_loop3A_519 {strides = array<i32>} : memref<64x32xf32, #tpu.memory_space<vmem>>, vector<16xf32>,
      } {sc.loop_unroll_factor = 2 : i64, sc.parallel_access}
      %dma_start3A_476 = arith.constant 0 : i32
      %dma_start3A_477 = arith.constant 0 : i32
      %dma_start3A_478 = tpu.memref_slice %arg22[%dma_start3A_476, %dma_start3A_477] : memref<50048x32xf32, #tpu.memory_space<vmem_shared>> -> memref<50048x32xf32, #tpu.memory_space<vmem_shared>>
      tpu.enqueue_indirect_dma source(%arg19 : memref<64x32xf32, #tpu.memory_space<vmem>>) target(%dma_start3A_478 : memref<50048x32xf32, #tpu.memory_space<vmem_shared>>) offsets(%arg21 : memref<64xi32, #tpu.memory_space<vmem>>) semaphore(%arg30 : memref<!tpu.dma_semaphore, #tpu.memory_space<semaphore_mem>>) {add = true}
    } else {
    }
    %dma_wait3A_303 = arith.constant 0 : i32
    %dma_wait3A_304 = arith.constant 0 : i32
    %dma_wait3A_305 = tpu.memref_slice %arg22[%dma_wait3A_303, %dma_wait3A_304] : memref<50048x32xf32, #tpu.memory_space<vmem_shared>> -> memref<50048x32xf32, #tpu.memory_space<vmem_shared>>
    tpu.wait_indirect_dma semaphore(%arg29 : memref<!tpu.dma_semaphore, #tpu.memory_space<semaphore_mem>>) src(%arg18 : memref<64x32xf32, #tpu.memory_space<vmem>>) dst(%dma_wait3A_305 : memref<50048x32xf32, #tpu.memory_space<vmem_shared>>)
    %dma_wait3A_306 = arith.constant 0 : i32
    %dma_wait3A_307 = arith.constant 0 : i32
    %dma_wait3A_308 = tpu.memref_slice %arg22[%dma_wait3A_306, %dma_wait3A_307] : memref<50048x32xf32, #tpu.memory_space<vmem_shared>> -> memref<50048x32xf32, #tpu.memory_space<vmem_shared>>
    tpu.wait_indirect_dma semaphore(%arg30 : memref<!tpu.dma_semaphore, #tpu.memory_space<semaphore_mem>>) src(%arg19 : memref<64x32xf32, #tpu.memory_space<vmem>>) dst(%dma_wait3A_308 : memref<50048x32xf32, #tpu.memory_space<vmem_shared>>)
    %barrier3A_309 = arith.constant 0 : index
    tpu.barrier barrier_id(%barrier3A_309)
    %mul3A_310 = arith.constant 50048 : i32
    %mul3A_311 = arith.muli %arg0, %mul3A_310 : i32
    %add3A_312 = arith.addi %mul3A_311, %mul3A_159 : i32
    "tpu.region"() ({
      %run_scoped3A = tpu.sem_alloc : memref<!tpu.dma_semaphore, #tpu.memory_space<semaphore_mem>>
      %dma_start3A_313 = arith.constant 0 : i32
      %dma_start3A_314 = tpu.memref_slice %arg7[%add3A_312, %dma_start3A_313] : memref<100096x32xf32, #tpu.memory_space<hbm>> -> memref<3128x32xf32, #tpu.memory_space<hbm>>
      %dma_start3A_315 = arith.constant 0 : i32
      %dma_start3A_316 = tpu.memref_slice %arg22[%mul3A_159, %dma_start3A_315] : memref<50048x32xf32, #tpu.memory_space<vmem_shared>> -> memref<3128x32xf32, #tpu.memory_space<vmem_shared>>
      tpu.enqueue_dma source(%dma_start3A_316 : memref<3128x32xf32, #tpu.memory_space<vmem_shared>>) target(%dma_start3A_314 : memref<3128x32xf32, #tpu.memory_space<hbm>>) target_semaphore(%run_scoped3A : memref<!tpu.dma_semaphore, #tpu.memory_space<semaphore_mem>>)
      %dma_wait3A_317 = arith.constant 0 : i32
      %dma_wait3A_318 = tpu.memref_slice %arg7[%add3A_312, %dma_wait3A_317] : memref<100096x32xf32, #tpu.memory_space<hbm>> -> memref<3128x32xf32, #tpu.memory_space<hbm>>
      %dma_wait3A_319 = arith.constant 0 : i32
      %dma_wait3A_320 = tpu.memref_slice %arg22[%mul3A_159, %dma_wait3A_319] : memref<50048x32xf32, #tpu.memory_space<vmem_shared>> -> memref<3128x32xf32, #tpu.memory_space<vmem_shared>>
      tpu.wait_dma2 semaphore(%run_scoped3A : memref<!tpu.dma_semaphore, #tpu.memory_space<semaphore_mem>>) src(%dma_wait3A_320 : memref<3128x32xf32, #tpu.memory_space<vmem_shared>>) dst(%dma_wait3A_318 : memref<3128x32xf32, #tpu.memory_space<hbm>>)
      tpu.yield
    }) : () -> ()
    return
  }
}

</mosaic_0001>

<sc_bundles>
// kernel: kernel.3.cloned.1.call-start
scs
__scs_entry_jumppad:
0x0: {  	(pc) =	sbr.rel $0x88, $3  }
0x1: {  	(tag) =	ssettag $0x0;
	lr =	simm.s32 $0x1  }
0x2: {  	[smem:$0x3F9C] =	sst lr;
	_ =	strace $0xD0000000  }
0x3: {  	_ = 	snop  }
0x4: {  	_ = 	snop  }
0x5: {  	_ = 	snop  }
0x6: {  	_ = 	snop  }
0x7: {  	_ = 	snop  }
__scs_overlays_trampoline_lowered:
0x8: {  	[smem:$0x3FAB] =	sst s0  }
0x9: {  	[smem:$0x3FAC] =	sst s1  }
0xa: {  	[smem:$0x3FAD] =	sst s2  }
0xb: {  	[smem:$0x3FAE] =	sst s3  }
0xc: {  	[smem:$0x3FAF] =	sst s4  }
0xd: {  	[smem:$0x3FB0] =	sst s5  }
0xe: {  	[smem:$0x3FB1] =	sst s6  }
0xf: {  	[smem:$0x3FB2] =	sst s7  }
0x10: {  	[smem:$0x3FB3] =	sst s8  }
0x11: {  	[smem:$0x3FB4] =	sst s9;
	s0 =	simm.s32 @!p0 $0x0  }
0x12: {  	s1 =	sld [smem:$0x3F9A];
	s0 =	simm.s32 @p0 $0x1  }
0x13: {  	[smem:$0x3FB5] =	sst s0;
	s0 =	simm.s32 @!p1 $0x0  }
0x14: {  	s2 =	sld [smem:$0x3F99];
	s0 =	simm.s32 @p1 $0x1  }
0x15: {  	[smem:$0x3FB6] =	sst s0;
	s0 =	simm.s32 @!p2 $0x0  }
0x16: {  	s3 =	sld [smem:$0x3FDB];
	s0 =	simm.s32 @p2 $0x1  }
0x17: {  	s4 =	simm.s32 $0x1BF5;
	[smem:$0x3FB8] =	sst s0  }
0x18: {  	s0 =	sld [smem:$0x3F9B];
	_ =	swait.ge [sflag:s4], $0x0  }
0x19: {  	s7 =	sld [smem:$0x3F9C]  }
0x1a: {  	s8 =	sadd.s32 $0xFFFFE003, lr  }
0x1b: {  	s9 =	sadd.s32 $0xFFFFFEF7, lr;
	s5 =	simm.s32 $0xFFFFFFFF;
	p2 =	slt.u32 s8, $0xFFFFF086  }
0x1c: {  	p1 =	slt.u32 s9, $0xF7A;
	s5 =	simm.s32 @!p2 $0x0  }
0x1d: {  	s5 =	simm.s32 @p1 $0x1;
	p0 =	seq.s32 s7, s2  }
0x1e: {  	s7 =	smul.u32 @!p0 $0xF7A, s2;
	p2 =	seq.s32 @!p0 s5, $0x0  }
0x1f: {  	s9 =	smul.u32 $0xF7A, s1;
	s8 =	simm.s32 @!p0 $0x1BF5;
	p2 =	por !p2, p0  }
0x20: {  	[sflag:s8] =	ssyncset.s32 @!p0 $0xFFFFF086;
	s6 =	sadd.s32 @!p0 s3, s7;
	s7 =	simm.s32 @!p0 $0x108  }
0x21: {  	s3 =	sadd.s32 s3, s9;
	s6 =	sadd.s32 @!p0 $0x88, s6;
	s7 =	simm.s32 @p2 $0x1082  }
0x22: {  	[simem:s7], [sflag:s8] =	dma.local @!p0 [hbm:s6], $0xF7A  }
0x23: {  	s9 =	sor.u32 $0xD0000000, s2;
	s6 =	simm.s32 $0x108;
	_ =	swait.ge @!p0 [sflag:s8], $0x0  }
0x24: {  	s3 =	sadd.s32 $0x88, s3;
	s6 =	simm.s32 @!p1 $0x1082;
	[sflag:s4] =	ssyncset.s32 $0xFFFFF086  }
0x25: {  	[simem:s6], [sflag:s4] =	dma.local [hbm:s3], $0xF7A  }
0x26: {  	[smem:$0x3F9C] =	sst s1;
	(tag) =	ssettag s2;
	_ =	strace s9  }
0x27: {  	s1 =	sld [smem:$0x3FAC]  }
0x28: {  	s2 =	sld [smem:$0x3FAD]  }
0x29: {  	s4 =	sld [smem:$0x3FAF]  }
0x2a: {  	p0 =	seq.s32 s5, $0x0;
	s5 =	sld [smem:$0x3FB0]  }
0x2b: {  	s6 =	sld [smem:$0x3FB1]  }
0x2c: {  	s7 =	sld [smem:$0x3FB2]  }
0x2d: {  	s3 =	simm.s32 $0x108;
	s8 =	sld [smem:$0x3FB3]  }
0x2e: {  	s3 =	simm.s32 @!p0 $0x1082;
	s9 =	sld [smem:$0x3FB4]  }
0x2f: {  	lr =	sadd.s32 s0, s3;
	s0 =	sld [smem:$0x3FAB]  }
0x30: {  	s3 =	sld [smem:$0x3FAE]  }
0x31: {  	[smem:$0x3FB7] =	sst s10  }
0x32: {  	s10 =	sld [smem:$0x3FB5];
	_ =	sdelay $0x3  }
0x33: {  	p0 =	seq.s32 s10, $0x1;
	s10 =	sld [smem:$0x3FB7];
	_ =	sdelay $0x3  }
0x34: {  	[smem:$0x3FB7] =	sst s10  }
0x35: {  	s10 =	sld [smem:$0x3FB6];
	_ =	sdelay $0x3  }
0x36: {  	p1 =	seq.s32 s10, $0x1;
	s10 =	sld [smem:$0x3FB7];
	_ =	sdelay $0x3  }
0x37: {  	[smem:$0x3FB7] =	sst s10  }
0x38: {  	s10 =	sld [smem:$0x3FB8]  }
0x39: {  	_ = 	snop;
	(pc) =	sbr.ind lr, $3  }
0x3a: {  	_ = 	snop  }
0x3b: {  	_ = 	snop  }
0x3c: {  	p2 =	seq.s32 s10, $0x1;
	s10 =	sld [smem:$0x3FB7]  }
0x3d: {  	_ =	shalt  }
0x3e: {  	_ =	shalt  }
0x3f: {  	_ =	shalt  }
0x40: {  	_ =	shalt  }
0x41: {  	_ =	shalt  }
0x42: {  	_ =	shalt  }
0x43: {  	_ =	shalt  }
0x44: {  	_ =	shalt  }
0x45: {  	_ =	shalt  }
0x46: {  	_ =	shalt  }
0x47: {  	_ =	shalt  }
0x48: {  	_ =	shalt  }
0x49: {  	_ =	shalt  }
0x4a: {  	_ =	shalt  }
0x4b: {  	_ =	shalt  }
0x4c: {  	_ =	shalt  }
0x4d: {  	_ =	shalt  }
0x4e: {  	_ =	shalt  }
0x4f: {  	_ =	shalt  }
0x50: {  	_ =	shalt  }
0x51: {  	_ =	shalt  }
0x52: {  	_ =	shalt  }
0x53: {  	_ =	shalt  }
0x54: {  	_ =	shalt  }
0x55: {  	_ =	shalt  }
0x56: {  	_ =	shalt  }
0x57: {  	_ =	shalt  }
0x58: {  	_ =	shalt  }
0x59: {  	_ =	shalt  }
0x5a: {  	_ =	shalt  }
0x5b: {  	_ =	shalt  }
0x5c: {  	_ =	shalt  }
0x5d: {  	_ =	shalt  }
0x5e: {  	_ =	shalt  }
0x5f: {  	_ =	shalt  }
0x60: {  	_ =	shalt  }
0x61: {  	_ =	shalt  }
0x62: {  	_ =	shalt  }
0x63: {  	_ =	shalt  }
0x64: {  	_ =	shalt  }
0x65: {  	_ =	shalt  }
0x66: {  	_ =	shalt  }
0x67: {  	_ =	shalt  }
0x68: {  	_ =	shalt  }
0x69: {  	_ =	shalt  }
0x6a: {  	_ =	shalt  }
0x6b: {  	_ =	shalt  }
0x6c: {  	_ =	shalt  }
0x6d: {  	_ =	shalt  }
0x6e: {  	_ =	shalt  }
0x6f: {  	_ =	shalt  }
0x70: {  	_ =	shalt  }
0x71: {  	_ =	shalt  }
0x72: {  	_ =	shalt  }
0x73: {  	_ =	shalt  }
0x74: {  	_ =	shalt  }
0x75: {  	_ =	shalt  }
0x76: {  	_ =	shalt  }
0x77: {  	_ =	shalt  }
0x78: {  	_ =	shalt  }
0x79: {  	_ =	shalt  }
0x7a: {  	_ =	shalt  }
0x7b: {  	_ =	shalt  }
0x7c: {  	_ =	shalt  }
0x7d: {  	_ =	shalt  }
0x7e: {  	_ =	shalt  }
0x7f: {  	_ =	shalt  }
0x80: {  	_ =	shalt  }
0x81: {  	_ =	shalt  }
0x82: {  	_ =	shalt  }
0x83: {  	_ =	shalt  }
0x84: {  	_ =	shalt  }
0x85: {  	_ =	shalt  }
0x86: {  	_ =	shalt  }
0x87: {  	_ =	shalt  }
.Lfunc_end0:
.L_simem_size_0:
called_computation_lowered:
.L_overlay_start_0:
0x88: {  	s2 =	sld [smem:$0x3FD9]  }
0x89: {  	s3 =	sld [smem:$0x3FFE];
	_ =	sdelay $0x1  }
0x8a: {  	s1 =	srdreg.scid  }
0x8b: {  	s0 =	sand.u32 $0x1, s1  }
0x8c: {  	s14 =	sshll.u32 s0, $0xA;
	s2 =	sadd.s32 s3, s2  }
0x8d: {  	s2 =	sadd.s32 s2, s14  }
0x8e: {  	[smem:$0x3FC3] =	sst s2  }
0x8f: {  	_ = 	snop  }
0x90: {  	s2 =	sld [smem:$0x3FD0];
	_ =	sdelay $0x1  }
0x91: {  	s15 =	sld [smem:$0x3FC6]  }
0x92: {  	s5 =	simm.s32 $0xA;
	s6 =	simm.s32 $0x10;
	s4 =	sld [smem:$0x3FC5]  }
0x93: {  	[smem:s6], [sflag:s5] =	dma.local [hbm:s2], $0x1  }
0x94: {  	_ =	swait.eq [sflag:s5], $0x1  }
0x95: {  	[sflag:s5] =	ssyncset.done $0x0  }
0x96: {  	s16 =	sld [smem:$0x10];
	[sflag:s5] =	ssyncadd.s32 $0xFFFFFFFF  }
0x97: {  	s17 =	sld [smem:$0x11];
	(tm) =	ssettm $0x1  }
0x98: {  	s18 =	sld [smem:$0x3FFB];
	_ =	sdelay $0x3  }
0x99: {  	_ =	strace s18  }
0x9a: {  	s6 =	sld [smem:$0x3FFC];
	_ =	sdelay $0x3  }
0x9b: {  	_ =	strace s6  }
0x9c: {  	s6 =	sld [smem:$0x3FFD];
	_ =	sdelay $0x3  }
0x9d: {  	_ =	strace s6  }
0x9e: {  	_ =	strace $0x8FFFFFFF  }
0x9f: {  	s19 =	sld [smem:$0x3FDB];
	_ =	sdelay $0x1  }
0xa0: {  	s7 =	simm.s32 $_scs_section_size  }
0xa1: {  	s8 =	simm.s32 $_size__tile_overlayer_lowered;
	s9 =	simm.s32 $_tile_overlayer_lowered  }
0xa2: {  	s22 =	simm.s32 $0x1BFF;
	s21 =	sshll.u32 s9, $0x1;
	s6 =	sadd.s32 s7, s19  }
0xa3: {  	s10 =	simm.s32 $0x0;
	s20 =	sshll.u32 s8, $0x1;
	s8 =	sadd.s32 s21, s6  }
0xa4: {  	[timem:s10], [sflag:s22] =	dma.local [hbm:s8], s20  }
0xa5: {  	_ =	swait.ge [sflag:s22], s20  }
0xa6: {  	s7 =	ssub.s32 $0x0, s20;
	[sflag:s22] =	ssyncset.done $0x0  }
0xa7: {  	[sflag:s22] =	ssyncadd.s32 s7;
	_ =	sdelay $0x1  }
0xa8: {  	s23 =	simm.s32 $0x1B8B  }
0xa9: {  	_ =	swait.ge [sflag:s23], $0x1  }
0xaa: {  	[sflag:s23] =	ssyncset.done $0x0  }
0xab: {  	s25 =	simm.s32 $0x1B8E;
	s24 =	sld [smem:$0x3FFE];
	[sflag:s23] =	ssyncadd.s32 $0xFFFFFFFF  }
0xac: {  	s26 =	simm.s32 $execute0_lowered;
	[smem:$0x3FD2] =	sst s25  }
0xad: {  	s8 =	sshll.u32 s26, $0x1;
	_ =	strace $0x80000046;
	[dreg:$0x1] =	wrdreg $0xFFFFFFFF  }
0xae: {  	s28 =	simm.s32 $_size_execute0_lowered;
	s6 =	sadd.s32 s6, s8;
	[dreg:$0x0] =	wrdreg $0x0  }
0xaf: {  	s8 =	sshll.u32 s28, $0x1;
	[dreg:$0x2] =	wrdreg s6  }
0xb0: {  	[dreg:$0x3] =	wrdreg s8  }
0xb1: {  	[dreg:$0x4] =	wrdreg $0xC0  }
0xb2: {  	_ =	task [dreg:s10], $0x5FFFF  }
0xb3: {  	[dreg:$0x1] =	wrdreg $0xFFFFFFFF  }
0xb4: {  	[dreg:$0x0] =	wrdreg $0x60  }
0xb5: {  	[dreg:$0x2] =	wrdreg s24  }
0xb6: {  	[dreg:$0x3] =	wrdreg s17  }
0xb7: {  	[dreg:$0x4] =	wrdreg s16  }
0xb8: {  	[dreg:$0x5] =	wrdreg s15  }
0xb9: {  	[dreg:$0x6] =	wrdreg s4  }
0xba: {  	[dreg:$0x7] =	wrdreg $0x76800  }
0xbb: {  	[dreg:$0x8] =	wrdreg $0x9  }
0xbc: {  	_ =	task.clear_ibuf [dreg:s10], $0x9FFFF;
	_ =	strace $0x90000046  }
0xbd: {  	s29 =	simm.s32 $0x9;
	_ =	strace $0x80000048  }
0xbe: {  	_ =	swait.ge [sflag:s29], $0x1  }
0xbf: {  	[sflag:s29] =	ssyncadd.s32 $0xFFFFFFFF  }
0xc0: {  	_ =	strace $0x90000048  }
0xc1: {  	_ =	sfence  }
0xc2: {  	s30 =	sld [smem:$0x0];
	_ =	sdelay $0x2  }
0xc3: {  	s31 =	sshll.u32 s1, $0xD;
	s1 =	sshrl.u32 s1, $0x2  }
0xc4: {  	s3 =	sand.u32 $0x4000, s31;
	s1 =	sadd.s32 s1, s30  }
0xc5: {  	s0 =	sor.u32 s3, s0;
	s1 =	sshll.u32 s1, $0x11  }
0xc6: {  	s0 =	sor.u32 s1, s0  }
0xc7: {  	s0 =	sadd.s32 $0x8F2B, s0  }
0xc8: {  	[sflag:s0] =	ssyncadd.remote.s32 $0x1  }
0xc9: {  	_ =	sfence.sel $0xFFFF  }
0xca: {  	[dreg:$0x0] =	wrdreg $0xFFFFFFFF;
	(pc) =	sbr.abs _section_cstart, $3  }
0xcb: {  	[dreg:$0x1] =	wrdreg $0xFFFFFFFF  }
0xcc: {  	_ =	task.clear_ibuf [dreg:s10], $0x2FFFF;
	_ =	strace $0x9FFFFFFF  }
0xcd: {  	(tm) =	ssettm $0x7FFFFFFF  }
tec
execute0_lowered:
.L_overlay_start_1:
0x0: {  	(tag) =	ssettag $0x1  }
0x1: {  	s0 =	rddreg [dreg:$0x0]  }
0x2: {  	s10 =	rddreg [dreg:$0x1]  }
0x3: {  	s12 =	rddreg [dreg:$0x2]  }
0x4: {  	s3 =	rddreg [dreg:$0x3]  }
0x5: {  	s5 =	rddreg [dreg:$0x4];
	s1 =	srdreg.scid  }
0x6: {  	s11 =	stileid.u32;
	s6 =	rddreg [dreg:$0x5]  }
0x7: {  	s7 =	simm.s32 $0x0;
	s1 =	sand.u32 $0x1, s1;
	s2 =	smul.u32 $0x30E0, s11  }
0x8: {  	[smem:$0x7FF] =	sst s7;
	p0 =	slt.u32 s11, $0xA;
	s24 =	sshll.u32 s11, $0x4  }
0x9: {  	s30 =	sshll.u32 s11, $0x7;
	s16 =	sadd.s32 $0x186A00, s5;
	s18 =	smul.u32 $0x61C00, s11  }
0xa: {  	s4 =	smul.u32 $0x30E00, s1;
	s9 =	ssub.s32 $0x2, s1;
	s25 =	sadd.s32 s12, s24  }
0xb: {  	_ =	strace $0x80000047;
	s26 =	sadd.s32 s10, s24;
	[dreg:$0x8] =	wrdreg s25  }
0xc: {  	s12 =	sadd.s32 $0x8, s10;
	s10 =	sadd.s32 s3, s30;
	[dreg:$0x9] =	wrdreg s26  }
0xd: {  	s17 =	sadd.s32 $0xC3500, s30;
	s14 =	sadd.s32 s5, s30;
	[dreg:$0xb] =	wrdreg s10  }
0xe: {  	s21 =	sshrl.u32 s9, $0x1;
	s13 =	sadd.s32 s3, s17;
	[dreg:$0xd] =	wrdreg s14  }
0xf: {  	s15 =	sadd.s32 s5, s17;
	s17 =	sadd.s32 s30, s16;
	[dreg:$0xc] =	wrdreg s13  }
0x10: {  	s19 =	sshrl.u32 s18, $0x2;
	s2 =	sadd.s32 s2, s4;
	[dreg:$0xe] =	wrdreg s15  }
0x11: {  	s22 =	ssub.s32 s9, s21;
	s4 =	sadd.s32 s24, s12;
	[dreg:$0xf] =	wrdreg s17  }
0x12: {  	s9 =	simm.s32 $0x187;
	s23 =	sadd.s32 s19, s6;
	[dreg:$0xa] =	wrdreg s4  }
0x13: {  	s9 =	simm.s32 @!p0 $0x186;
	[dreg:$0x13] =	wrdreg s23  }
0x14: {  	s22 =	smax.u32 s22, $0x1;
	[dreg:$0x7] =	wrdreg s9  }
0x15: {  	s25 =	sadd.s32 $0x800, s23;
	[dreg:$0x15] =	wrdreg s22  }
0x16: {  	s8 =	sadd.s32 $0x30E800, s0;
	s26 =	sadd.s32 $0x1000, s23;
	[dreg:$0x16] =	wrdreg s25  }
0x17: {  	s0 =	sadd.s32 s2, s0;
	s2 =	sadd.s32 $0x2000, s23;
	[dreg:$0x17] =	wrdreg s26  }
0x18: {  	s4 =	sadd.s32 $0x2800, s23;
	[dreg:$0x19] =	wrdreg s2  }
0x19: {  	s21 =	sadd.s32 $0x30D400, s5;
	s19 =	sadd.s32 $0x3000, s23;
	[dreg:$0x1a] =	wrdreg s4  }
0x1a: {  	s24 =	sadd.s32 $0x3D0900, s5;
	s18 =	sadd.s32 s30, s21;
	[dreg:$0x1b] =	wrdreg s19  }
0x1b: {  	p0 =	seq.s32 s1, $0x0;
	s1 =	sadd.s32 s30, s24;
	[dreg:$0x11] =	wrdreg s18  }
0x1c: {  	s20 =	sadd.s32 $0x249F00, s5;
	s0 =	sadd.s32 $0x1000, s0;
	[dreg:$0x12] =	wrdreg s1  }
0x1d: {  	s9 =	sadd.s32 s30, s20;
	s30 =	sadd.s32 $0x1800, s23;
	[dreg:$0x14] =	wrdreg s0  }
0x1e: {  	s22 =	sadd.s32 $0x3800, s23;
	[dreg:$0x18] =	wrdreg s30  }
0x1f: {  	s25 =	sadd.s32 $0x4000, s23;
	[dreg:$0x1c] =	wrdreg s22  }
0x20: {  	s26 =	sadd.s32 $0x4800, s23;
	[dreg:$0x1d] =	wrdreg s25  }
0x21: {  	s2 =	sadd.s32 $0x5800, s23;
	[dreg:$0x1e] =	wrdreg s26  }
0x22: {  	s4 =	sadd.s32 $0x6000, s23;
	[smem:$0x79F] =	sst s2  }
0x23: {  	s19 =	sadd.s32 $0x6800, s23;
	[smem:$0x7A0] =	sst s4  }
0x24: {  	[smem:$0x7A1] =	sst s19  }
0x25: {  	s30 =	sadd.s32 $0x5000, s23;
	[dreg:$0x10] =	wrdreg s9  }
0x26: {  	s22 =	sadd.s32 $0x7000, s23;
	[dreg:$0x1f] =	wrdreg s30  }
0x27: {  	s25 =	sadd.s32 $0x7800, s23;
	[smem:$0x7A2] =	sst s22  }
0x28: {  	s26 =	sadd.s32 $0x8000, s23;
	[smem:$0x7A3] =	sst s25  }
0x29: {  	s2 =	sadd.s32 $0x9000, s23;
	[smem:$0x7A4] =	sst s26  }
0x2a: {  	s4 =	sadd.s32 $0x9800, s23;
	[smem:$0x7A6] =	sst s2  }
0x2b: {  	s19 =	sadd.s32 $0xA000, s23;
	[smem:$0x7A7] =	sst s4  }
0x2c: {  	s30 =	sadd.s32 $0x8800, s23;
	[smem:$0x7A8] =	sst s19  }
0x2d: {  	s22 =	sadd.s32 $0xA800, s23;
	[smem:$0x7A5] =	sst s30  }
0x2e: {  	s25 =	sadd.s32 $0xB000, s23;
	[smem:$0x7A9] =	sst s22  }
0x2f: {  	s26 =	sadd.s32 $0xB800, s23;
	[smem:$0x7AA] =	sst s25  }
0x30: {  	s2 =	sadd.s32 $0xC800, s23;
	[smem:$0x7AB] =	sst s26  }
0x31: {  	s4 =	sadd.s32 $0xD000, s23;
	[smem:$0x7AD] =	sst s2  }
0x32: {  	s19 =	sadd.s32 $0xD800, s23;
	[smem:$0x7AE] =	sst s4  }
0x33: {  	s30 =	sadd.s32 $0xC000, s23;
	[smem:$0x7AF] =	sst s19  }
0x34: {  	s22 =	sadd.s32 $0xE000, s23;
	[smem:$0x7AC] =	sst s30  }
0x35: {  	s25 =	sadd.s32 $0xE800, s23;
	[smem:$0x7B0] =	sst s22  }
0x36: {  	s26 =	sadd.s32 $0xF000, s23;
	[smem:$0x7B1] =	sst s25  }
0x37: {  	s2 =	sadd.s32 $0x10000, s23;
	[smem:$0x7B2] =	sst s26  }
0x38: {  	s4 =	sadd.s32 $0x10800, s23;
	[smem:$0x7B4] =	sst s2  }
0x39: {  	s19 =	sadd.s32 $0x11000, s23;
	[smem:$0x7B5] =	sst s4  }
0x3a: {  	s30 =	sadd.s32 $0xF800, s23;
	[smem:$0x7B6] =	sst s19  }
0x3b: {  	s22 =	sadd.s32 $0x11800, s23;
	[smem:$0x7B3] =	sst s30  }
0x3c: {  	s25 =	sadd.s32 $0x12000, s23;
	[smem:$0x7B7] =	sst s22  }
0x3d: {  	s26 =	sadd.s32 $0x12800, s23;
	[smem:$0x7B8] =	sst s25  }
0x3e: {  	s2 =	sadd.s32 $0x13800, s23;
	[smem:$0x7B9] =	sst s26  }
0x3f: {  	s4 =	sadd.s32 $0x14000, s23;
	[smem:$0x7BB] =	sst s2  }
0x40: {  	s19 =	sadd.s32 $0x14800, s23;
	[smem:$0x7BC] =	sst s4  }
0x41: {  	s30 =	sadd.s32 $0x13000, s23;
	[smem:$0x7BD] =	sst s19  }
0x42: {  	s22 =	sadd.s32 $0x15000, s23;
	[smem:$0x7BA] =	sst s30  }
0x43: {  	s25 =	sadd.s32 $0x15800, s23;
	[smem:$0x7BE] =	sst s22  }
0x44: {  	s26 =	sadd.s32 $0x16000, s23;
	[smem:$0x7BF] =	sst s25  }
0x45: {  	s2 =	sadd.s32 $0x17000, s23;
	[smem:$0x7C0] =	sst s26  }
0x46: {  	s4 =	sadd.s32 $0x17800, s23;
	[smem:$0x7C2] =	sst s2  }
0x47: {  	s19 =	sadd.s32 $0x18000, s23;
	[smem:$0x7C3] =	sst s4  }
0x48: {  	s30 =	sadd.s32 $0x16800, s23;
	[smem:$0x7C4] =	sst s19  }
0x49: {  	s22 =	sadd.s32 $0x10, s10;
	[smem:$0x7C1] =	sst s30  }
0x4a: {  	s25 =	sadd.s32 $0x20, s10;
	[smem:$0x7C5] =	sst s22  }
0x4b: {  	s26 =	sadd.s32 $0x30, s10;
	[smem:$0x7C6] =	sst s25  }
0x4c: {  	s2 =	sadd.s32 $0x50, s10;
	[smem:$0x7C7] =	sst s26  }
0x4d: {  	s4 =	sadd.s32 $0x60, s10;
	[smem:$0x7C9] =	sst s2  }
0x4e: {  	s19 =	sadd.s32 $0x10, s13;
	[smem:$0x7CA] =	sst s4  }
0x4f: {  	s30 =	sadd.s32 $0x40, s10;
	[smem:$0x7CC] =	sst s19  }
0x50: {  	s10 =	sadd.s32 $0x70, s10;
	[smem:$0x7C8] =	sst s30  }
0x51: {  	s22 =	sadd.s32 $0x20, s13;
	[smem:$0x7CB] =	sst s10  }
0x52: {  	s25 =	sadd.s32 $0x30, s13;
	[smem:$0x7CD] =	sst s22  }
0x53: {  	s26 =	sadd.s32 $0x40, s13;
	[smem:$0x7CE] =	sst s25  }
0x54: {  	s2 =	sadd.s32 $0x60, s13;
	[smem:$0x7CF] =	sst s26  }
0x55: {  	s4 =	sadd.s32 $0x70, s13;
	[smem:$0x7D1] =	sst s2  }
0x56: {  	s19 =	sadd.s32 $0x30, s14;
	[smem:$0x7D2] =	sst s4  }
0x57: {  	s30 =	sadd.s32 $0x50, s13;
	[smem:$0x7D5] =	sst s19  }
0x58: {  	s10 =	sadd.s32 $0x10, s14;
	[smem:$0x7D0] =	sst s30  }
0x59: {  	s13 =	sadd.s32 $0x20, s14;
	[smem:$0x7D3] =	sst s10  }
0x5a: {  	s22 =	sadd.s32 $0x40, s14;
	[smem:$0x7D4] =	sst s13  }
0x5b: {  	s25 =	sadd.s32 $0x50, s14;
	[smem:$0x7D6] =	sst s22  }
0x5c: {  	s26 =	sadd.s32 $0x60, s14;
	[smem:$0x7D7] =	sst s25  }
0x5d: {  	s2 =	sadd.s32 $0x10, s15;
	[smem:$0x7D8] =	sst s26  }
0x5e: {  	s4 =	sadd.s32 $0x20, s15;
	[smem:$0x7DA] =	sst s2  }
0x5f: {  	s19 =	sadd.s32 $0x60, s15;
	[smem:$0x7DB] =	sst s4  }
0x60: {  	s30 =	sadd.s32 $0x70, s14;
	[smem:$0x7DF] =	sst s19  }
0x61: {  	s10 =	sadd.s32 $0x30, s15;
	[smem:$0x7D9] =	sst s30  }
0x62: {  	s13 =	sadd.s32 $0x40, s15;
	[smem:$0x7DC] =	sst s10  }
0x63: {  	s14 =	sadd.s32 $0x50, s15;
	[smem:$0x7DD] =	sst s13  }
0x64: {  	s22 =	sadd.s32 $0x70, s15;
	[smem:$0x7DE] =	sst s14  }
0x65: {  	s25 =	sadd.s32 $0x10, s17;
	[smem:$0x7E0] =	sst s22  }
0x66: {  	s26 =	sadd.s32 $0x20, s17;
	[smem:$0x7E1] =	sst s25  }
0x67: {  	s2 =	sadd.s32 $0x40, s17;
	[smem:$0x7E2] =	sst s26  }
0x68: {  	s4 =	sadd.s32 $0x50, s17;
	[smem:$0x7E4] =	sst s2  }
0x69: {  	s15 =	sadd.s32 $0x20, s9;
	[smem:$0x7E5] =	sst s4  }
0x6a: {  	s19 =	sadd.s32 $0x40, s9;
	[smem:$0x7E9] =	sst s15  }
0x6b: {  	s30 =	sadd.s32 $0x30, s17;
	[smem:$0x7EB] =	sst s19  }
0x6c: {  	s10 =	sadd.s32 $0x60, s17;
	[smem:$0x7E3] =	sst s30  }
0x6d: {  	s13 =	sadd.s32 $0x70, s17;
	[smem:$0x7E6] =	sst s10  }
0x6e: {  	s14 =	sadd.s32 $0x10, s9;
	[smem:$0x7E7] =	sst s13  }
0x6f: {  	s17 =	sadd.s32 $0x30, s9;
	[smem:$0x7E8] =	sst s14  }
0x70: {  	s22 =	sadd.s32 $0x50, s9;
	[smem:$0x7EA] =	sst s17  }
0x71: {  	s25 =	sadd.s32 $0x60, s9;
	[smem:$0x7EC] =	sst s22  }
0x72: {  	s26 =	sadd.s32 $0x70, s9;
	[smem:$0x7ED] =	sst s25  }
0x73: {  	s2 =	sadd.s32 $0x20, s18;
	[smem:$0x7EE] =	sst s26  }
0x74: {  	s4 =	sadd.s32 $0x30, s18;
	[smem:$0x7F0] =	sst s2  }
0x75: {  	s9 =	sadd.s32 $0x40, s18;
	[smem:$0x7F1] =	sst s4  }
0x76: {  	s15 =	sadd.s32 $0x10, s1;
	[smem:$0x7F2] =	sst s9  }
0x77: {  	s19 =	sadd.s32 $0x40, s1;
	[smem:$0x7F6] =	sst s15  }
0x78: {  	s28 =	simm.s32 $0x6600;
	s30 =	sadd.s32 $0x10, s18;
	[smem:$0x7F9] =	sst s19  }
0x79: {  	s29 =	simm.s32 $0x9;
	s10 =	sadd.s32 $0x50, s18;
	[smem:$0x7EF] =	sst s30  }
0x7a: {  	s31 =	simm.s32 $0x6E00;
	s13 =	sadd.s32 $0x60, s18;
	[smem:$0x7F3] =	sst s10  }
0x7b: {  	p1 =	sgt.u32 s11, $0x9;
	s14 =	sadd.s32 $0x70, s18;
	[smem:$0x7F4] =	sst s13  }
0x7c: {  	s0 =	simm.s32 $0x8;
	s17 =	sadd.s32 $0x20, s1;
	[smem:$0x7F5] =	sst s14  }
0x7d: {  	s18 =	sadd.s32 $0x30, s1;
	s22 =	sadd.s32 $0x50, s1;
	[smem:$0x7F7] =	sst s17  }
0x7e: {  	s25 =	sadd.s32 $0x60, s1;
	s26 =	sadd.s32 $0x70, s1;
	[smem:$0x7F8] =	sst s18  }
0x7f: {  	s4 =	simm.s32 $0x1300;
	s19 =	simm.s32 $0x3;
	[smem:$0x7FA] =	sst s22  }
.Ltmp0:
0x80: {  	s15 =	simm.s32 $0x7;
	[smem:$0x7FB] =	sst s25;
	(pc) =	sbr.rel .LBB2_1-.Ltmp0, $4  }
0x81: {  	v0 =	vlaneseq.u32;
	s2 =	simm.s32 $0x4;
	[smem:$0x7FC] =	sst s26;
	s30 =	sor.u32 $0x10, s11  }
0x82: {  	v0 =	vmul.u32 $0x88, v0;
	s10 =	simm.s32 $0x200;
	s14 =	simm.s32 $0x40;
	s22 =	simm.s32 $0xA80  }
0x83: {  	s13 =	simm.s32 $0x2C80;
	s18 =	simm.s32 $0x5;
	s25 =	simm.s32 $0x2  }
0x84: {  	v1 =	vimm.f32 $0.0e+00;
	v2 =	vadd.s32 $0x880, v0;
	v3 =	vadd.s32 $0x1100, v0;
	s26 =	simm.s32 $0x6;
	s17 =	simm.s32 $0x0;
	[smem:$0x7FD] =	sst s30  }
.LBB2_33:
0x85: {  	_ =	swait.ge [sflag:s15], $0x800  }
0x86: {  	[sflag:s15] =	ssyncset.done $0x0  }
0x87: {  	[sflag:s15] =	ssyncadd.s32 $0xFFFFF800  }
0x88: {  	_ =	swait.ge [sflag:s0], $0x800  }
0x89: {  	[sflag:s0] =	ssyncset.done $0x0  }
0x8a: {  	s1 =	stileid.u32;
	[sflag:s0] =	ssyncadd.s32 $0xFFFFF800  }
0x8b: {  	s1 =	sshll.u32 s1, $0x6;
	[bflag:$0x0] =	sbarrier.arrive $0xFFFF  }
0x8c: {  	s9 =	sshrl.u32 s23, $0x3;
	s1 =	sor.u32 $0x1C09, s1;
	s11 =	rddreg [dreg:$0x14]  }
0x8d: {  	[hbm:s11], [sflag:s1] =	dma.local [spmem:s9], $0x30E0  }
0x8e: {  	_ =	swait.ge [sflag:s29], $0x30E0  }
0x8f: {  	s17 =	sadd.s32 $0x1, s17;
	s30 =	rddreg [dreg:$0x15]  }
0x90: {  	p2 =	sne.s32 s17, s30  }
.Ltmp1:
0x91: {  	_ = 	snop;
	(pc) =	sbr.rel @!p2 .LBB2_34-.Ltmp1, $3  }
0x92: {  	_ =	sdelay $0x1  }
0x93: {  	[sflag:s29] =	ssyncset.done $0x0  }
0x94: {  	[sflag:s29] =	ssyncadd.s32 $0xFFFFCF20  }
.LBB2_1:
0x95: {  	[smem:$0x79E] =	sst s17  }
0x96: {  	s1 =	rddreg [dreg:$0x8]  }
0x97: {  	s11 =	rddreg [dreg:$0x9]  }
0x98: {  	[tilespmem:s7], [sflag:$0x1] =	stream.linear.gather [hbm4b:s1+s7], $0x80, $0x38;
	[tilespmem:$0x1FD80] =	vst v63  }
0x99: {  	s9 =	simm.s32 $0x100;
	s17 =	rddreg [dreg:$0xa]  }
0x9a: {  	[tilespmem:s9], [sflag:$0x1] =	stream.linear.gather [hbm4b:s11+s7], $0x40, $0x38;
	[tilespmem:$0x1FD80] =	vst v63  }
0x9b: {  	s30 =	simm.s32 $0x140;
	s11 =	rddreg [dreg:$0xb]  }
0x9c: {  	[tilespmem:s30], [sflag:$0x1] =	stream.linear.gather [hbm4b:s17+s7], $0x40, $0x38;
	[tilespmem:$0x1FD80] =	vst v63  }
0x9d: {  	s17 =	sld [smem:$0x7C5]  }
0x9e: {  	[tilespmem:s10], [sflag:$0x3] =	stream.linear.gather [hbm4b:s11+s7], $0x80, $0x38;
	[tilespmem:$0x1FD80] =	vst v63  }
0x9f: {  	s9 =	sld [smem:$0x7C6];
	s30 =	simm.s32 $0x288  }
0xa0: {  	[tilespmem:s30], [sflag:$0x3] =	stream.linear.gather [hbm4b:s17+s7], $0x80, $0x38;
	[tilespmem:$0x1FD80] =	vst v63  }
0xa1: {  	s11 =	simm.s32 $0x310;
	s17 =	sld [smem:$0x7C7]  }
0xa2: {  	[tilespmem:s11], [sflag:$0x3] =	stream.linear.gather [hbm4b:s9+s7], $0x80, $0x38;
	[tilespmem:$0x1FD80] =	vst v63  }
0xa3: {  	s30 =	simm.s32 $0x398;
	s9 =	sld [smem:$0x7C8]  }
0xa4: {  	[tilespmem:s30], [sflag:$0x3] =	stream.linear.gather [hbm4b:s17+s7], $0x80, $0x38;
	[tilespmem:$0x1FD80] =	vst v63  }
0xa5: {  	s11 =	simm.s32 $0x420;
	s17 =	sld [smem:$0x7C9]  }
0xa6: {  	[tilespmem:s11], [sflag:$0x3] =	stream.linear.gather [hbm4b:s9+s7], $0x80, $0x38;
	[tilespmem:$0x1FD80] =	vst v63  }
0xa7: {  	s30 =	simm.s32 $0x4A8;
	s9 =	sld [smem:$0x7CA]  }
0xa8: {  	[tilespmem:s30], [sflag:$0x3] =	stream.linear.gather [hbm4b:s17+s7], $0x80, $0x38;
	[tilespmem:$0x1FD80] =	vst v63  }
0xa9: {  	s11 =	simm.s32 $0x530;
	s17 =	sld [smem:$0x7CB]  }
0xaa: {  	[tilespmem:s11], [sflag:$0x3] =	stream.linear.gather [hbm4b:s9+s7], $0x80, $0x38;
	[tilespmem:$0x1FD80] =	vst v63  }
0xab: {  	s30 =	simm.s32 $0x5B8;
	s9 =	rddreg [dreg:$0xc]  }
0xac: {  	[tilespmem:s30], [sflag:$0x3] =	stream.linear.gather [hbm4b:s17+s7], $0x80, $0x38;
	[tilespmem:$0x1FD80] =	vst v63  }
0xad: {  	s11 =	simm.s32 $0x640;
	s17 =	sld [smem:$0x7CC]  }
0xae: {  	[tilespmem:s11], [sflag:$0x3] =	stream.linear.gather [hbm4b:s9+s7], $0x80, $0x38;
	[tilespmem:$0x1FD80] =	vst v63  }
0xaf: {  	s30 =	simm.s32 $0x6C8;
	s9 =	sld [smem:$0x7CD]  }
0xb0: {  	[tilespmem:s30], [sflag:$0x3] =	stream.linear.gather [hbm4b:s17+s7], $0x80, $0x38;
	[tilespmem:$0x1FD80] =	vst v63  }
0xb1: {  	s11 =	simm.s32 $0x750;
	s17 =	sld [smem:$0x7CE]  }
0xb2: {  	[tilespmem:s11], [sflag:$0x3] =	stream.linear.gather [hbm4b:s9+s7], $0x80, $0x38;
	[tilespmem:$0x1FD80] =	vst v63  }
0xb3: {  	s30 =	simm.s32 $0x7D8;
	s9 =	sld [smem:$0x7CF]  }
0xb4: {  	[tilespmem:s30], [sflag:$0x3] =	stream.linear.gather [hbm4b:s17+s7], $0x80, $0x38;
	[tilespmem:$0x1FD80] =	vst v63  }
0xb5: {  	s11 =	simm.s32 $0x860;
	s17 =	sld [smem:$0x7D0]  }
0xb6: {  	[tilespmem:s11], [sflag:$0x3] =	stream.linear.gather [hbm4b:s9+s7], $0x80, $0x38;
	[tilespmem:$0x1FD80] =	vst v63  }
0xb7: {  	s30 =	simm.s32 $0x8E8;
	s9 =	sld [smem:$0x7D1]  }
0xb8: {  	[tilespmem:s30], [sflag:$0x3] =	stream.linear.gather [hbm4b:s17+s7], $0x80, $0x38;
	[tilespmem:$0x1FD80] =	vst v63  }
0xb9: {  	s11 =	simm.s32 $0x970;
	s17 =	sld [smem:$0x7D2]  }
0xba: {  	[tilespmem:s11], [sflag:$0x3] =	stream.linear.gather [hbm4b:s9+s7], $0x80, $0x38;
	[tilespmem:$0x1FD80] =	vst v63  }
0xbb: {  	s30 =	simm.s32 $0x9F8;
	s11 =	rddreg [dreg:$0xd]  }
0xbc: {  	[tilespmem:s30], [sflag:$0x3] =	stream.linear.gather [hbm4b:s17+s7], $0x80, $0x38;
	[tilespmem:$0x1FD80] =	vst v63  }
0xbd: {  	s17 =	sld [smem:$0x7D3]  }
0xbe: {  	[tilespmem:s4], [sflag:$0x3] =	stream.linear.gather [hbm4b:s11+s7], $0x80, $0x38;
	[tilespmem:$0x1FD80] =	vst v63  }
0xbf: {  	s9 =	sld [smem:$0x7D4];
	s30 =	simm.s32 $0x1388  }
0xc0: {  	[tilespmem:s30], [sflag:$0x3] =	stream.linear.gather [hbm4b:s17+s7], $0x80, $0x38;
	[tilespmem:$0x1FD80] =	vst v63  }
0xc1: {  	s11 =	simm.s32 $0x1410;
	s17 =	sld [smem:$0x7D5]  }
0xc2: {  	[tilespmem:s11], [sflag:$0x3] =	stream.linear.gather [hbm4b:s9+s7], $0x80, $0x38;
	[tilespmem:$0x1FD80] =	vst v63  }
0xc3: {  	s30 =	simm.s32 $0x1498;
	s9 =	sld [smem:$0x7D6]  }
0xc4: {  	[tilespmem:s30], [sflag:$0x3] =	stream.linear.gather [hbm4b:s17+s7], $0x80, $0x38;
	[tilespmem:$0x1FD80] =	vst v63  }
0xc5: {  	s11 =	simm.s32 $0x1520;
	s17 =	sld [smem:$0x7D7]  }
0xc6: {  	[tilespmem:s11], [sflag:$0x3] =	stream.linear.gather [hbm4b:s9+s7], $0x80, $0x38;
	[tilespmem:$0x1FD80] =	vst v63  }
0xc7: {  	s30 =	simm.s32 $0x15A8;
	s9 =	sld [smem:$0x7D8]  }
0xc8: {  	[tilespmem:s30], [sflag:$0x3] =	stream.linear.gather [hbm4b:s17+s7], $0x80, $0x38;
	[tilespmem:$0x1FD80] =	vst v63  }
0xc9: {  	s11 =	simm.s32 $0x1630;
	s17 =	sld [smem:$0x7D9]  }
0xca: {  	[tilespmem:s11], [sflag:$0x3] =	stream.linear.gather [hbm4b:s9+s7], $0x80, $0x38;
	[tilespmem:$0x1FD80] =	vst v63  }
0xcb: {  	s30 =	simm.s32 $0x16B8;
	s9 =	rddreg [dreg:$0xe]  }
0xcc: {  	[tilespmem:s30], [sflag:$0x3] =	stream.linear.gather [hbm4b:s17+s7], $0x80, $0x38;
	[tilespmem:$0x1FD80] =	vst v63  }
0xcd: {  	s11 =	simm.s32 $0x1740;
	s17 =	sld [smem:$0x7DA]  }
0xce: {  	[tilespmem:s11], [sflag:$0x3] =	stream.linear.gather [hbm4b:s9+s7], $0x80, $0x38;
	[tilespmem:$0x1FD80] =	vst v63  }
0xcf: {  	s30 =	simm.s32 $0x17C8;
	s9 =	sld [smem:$0x7DB]  }
0xd0: {  	[tilespmem:s30], [sflag:$0x3] =	stream.linear.gather [hbm4b:s17+s7], $0x80, $0x38;
	[tilespmem:$0x1FD80] =	vst v63  }
0xd1: {  	s11 =	simm.s32 $0x1850;
	s17 =	sld [smem:$0x7DC]  }
0xd2: {  	[tilespmem:s11], [sflag:$0x3] =	stream.linear.gather [hbm4b:s9+s7], $0x80, $0x38;
	[tilespmem:$0x1FD80] =	vst v63  }
0xd3: {  	s30 =	simm.s32 $0x18D8;
	s9 =	sld [smem:$0x7DD]  }
0xd4: {  	[tilespmem:s30], [sflag:$0x3] =	stream.linear.gather [hbm4b:s17+s7], $0x80, $0x38;
	[tilespmem:$0x1FD80] =	vst v63  }
0xd5: {  	s11 =	simm.s32 $0x1960;
	s17 =	sld [smem:$0x7DE]  }
0xd6: {  	[tilespmem:s11], [sflag:$0x3] =	stream.linear.gather [hbm4b:s9+s7], $0x80, $0x38;
	[tilespmem:$0x1FD80] =	vst v63  }
0xd7: {  	s30 =	simm.s32 $0x19E8;
	s9 =	sld [smem:$0x7DF]  }
0xd8: {  	[tilespmem:s30], [sflag:$0x3] =	stream.linear.gather [hbm4b:s17+s7], $0x80, $0x38;
	[tilespmem:$0x1FD80] =	vst v63  }
0xd9: {  	s11 =	simm.s32 $0x1A70;
	s17 =	sld [smem:$0x7E0]  }
0xda: {  	[tilespmem:s11], [sflag:$0x3] =	stream.linear.gather [hbm4b:s9+s7], $0x80, $0x38;
	[tilespmem:$0x1FD80] =	vst v63  }
0xdb: {  	s30 =	simm.s32 $0x1AF8;
	s9 =	rddreg [dreg:$0xf]  }
0xdc: {  	[tilespmem:s30], [sflag:$0x3] =	stream.linear.gather [hbm4b:s17+s7], $0x80, $0x38;
	[tilespmem:$0x1FD80] =	vst v63  }
0xdd: {  	s11 =	simm.s32 $0x1B80;
	s17 =	sld [smem:$0x7E1]  }
0xde: {  	[tilespmem:s11], [sflag:$0x3] =	stream.linear.gather [hbm4b:s9+s7], $0x80, $0x38;
	[tilespmem:$0x1FD80] =	vst v63  }
0xdf: {  	s30 =	simm.s32 $0x1C08;
	s9 =	sld [smem:$0x7E2]  }
0xe0: {  	[tilespmem:s30], [sflag:$0x3] =	stream.linear.gather [hbm4b:s17+s7], $0x80, $0x38;
	[tilespmem:$0x1FD80] =	vst v63  }
0xe1: {  	s11 =	simm.s32 $0x1C90;
	s17 =	sld [smem:$0x7E3]  }
0xe2: {  	[tilespmem:s11], [sflag:$0x3] =	stream.linear.gather [hbm4b:s9+s7], $0x80, $0x38;
	[tilespmem:$0x1FD80] =	vst v63  }
0xe3: {  	s30 =	simm.s32 $0x1D18;
	s9 =	sld [smem:$0x7E4]  }
0xe4: {  	[tilespmem:s30], [sflag:$0x3] =	stream.linear.gather [hbm4b:s17+s7], $0x80, $0x38;
	[tilespmem:$0x1FD80] =	vst v63  }
0xe5: {  	s11 =	simm.s32 $0x1DA0;
	s17 =	sld [smem:$0x7E5]  }
0xe6: {  	[tilespmem:s11], [sflag:$0x3] =	stream.linear.gather [hbm4b:s9+s7], $0x80, $0x38;
	[tilespmem:$0x1FD80] =	vst v63  }
0xe7: {  	s30 =	simm.s32 $0x1E28;
	s9 =	sld [smem:$0x7E6]  }
0xe8: {  	[tilespmem:s30], [sflag:$0x3] =	stream.linear.gather [hbm4b:s17+s7], $0x80, $0x38;
	[tilespmem:$0x1FD80] =	vst v63  }
0xe9: {  	s11 =	simm.s32 $0x1EB0;
	s17 =	sld [smem:$0x7E7]  }
0xea: {  	[tilespmem:s11], [sflag:$0x3] =	stream.linear.gather [hbm4b:s9+s7], $0x80, $0x38;
	[tilespmem:$0x1FD80] =	vst v63  }
0xeb: {  	s30 =	simm.s32 $0x1F38;
	s9 =	rddreg [dreg:$0x10]  }
0xec: {  	[tilespmem:s30], [sflag:$0x3] =	stream.linear.gather [hbm4b:s17+s7], $0x80, $0x38;
	[tilespmem:$0x1FD80] =	vst v63  }
0xed: {  	s11 =	simm.s32 $0x1FC0;
	s17 =	sld [smem:$0x7E8]  }
0xee: {  	[tilespmem:s11], [sflag:$0x3] =	stream.linear.gather [hbm4b:s9+s7], $0x80, $0x38;
	[tilespmem:$0x1FD80] =	vst v63  }
0xef: {  	s30 =	simm.s32 $0x2048;
	s9 =	sld [smem:$0x7E9]  }
0xf0: {  	[tilespmem:s30], [sflag:$0x3] =	stream.linear.gather [hbm4b:s17+s7], $0x80, $0x38;
	[tilespmem:$0x1FD80] =	vst v63  }
0xf1: {  	s11 =	simm.s32 $0x20D0;
	s17 =	sld [smem:$0x7EA]  }
0xf2: {  	[tilespmem:s11], [sflag:$0x3] =	stream.linear.gather [hbm4b:s9+s7], $0x80, $0x38;
	[tilespmem:$0x1FD80] =	vst v63  }
0xf3: {  	s30 =	simm.s32 $0x2158;
	s9 =	sld [smem:$0x7EB]  }
0xf4: {  	[tilespmem:s30], [sflag:$0x3] =	stream.linear.gather [hbm4b:s17+s7], $0x80, $0x38;
	[tilespmem:$0x1FD80] =	vst v63  }
0xf5: {  	s11 =	simm.s32 $0x21E0;
	s17 =	sld [smem:$0x7EC]  }
0xf6: {  	[tilespmem:s11], [sflag:$0x3] =	stream.linear.gather [hbm4b:s9+s7], $0x80, $0x38;
	[tilespmem:$0x1FD80] =	vst v63  }
0xf7: {  	s30 =	simm.s32 $0x2268;
	s9 =	sld [smem:$0x7ED]  }
0xf8: {  	[tilespmem:s30], [sflag:$0x3] =	stream.linear.gather [hbm4b:s17+s7], $0x80, $0x38;
	[tilespmem:$0x1FD80] =	vst v63  }
0xf9: {  	s11 =	simm.s32 $0x22F0;
	s17 =	sld [smem:$0x7EE]  }
0xfa: {  	[tilespmem:s11], [sflag:$0x3] =	stream.linear.gather [hbm4b:s9+s7], $0x80, $0x38;
	[tilespmem:$0x1FD80] =	vst v63  }
0xfb: {  	s30 =	simm.s32 $0x2378;
	s9 =	rddreg [dreg:$0x11]  }
0xfc: {  	[tilespmem:s30], [sflag:$0x3] =	stream.linear.gather [hbm4b:s17+s7], $0x80, $0x38;
	[tilespmem:$0x1FD80] =	vst v63  }
0xfd: {  	s11 =	simm.s32 $0x2400;
	s17 =	sld [smem:$0x7EF]  }
0xfe: {  	[tilespmem:s11], [sflag:$0x3] =	stream.linear.gather [hbm4b:s9+s7], $0x80, $0x38;
	[tilespmem:$0x1FD80] =	vst v63  }
0xff: {  	s30 =	simm.s32 $0x2488;
	s9 =	sld [smem:$0x7F0]  }
0x100: {  	[tilespmem:s30], [sflag:$0x3] =	stream.linear.gather [hbm4b:s17+s7], $0x80, $0x38;
	[tilespmem:$0x1FD80] =	vst v63  }
0x101: {  	s11 =	simm.s32 $0x2510;
	s17 =	sld [smem:$0x7F1]  }
0x102: {  	[tilespmem:s11], [sflag:$0x3] =	stream.linear.gather [hbm4b:s9+s7], $0x80, $0x38;
	[tilespmem:$0x1FD80] =	vst v63  }
0x103: {  	s30 =	simm.s32 $0x2598;
	s9 =	sld [smem:$0x7F2]  }
0x104: {  	[tilespmem:s30], [sflag:$0x3] =	stream.linear.gather [hbm4b:s17+s7], $0x80, $0x38;
	[tilespmem:$0x1FD80] =	vst v63  }
0x105: {  	s11 =	simm.s32 $0x2620;
	s17 =	sld [smem:$0x7F3]  }
0x106: {  	[tilespmem:s11], [sflag:$0x3] =	stream.linear.gather [hbm4b:s9+s7], $0x80, $0x38;
	[tilespmem:$0x1FD80] =	vst v63  }
0x107: {  	s30 =	simm.s32 $0x26A8;
	s9 =	sld [smem:$0x7F4]  }
0x108: {  	[tilespmem:s30], [sflag:$0x3] =	stream.linear.gather [hbm4b:s17+s7], $0x80, $0x38;
	[tilespmem:$0x1FD80] =	vst v63  }
0x109: {  	s11 =	simm.s32 $0x2730;
	s17 =	sld [smem:$0x7F5]  }
0x10a: {  	[tilespmem:s11], [sflag:$0x3] =	stream.linear.gather [hbm4b:s9+s7], $0x80, $0x38;
	[tilespmem:$0x1FD80] =	vst v63  }
0x10b: {  	s30 =	simm.s32 $0x27B8;
	s9 =	rddreg [dreg:$0x12]  }
0x10c: {  	[tilespmem:s30], [sflag:$0x3] =	stream.linear.gather [hbm4b:s17+s7], $0x80, $0x38;
	[tilespmem:$0x1FD80] =	vst v63  }
0x10d: {  	s11 =	simm.s32 $0x2840;
	s17 =	sld [smem:$0x7F6]  }
0x10e: {  	[tilespmem:s11], [sflag:$0x3] =	stream.linear.gather [hbm4b:s9+s7], $0x80, $0x38;
	[tilespmem:$0x1FD80] =	vst v63  }
0x10f: {  	s30 =	simm.s32 $0x28C8;
	s9 =	sld [smem:$0x7F7]  }
0x110: {  	[tilespmem:s30], [sflag:$0x3] =	stream.linear.gather [hbm4b:s17+s7], $0x80, $0x38;
	[tilespmem:$0x1FD80] =	vst v63  }
0x111: {  	s11 =	simm.s32 $0x2950;
	s17 =	sld [smem:$0x7F8]  }
0x112: {  	[tilespmem:s11], [sflag:$0x3] =	stream.linear.gather [hbm4b:s9+s7], $0x80, $0x38;
	[tilespmem:$0x1FD80] =	vst v63  }
0x113: {  	s30 =	simm.s32 $0x29D8;
	s9 =	sld [smem:$0x7F9]  }
0x114: {  	[tilespmem:s30], [sflag:$0x3] =	stream.linear.gather [hbm4b:s17+s7], $0x80, $0x38;
	[tilespmem:$0x1FD80] =	vst v63  }
0x115: {  	s11 =	simm.s32 $0x2A60;
	s17 =	sld [smem:$0x7FA]  }
0x116: {  	[tilespmem:s11], [sflag:$0x3] =	stream.linear.gather [hbm4b:s9+s7], $0x80, $0x38;
	[tilespmem:$0x1FD80] =	vst v63  }
0x117: {  	s30 =	simm.s32 $0x2AE8;
	s9 =	sld [smem:$0x7FB]  }
0x118: {  	[tilespmem:s30], [sflag:$0x3] =	stream.linear.gather [hbm4b:s17+s7], $0x80, $0x38;
	[tilespmem:$0x1FD80] =	vst v63  }
0x119: {  	s11 =	simm.s32 $0x2B70;
	s17 =	sld [smem:$0x7FC]  }
0x11a: {  	[tilespmem:s11], [sflag:$0x3] =	stream.linear.gather [hbm4b:s9+s7], $0x80, $0x38;
	[tilespmem:$0x1FD80] =	vst v63  }
0x11b: {  	s30 =	simm.s32 $0x2BF8;
	s9 =	simm.s32 $0x80;
	s11 =	simm.s32 $0x0  }
0x11c: {  	[tilespmem:s30], [sflag:$0x3] =	stream.linear.gather [hbm4b:s17+s7], $0x80, $0x38;
	[tilespmem:$0x1FD80] =	vst v63  }
.LBB2_2:
0x11d: {  	p2 =	sne.s32 s9, $0x1F80;
	[tilespmem:s11+$0x6600] =	vst v1;
	s17 =	smov.u32 s9;
	s9 =	sadd.s32 $0x80, s9  }
.Ltmp2:
0x11e: {  	[tilespmem:s11+$0x6610] =	vst v1;
	(pc) =	sbr.rel @p2 .LBB2_2-.Ltmp2, $2  }
0x11f: {  	_ =	sdelay $0x2  }
0x120: {  	s11 =	sshra.s32 s17, $0x2  }
0x121: {  	[tilespmem:s11+$0x6600] =	vst v1  }
0x122: {  	[tilespmem:s11+$0x6610] =	vst v1  }
0x123: {  	[spmem:s23] =	stream.linear.scatter [tilespmem:s28], [sflag:$0x9], $0x800, $0x38;
	[tilespmem:$0x1FD80] =	vst v63  }
0x124: {  	_ =	swait.ge [sflag:s29], $0x800  }
0x125: {  	[sflag:s29] =	ssyncset.done $0x0  }
0x126: {  	s1 =	rddreg [dreg:$0x16];
	[sflag:s29] =	ssyncadd.s32 $0xFFFFF800  }
0x127: {  	[spmem:s1] =	stream.linear.scatter [tilespmem:s28], [sflag:$0x9], $0x800, $0x38;
	[tilespmem:$0x1FD80] =	vst v63  }
0x128: {  	_ =	swait.ge [sflag:s29], $0x800  }
0x129: {  	[sflag:s29] =	ssyncset.done $0x0  }
0x12a: {  	s11 =	rddreg [dreg:$0x17];
	[sflag:s29] =	ssyncadd.s32 $0xFFFFF800  }
0x12b: {  	[spmem:s11] =	stream.linear.scatter [tilespmem:s28], [sflag:$0x9], $0x800, $0x38;
	[tilespmem:$0x1FD80] =	vst v63  }
0x12c: {  	_ =	swait.ge [sflag:s29], $0x800  }
0x12d: {  	[sflag:s29] =	ssyncset.done $0x0  }
0x12e: {  	s17 =	rddreg [dreg:$0x18];
	[sflag:s29] =	ssyncadd.s32 $0xFFFFF800  }
0x12f: {  	[spmem:s17] =	stream.linear.scatter [tilespmem:s28], [sflag:$0x9], $0x800, $0x38;
	[tilespmem:$0x1FD80] =	vst v63  }
0x130: {  	_ =	swait.ge [sflag:s29], $0x800  }
0x131: {  	[sflag:s29] =	ssyncset.done $0x0  }
0x132: {  	s23 =	rddreg [dreg:$0x19];
	[sflag:s29] =	ssyncadd.s32 $0xFFFFF800  }
0x133: {  	[spmem:s23] =	stream.linear.scatter [tilespmem:s28], [sflag:$0x9], $0x800, $0x38;
	[tilespmem:$0x1FD80] =	vst v63  }
0x134: {  	_ =	swait.ge [sflag:s29], $0x800  }
0x135: {  	[sflag:s29] =	ssyncset.done $0x0  }
0x136: {  	s30 =	rddreg [dreg:$0x1a];
	[sflag:s29] =	ssyncadd.s32 $0xFFFFF800  }
0x137: {  	[spmem:s30] =	stream.linear.scatter [tilespmem:s28], [sflag:$0x9], $0x800, $0x38;
	[tilespmem:$0x1FD80] =	vst v63  }
0x138: {  	_ =	swait.ge [sflag:s29], $0x800  }
0x139: {  	[sflag:s29] =	ssyncset.done $0x0  }
0x13a: {  	s9 =	rddreg [dreg:$0x1b];
	[sflag:s29] =	ssyncadd.s32 $0xFFFFF800  }
0x13b: {  	[spmem:s9] =	stream.linear.scatter [tilespmem:s28], [sflag:$0x9], $0x800, $0x38;
	[tilespmem:$0x1FD80] =	vst v63  }
0x13c: {  	_ =	swait.ge [sflag:s29], $0x800  }
0x13d: {  	[sflag:s29] =	ssyncset.done $0x0  }
0x13e: {  	s11 =	rddreg [dreg:$0x1c];
	[sflag:s29] =	ssyncadd.s32 $0xFFFFF800  }
0x13f: {  	[spmem:s11] =	stream.linear.scatter [tilespmem:s28], [sflag:$0x9], $0x800, $0x38;
	[tilespmem:$0x1FD80] =	vst v63  }
0x140: {  	_ =	swait.ge [sflag:s29], $0x800  }
0x141: {  	[sflag:s29] =	ssyncset.done $0x0  }
0x142: {  	s17 =	rddreg [dreg:$0x1d];
	[sflag:s29] =	ssyncadd.s32 $0xFFFFF800  }
0x143: {  	[spmem:s17] =	stream.linear.scatter [tilespmem:s28], [sflag:$0x9], $0x800, $0x38;
	[tilespmem:$0x1FD80] =	vst v63  }
0x144: {  	_ =	swait.ge [sflag:s29], $0x800  }
0x145: {  	[sflag:s29] =	ssyncset.done $0x0  }
0x146: {  	s23 =	rddreg [dreg:$0x1e];
	[sflag:s29] =	ssyncadd.s32 $0xFFFFF800  }
0x147: {  	[spmem:s23] =	stream.linear.scatter [tilespmem:s28], [sflag:$0x9], $0x800, $0x38;
	[tilespmem:$0x1FD80] =	vst v63  }
0x148: {  	_ =	swait.ge [sflag:s29], $0x800  }
0x149: {  	[sflag:s29] =	ssyncset.done $0x0  }
0x14a: {  	s30 =	rddreg [dreg:$0x1f];
	[sflag:s29] =	ssyncadd.s32 $0xFFFFF800  }
0x14b: {  	[spmem:s30] =	stream.linear.scatter [tilespmem:s28], [sflag:$0x9], $0x800, $0x38;
	[tilespmem:$0x1FD80] =	vst v63  }
0x14c: {  	_ =	swait.ge [sflag:s29], $0x800  }
0x14d: {  	s9 =	sld [smem:$0x79F]  }
0x14e: {  	[sflag:s29] =	ssyncset.done $0x0  }
0x14f: {  	[sflag:s29] =	ssyncadd.s32 $0xFFFFF800  }
0x150: {  	[spmem:s9] =	stream.linear.scatter [tilespmem:s28], [sflag:$0x9], $0x800, $0x38;
	[tilespmem:$0x1FD80] =	vst v63  }
0x151: {  	_ =	swait.ge [sflag:s29], $0x800  }
0x152: {  	s11 =	sld [smem:$0x7A0]  }
0x153: {  	[sflag:s29] =	ssyncset.done $0x0  }
0x154: {  	[sflag:s29] =	ssyncadd.s32 $0xFFFFF800  }
0x155: {  	[spmem:s11] =	stream.linear.scatter [tilespmem:s28], [sflag:$0x9], $0x800, $0x38;
	[tilespmem:$0x1FD80] =	vst v63  }
0x156: {  	_ =	swait.ge [sflag:s29], $0x800  }
0x157: {  	s17 =	sld [smem:$0x7A1]  }
0x158: {  	[sflag:s29] =	ssyncset.done $0x0  }
0x159: {  	[sflag:s29] =	ssyncadd.s32 $0xFFFFF800  }
0x15a: {  	[spmem:s17] =	stream.linear.scatter [tilespmem:s28], [sflag:$0x9], $0x800, $0x38;
	[tilespmem:$0x1FD80] =	vst v63  }
0x15b: {  	_ =	swait.ge [sflag:s29], $0x800  }
0x15c: {  	s23 =	sld [smem:$0x7A2]  }
0x15d: {  	[sflag:s29] =	ssyncset.done $0x0  }
0x15e: {  	[sflag:s29] =	ssyncadd.s32 $0xFFFFF800  }
0x15f: {  	[spmem:s23] =	stream.linear.scatter [tilespmem:s28], [sflag:$0x9], $0x800, $0x38;
	[tilespmem:$0x1FD80] =	vst v63  }
0x160: {  	_ =	swait.ge [sflag:s29], $0x800  }
0x161: {  	s30 =	sld [smem:$0x7A3]  }
0x162: {  	[sflag:s29] =	ssyncset.done $0x0  }
0x163: {  	[sflag:s29] =	ssyncadd.s32 $0xFFFFF800  }
0x164: {  	[spmem:s30] =	stream.linear.scatter [tilespmem:s28], [sflag:$0x9], $0x800, $0x38;
	[tilespmem:$0x1FD80] =	vst v63  }
0x165: {  	_ =	swait.ge [sflag:s29], $0x800  }
0x166: {  	s9 =	sld [smem:$0x7A4]  }
0x167: {  	[sflag:s29] =	ssyncset.done $0x0  }
0x168: {  	[sflag:s29] =	ssyncadd.s32 $0xFFFFF800  }
0x169: {  	[spmem:s9] =	stream.linear.scatter [tilespmem:s28], [sflag:$0x9], $0x800, $0x38;
	[tilespmem:$0x1FD80] =	vst v63  }
0x16a: {  	_ =	swait.ge [sflag:s29], $0x800  }
0x16b: {  	s11 =	sld [smem:$0x7A5]  }
0x16c: {  	[sflag:s29] =	ssyncset.done $0x0  }
0x16d: {  	[sflag:s29] =	ssyncadd.s32 $0xFFFFF800  }
0x16e: {  	[spmem:s11] =	stream.linear.scatter [tilespmem:s28], [sflag:$0x9], $0x800, $0x38;
	[tilespmem:$0x1FD80] =	vst v63  }
0x16f: {  	_ =	swait.ge [sflag:s29], $0x800  }
0x170: {  	s17 =	sld [smem:$0x7A6]  }
0x171: {  	[sflag:s29] =	ssyncset.done $0x0  }
0x172: {  	[sflag:s29] =	ssyncadd.s32 $0xFFFFF800  }
0x173: {  	[spmem:s17] =	stream.linear.scatter [tilespmem:s28], [sflag:$0x9], $0x800, $0x38;
	[tilespmem:$0x1FD80] =	vst v63  }
0x174: {  	_ =	swait.ge [sflag:s29], $0x800  }
0x175: {  	s23 =	sld [smem:$0x7A7]  }
0x176: {  	[sflag:s29] =	ssyncset.done $0x0  }
0x177: {  	[sflag:s29] =	ssyncadd.s32 $0xFFFFF800  }
0x178: {  	[spmem:s23] =	stream.linear.scatter [tilespmem:s28], [sflag:$0x9], $0x800, $0x38;
	[tilespmem:$0x1FD80] =	vst v63  }
0x179: {  	_ =	swait.ge [sflag:s29], $0x800  }
0x17a: {  	s30 =	sld [smem:$0x7A8]  }
0x17b: {  	[sflag:s29] =	ssyncset.done $0x0  }
0x17c: {  	[sflag:s29] =	ssyncadd.s32 $0xFFFFF800  }
0x17d: {  	[spmem:s30] =	stream.linear.scatter [tilespmem:s28], [sflag:$0x9], $0x800, $0x38;
	[tilespmem:$0x1FD80] =	vst v63  }
0x17e: {  	_ =	swait.ge [sflag:s29], $0x800  }
0x17f: {  	s9 =	sld [smem:$0x7A9]  }
0x180: {  	[sflag:s29] =	ssyncset.done $0x0  }
0x181: {  	[sflag:s29] =	ssyncadd.s32 $0xFFFFF800  }
0x182: {  	[spmem:s9] =	stream.linear.scatter [tilespmem:s28], [sflag:$0x9], $0x800, $0x38;
	[tilespmem:$0x1FD80] =	vst v63  }
0x183: {  	_ =	swait.ge [sflag:s29], $0x800  }
0x184: {  	s11 =	sld [smem:$0x7AA]  }
0x185: {  	[sflag:s29] =	ssyncset.done $0x0  }
0x186: {  	[sflag:s29] =	ssyncadd.s32 $0xFFFFF800  }
0x187: {  	[spmem:s11] =	stream.linear.scatter [tilespmem:s28], [sflag:$0x9], $0x800, $0x38;
	[tilespmem:$0x1FD80] =	vst v63  }
0x188: {  	_ =	swait.ge [sflag:s29], $0x800  }
0x189: {  	s17 =	sld [smem:$0x7AB]  }
0x18a: {  	[sflag:s29] =	ssyncset.done $0x0  }
0x18b: {  	[sflag:s29] =	ssyncadd.s32 $0xFFFFF800  }
0x18c: {  	[spmem:s17] =	stream.linear.scatter [tilespmem:s28], [sflag:$0x9], $0x800, $0x38;
	[tilespmem:$0x1FD80] =	vst v63  }
0x18d: {  	_ =	swait.ge [sflag:s29], $0x800  }
0x18e: {  	s23 =	sld [smem:$0x7AC]  }
0x18f: {  	[sflag:s29] =	ssyncset.done $0x0  }
0x190: {  	[sflag:s29] =	ssyncadd.s32 $0xFFFFF800  }
0x191: {  	[spmem:s23] =	stream.linear.scatter [tilespmem:s28], [sflag:$0x9], $0x800, $0x38;
	[tilespmem:$0x1FD80] =	vst v63  }
0x192: {  	_ =	swait.ge [sflag:s29], $0x800  }
0x193: {  	s30 =	sld [smem:$0x7AD]  }
0x194: {  	[sflag:s29] =	ssyncset.done $0x0  }
0x195: {  	[sflag:s29] =	ssyncadd.s32 $0xFFFFF800  }
0x196: {  	[spmem:s30] =	stream.linear.scatter [tilespmem:s28], [sflag:$0x9], $0x800, $0x38;
	[tilespmem:$0x1FD80] =	vst v63  }
0x197: {  	_ =	swait.ge [sflag:s29], $0x800  }
0x198: {  	s9 =	sld [smem:$0x7AE]  }
0x199: {  	[sflag:s29] =	ssyncset.done $0x0  }
0x19a: {  	[sflag:s29] =	ssyncadd.s32 $0xFFFFF800  }
0x19b: {  	[spmem:s9] =	stream.linear.scatter [tilespmem:s28], [sflag:$0x9], $0x800, $0x38;
	[tilespmem:$0x1FD80] =	vst v63  }
0x19c: {  	_ =	swait.ge [sflag:s29], $0x800  }
0x19d: {  	s11 =	sld [smem:$0x7AF]  }
0x19e: {  	[sflag:s29] =	ssyncset.done $0x0  }
0x19f: {  	[sflag:s29] =	ssyncadd.s32 $0xFFFFF800  }
0x1a0: {  	[spmem:s11] =	stream.linear.scatter [tilespmem:s28], [sflag:$0x9], $0x800, $0x38;
	[tilespmem:$0x1FD80] =	vst v63  }
0x1a1: {  	_ =	swait.ge [sflag:s29], $0x800  }
0x1a2: {  	s17 =	sld [smem:$0x7B0]  }
0x1a3: {  	[sflag:s29] =	ssyncset.done $0x0  }
0x1a4: {  	[sflag:s29] =	ssyncadd.s32 $0xFFFFF800  }
0x1a5: {  	[spmem:s17] =	stream.linear.scatter [tilespmem:s28], [sflag:$0x9], $0x800, $0x38;
	[tilespmem:$0x1FD80] =	vst v63  }
0x1a6: {  	_ =	swait.ge [sflag:s29], $0x800  }
0x1a7: {  	s23 =	sld [smem:$0x7B1]  }
0x1a8: {  	[sflag:s29] =	ssyncset.done $0x0  }
0x1a9: {  	[sflag:s29] =	ssyncadd.s32 $0xFFFFF800  }
0x1aa: {  	[spmem:s23] =	stream.linear.scatter [tilespmem:s28], [sflag:$0x9], $0x800, $0x38;
	[tilespmem:$0x1FD80] =	vst v63  }
0x1ab: {  	_ =	swait.ge [sflag:s29], $0x800  }
0x1ac: {  	s30 =	sld [smem:$0x7B2]  }
0x1ad: {  	[sflag:s29] =	ssyncset.done $0x0  }
0x1ae: {  	[sflag:s29] =	ssyncadd.s32 $0xFFFFF800  }
0x1af: {  	[spmem:s30] =	stream.linear.scatter [tilespmem:s28], [sflag:$0x9], $0x800, $0x38;
	[tilespmem:$0x1FD80] =	vst v63  }
0x1b0: {  	_ =	swait.ge [sflag:s29], $0x800  }
0x1b1: {  	s9 =	sld [smem:$0x7B3]  }
0x1b2: {  	[sflag:s29] =	ssyncset.done $0x0  }
0x1b3: {  	[sflag:s29] =	ssyncadd.s32 $0xFFFFF800  }
0x1b4: {  	[spmem:s9] =	stream.linear.scatter [tilespmem:s28], [sflag:$0x9], $0x800, $0x38;
	[tilespmem:$0x1FD80] =	vst v63  }
0x1b5: {  	_ =	swait.ge [sflag:s29], $0x800  }
0x1b6: {  	s11 =	sld [smem:$0x7B4]  }
0x1b7: {  	[sflag:s29] =	ssyncset.done $0x0  }
0x1b8: {  	[sflag:s29] =	ssyncadd.s32 $0xFFFFF800  }
0x1b9: {  	[spmem:s11] =	stream.linear.scatter [tilespmem:s28], [sflag:$0x9], $0x800, $0x38;
	[tilespmem:$0x1FD80] =	vst v63  }
0x1ba: {  	_ =	swait.ge [sflag:s29], $0x800  }
0x1bb: {  	s17 =	sld [smem:$0x7B5]  }
0x1bc: {  	[sflag:s29] =	ssyncset.done $0x0  }
0x1bd: {  	[sflag:s29] =	ssyncadd.s32 $0xFFFFF800  }
0x1be: {  	[spmem:s17] =	stream.linear.scatter [tilespmem:s28], [sflag:$0x9], $0x800, $0x38;
	[tilespmem:$0x1FD80] =	vst v63  }
0x1bf: {  	_ =	swait.ge [sflag:s29], $0x800  }
0x1c0: {  	s23 =	sld [smem:$0x7B6]  }
0x1c1: {  	[sflag:s29] =	ssyncset.done $0x0  }
0x1c2: {  	[sflag:s29] =	ssyncadd.s32 $0xFFFFF800  }
0x1c3: {  	[spmem:s23] =	stream.linear.scatter [tilespmem:s28], [sflag:$0x9], $0x800, $0x38;
	[tilespmem:$0x1FD80] =	vst v63  }
0x1c4: {  	_ =	swait.ge [sflag:s29], $0x800  }
0x1c5: {  	s30 =	sld [smem:$0x7B7]  }
0x1c6: {  	[sflag:s29] =	ssyncset.done $0x0  }
0x1c7: {  	[sflag:s29] =	ssyncadd.s32 $0xFFFFF800  }
0x1c8: {  	[spmem:s30] =	stream.linear.scatter [tilespmem:s28], [sflag:$0x9], $0x800, $0x38;
	[tilespmem:$0x1FD80] =	vst v63  }
0x1c9: {  	_ =	swait.ge [sflag:s29], $0x800  }
0x1ca: {  	s9 =	sld [smem:$0x7B8]  }
0x1cb: {  	[sflag:s29] =	ssyncset.done $0x0  }
0x1cc: {  	[sflag:s29] =	ssyncadd.s32 $0xFFFFF800  }
0x1cd: {  	[spmem:s9] =	stream.linear.scatter [tilespmem:s28], [sflag:$0x9], $0x800, $0x38;
	[tilespmem:$0x1FD80] =	vst v63  }
0x1ce: {  	_ =	swait.ge [sflag:s29], $0x800  }
0x1cf: {  	s11 =	sld [smem:$0x7B9]  }
0x1d0: {  	[sflag:s29] =	ssyncset.done $0x0  }
0x1d1: {  	[sflag:s29] =	ssyncadd.s32 $0xFFFFF800  }
0x1d2: {  	[spmem:s11] =	stream.linear.scatter [tilespmem:s28], [sflag:$0x9], $0x800, $0x38;
	[tilespmem:$0x1FD80] =	vst v63  }
0x1d3: {  	_ =	swait.ge [sflag:s29], $0x800  }
0x1d4: {  	s17 =	sld [smem:$0x7BA]  }
0x1d5: {  	[sflag:s29] =	ssyncset.done $0x0  }
0x1d6: {  	[sflag:s29] =	ssyncadd.s32 $0xFFFFF800  }
0x1d7: {  	[spmem:s17] =	stream.linear.scatter [tilespmem:s28], [sflag:$0x9], $0x800, $0x38;
	[tilespmem:$0x1FD80] =	vst v63  }
0x1d8: {  	_ =	swait.ge [sflag:s29], $0x800  }
0x1d9: {  	s23 =	sld [smem:$0x7BB]  }
0x1da: {  	[sflag:s29] =	ssyncset.done $0x0  }
0x1db: {  	[sflag:s29] =	ssyncadd.s32 $0xFFFFF800  }
0x1dc: {  	[spmem:s23] =	stream.linear.scatter [tilespmem:s28], [sflag:$0x9], $0x800, $0x38;
	[tilespmem:$0x1FD80] =	vst v63  }
0x1dd: {  	_ =	swait.ge [sflag:s29], $0x800  }
0x1de: {  	s30 =	sld [smem:$0x7BC]  }
0x1df: {  	[sflag:s29] =	ssyncset.done $0x0  }
0x1e0: {  	[sflag:s29] =	ssyncadd.s32 $0xFFFFF800  }
0x1e1: {  	[spmem:s30] =	stream.linear.scatter [tilespmem:s28], [sflag:$0x9], $0x800, $0x38;
	[tilespmem:$0x1FD80] =	vst v63  }
0x1e2: {  	_ =	swait.ge [sflag:s29], $0x800  }
0x1e3: {  	s9 =	sld [smem:$0x7BD]  }
0x1e4: {  	[sflag:s29] =	ssyncset.done $0x0  }
0x1e5: {  	[sflag:s29] =	ssyncadd.s32 $0xFFFFF800  }
0x1e6: {  	[spmem:s9] =	stream.linear.scatter [tilespmem:s28], [sflag:$0x9], $0x800, $0x38;
	[tilespmem:$0x1FD80] =	vst v63  }
0x1e7: {  	_ =	swait.ge [sflag:s29], $0x800  }
0x1e8: {  	s11 =	sld [smem:$0x7BE]  }
0x1e9: {  	[sflag:s29] =	ssyncset.done $0x0  }
0x1ea: {  	[sflag:s29] =	ssyncadd.s32 $0xFFFFF800  }
0x1eb: {  	[spmem:s11] =	stream.linear.scatter [tilespmem:s28], [sflag:$0x9], $0x800, $0x38;
	[tilespmem:$0x1FD80] =	vst v63  }
0x1ec: {  	_ =	swait.ge [sflag:s29], $0x800  }
0x1ed: {  	s17 =	sld [smem:$0x7BF]  }
0x1ee: {  	[sflag:s29] =	ssyncset.done $0x0  }
0x1ef: {  	[sflag:s29] =	ssyncadd.s32 $0xFFFFF800  }
0x1f0: {  	[spmem:s17] =	stream.linear.scatter [tilespmem:s28], [sflag:$0x9], $0x800, $0x38;
	[tilespmem:$0x1FD80] =	vst v63  }
0x1f1: {  	_ =	swait.ge [sflag:s29], $0x800  }
0x1f2: {  	s23 =	sld [smem:$0x7C0]  }
0x1f3: {  	[sflag:s29] =	ssyncset.done $0x0  }
0x1f4: {  	[sflag:s29] =	ssyncadd.s32 $0xFFFFF800  }
0x1f5: {  	[spmem:s23] =	stream.linear.scatter [tilespmem:s28], [sflag:$0x9], $0x800, $0x38;
	[tilespmem:$0x1FD80] =	vst v63  }
0x1f6: {  	_ =	swait.ge [sflag:s29], $0x800  }
0x1f7: {  	s30 =	sld [smem:$0x7C1]  }
0x1f8: {  	[sflag:s29] =	ssyncset.done $0x0  }
0x1f9: {  	[sflag:s29] =	ssyncadd.s32 $0xFFFFF800  }
0x1fa: {  	[spmem:s30] =	stream.linear.scatter [tilespmem:s28], [sflag:$0x9], $0x800, $0x38;
	[tilespmem:$0x1FD80] =	vst v63  }
0x1fb: {  	_ =	swait.ge [sflag:s29], $0x800  }
0x1fc: {  	s9 =	sld [smem:$0x7C2]  }
0x1fd: {  	[sflag:s29] =	ssyncset.done $0x0  }
0x1fe: {  	[sflag:s29] =	ssyncadd.s32 $0xFFFFF800  }
0x1ff: {  	[spmem:s9] =	stream.linear.scatter [tilespmem:s28], [sflag:$0x9], $0x800, $0x38;
	[tilespmem:$0x1FD80] =	vst v63  }
0x200: {  	_ =	swait.ge [sflag:s29], $0x800  }
0x201: {  	s11 =	sld [smem:$0x7C3]  }
0x202: {  	[sflag:s29] =	ssyncset.done $0x0  }
0x203: {  	[sflag:s29] =	ssyncadd.s32 $0xFFFFF800  }
0x204: {  	[spmem:s11] =	stream.linear.scatter [tilespmem:s28], [sflag:$0x9], $0x800, $0x38;
	[tilespmem:$0x1FD80] =	vst v63  }
0x205: {  	_ =	swait.ge [sflag:s29], $0x800  }
0x206: {  	s17 =	sld [smem:$0x7C4]  }
0x207: {  	[sflag:s29] =	ssyncset.done $0x0  }
0x208: {  	[sflag:s29] =	ssyncadd.s32 $0xFFFFF800  }
0x209: {  	[spmem:s17] =	stream.linear.scatter [tilespmem:s28], [sflag:$0x9], $0x700, $0x38;
	[tilespmem:$0x1FD80] =	vst v63  }
0x20a: {  	_ =	swait.ge [sflag:s29], $0x700  }
0x20b: {  	[sflag:s29] =	ssyncset.done $0x0  }
0x20c: {  	s23 =	simm.s32 $0x1;
	[sflag:s29] =	ssyncadd.s32 $0xFFFFF900  }
0x20d: {  	_ =	swait.ge [sflag:s23], $0x80  }
0x20e: {  	[sflag:s23] =	ssyncset.done $0x0  }
0x20f: {  	[sflag:s23] =	ssyncadd.s32 $0xFFFFFF80  }
0x210: {  	_ =	swait.ge [sflag:s23], $0x40  }
0x211: {  	[sflag:s23] =	ssyncset.done $0x0  }
0x212: {  	[sflag:s23] =	ssyncadd.s32 $0xFFFFFFC0  }
0x213: {  	_ =	swait.ge [sflag:s23], $0x40  }
0x214: {  	[sflag:s23] =	ssyncset.done $0x0  }
0x215: {  	s30 =	simm.s32 $0x4600;
	s9 =	simm.s32 $0x0;
	[sflag:s23] =	ssyncadd.s32 $0xFFFFFFC0  }
0x216: {  	[tilespmem:s30], [sflag:$0x5] =	stream.indirect.gather [hbm4b:s8+s14], $0x40, s9, s14, $0xb8;
	[tilespmem:$0x1FD80] =	vst v63  }
0x217: {  	[bflag:$0x0] =	sbarrier.arrive $0xFFFF  }
.LBB2_4:
0x218: {  	s1 =	sld [smem:$0x7FD];
	_ =	sdelay $0x1  }
0x219: {  	s11 =	sshll.u32 s9, $0x5  }
0x21a: {  	s11 =	sor.u32 s1, s11  }
0x21b: {  	s23 =	rddreg [dreg:$0x2];
	s17 =	sshll.u32 s11, $0x4  }
0x21c: {  	s1 =	simm.s32 $0x80;
	s23 =	sadd.s32 s23, s17  }
0x21d: {  	[tilespmem:s1], [sflag:$0x2] =	stream.linear.gather [hbm4b:s23+s7], $0x80, $0x38;
	[tilespmem:$0x1FD80] =	vst v63  }
0x21e: {  	s23 =	rddreg [dreg:$0x1]  }
0x21f: {  	s1 =	simm.s32 $0x180;
	s23 =	sadd.s32 s23, s17  }
0x220: {  	[tilespmem:s1], [sflag:$0x2] =	stream.linear.gather [hbm4b:s23+s7], $0x40, $0x38;
	[tilespmem:$0x1FD80] =	vst v63  }
0x221: {  	s11 =	sshll.u32 s11, $0x7;
	s17 =	sadd.s32 s17, s12;
	s23 =	simm.s32 $0x1C0  }
0x222: {  	[tilespmem:s23], [sflag:$0x2] =	stream.linear.gather [hbm4b:s17+s7], $0x40, $0x38;
	[tilespmem:$0x1FD80] =	vst v63  }
0x223: {  	s17 =	sadd.s32 s3, s11  }
0x224: {  	[tilespmem:s22], [sflag:$0x4] =	stream.linear.gather [hbm4b:s17+s7], $0x80, $0x38;
	[tilespmem:$0x1FD80] =	vst v63  }
0x225: {  	s1 =	simm.s32 $0xB08;
	s23 =	sadd.s32 $0x10, s17  }
0x226: {  	[tilespmem:s1], [sflag:$0x4] =	stream.linear.gather [hbm4b:s23+s7], $0x80, $0x38;
	[tilespmem:$0x1FD80] =	vst v63  }
0x227: {  	s23 =	sadd.s32 $0x20, s17;
	s1 =	simm.s32 $0xB90  }
0x228: {  	[tilespmem:s1], [sflag:$0x4] =	stream.linear.gather [hbm4b:s23+s7], $0x80, $0x38;
	[tilespmem:$0x1FD80] =	vst v63  }
0x229: {  	s23 =	sadd.s32 $0x30, s17;
	s1 =	simm.s32 $0xC18  }
0x22a: {  	[tilespmem:s1], [sflag:$0x4] =	stream.linear.gather [hbm4b:s23+s7], $0x80, $0x38;
	[tilespmem:$0x1FD80] =	vst v63  }
0x22b: {  	s23 =	sadd.s32 $0x40, s17;
	s1 =	simm.s32 $0xCA0  }
0x22c: {  	[tilespmem:s1], [sflag:$0x4] =	stream.linear.gather [hbm4b:s23+s7], $0x80, $0x38;
	[tilespmem:$0x1FD80] =	vst v63  }
0x22d: {  	s23 =	sadd.s32 $0x50, s17;
	s1 =	simm.s32 $0xD28  }
0x22e: {  	[tilespmem:s1], [sflag:$0x4] =	stream.linear.gather [hbm4b:s23+s7], $0x80, $0x38;
	[tilespmem:$0x1FD80] =	vst v63  }
0x22f: {  	s23 =	sadd.s32 $0x60, s17;
	s1 =	simm.s32 $0xDB0  }
0x230: {  	[tilespmem:s1], [sflag:$0x4] =	stream.linear.gather [hbm4b:s23+s7], $0x80, $0x38;
	[tilespmem:$0x1FD80] =	vst v63  }
0x231: {  	s17 =	sadd.s32 $0x70, s17;
	s23 =	simm.s32 $0xE38  }
0x232: {  	[tilespmem:s23], [sflag:$0x4] =	stream.linear.gather [hbm4b:s17+s7], $0x80, $0x38;
	[tilespmem:$0x1FD80] =	vst v63  }
0x233: {  	s17 =	sadd.s32 $0xC3500, s11  }
0x234: {  	s1 =	simm.s32 $0xEC0;
	s23 =	sadd.s32 s3, s17  }
0x235: {  	[tilespmem:s1], [sflag:$0x4] =	stream.linear.gather [hbm4b:s23+s7], $0x80, $0x38;
	[tilespmem:$0x1FD80] =	vst v63  }
0x236: {  	s30 =	sadd.s32 $0x10, s23;
	s1 =	simm.s32 $0xF48  }
0x237: {  	[tilespmem:s1], [sflag:$0x4] =	stream.linear.gather [hbm4b:s30+s7], $0x80, $0x38;
	[tilespmem:$0x1FD80] =	vst v63  }
0x238: {  	s30 =	sadd.s32 $0x20, s23;
	s1 =	simm.s32 $0xFD0  }
0x239: {  	[tilespmem:s1], [sflag:$0x4] =	stream.linear.gather [hbm4b:s30+s7], $0x80, $0x38;
	[tilespmem:$0x1FD80] =	vst v63  }
0x23a: {  	s30 =	sadd.s32 $0x30, s23;
	s1 =	simm.s32 $0x1058  }
0x23b: {  	[tilespmem:s1], [sflag:$0x4] =	stream.linear.gather [hbm4b:s30+s7], $0x80, $0x38;
	[tilespmem:$0x1FD80] =	vst v63  }
0x23c: {  	s30 =	sadd.s32 $0x40, s23;
	s1 =	simm.s32 $0x10E0  }
0x23d: {  	[tilespmem:s1], [sflag:$0x4] =	stream.linear.gather [hbm4b:s30+s7], $0x80, $0x38;
	[tilespmem:$0x1FD80] =	vst v63  }
0x23e: {  	s30 =	sadd.s32 $0x50, s23;
	s1 =	simm.s32 $0x1168  }
0x23f: {  	[tilespmem:s1], [sflag:$0x4] =	stream.linear.gather [hbm4b:s30+s7], $0x80, $0x38;
	[tilespmem:$0x1FD80] =	vst v63  }
0x240: {  	s30 =	sadd.s32 $0x60, s23;
	s1 =	simm.s32 $0x11F0  }
0x241: {  	[tilespmem:s1], [sflag:$0x4] =	stream.linear.gather [hbm4b:s30+s7], $0x80, $0x38;
	[tilespmem:$0x1FD80] =	vst v63  }
0x242: {  	s23 =	sadd.s32 $0x70, s23;
	s1 =	simm.s32 $0x1278  }
0x243: {  	[tilespmem:s1], [sflag:$0x4] =	stream.linear.gather [hbm4b:s23+s7], $0x80, $0x38;
	[tilespmem:$0x1FD80] =	vst v63  }
0x244: {  	s23 =	sadd.s32 s5, s11  }
0x245: {  	[tilespmem:s13], [sflag:$0x4] =	stream.linear.gather [hbm4b:s23+s7], $0x80, $0x38;
	[tilespmem:$0x1FD80] =	vst v63  }
0x246: {  	s1 =	simm.s32 $0x2D08;
	s30 =	sadd.s32 $0x10, s23  }
0x247: {  	[tilespmem:s1], [sflag:$0x4] =	stream.linear.gather [hbm4b:s30+s7], $0x80, $0x38;
	[tilespmem:$0x1FD80] =	vst v63  }
0x248: {  	s30 =	sadd.s32 $0x20, s23;
	s1 =	simm.s32 $0x2D90  }
0x249: {  	[tilespmem:s1], [sflag:$0x4] =	stream.linear.gather [hbm4b:s30+s7], $0x80, $0x38;
	[tilespmem:$0x1FD80] =	vst v63  }
0x24a: {  	s30 =	sadd.s32 $0x30, s23;
	s1 =	simm.s32 $0x2E18  }
0x24b: {  	[tilespmem:s1], [sflag:$0x4] =	stream.linear.gather [hbm4b:s30+s7], $0x80, $0x38;
	[tilespmem:$0x1FD80] =	vst v63  }
0x24c: {  	s30 =	sadd.s32 $0x40, s23;
	s1 =	simm.s32 $0x2EA0  }
0x24d: {  	[tilespmem:s1], [sflag:$0x4] =	stream.linear.gather [hbm4b:s30+s7], $0x80, $0x38;
	[tilespmem:$0x1FD80] =	vst v63  }
0x24e: {  	s30 =	sadd.s32 $0x50, s23;
	s1 =	simm.s32 $0x2F28  }
0x24f: {  	[tilespmem:s1], [sflag:$0x4] =	stream.linear.gather [hbm4b:s30+s7], $0x80, $0x38;
	[tilespmem:$0x1FD80] =	vst v63  }
0x250: {  	s30 =	sadd.s32 $0x60, s23;
	s1 =	simm.s32 $0x2FB0  }
0x251: {  	[tilespmem:s1], [sflag:$0x4] =	stream.linear.gather [hbm4b:s30+s7], $0x80, $0x38;
	[tilespmem:$0x1FD80] =	vst v63  }
0x252: {  	s23 =	sadd.s32 $0x70, s23;
	s1 =	simm.s32 $0x3038  }
0x253: {  	[tilespmem:s1], [sflag:$0x4] =	stream.linear.gather [hbm4b:s23+s7], $0x80, $0x38;
	[tilespmem:$0x1FD80] =	vst v63  }
0x254: {  	s17 =	sadd.s32 s5, s17;
	s23 =	simm.s32 $0x30C0  }
0x255: {  	[tilespmem:s23], [sflag:$0x4] =	stream.linear.gather [hbm4b:s17+s7], $0x80, $0x38;
	[tilespmem:$0x1FD80] =	vst v63  }
0x256: {  	s1 =	simm.s32 $0x3148;
	s23 =	sadd.s32 $0x10, s17  }
0x257: {  	[tilespmem:s1], [sflag:$0x4] =	stream.linear.gather [hbm4b:s23+s7], $0x80, $0x38;
	[tilespmem:$0x1FD80] =	vst v63  }
0x258: {  	s23 =	sadd.s32 $0x20, s17;
	s1 =	simm.s32 $0x31D0  }
0x259: {  	[tilespmem:s1], [sflag:$0x4] =	stream.linear.gather [hbm4b:s23+s7], $0x80, $0x38;
	[tilespmem:$0x1FD80] =	vst v63  }
0x25a: {  	s23 =	sadd.s32 $0x30, s17;
	s1 =	simm.s32 $0x3258  }
0x25b: {  	[tilespmem:s1], [sflag:$0x4] =	stream.linear.gather [hbm4b:s23+s7], $0x80, $0x38;
	[tilespmem:$0x1FD80] =	vst v63  }
0x25c: {  	s23 =	sadd.s32 $0x40, s17;
	s1 =	simm.s32 $0x32E0  }
0x25d: {  	[tilespmem:s1], [sflag:$0x4] =	stream.linear.gather [hbm4b:s23+s7], $0x80, $0x38;
	[tilespmem:$0x1FD80] =	vst v63  }
0x25e: {  	s23 =	sadd.s32 $0x50, s17;
	s1 =	simm.s32 $0x3368  }
0x25f: {  	[tilespmem:s1], [sflag:$0x4] =	stream.linear.gather [hbm4b:s23+s7], $0x80, $0x38;
	[tilespmem:$0x1FD80] =	vst v63  }
0x260: {  	s23 =	sadd.s32 $0x60, s17;
	s1 =	simm.s32 $0x33F0  }
0x261: {  	[tilespmem:s1], [sflag:$0x4] =	stream.linear.gather [hbm4b:s23+s7], $0x80, $0x38;
	[tilespmem:$0x1FD80] =	vst v63  }
0x262: {  	s17 =	sadd.s32 $0x70, s17;
	s23 =	simm.s32 $0x3478  }
0x263: {  	[tilespmem:s23], [sflag:$0x4] =	stream.linear.gather [hbm4b:s17+s7], $0x80, $0x38;
	[tilespmem:$0x1FD80] =	vst v63  }
0x264: {  	s17 =	sadd.s32 s11, s16;
	s23 =	simm.s32 $0x3500  }
0x265: {  	[tilespmem:s23], [sflag:$0x4] =	stream.linear.gather [hbm4b:s17+s7], $0x80, $0x38;
	[tilespmem:$0x1FD80] =	vst v63  }
0x266: {  	s1 =	simm.s32 $0x3588;
	s23 =	sadd.s32 $0x10, s17  }
0x267: {  	[tilespmem:s1], [sflag:$0x4] =	stream.linear.gather [hbm4b:s23+s7], $0x80, $0x38;
	[tilespmem:$0x1FD80] =	vst v63  }
0x268: {  	s23 =	sadd.s32 $0x20, s17;
	s1 =	simm.s32 $0x3610  }
0x269: {  	[tilespmem:s1], [sflag:$0x4] =	stream.linear.gather [hbm4b:s23+s7], $0x80, $0x38;
	[tilespmem:$0x1FD80] =	vst v63  }
0x26a: {  	s23 =	sadd.s32 $0x30, s17;
	s1 =	simm.s32 $0x3698  }
0x26b: {  	[tilespmem:s1], [sflag:$0x4] =	stream.linear.gather [hbm4b:s23+s7], $0x80, $0x38;
	[tilespmem:$0x1FD80] =	vst v63  }
0x26c: {  	s23 =	sadd.s32 $0x40, s17;
	s1 =	simm.s32 $0x3720  }
0x26d: {  	[tilespmem:s1], [sflag:$0x4] =	stream.linear.gather [hbm4b:s23+s7], $0x80, $0x38;
	[tilespmem:$0x1FD80] =	vst v63  }
0x26e: {  	s23 =	sadd.s32 $0x50, s17;
	s1 =	simm.s32 $0x37A8  }
0x26f: {  	[tilespmem:s1], [sflag:$0x4] =	stream.linear.gather [hbm4b:s23+s7], $0x80, $0x38;
	[tilespmem:$0x1FD80] =	vst v63  }
0x270: {  	s23 =	sadd.s32 $0x60, s17;
	s1 =	simm.s32 $0x3830  }
0x271: {  	[tilespmem:s1], [sflag:$0x4] =	stream.linear.gather [hbm4b:s23+s7], $0x80, $0x38;
	[tilespmem:$0x1FD80] =	vst v63  }
0x272: {  	s17 =	sadd.s32 $0x70, s17;
	s23 =	simm.s32 $0x38B8  }
0x273: {  	[tilespmem:s23], [sflag:$0x4] =	stream.linear.gather [hbm4b:s17+s7], $0x80, $0x38;
	[tilespmem:$0x1FD80] =	vst v63  }
0x274: {  	s17 =	sadd.s32 s11, s20;
	s23 =	simm.s32 $0x3940  }
0x275: {  	[tilespmem:s23], [sflag:$0x4] =	stream.linear.gather [hbm4b:s17+s7], $0x80, $0x38;
	[tilespmem:$0x1FD80] =	vst v63  }
0x276: {  	s1 =	simm.s32 $0x39C8;
	s23 =	sadd.s32 $0x10, s17  }
0x277: {  	[tilespmem:s1], [sflag:$0x4] =	stream.linear.gather [hbm4b:s23+s7], $0x80, $0x38;
	[tilespmem:$0x1FD80] =	vst v63  }
0x278: {  	s23 =	sadd.s32 $0x20, s17;
	s1 =	simm.s32 $0x3A50  }
0x279: {  	[tilespmem:s1], [sflag:$0x4] =	stream.linear.gather [hbm4b:s23+s7], $0x80, $0x38;
	[tilespmem:$0x1FD80] =	vst v63  }
0x27a: {  	s23 =	sadd.s32 $0x30, s17;
	s1 =	simm.s32 $0x3AD8  }
0x27b: {  	[tilespmem:s1], [sflag:$0x4] =	stream.linear.gather [hbm4b:s23+s7], $0x80, $0x38;
	[tilespmem:$0x1FD80] =	vst v63  }
0x27c: {  	s23 =	sadd.s32 $0x40, s17;
	s1 =	simm.s32 $0x3B60  }
0x27d: {  	[tilespmem:s1], [sflag:$0x4] =	stream.linear.gather [hbm4b:s23+s7], $0x80, $0x38;
	[tilespmem:$0x1FD80] =	vst v63  }
0x27e: {  	s23 =	sadd.s32 $0x50, s17;
	s1 =	simm.s32 $0x3BE8  }
0x27f: {  	[tilespmem:s1], [sflag:$0x4] =	stream.linear.gather [hbm4b:s23+s7], $0x80, $0x38;
	[tilespmem:$0x1FD80] =	vst v63  }
0x280: {  	s23 =	sadd.s32 $0x60, s17;
	s1 =	simm.s32 $0x3C70  }
0x281: {  	[tilespmem:s1], [sflag:$0x4] =	stream.linear.gather [hbm4b:s23+s7], $0x80, $0x38;
	[tilespmem:$0x1FD80] =	vst v63  }
0x282: {  	s17 =	sadd.s32 $0x70, s17;
	s23 =	simm.s32 $0x3CF8  }
0x283: {  	[tilespmem:s23], [sflag:$0x4] =	stream.linear.gather [hbm4b:s17+s7], $0x80, $0x38;
	[tilespmem:$0x1FD80] =	vst v63  }
0x284: {  	s17 =	sadd.s32 s11, s21;
	s23 =	simm.s32 $0x3D80  }
0x285: {  	[tilespmem:s23], [sflag:$0x4] =	stream.linear.gather [hbm4b:s17+s7], $0x80, $0x38;
	[tilespmem:$0x1FD80] =	vst v63  }
0x286: {  	s1 =	simm.s32 $0x3E08;
	s23 =	sadd.s32 $0x10, s17  }
0x287: {  	[tilespmem:s1], [sflag:$0x4] =	stream.linear.gather [hbm4b:s23+s7], $0x80, $0x38;
	[tilespmem:$0x1FD80] =	vst v63  }
0x288: {  	s23 =	sadd.s32 $0x20, s17;
	s1 =	simm.s32 $0x3E90  }
0x289: {  	[tilespmem:s1], [sflag:$0x4] =	stream.linear.gather [hbm4b:s23+s7], $0x80, $0x38;
	[tilespmem:$0x1FD80] =	vst v63  }
0x28a: {  	s23 =	sadd.s32 $0x30, s17;
	s1 =	simm.s32 $0x3F18  }
0x28b: {  	[tilespmem:s1], [sflag:$0x4] =	stream.linear.gather [hbm4b:s23+s7], $0x80, $0x38;
	[tilespmem:$0x1FD80] =	vst v63  }
0x28c: {  	s23 =	sadd.s32 $0x40, s17;
	s1 =	simm.s32 $0x3FA0  }
0x28d: {  	[tilespmem:s1], [sflag:$0x4] =	stream.linear.gather [hbm4b:s23+s7], $0x80, $0x38;
	[tilespmem:$0x1FD80] =	vst v63  }
0x28e: {  	s23 =	sadd.s32 $0x50, s17;
	s1 =	simm.s32 $0x4028  }
0x28f: {  	[tilespmem:s1], [sflag:$0x4] =	stream.linear.gather [hbm4b:s23+s7], $0x80, $0x38;
	[tilespmem:$0x1FD80] =	vst v63  }
0x290: {  	s23 =	sadd.s32 $0x60, s17;
	s1 =	simm.s32 $0x40B0  }
0x291: {  	[tilespmem:s1], [sflag:$0x4] =	stream.linear.gather [hbm4b:s23+s7], $0x80, $0x38;
	[tilespmem:$0x1FD80] =	vst v63  }
0x292: {  	s17 =	sadd.s32 $0x70, s17;
	s23 =	simm.s32 $0x4138  }
0x293: {  	[tilespmem:s23], [sflag:$0x4] =	stream.linear.gather [hbm4b:s17+s7], $0x80, $0x38;
	[tilespmem:$0x1FD80] =	vst v63  }
0x294: {  	s11 =	sadd.s32 s11, s24;
	s23 =	simm.s32 $0x41C0  }
0x295: {  	[tilespmem:s23], [sflag:$0x4] =	stream.linear.gather [hbm4b:s11+s7], $0x80, $0x38;
	[tilespmem:$0x1FD80] =	vst v63  }
0x296: {  	s1 =	sadd.s32 $0x10, s11;
	s23 =	simm.s32 $0x4248  }
0x297: {  	[tilespmem:s23], [sflag:$0x4] =	stream.linear.gather [hbm4b:s1+s7], $0x80, $0x38;
	[tilespmem:$0x1FD80] =	vst v63  }
0x298: {  	s1 =	sadd.s32 $0x20, s11;
	s23 =	simm.s32 $0x42D0  }
0x299: {  	[tilespmem:s23], [sflag:$0x4] =	stream.linear.gather [hbm4b:s1+s7], $0x80, $0x38;
	[tilespmem:$0x1FD80] =	vst v63  }
0x29a: {  	s1 =	sadd.s32 $0x30, s11;
	s23 =	simm.s32 $0x4358  }
0x29b: {  	[tilespmem:s23], [sflag:$0x4] =	stream.linear.gather [hbm4b:s1+s7], $0x80, $0x38;
	[tilespmem:$0x1FD80] =	vst v63  }
0x29c: {  	s1 =	sadd.s32 $0x40, s11;
	s23 =	simm.s32 $0x43E0  }
0x29d: {  	[tilespmem:s23], [sflag:$0x4] =	stream.linear.gather [hbm4b:s1+s7], $0x80, $0x38;
	[tilespmem:$0x1FD80] =	vst v63  }
0x29e: {  	s1 =	sadd.s32 $0x50, s11;
	s23 =	simm.s32 $0x4468  }
0x29f: {  	[tilespmem:s23], [sflag:$0x4] =	stream.linear.gather [hbm4b:s1+s7], $0x80, $0x38;
	[tilespmem:$0x1FD80] =	vst v63  }
0x2a0: {  	s1 =	sadd.s32 $0x60, s11;
	s23 =	simm.s32 $0x44F0  }
0x2a1: {  	[tilespmem:s23], [sflag:$0x4] =	stream.linear.gather [hbm4b:s1+s7], $0x80, $0x38;
	[tilespmem:$0x1FD80] =	vst v63  }
0x2a2: {  	s17 =	simm.s32 $0x4578;
	s11 =	sadd.s32 $0x70, s11  }
0x2a3: {  	[tilespmem:s17], [sflag:$0x4] =	stream.linear.gather [hbm4b:s11+s7], $0x80, $0x38;
	[tilespmem:$0x1FD80] =	vst v63  }
0x2a4: {  	s23 =	simm.s32 $0x5600  }
0x2a5: {  	[tilespmem:s23], [sflag:$0x6] =	stream.indirect.gather [hbm4b:s8+s14], $0x40, s14, s14, $0xb8;
	[tilespmem:$0x1FD80] =	vst v63  }
0x2a6: {  	_ =	swait.ge [sflag:s18], $0x1000  }
0x2a7: {  	p2 =	seq.s32 s9, $0x0;
	[sflag:s18] =	ssyncset.done $0x0  }
0x2a8: {  	s11 =	simm.s32 @!p2 $0x7;
	[sflag:s18] =	ssyncadd.s32 $0xFFFFF000  }
0x2a9: {  	_ =	swait.ge @!p2 [sflag:s11], $0x800  }
0x2aa: {  	[sflag:s11] =	ssyncset.done @!p2 $0x0  }
0x2ab: {  	[sflag:s11] =	ssyncadd.s32 @!p2 $0xFFFFF800  }
0x2ac: {  	_ =	swait.ge [sflag:s19], $0x400  }
0x2ad: {  	[sflag:s19] =	ssyncset.done $0x0  }
0x2ae: {  	[sflag:s19] =	ssyncadd.s32 $0xFFFFFC00  }
0x2af: {  	_ =	swait.ge [sflag:s19], $0x400  }
0x2b0: {  	[sflag:s19] =	ssyncset.done $0x0  }
0x2b1: {  	[sflag:s19] =	ssyncadd.s32 $0xFFFFFC00  }
0x2b2: {  	_ =	swait.ge [sflag:s19], $0x400  }
0x2b3: {  	[sflag:s19] =	ssyncset.done $0x0  }
0x2b4: {  	[sflag:s19] =	ssyncadd.s32 $0xFFFFFC00  }
0x2b5: {  	_ =	swait.ge [sflag:s19], $0x400  }
0x2b6: {  	[sflag:s19] =	ssyncset.done $0x0  }
0x2b7: {  	[sflag:s19] =	ssyncadd.s32 $0xFFFFFC00  }
0x2b8: {  	_ =	swait.ge [sflag:s19], $0x400  }
0x2b9: {  	[sflag:s19] =	ssyncset.done $0x0  }
0x2ba: {  	[sflag:s19] =	ssyncadd.s32 $0xFFFFFC00  }
0x2bb: {  	_ =	swait.ge [sflag:s19], $0x400  }
0x2bc: {  	[sflag:s19] =	ssyncset.done $0x0  }
0x2bd: {  	[sflag:s19] =	ssyncadd.s32 $0xFFFFFC00  }
0x2be: {  	_ =	swait.ge [sflag:s19], $0x400  }
0x2bf: {  	[sflag:s19] =	ssyncset.done $0x0  }
0x2c0: {  	[sflag:s19] =	ssyncadd.s32 $0xFFFFFC00  }
0x2c1: {  	_ =	swait.ge [sflag:s19], $0x400  }
0x2c2: {  	[sflag:s19] =	ssyncset.done $0x0  }
0x2c3: {  	s11 =	simm.s32 $0x0;
	[sflag:s19] =	ssyncadd.s32 $0xFFFFFC00  }
0x2c4: {  	s30 =	sshll.u32 s9, $0x1;
	s17 =	simm.s32 $0x40;
	v4 =	vld [tilespmem:s11+$0x100]  }
.LBB2_5:
0x2c5: {  	p3 =	sne.s32 s17, $0xC0  }
.Ltmp3:
0x2c6: {  	_ = 	snop;
	(pc) =	sbr.rel @p3 .LBB2_5-.Ltmp3, $3  }
0x2c7: {  	_ =	sdelay $0x1  }
0x2c8: {  	[tilespmem:s11+$0x7600] =	vst v4;
	s11 =	sshra.s32 s17, $0x2;
	s17 =	sadd.s32 $0x40, s17  }
0x2c9: {  	v4 =	vld [tilespmem:s11+$0x100]  }
0x2ca: {  	_ =	sdelay $0x1  }
0x2cb: {  	s17 =	simm.s32 $0x0  }
0x2cc: {  	v5 =	vmov s17  }
0x2cd: {  	v5 =	vand.u32 $0x3E, v5;
	[tilespmem:s11+$0x7600] =	vst v4;
	s11 =	simm.s32 $0x4640  }
0x2ce: {  	v6 =	vadd.s32 v3, v5;
	v8 =	vld [tilespmem:s11+$0x0]  }
0x2cf: {  	v7 =	vadd.s32 v2, v5;
	v9 =	vld [tilespmem:s11+$0x10]  }
0x2d0: {  	s1 =	simm.s32 $0x1;
	v5 =	vadd.s32 v0, v5;
	v17 =	vld [tilespmem:s11+$0x30]  }
0x2d1: {  	v4 =	vmov s1;
	v19 =	vld [tilespmem:s11+$0xFFFFFFD0]  }
0x2d2: {  	v4 =	vand.u32 $0x3F, v4;
	v20 =	vld [tilespmem:s11+$0xFFFFFFC0]  }
0x2d3: {  	v11 =	vld.idx.msk [tilespmem:v6+s4+$0x0], $0xffff;
	v6 =	vadd.s32 v0, v4  }
0x2d4: {  	v12 =	vld.idx.msk [tilespmem:v7+s4+$0x0], $0xffff  }
0x2d5: {  	v13 =	vld.idx.msk [tilespmem:v5+s10+$0x0], $0xffff;
	v7 =	vadd.s32 v2, v4;
	v4 =	vadd.s32 v3, v4  }
0x2d6: {  	v14 =	vld.idx.msk [tilespmem:v5+s4+$0x0], $0xffff  }
0x2d7: {  	v5 =	vld [tilespmem:s11+$0x20]  }
0x2d8: {  	s23 =	simm.s32 $0x2;
	v10 =	vld.idx.msk [tilespmem:v6+s10+$0x0], $0xffff  }
0x2d9: {  	v15 =	vmov s23;
	v6 =	vld.idx.msk [tilespmem:v6+s4+$0x0], $0xffff  }
0x2da: {  	v15 =	vand.u32 $0x3E, v15;
	v16 =	vld.idx.msk [tilespmem:v4+s4+$0x0], $0xffff  }
0x2db: {  	v7 =	vld.idx.msk [tilespmem:v7+s4+$0x0], $0xffff;
	v4 =	vadd.s32 v3, v15  }
0x2dc: {  	v18 =	vadd.s32 v2, v15;
	v29 =	vmul.f32 v14, v19;
	v14 =	vmul.f32 v14, v20  }
0x2dd: {  	s1 =	simm.s32 $0x3;
	v24 =	vld [tilespmem:s11+$0xFFFFFFE0];
	v15 =	vadd.s32 v0, v15;
	v19 =	vmul.f32 v13, v19;
	v21 =	vmul.f32 v10, v8  }
0x2de: {  	v23 =	vmov s1;
	v26 =	vld [tilespmem:s11+$0xFFFFFFF0];
	s11 =	simm.s32 $0x46C0;
	v22 =	vmul.f32 v6, v9;
	v25 =	vmul.f32 v6, v8  }
0x2df: {  	v23 =	vand.u32 $0x3F, v23;
	v30 =	vld [tilespmem:s11+$0x10];
	v9 =	vmul.f32 v10, v9;
	v27 =	vmul.f32 v16, v17  }
0x2e0: {  	v4 =	vld.idx.msk [tilespmem:v4+s4+$0x0], $0xffff;
	v16 =	vmul.f32 v16, v8;
	v21 =	vadd.f32 v22, v21;
	v22 =	vmul.f32 v7, v5  }
0x2e1: {  	v28 =	vadd.s32 v0, v23;
	v6 =	vld.idx.msk [tilespmem:v18+s4+$0x0], $0xffff;
	v17 =	vmul.f32 v10, v17;
	v7 =	vmul.f32 v7, v8  }
0x2e2: {  	v8 =	vld.idx.msk [tilespmem:v15+s4+$0x0], $0xffff;
	v18 =	vadd.f32 v22, v21;
	v21 =	vmul.f32 v10, v5;
	v22 =	vmul.f32 v13, v20  }
0x2e3: {  	v25 =	vadd.f32 v25, v9;
	v5 =	vld.idx.msk [tilespmem:v15+s10+$0x0], $0xffff;
	v15 =	vmul.f32 v12, v24;
	v24 =	vmul.f32 v13, v24  }
0x2e4: {  	v9 =	vld [tilespmem:s11+$0x20];
	v18 =	vadd.f32 v27, v18;
	v7 =	vadd.f32 v7, v21;
	v21 =	vadd.s32 v2, v23  }
0x2e5: {  	v10 =	vld [tilespmem:s11+$0x0];
	v13 =	vmul.f32 v13, v26;
	v22 =	vadd.f32 v29, v22;
	v23 =	vadd.s32 v3, v23  }
0x2e6: {  	s23 =	simm.s32 $0x4;
	v27 =	vmul.f32 v11, v26;
	v11 =	vmul.f32 v11, v20;
	v18 =	vpsel p0, v18, v7;
	v7 =	vld.idx.msk [tilespmem:v28+s10+$0x0], $0xffff  }
0x2e7: {  	v62 =	vmov s23;
	v15 =	vadd.f32 v15, v22;
	v22 =	vld.idx.msk [tilespmem:v28+s4+$0x0], $0xffff  }
0x2e8: {  	v12 =	vmul.f32 v12, v20;
	v20 =	vadd.f32 v14, v19;
	v14 =	vld [tilespmem:s11+$0x30];
	v13 =	vadd.f32 v11, v13  }
0x2e9: {  	v63 =	vadd.f32 v16, v17;
	v15 =	vadd.f32 v27, v15;
	v16 =	vld.idx.msk [tilespmem:v21+s4+$0x0], $0xffff;
	v21 =	vand.u32 $0x3E, v62  }
0x2ea: {  	s17 =	simm.s32 $0x6620;
	v20 =	vpsel p0, v20, v13;
	v17 =	vld.idx.msk [tilespmem:v23+s4+$0x0], $0xffff;
	v23 =	vadd.f32 v12, v24;
	v19 =	vadd.s32 v3, v21  }
0x2eb: {  	v11 =	vld [tilespmem:s11+$0xFFFFFFC0];
	[tilespmem:s17+$0x0] =	vst v18;
	v24 =	vpsel p0, v25, v63;
	v18 =	vadd.s32 v0, v21;
	v21 =	vadd.s32 v2, v21  }
0x2ec: {  	s23 =	simm.s32 $0x5;
	v12 =	vld [tilespmem:s11+$0xFFFFFFD0];
	[tilespmem:s17+$0x10] =	vst v24;
	v15 =	vpsel p0, v15, v23;
	v24 =	vmul.f32 v7, v10;
	v25 =	vmul.f32 v22, v30  }
0x2ed: {  	v13 =	vld [tilespmem:s11+$0xFFFFFFE0];
	v22 =	vmul.f32 v22, v10;
	v23 =	vmul.f32 v7, v30;
	[tilespmem:s17+$0xFFFFFFE0] =	vst v15;
	v15 =	vmov s23  }
0x2ee: {  	[tilespmem:s17+$0xFFFFFFF0] =	vst v20;
	s23 =	simm.s32 $0x6;
	v20 =	vand.u32 $0x3F, v15;
	v15 =	vld [tilespmem:s11+$0xFFFFFFF0];
	v24 =	vadd.f32 v25, v24;
	v25 =	vmul.f32 v16, v9  }
.LBB2_7:
0x2ef: {  	p3 =	slt.u32 s23, $0x3E;
	v19 =	vld.idx.msk [tilespmem:v19+s4+$0x0], $0xffff;
	v26 =	vadd.s32 v0, v20;
	v27 =	vmul.f32 v17, v14;
	v17 =	vmul.f32 v17, v10  }
0x2f0: {  	v10 =	vmul.f32 v16, v10;
	v9 =	vmul.f32 v7, v9;
	v21 =	vld.idx.msk [tilespmem:v21+s4+$0x0], $0xffff;
	v24 =	vadd.f32 v25, v24  }
0x2f1: {  	v22 =	vadd.f32 v22, v23;
	v28 =	vmul.f32 v8, v12;
	v25 =	vld.idx.msk [tilespmem:v18+s10+$0x0], $0xffff;
	v16 =	vmul.f32 v5, v11  }
0x2f2: {  	s11 =	sadd.s32 $0x80, s11;
	v18 =	vld.idx.msk [tilespmem:v18+s4+$0x0], $0xffff;
	v23 =	vmul.f32 v6, v13;
	v24 =	vadd.f32 v27, v24;
	v27 =	vadd.f32 v10, v9  }
0x2f3: {  	v29 =	vadd.s32 v2, v20;
	v14 =	vmul.f32 v7, v14;
	v9 =	vld [tilespmem:s11+$0x20];
	v16 =	vadd.f32 v28, v16  }
0x2f4: {  	v20 =	vadd.s32 v3, v20;
	s17 =	sadd.s32 $0x40, s17;
	v28 =	vmul.f32 v4, v15;
	v10 =	vld [tilespmem:s11+$0x0];
	v24 =	vpsel p0, v24, v27  }
0x2f5: {  	v8 =	vmul.f32 v8, v11;
	v27 =	vmov s23;
	v7 =	vld.idx.msk [tilespmem:v26+s10+$0x0], $0xffff;
	v16 =	vadd.f32 v23, v16;
	[tilespmem:s17+$0x0] =	vst v24  }
0x2f6: {  	v12 =	vmul.f32 v5, v12;
	v30 =	vmul.f32 v6, v11;
	v14 =	vadd.f32 v17, v14;
	v23 =	vld.idx.msk [tilespmem:v26+s4+$0x0], $0xffff  }
0x2f7: {  	v11 =	vmul.f32 v4, v11;
	v13 =	vmul.f32 v5, v13;
	v4 =	vmovc v19;
	v24 =	vld [tilespmem:s11+$0x10];
	v26 =	vadd.f32 v28, v16  }
0x2f8: {  	v14 =	vpsel p0, v22, v14;
	v28 =	vadd.f32 v8, v12;
	v16 =	vld.idx.msk [tilespmem:v29+s4+$0x0], $0xffff;
	v29 =	vmul.f32 v5, v15  }
0x2f9: {  	v13 =	vadd.f32 v30, v13;
	v6 =	vmovc v21;
	v12 =	vand.u32 $0x3E, v27;
	v5 =	vmov v25;
	v17 =	vld.idx.msk [tilespmem:v20+s4+$0x0], $0xffff;
	[tilespmem:s17+$0x10] =	vst v14  }
.Ltmp4:
0x2fa: {  	v8 =	vmov v18;
	v19 =	vadd.s32 v3, v12;
	v14 =	vld [tilespmem:s11+$0x30];
	v15 =	vadd.f32 v11, v29;
	(pc) =	sbr.rel @p3 .LBB2_7-.Ltmp4, $4  }
0x2fb: {  	v18 =	vadd.s32 v0, v12;
	v21 =	vadd.s32 v2, v12;
	v13 =	vpsel p0, v26, v13;
	v12 =	vld [tilespmem:s11+$0xFFFFFFD0]  }
0x2fc: {  	s1 =	sadd.s32 $0x1, s23;
	v25 =	vmul.f32 v7, v10;
	v11 =	vld [tilespmem:s11+$0xFFFFFFC0];
	v26 =	vmul.f32 v23, v24;
	[tilespmem:s17+$0xFFFFFFE0] =	vst v13;
	v15 =	vpsel p0, v28, v15  }
0x2fd: {  	v20 =	vmov s1;
	v22 =	vmul.f32 v23, v10;
	v23 =	vmul.f32 v7, v24;
	v13 =	vld [tilespmem:s11+$0xFFFFFFE0];
	[tilespmem:s17+$0xFFFFFFF0] =	vst v15  }
0x2fe: {  	s23 =	sadd.s32 $0x2, s23;
	v20 =	vand.u32 $0x3F, v20;
	v15 =	vld [tilespmem:s11+$0xFFFFFFF0];
	v24 =	vadd.f32 v26, v25;
	v25 =	vmul.f32 v16, v9  }
0x2ff: {  	_ =	sdelay $0x3  }
0x300: {  	v19 =	vld.idx.msk [tilespmem:v19+s4+$0x0], $0xffff  }
0x301: {  	v21 =	vld.idx.msk [tilespmem:v21+s4+$0x0], $0xffff  }
0x302: {  	v27 =	vld.idx.msk [tilespmem:v18+s10+$0x0], $0xffff  }
0x303: {  	v26 =	vadd.s32 v0, v20;
	v18 =	vld.idx.msk [tilespmem:v18+s4+$0x0], $0xffff;
	s1 =	sadd.s32 $0x80, s11  }
0x304: {  	v28 =	vmul.f32 v17, v14;
	v60 =	vmul.f32 v17, v10;
	v30 =	vadd.s32 v2, v20;
	v29 =	vld [tilespmem:s1+$0x20]  }
0x305: {  	v61 =	vadd.s32 v3, v20;
	v62 =	vmul.f32 v16, v10;
	v9 =	vmul.f32 v7, v9;
	v33 =	vld [tilespmem:s1+$0x0]  }
0x306: {  	v22 =	vadd.f32 v22, v23;
	v7 =	vmul.f32 v7, v14;
	v32 =	vmul.f32 v8, v12;
	v44 =	vld [tilespmem:s1+$0xFFFFFFD0]  }
0x307: {  	v24 =	vadd.f32 v25, v24;
	v41 =	vmul.f32 v5, v12;
	v45 =	vld [tilespmem:s1+$0xFFFFFFC0];
	v31 =	vmul.f32 v5, v11  }
0x308: {  	v49 =	vld [tilespmem:s1+$0xFFFFFFF0];
	v9 =	vadd.f32 v62, v9;
	v39 =	vmul.f32 v8, v11;
	v7 =	vadd.f32 v60, v7  }
0x309: {  	v36 =	vld [tilespmem:s1+$0x10];
	v35 =	vmul.f32 v6, v13;
	v24 =	vadd.f32 v28, v24;
	v6 =	vmul.f32 v6, v11  }
0x30a: {  	v42 =	vmul.f32 v5, v13;
	v34 =	vadd.f32 v32, v31;
	v38 =	vmul.f32 v4, v15;
	v63 =	vld.idx.msk [tilespmem:v26+s10+$0x0], $0xffff  }
0x30b: {  	v4 =	vmul.f32 v4, v11;
	v8 =	vadd.f32 v39, v41;
	v5 =	vmul.f32 v5, v15;
	v26 =	vld.idx.msk [tilespmem:v26+s4+$0x0], $0xffff  }
0x30c: {  	v43 =	vld [tilespmem:s1+$0x30];
	v7 =	vpsel p0, v22, v7;
	v9 =	vpsel p0, v24, v9;
	v54 =	vmul.f32 v27, v45  }
0x30d: {  	v40 =	vld.idx.msk [tilespmem:v30+s4+$0x0], $0xffff;
	v6 =	vadd.f32 v6, v42;
	v55 =	vmul.f32 v18, v44;
	v58 =	vmul.f32 v19, v49  }
0x30e: {  	v20 =	vld.idx.msk [tilespmem:v61+s4+$0x0], $0xffff;
	v37 =	vadd.f32 v35, v34;
	v60 =	vmul.f32 v18, v45;
	v11 =	vmul.f32 v27, v44  }
0x30f: {  	v4 =	vadd.f32 v4, v5;
	v5 =	vld [tilespmem:s1+$0xFFFFFFE0];
	v61 =	vmul.f32 v21, v45;
	v12 =	vmul.f32 v19, v45  }
0x310: {  	v14 =	vadd.f32 v38, v37;
	v46 =	vmul.f32 v63, v33;
	v47 =	vmul.f32 v26, v36  }
0x311: {  	v4 =	vpsel p0, v8, v4;
	v8 =	vadd.f32 v55, v54;
	v48 =	vmul.f32 v26, v33  }
0x312: {  	v10 =	vmul.f32 v63, v36;
	v50 =	vmul.f32 v40, v29;
	v15 =	vadd.f32 v47, v46  }
0x313: {  	v6 =	vpsel p0, v14, v6;
	v52 =	vmul.f32 v40, v33;
	v53 =	vmul.f32 v63, v29  }
0x314: {  	s23 =	sadd.s32 $0x40, s17;
	v51 =	vmul.f32 v20, v43;
	v56 =	vmul.f32 v21, v5;
	v15 =	vadd.f32 v50, v15  }
0x315: {  	[tilespmem:s23+$0x10] =	vst v7;
	v20 =	vmul.f32 v20, v33;
	v57 =	vmul.f32 v63, v43;
	v59 =	vadd.f32 v52, v53  }
0x316: {  	[tilespmem:s23+$0x0] =	vst v9;
	v5 =	vmul.f32 v27, v5;
	v7 =	vadd.f32 v56, v8;
	v14 =	vadd.f32 v51, v15  }
0x317: {  	v62 =	vmul.f32 v27, v49;
	[tilespmem:s23+$0xFFFFFFE0] =	vst v6;
	v10 =	vadd.f32 v48, v10;
	v6 =	vadd.f32 v20, v57  }
0x318: {  	s1 =	sadd.s32 $0x40, s23;
	[tilespmem:s23+$0xFFFFFFF0] =	vst v4;
	v5 =	vadd.f32 v61, v5;
	v7 =	vadd.f32 v58, v7;
	v4 =	vpsel p0, v14, v59  }
0x319: {  	v63 =	vadd.f32 v12, v62;
	v6 =	vpsel p0, v10, v6;
	[tilespmem:s1+$0x0] =	vst v4;
	v4 =	vadd.f32 v60, v11  }
0x31a: {  	[tilespmem:s1+$0x10] =	vst v6;
	v5 =	vpsel p0, v7, v5  }
0x31b: {  	[tilespmem:s1+$0xFFFFFFE0] =	vst v5;
	v4 =	vpsel p0, v4, v63  }
0x31c: {  	s11 =	simm.s32 $0x7600;
	[tilespmem:s1+$0xFFFFFFF0] =	vst v4  }
0x31d: {  	[spmem:s6] =	stream.indirect.scatter.add.f32 [tilespmem:s28], [sflag:$0x7], $0x20, s11, s14, $0xb8;
	[tilespmem:$0x1FD80] =	vst v63  }
0x31e: {  	_ =	swait.ge [sflag:s25], $0x80  }
0x31f: {  	[sflag:s25] =	ssyncset.done $0x0  }
0x320: {  	[sflag:s25] =	ssyncadd.s32 $0xFFFFFF80  }
0x321: {  	_ =	swait.ge [sflag:s25], $0x40  }
0x322: {  	[sflag:s25] =	ssyncset.done $0x0  }
0x323: {  	[sflag:s25] =	ssyncadd.s32 $0xFFFFFFC0  }
0x324: {  	_ =	swait.ge [sflag:s25], $0x40  }
0x325: {  	[sflag:s25] =	ssyncset.done $0x0  }
0x326: {  	s17 =	simm.s32 $0x4600;
	s23 =	simm.s32 $0x80;
	[sflag:s25] =	ssyncadd.s32 $0xFFFFFFC0  }
0x327: {  	[tilespmem:s17], [sflag:$0x5] =	stream.indirect.gather [hbm4b:s8+s14], $0x40, s23, s14, $0xb8;
	[tilespmem:$0x1FD80] =	vst v63  }
0x328: {  	_ =	swait.ge [sflag:s26], $0x1000  }
0x329: {  	[sflag:s26] =	ssyncset.done $0x0  }
0x32a: {  	s1 =	simm.s32 @!p2 $0x8;
	[sflag:s26] =	ssyncadd.s32 $0xFFFFF000  }
0x32b: {  	_ =	swait.ge @!p2 [sflag:s1], $0x800  }
0x32c: {  	[sflag:s1] =	ssyncset.done @!p2 $0x0  }
0x32d: {  	s11 =	simm.s32 $0x0;
	[sflag:s1] =	ssyncadd.s32 @!p2 $0xFFFFF800  }
0x32e: {  	s17 =	simm.s32 $0x40;
	v4 =	vld [tilespmem:s11+$0x140]  }
.LBB2_9:
0x32f: {  	p2 =	sne.s32 s17, $0xC0  }
.Ltmp5:
0x330: {  	_ = 	snop;
	(pc) =	sbr.rel @p2 .LBB2_9-.Ltmp5, $3  }
0x331: {  	_ =	sdelay $0x1  }
0x332: {  	[tilespmem:s11+$0x7640] =	vst v4;
	s11 =	sshra.s32 s17, $0x2;
	s17 =	sadd.s32 $0x40, s17  }
0x333: {  	v4 =	vld [tilespmem:s11+$0x140]  }
0x334: {  	s1 =	simm.s32 $0x40  }
0x335: {  	v5 =	vmov s1  }
0x336: {  	v5 =	vand.u32 $0x7E, v5  }
0x337: {  	v6 =	vadd.s32 v3, v5  }
0x338: {  	s23 =	simm.s32 $0x41;
	s1 =	simm.s32 $0x5640;
	v7 =	vadd.s32 v2, v5;
	[tilespmem:s11+$0x7640] =	vst v4  }
0x339: {  	v8 =	vadd.s32 v0, v5;
	v4 =	vmov s23;
	v11 =	vld [tilespmem:s1+$0x20]  }
0x33a: {  	v9 =	vand.u32 $0x7F, v4;
	v13 =	vld [tilespmem:s1+$0x0]  }
0x33b: {  	v14 =	vld [tilespmem:s1+$0x10];
	v10 =	vadd.s32 v0, v9  }
0x33c: {  	v4 =	vld.idx.msk [tilespmem:v6+s4+$0x0], $0xffff  }
0x33d: {  	v5 =	vld.idx.msk [tilespmem:v7+s4+$0x0], $0xffff;
	v7 =	vadd.s32 v2, v9  }
0x33e: {  	v6 =	vld.idx.msk [tilespmem:v8+s10+$0x0], $0xffff;
	v9 =	vadd.s32 v3, v9  }
0x33f: {  	v22 =	vld.idx.msk [tilespmem:v8+s4+$0x0], $0xffff  }
0x340: {  	v8 =	vld.idx.msk [tilespmem:v10+s10+$0x0], $0xffff  }
0x341: {  	s17 =	simm.s32 $0x42;
	v10 =	vld.idx.msk [tilespmem:v10+s4+$0x0], $0xffff  }
0x342: {  	v12 =	vmov s17;
	v18 =	vld.idx.msk [tilespmem:v7+s4+$0x0], $0xffff  }
0x343: {  	v12 =	vand.u32 $0x7E, v12;
	v9 =	vld.idx.msk [tilespmem:v9+s4+$0x0], $0xffff  }
0x344: {  	v16 =	vadd.s32 v3, v12;
	v7 =	vld [tilespmem:s1+$0x30]  }
0x345: {  	v17 =	vadd.s32 v2, v12;
	v23 =	vadd.s32 v0, v12;
	s23 =	simm.s32 $0x43;
	v15 =	vld [tilespmem:s1+$0xFFFFFFD0]  }
0x346: {  	v12 =	vld [tilespmem:s1+$0xFFFFFFC0];
	v20 =	vmov s23;
	v21 =	vmul.f32 v8, v13;
	v24 =	vmul.f32 v10, v14  }
0x347: {  	v19 =	vld [tilespmem:s1+$0xFFFFFFE0];
	v29 =	vand.u32 $0x7F, v20;
	v25 =	vmul.f32 v10, v13  }
0x348: {  	v20 =	vld [tilespmem:s1+$0xFFFFFFF0];
	v14 =	vmul.f32 v8, v14;
	v24 =	vadd.f32 v24, v21;
	v26 =	vmul.f32 v18, v11  }
0x349: {  	v10 =	vld.idx.msk [tilespmem:v16+s4+$0x0], $0xffff;
	v21 =	vadd.s32 v0, v29;
	v28 =	vmul.f32 v9, v7;
	v16 =	vmul.f32 v9, v13  }
0x34a: {  	v17 =	vld.idx.msk [tilespmem:v17+s4+$0x0], $0xffff;
	v13 =	vmul.f32 v18, v13;
	v9 =	vadd.f32 v26, v24;
	v24 =	vmul.f32 v8, v11  }
0x34b: {  	v30 =	vmul.f32 v22, v15;
	v14 =	vadd.f32 v25, v14;
	v18 =	vld.idx.msk [tilespmem:v23+s4+$0x0], $0xffff;
	v26 =	vmul.f32 v6, v12  }
0x34c: {  	s11 =	simm.s32 $0x56C0;
	v27 =	vmul.f32 v5, v19;
	v11 =	vld.idx.msk [tilespmem:v23+s10+$0x0], $0xffff;
	v31 =	vadd.f32 v28, v9;
	v32 =	vadd.f32 v13, v24  }
0x34d: {  	v25 =	vadd.s32 v3, v29;
	v23 =	vadd.s32 v2, v29;
	v9 =	vld [tilespmem:s11+$0x20];
	v28 =	vadd.f32 v30, v26  }
0x34e: {  	s17 =	simm.s32 $0x6E20;
	s23 =	simm.s32 $0x2;
	v26 =	vmul.f32 v4, v20;
	v13 =	vld [tilespmem:s11+$0x0];
	v24 =	vmul.f32 v22, v12;
	v22 =	vpsel p0, v31, v32  }
.LBB2_11:
0x34f: {  	s1 =	sadd.s32 $0x42, s23;
	v29 =	vld.idx.msk [tilespmem:v21+s10+$0x0], $0xffff;
	v27 =	vadd.f32 v27, v28;
	v15 =	vmul.f32 v6, v15;
	[tilespmem:s17+$0x0] =	vst v22  }
0x350: {  	v28 =	vmul.f32 v5, v12;
	v19 =	vmul.f32 v6, v19;
	v5 =	vmovc v17;
	v22 =	vmov s1;
	v21 =	vld.idx.msk [tilespmem:v21+s4+$0x0], $0xffff  }
0x351: {  	v12 =	vmul.f32 v4, v12;
	v20 =	vmul.f32 v6, v20;
	v4 =	vmovc v10;
	v17 =	vld [tilespmem:s11+$0x10];
	v26 =	vadd.f32 v26, v27  }
0x352: {  	v8 =	vmul.f32 v8, v7;
	v10 =	vadd.f32 v24, v15;
	v15 =	vadd.f32 v28, v19;
	v23 =	vld.idx.msk [tilespmem:v23+s4+$0x0], $0xffff  }
0x353: {  	v6 =	vmovc v11;
	v19 =	vand.u32 $0x7E, v22;
	v12 =	vadd.f32 v12, v20;
	v24 =	vmov v18;
	v22 =	vld.idx.msk [tilespmem:v25+s4+$0x0], $0xffff  }
0x354: {  	v28 =	vadd.f32 v16, v8;
	v11 =	vadd.s32 v3, v19;
	v18 =	vpsel p0, v26, v15;
	v7 =	vld [tilespmem:s11+$0x30]  }
0x355: {  	v25 =	vadd.s32 v0, v19;
	v26 =	vadd.s32 v2, v19;
	v10 =	vpsel p0, v10, v12;
	v15 =	vld [tilespmem:s11+$0xFFFFFFD0];
	[tilespmem:s17+$0xFFFFFFE0] =	vst v18  }
0x356: {  	s1 =	sadd.s32 $0x43, s23;
	v20 =	vpsel p0, v14, v28;
	v16 =	vmul.f32 v29, v13;
	v12 =	vld [tilespmem:s11+$0xFFFFFFC0];
	v18 =	vmul.f32 v21, v17;
	[tilespmem:s17+$0xFFFFFFF0] =	vst v10  }
0x357: {  	v8 =	vmovc v29;
	v14 =	vmul.f32 v21, v13;
	v10 =	vmov s1;
	v27 =	vmul.f32 v29, v17;
	v19 =	vld [tilespmem:s11+$0xFFFFFFE0];
	[tilespmem:s17+$0x10] =	vst v20  }
0x358: {  	s23 =	sadd.s32 $0x2, s23;
	v29 =	vand.u32 $0x7F, v10;
	v28 =	vmul.f32 v23, v9;
	v20 =	vld [tilespmem:s11+$0xFFFFFFF0];
	v18 =	vadd.f32 v18, v16  }
0x359: {  	p2 =	slt.u32 s23, $0x3E;
	v21 =	vadd.s32 v0, v29;
	v16 =	vmul.f32 v22, v13;
	v10 =	vld.idx.msk [tilespmem:v11+s4+$0x0], $0xffff;
	v30 =	vmul.f32 v22, v7  }
.Ltmp6:
0x35a: {  	v9 =	vmul.f32 v8, v9;
	v13 =	vmul.f32 v23, v13;
	v17 =	vld.idx.msk [tilespmem:v26+s4+$0x0], $0xffff;
	v22 =	vadd.f32 v28, v18;
	(pc) =	sbr.rel @p2 .LBB2_11-.Ltmp6, $4  }
0x35b: {  	v14 =	vadd.f32 v14, v27;
	v28 =	vmul.f32 v24, v15;
	v11 =	vld.idx.msk [tilespmem:v25+s10+$0x0], $0xffff;
	v26 =	vmul.f32 v6, v12  }
0x35c: {  	s11 =	sadd.s32 $0x80, s11;
	v18 =	vld.idx.msk [tilespmem:v25+s4+$0x0], $0xffff;
	v27 =	vmul.f32 v5, v19;
	v22 =	vadd.f32 v30, v22;
	v30 =	vadd.f32 v13, v9  }
0x35d: {  	v23 =	vadd.s32 v2, v29;
	v9 =	vld [tilespmem:s11+$0x20];
	v28 =	vadd.f32 v28, v26;
	v26 =	vmul.f32 v4, v20  }
0x35e: {  	s17 =	sadd.s32 $0x40, s17;
	v24 =	vmul.f32 v24, v12;
	v25 =	vadd.s32 v3, v29;
	v13 =	vld [tilespmem:s11+$0x0];
	v22 =	vpsel p0, v22, v30  }
0x35f: {  	_ =	sdelay $0x3  }
0x360: {  	v29 =	vld.idx.msk [tilespmem:v21+s10+$0x0], $0xffff  }
0x361: {  	v36 =	vld.idx.msk [tilespmem:v21+s4+$0x0], $0xffff  }
0x362: {  	v30 =	vld [tilespmem:s11+$0x10]  }
0x363: {  	v23 =	vld.idx.msk [tilespmem:v23+s4+$0x0], $0xffff  }
0x364: {  	v27 =	vadd.f32 v27, v28;
	v5 =	vmul.f32 v5, v12;
	v25 =	vld.idx.msk [tilespmem:v25+s4+$0x0], $0xffff  }
0x365: {  	v19 =	vmul.f32 v6, v19;
	v15 =	vmul.f32 v6, v15;
	v37 =	vld [tilespmem:s11+$0x30]  }
0x366: {  	v4 =	vmul.f32 v4, v12;
	v38 =	vmul.f32 v6, v20;
	v40 =	vld [tilespmem:s11+$0xFFFFFFC0];
	v26 =	vadd.f32 v26, v27  }
0x367: {  	v39 =	vld [tilespmem:s11+$0xFFFFFFD0];
	v7 =	vmul.f32 v8, v7;
	v5 =	vadd.f32 v5, v19;
	v15 =	vadd.f32 v24, v15  }
0x368: {  	v42 =	vld [tilespmem:s11+$0xFFFFFFE0];
	v4 =	vadd.f32 v4, v38;
	v41 =	vmul.f32 v29, v13;
	v43 =	vmul.f32 v36, v30  }
0x369: {  	v45 =	vld [tilespmem:s11+$0xFFFFFFF0];
	v7 =	vadd.f32 v16, v7;
	v44 =	vmul.f32 v36, v13;
	v46 =	vmul.f32 v29, v30  }
0x36a: {  	v5 =	vpsel p0, v26, v5;
	v47 =	vmul.f32 v23, v9;
	v48 =	vmul.f32 v25, v37  }
0x36b: {  	v4 =	vpsel p0, v15, v4;
	v25 =	vmul.f32 v25, v13;
	v49 =	vmul.f32 v11, v40  }
0x36c: {  	v7 =	vpsel p0, v14, v7;
	v50 =	vmul.f32 v18, v39;
	v51 =	vmul.f32 v23, v13  }
0x36d: {  	v52 =	vmul.f32 v29, v9;
	v53 =	vmul.f32 v17, v42;
	v6 =	vadd.f32 v43, v41  }
0x36e: {  	v54 =	vmul.f32 v10, v45;
	v55 =	vmul.f32 v18, v40;
	v14 =	vadd.f32 v50, v49  }
0x36f: {  	v12 =	vmul.f32 v11, v39;
	v56 =	vmul.f32 v17, v40;
	v6 =	vadd.f32 v47, v6  }
0x370: {  	[tilespmem:s17+$0x0] =	vst v22;
	v57 =	vmul.f32 v11, v42;
	v8 =	vmul.f32 v10, v40;
	v14 =	vadd.f32 v53, v14  }
0x371: {  	[tilespmem:s17+$0xFFFFFFE0] =	vst v5;
	v58 =	vmul.f32 v11, v45;
	v5 =	vadd.f32 v51, v52;
	v6 =	vadd.f32 v48, v6  }
0x372: {  	[tilespmem:s17+$0xFFFFFFF0] =	vst v4;
	v60 =	vmul.f32 v29, v37;
	v59 =	vadd.f32 v56, v57;
	v4 =	vadd.f32 v54, v14  }
0x373: {  	s1 =	sadd.s32 $0x40, s17;
	[tilespmem:s17+$0x10] =	vst v7;
	v61 =	vadd.f32 v55, v12;
	v62 =	vadd.f32 v8, v58;
	v5 =	vpsel p0, v6, v5  }
0x374: {  	v63 =	vadd.f32 v44, v46;
	v4 =	vpsel p0, v4, v59;
	[tilespmem:s1+$0x0] =	vst v5;
	v5 =	vadd.f32 v25, v60  }
0x375: {  	[tilespmem:s1+$0xFFFFFFE0] =	vst v4;
	v4 =	vpsel p0, v61, v62  }
0x376: {  	[tilespmem:s1+$0xFFFFFFF0] =	vst v4;
	v4 =	vpsel p0, v63, v5  }
0x377: {  	[tilespmem:s1+$0x10] =	vst v4  }
0x378: {  	s11 =	sadd.s32 $0x2, s30;
	s30 =	rddreg [dreg:$0x7]  }
0x379: {  	p2 =	sge.u32 s11, s30  }
.Ltmp7:
0x37a: {  	_ = 	snop;
	(pc) =	sbr.rel @p2 .LBB2_14-.Ltmp7, $3  }
0x37b: {  	_ =	sdelay $0x1  }
0x37c: {  	s23 =	simm.s32 $0x7640  }
0x37d: {  	[spmem:s6] =	stream.indirect.scatter.add.f32 [tilespmem:s31], [sflag:$0x8], $0x20, s23, s14, $0xb8;
	[tilespmem:$0x1FD80] =	vst v63  }
0x37e: {  	s1 =	sshll.u32 s11, $0x4;
	s17 =	stileid.u32  }
0x37f: {  	s1 =	sor.u32 s17, s1  }
0x380: {  	s17 =	rddreg [dreg:$0x2];
	s11 =	sshll.u32 s1, $0x4  }
0x381: {  	s23 =	rddreg [dreg:$0x1];
	s17 =	sadd.s32 s17, s11  }
0x382: {  	[tilespmem:s7], [sflag:$0x1] =	stream.linear.gather [hbm4b:s17+s7], $0x80, $0x38;
	[tilespmem:$0x1FD80] =	vst v63  }
0x383: {  	s17 =	sadd.s32 s23, s11;
	s23 =	simm.s32 $0x100  }
0x384: {  	[tilespmem:s23], [sflag:$0x1] =	stream.linear.gather [hbm4b:s17+s7], $0x40, $0x38;
	[tilespmem:$0x1FD80] =	vst v63  }
0x385: {  	s30 =	simm.s32 $0x140;
	s11 =	sadd.s32 s11, s12  }
0x386: {  	[tilespmem:s30], [sflag:$0x1] =	stream.linear.gather [hbm4b:s11+s7], $0x40, $0x38;
	[tilespmem:$0x1FD80] =	vst v63  }
0x387: {  	s11 =	sshll.u32 s1, $0x7  }
0x388: {  	s1 =	sadd.s32 s3, s11  }
0x389: {  	[tilespmem:s10], [sflag:$0x3] =	stream.linear.gather [hbm4b:s1+s7], $0x80, $0x38;
	[tilespmem:$0x1FD80] =	vst v63  }
0x38a: {  	s30 =	simm.s32 $0x288;
	s23 =	sadd.s32 $0x10, s1  }
0x38b: {  	[tilespmem:s30], [sflag:$0x3] =	stream.linear.gather [hbm4b:s23+s7], $0x80, $0x38;
	[tilespmem:$0x1FD80] =	vst v63  }
0x38c: {  	s23 =	sadd.s32 $0x20, s1;
	s30 =	simm.s32 $0x310  }
0x38d: {  	[tilespmem:s30], [sflag:$0x3] =	stream.linear.gather [hbm4b:s23+s7], $0x80, $0x38;
	[tilespmem:$0x1FD80] =	vst v63  }
0x38e: {  	s23 =	sadd.s32 $0x30, s1;
	s30 =	simm.s32 $0x398  }
0x38f: {  	[tilespmem:s30], [sflag:$0x3] =	stream.linear.gather [hbm4b:s23+s7], $0x80, $0x38;
	[tilespmem:$0x1FD80] =	vst v63  }
0x390: {  	s23 =	sadd.s32 $0x40, s1;
	s30 =	simm.s32 $0x420  }
0x391: {  	[tilespmem:s30], [sflag:$0x3] =	stream.linear.gather [hbm4b:s23+s7], $0x80, $0x38;
	[tilespmem:$0x1FD80] =	vst v63  }
0x392: {  	s23 =	sadd.s32 $0x50, s1;
	s30 =	simm.s32 $0x4A8  }
0x393: {  	[tilespmem:s30], [sflag:$0x3] =	stream.linear.gather [hbm4b:s23+s7], $0x80, $0x38;
	[tilespmem:$0x1FD80] =	vst v63  }
0x394: {  	s23 =	sadd.s32 $0x60, s1;
	s30 =	simm.s32 $0x530  }
0x395: {  	[tilespmem:s30], [sflag:$0x3] =	stream.linear.gather [hbm4b:s23+s7], $0x80, $0x38;
	[tilespmem:$0x1FD80] =	vst v63  }
0x396: {  	s1 =	sadd.s32 $0x70, s1;
	s23 =	simm.s32 $0x5B8  }
0x397: {  	[tilespmem:s23], [sflag:$0x3] =	stream.linear.gather [hbm4b:s1+s7], $0x80, $0x38;
	[tilespmem:$0x1FD80] =	vst v63  }
0x398: {  	s1 =	sadd.s32 $0xC3500, s11  }
0x399: {  	s30 =	simm.s32 $0x640;
	s17 =	sadd.s32 s3, s1  }
0x39a: {  	[tilespmem:s30], [sflag:$0x3] =	stream.linear.gather [hbm4b:s17+s7], $0x80, $0x38;
	[tilespmem:$0x1FD80] =	vst v63  }
0x39b: {  	s23 =	sadd.s32 $0x10, s17;
	s30 =	simm.s32 $0x6C8  }
0x39c: {  	[tilespmem:s30], [sflag:$0x3] =	stream.linear.gather [hbm4b:s23+s7], $0x80, $0x38;
	[tilespmem:$0x1FD80] =	vst v63  }
0x39d: {  	s23 =	sadd.s32 $0x20, s17;
	s30 =	simm.s32 $0x750  }
0x39e: {  	[tilespmem:s30], [sflag:$0x3] =	stream.linear.gather [hbm4b:s23+s7], $0x80, $0x38;
	[tilespmem:$0x1FD80] =	vst v63  }
0x39f: {  	s23 =	sadd.s32 $0x30, s17;
	s30 =	simm.s32 $0x7D8  }
0x3a0: {  	[tilespmem:s30], [sflag:$0x3] =	stream.linear.gather [hbm4b:s23+s7], $0x80, $0x38;
	[tilespmem:$0x1FD80] =	vst v63  }
0x3a1: {  	s23 =	sadd.s32 $0x40, s17;
	s30 =	simm.s32 $0x860  }
0x3a2: {  	[tilespmem:s30], [sflag:$0x3] =	stream.linear.gather [hbm4b:s23+s7], $0x80, $0x38;
	[tilespmem:$0x1FD80] =	vst v63  }
0x3a3: {  	s23 =	sadd.s32 $0x50, s17;
	s30 =	simm.s32 $0x8E8  }
0x3a4: {  	[tilespmem:s30], [sflag:$0x3] =	stream.linear.gather [hbm4b:s23+s7], $0x80, $0x38;
	[tilespmem:$0x1FD80] =	vst v63  }
0x3a5: {  	s23 =	sadd.s32 $0x60, s17;
	s30 =	simm.s32 $0x970  }
0x3a6: {  	[tilespmem:s30], [sflag:$0x3] =	stream.linear.gather [hbm4b:s23+s7], $0x80, $0x38;
	[tilespmem:$0x1FD80] =	vst v63  }
0x3a7: {  	s17 =	sadd.s32 $0x70, s17;
	s30 =	simm.s32 $0x9F8  }
0x3a8: {  	[tilespmem:s30], [sflag:$0x3] =	stream.linear.gather [hbm4b:s17+s7], $0x80, $0x38;
	[tilespmem:$0x1FD80] =	vst v63  }
0x3a9: {  	s17 =	sadd.s32 s5, s11  }
0x3aa: {  	[tilespmem:s4], [sflag:$0x3] =	stream.linear.gather [hbm4b:s17+s7], $0x80, $0x38;
	[tilespmem:$0x1FD80] =	vst v63  }
0x3ab: {  	s30 =	simm.s32 $0x1388;
	s23 =	sadd.s32 $0x10, s17  }
0x3ac: {  	[tilespmem:s30], [sflag:$0x3] =	stream.linear.gather [hbm4b:s23+s7], $0x80, $0x38;
	[tilespmem:$0x1FD80] =	vst v63  }
0x3ad: {  	s23 =	sadd.s32 $0x20, s17;
	s30 =	simm.s32 $0x1410  }
0x3ae: {  	[tilespmem:s30], [sflag:$0x3] =	stream.linear.gather [hbm4b:s23+s7], $0x80, $0x38;
	[tilespmem:$0x1FD80] =	vst v63  }
0x3af: {  	s23 =	sadd.s32 $0x30, s17;
	s30 =	simm.s32 $0x1498  }
0x3b0: {  	[tilespmem:s30], [sflag:$0x3] =	stream.linear.gather [hbm4b:s23+s7], $0x80, $0x38;
	[tilespmem:$0x1FD80] =	vst v63  }
0x3b1: {  	s23 =	sadd.s32 $0x40, s17;
	s30 =	simm.s32 $0x1520  }
0x3b2: {  	[tilespmem:s30], [sflag:$0x3] =	stream.linear.gather [hbm4b:s23+s7], $0x80, $0x38;
	[tilespmem:$0x1FD80] =	vst v63  }
0x3b3: {  	s23 =	sadd.s32 $0x50, s17;
	s30 =	simm.s32 $0x15A8  }
0x3b4: {  	[tilespmem:s30], [sflag:$0x3] =	stream.linear.gather [hbm4b:s23+s7], $0x80, $0x38;
	[tilespmem:$0x1FD80] =	vst v63  }
0x3b5: {  	s23 =	sadd.s32 $0x60, s17;
	s30 =	simm.s32 $0x1630  }
0x3b6: {  	[tilespmem:s30], [sflag:$0x3] =	stream.linear.gather [hbm4b:s23+s7], $0x80, $0x38;
	[tilespmem:$0x1FD80] =	vst v63  }
0x3b7: {  	s17 =	sadd.s32 $0x70, s17;
	s30 =	simm.s32 $0x16B8  }
0x3b8: {  	[tilespmem:s30], [sflag:$0x3] =	stream.linear.gather [hbm4b:s17+s7], $0x80, $0x38;
	[tilespmem:$0x1FD80] =	vst v63  }
0x3b9: {  	s1 =	sadd.s32 s5, s1;
	s30 =	simm.s32 $0x1740  }
0x3ba: {  	[tilespmem:s30], [sflag:$0x3] =	stream.linear.gather [hbm4b:s1+s7], $0x80, $0x38;
	[tilespmem:$0x1FD80] =	vst v63  }
0x3bb: {  	s23 =	sadd.s32 $0x10, s1;
	s30 =	simm.s32 $0x17C8  }
0x3bc: {  	[tilespmem:s30], [sflag:$0x3] =	stream.linear.gather [hbm4b:s23+s7], $0x80, $0x38;
	[tilespmem:$0x1FD80] =	vst v63  }
0x3bd: {  	s23 =	sadd.s32 $0x20, s1;
	s30 =	simm.s32 $0x1850  }
0x3be: {  	[tilespmem:s30], [sflag:$0x3] =	stream.linear.gather [hbm4b:s23+s7], $0x80, $0x38;
	[tilespmem:$0x1FD80] =	vst v63  }
0x3bf: {  	s23 =	sadd.s32 $0x30, s1;
	s30 =	simm.s32 $0x18D8  }
0x3c0: {  	[tilespmem:s30], [sflag:$0x3] =	stream.linear.gather [hbm4b:s23+s7], $0x80, $0x38;
	[tilespmem:$0x1FD80] =	vst v63  }
0x3c1: {  	s23 =	sadd.s32 $0x40, s1;
	s30 =	simm.s32 $0x1960  }
0x3c2: {  	[tilespmem:s30], [sflag:$0x3] =	stream.linear.gather [hbm4b:s23+s7], $0x80, $0x38;
	[tilespmem:$0x1FD80] =	vst v63  }
0x3c3: {  	s23 =	sadd.s32 $0x50, s1;
	s30 =	simm.s32 $0x19E8  }
0x3c4: {  	[tilespmem:s30], [sflag:$0x3] =	stream.linear.gather [hbm4b:s23+s7], $0x80, $0x38;
	[tilespmem:$0x1FD80] =	vst v63  }
0x3c5: {  	s23 =	sadd.s32 $0x60, s1;
	s30 =	simm.s32 $0x1A70  }
0x3c6: {  	[tilespmem:s30], [sflag:$0x3] =	stream.linear.gather [hbm4b:s23+s7], $0x80, $0x38;
	[tilespmem:$0x1FD80] =	vst v63  }
0x3c7: {  	s1 =	sadd.s32 $0x70, s1;
	s23 =	simm.s32 $0x1AF8  }
0x3c8: {  	[tilespmem:s23], [sflag:$0x3] =	stream.linear.gather [hbm4b:s1+s7], $0x80, $0x38;
	[tilespmem:$0x1FD80] =	vst v63  }
0x3c9: {  	s30 =	simm.s32 $0x1B80;
	s1 =	sadd.s32 s11, s16  }
0x3ca: {  	[tilespmem:s30], [sflag:$0x3] =	stream.linear.gather [hbm4b:s1+s7], $0x80, $0x38;
	[tilespmem:$0x1FD80] =	vst v63  }
0x3cb: {  	s23 =	sadd.s32 $0x10, s1;
	s30 =	simm.s32 $0x1C08  }
0x3cc: {  	[tilespmem:s30], [sflag:$0x3] =	stream.linear.gather [hbm4b:s23+s7], $0x80, $0x38;
	[tilespmem:$0x1FD80] =	vst v63  }
0x3cd: {  	s23 =	sadd.s32 $0x20, s1;
	s30 =	simm.s32 $0x1C90  }
0x3ce: {  	[tilespmem:s30], [sflag:$0x3] =	stream.linear.gather [hbm4b:s23+s7], $0x80, $0x38;
	[tilespmem:$0x1FD80] =	vst v63  }
0x3cf: {  	s23 =	sadd.s32 $0x30, s1;
	s30 =	simm.s32 $0x1D18  }
0x3d0: {  	[tilespmem:s30], [sflag:$0x3] =	stream.linear.gather [hbm4b:s23+s7], $0x80, $0x38;
	[tilespmem:$0x1FD80] =	vst v63  }
0x3d1: {  	s23 =	sadd.s32 $0x40, s1;
	s30 =	simm.s32 $0x1DA0  }
0x3d2: {  	[tilespmem:s30], [sflag:$0x3] =	stream.linear.gather [hbm4b:s23+s7], $0x80, $0x38;
	[tilespmem:$0x1FD80] =	vst v63  }
0x3d3: {  	s23 =	sadd.s32 $0x50, s1;
	s30 =	simm.s32 $0x1E28  }
0x3d4: {  	[tilespmem:s30], [sflag:$0x3] =	stream.linear.gather [hbm4b:s23+s7], $0x80, $0x38;
	[tilespmem:$0x1FD80] =	vst v63  }
0x3d5: {  	s23 =	sadd.s32 $0x60, s1;
	s30 =	simm.s32 $0x1EB0  }
0x3d6: {  	[tilespmem:s30], [sflag:$0x3] =	stream.linear.gather [hbm4b:s23+s7], $0x80, $0x38;
	[tilespmem:$0x1FD80] =	vst v63  }
0x3d7: {  	s1 =	sadd.s32 $0x70, s1;
	s23 =	simm.s32 $0x1F38  }
0x3d8: {  	[tilespmem:s23], [sflag:$0x3] =	stream.linear.gather [hbm4b:s1+s7], $0x80, $0x38;
	[tilespmem:$0x1FD80] =	vst v63  }
0x3d9: {  	s30 =	simm.s32 $0x1FC0;
	s1 =	sadd.s32 s11, s20  }
0x3da: {  	[tilespmem:s30], [sflag:$0x3] =	stream.linear.gather [hbm4b:s1+s7], $0x80, $0x38;
	[tilespmem:$0x1FD80] =	vst v63  }
0x3db: {  	s23 =	sadd.s32 $0x10, s1;
	s30 =	simm.s32 $0x2048  }
0x3dc: {  	[tilespmem:s30], [sflag:$0x3] =	stream.linear.gather [hbm4b:s23+s7], $0x80, $0x38;
	[tilespmem:$0x1FD80] =	vst v63  }
0x3dd: {  	s23 =	sadd.s32 $0x20, s1;
	s30 =	simm.s32 $0x20D0  }
0x3de: {  	[tilespmem:s30], [sflag:$0x3] =	stream.linear.gather [hbm4b:s23+s7], $0x80, $0x38;
	[tilespmem:$0x1FD80] =	vst v63  }
0x3df: {  	s23 =	sadd.s32 $0x30, s1;
	s30 =	simm.s32 $0x2158  }
0x3e0: {  	[tilespmem:s30], [sflag:$0x3] =	stream.linear.gather [hbm4b:s23+s7], $0x80, $0x38;
	[tilespmem:$0x1FD80] =	vst v63  }
0x3e1: {  	s23 =	sadd.s32 $0x40, s1;
	s30 =	simm.s32 $0x21E0  }
0x3e2: {  	[tilespmem:s30], [sflag:$0x3] =	stream.linear.gather [hbm4b:s23+s7], $0x80, $0x38;
	[tilespmem:$0x1FD80] =	vst v63  }
0x3e3: {  	s23 =	sadd.s32 $0x50, s1;
	s30 =	simm.s32 $0x2268  }
0x3e4: {  	[tilespmem:s30], [sflag:$0x3] =	stream.linear.gather [hbm4b:s23+s7], $0x80, $0x38;
	[tilespmem:$0x1FD80] =	vst v63  }
0x3e5: {  	s23 =	sadd.s32 $0x60, s1;
	s30 =	simm.s32 $0x22F0  }
0x3e6: {  	[tilespmem:s30], [sflag:$0x3] =	stream.linear.gather [hbm4b:s23+s7], $0x80, $0x38;
	[tilespmem:$0x1FD80] =	vst v63  }
0x3e7: {  	s1 =	sadd.s32 $0x70, s1;
	s23 =	simm.s32 $0x2378  }
0x3e8: {  	[tilespmem:s23], [sflag:$0x3] =	stream.linear.gather [hbm4b:s1+s7], $0x80, $0x38;
	[tilespmem:$0x1FD80] =	vst v63  }
0x3e9: {  	s30 =	simm.s32 $0x2400;
	s1 =	sadd.s32 s11, s21  }
0x3ea: {  	[tilespmem:s30], [sflag:$0x3] =	stream.linear.gather [hbm4b:s1+s7], $0x80, $0x38;
	[tilespmem:$0x1FD80] =	vst v63  }
0x3eb: {  	s23 =	sadd.s32 $0x10, s1;
	s30 =	simm.s32 $0x2488  }
0x3ec: {  	[tilespmem:s30], [sflag:$0x3] =	stream.linear.gather [hbm4b:s23+s7], $0x80, $0x38;
	[tilespmem:$0x1FD80] =	vst v63  }
0x3ed: {  	s23 =	sadd.s32 $0x20, s1;
	s30 =	simm.s32 $0x2510  }
0x3ee: {  	[tilespmem:s30], [sflag:$0x3] =	stream.linear.gather [hbm4b:s23+s7], $0x80, $0x38;
	[tilespmem:$0x1FD80] =	vst v63  }
0x3ef: {  	s23 =	sadd.s32 $0x30, s1;
	s30 =	simm.s32 $0x2598  }
0x3f0: {  	[tilespmem:s30], [sflag:$0x3] =	stream.linear.gather [hbm4b:s23+s7], $0x80, $0x38;
	[tilespmem:$0x1FD80] =	vst v63  }
0x3f1: {  	s23 =	sadd.s32 $0x40, s1;
	s30 =	simm.s32 $0x2620  }
0x3f2: {  	[tilespmem:s30], [sflag:$0x3] =	stream.linear.gather [hbm4b:s23+s7], $0x80, $0x38;
	[tilespmem:$0x1FD80] =	vst v63  }
0x3f3: {  	s23 =	sadd.s32 $0x50, s1;
	s30 =	simm.s32 $0x26A8  }
0x3f4: {  	[tilespmem:s30], [sflag:$0x3] =	stream.linear.gather [hbm4b:s23+s7], $0x80, $0x38;
	[tilespmem:$0x1FD80] =	vst v63  }
0x3f5: {  	s23 =	sadd.s32 $0x60, s1;
	s30 =	simm.s32 $0x2730  }
0x3f6: {  	[tilespmem:s30], [sflag:$0x3] =	stream.linear.gather [hbm4b:s23+s7], $0x80, $0x38;
	[tilespmem:$0x1FD80] =	vst v63  }
0x3f7: {  	s1 =	sadd.s32 $0x70, s1;
	s30 =	simm.s32 $0x27B8  }
0x3f8: {  	[tilespmem:s30], [sflag:$0x3] =	stream.linear.gather [hbm4b:s1+s7], $0x80, $0x38;
	[tilespmem:$0x1FD80] =	vst v63  }
0x3f9: {  	s17 =	simm.s32 $0x2840;
	s1 =	sadd.s32 s11, s24  }
0x3fa: {  	[tilespmem:s17], [sflag:$0x3] =	stream.linear.gather [hbm4b:s1+s7], $0x80, $0x38;
	[tilespmem:$0x1FD80] =	vst v63  }
0x3fb: {  	s30 =	simm.s32 $0x28C8;
	s23 =	sadd.s32 $0x10, s1  }
0x3fc: {  	[tilespmem:s30], [sflag:$0x3] =	stream.linear.gather [hbm4b:s23+s7], $0x80, $0x38;
	[tilespmem:$0x1FD80] =	vst v63  }
0x3fd: {  	s23 =	sadd.s32 $0x20, s1;
	s30 =	simm.s32 $0x2950  }
0x3fe: {  	[tilespmem:s30], [sflag:$0x3] =	stream.linear.gather [hbm4b:s23+s7], $0x80, $0x38;
	[tilespmem:$0x1FD80] =	vst v63  }
0x3ff: {  	s23 =	sadd.s32 $0x30, s1;
	s30 =	simm.s32 $0x29D8  }
0x400: {  	[tilespmem:s30], [sflag:$0x3] =	stream.linear.gather [hbm4b:s23+s7], $0x80, $0x38;
	[tilespmem:$0x1FD80] =	vst v63  }
0x401: {  	s23 =	sadd.s32 $0x40, s1;
	s30 =	simm.s32 $0x2A60  }
0x402: {  	[tilespmem:s30], [sflag:$0x3] =	stream.linear.gather [hbm4b:s23+s7], $0x80, $0x38;
	[tilespmem:$0x1FD80] =	vst v63  }
0x403: {  	s23 =	sadd.s32 $0x50, s1;
	s30 =	simm.s32 $0x2AE8  }
0x404: {  	[tilespmem:s30], [sflag:$0x3] =	stream.linear.gather [hbm4b:s23+s7], $0x80, $0x38;
	[tilespmem:$0x1FD80] =	vst v63  }
0x405: {  	s17 =	sadd.s32 $0x60, s1;
	s23 =	simm.s32 $0x2B70  }
0x406: {  	[tilespmem:s23], [sflag:$0x3] =	stream.linear.gather [hbm4b:s17+s7], $0x80, $0x38;
	[tilespmem:$0x1FD80] =	vst v63  }
0x407: {  	s1 =	sadd.s32 $0x70, s1;
	s30 =	simm.s32 $0x2BF8  }
0x408: {  	[tilespmem:s30], [sflag:$0x3] =	stream.linear.gather [hbm4b:s1+s7], $0x80, $0x38;
	[tilespmem:$0x1FD80] =	vst v63  }
.LBB2_14:
0x409: {  	s1 =	simm.s32 $0x5600;
	s11 =	simm.s32 $0xC0  }
0x40a: {  	[tilespmem:s1], [sflag:$0x6] =	stream.indirect.gather [hbm4b:s8+s14], $0x40, s11, s14, $0xb8;
	[tilespmem:$0x1FD80] =	vst v63  }
0x40b: {  	_ =	swait.ge [sflag:s18], $0x1000  }
0x40c: {  	[sflag:s18] =	ssyncset.done $0x0  }
0x40d: {  	[sflag:s18] =	ssyncadd.s32 $0xFFFFF000  }
0x40e: {  	_ =	swait.ge [sflag:s15], $0x800  }
0x40f: {  	[sflag:s15] =	ssyncset.done $0x0  }
0x410: {  	[sflag:s15] =	ssyncadd.s32 $0xFFFFF800  }
0x411: {  	_ =	swait.ge [sflag:s2], $0x400  }
0x412: {  	[sflag:s2] =	ssyncset.done $0x0  }
0x413: {  	[sflag:s2] =	ssyncadd.s32 $0xFFFFFC00  }
0x414: {  	_ =	swait.ge [sflag:s2], $0x400  }
0x415: {  	[sflag:s2] =	ssyncset.done $0x0  }
0x416: {  	[sflag:s2] =	ssyncadd.s32 $0xFFFFFC00  }
0x417: {  	_ =	swait.ge [sflag:s2], $0x400  }
0x418: {  	[sflag:s2] =	ssyncset.done $0x0  }
0x419: {  	[sflag:s2] =	ssyncadd.s32 $0xFFFFFC00  }
0x41a: {  	_ =	swait.ge [sflag:s2], $0x400  }
0x41b: {  	[sflag:s2] =	ssyncset.done $0x0  }
0x41c: {  	[sflag:s2] =	ssyncadd.s32 $0xFFFFFC00  }
0x41d: {  	_ =	swait.ge [sflag:s2], $0x400  }
0x41e: {  	[sflag:s2] =	ssyncset.done $0x0  }
0x41f: {  	[sflag:s2] =	ssyncadd.s32 $0xFFFFFC00  }
0x420: {  	_ =	swait.ge [sflag:s2], $0x400  }
0x421: {  	[sflag:s2] =	ssyncset.done $0x0  }
0x422: {  	[sflag:s2] =	ssyncadd.s32 $0xFFFFFC00  }
0x423: {  	_ =	swait.ge [sflag:s2], $0x400  }
0x424: {  	[sflag:s2] =	ssyncset.done $0x0  }
0x425: {  	[sflag:s2] =	ssyncadd.s32 $0xFFFFFC00  }
0x426: {  	_ =	swait.ge [sflag:s2], $0x400  }
0x427: {  	[sflag:s2] =	ssyncset.done $0x0  }
0x428: {  	s11 =	simm.s32 $0x0;
	[sflag:s2] =	ssyncadd.s32 $0xFFFFFC00  }
0x429: {  	s17 =	simm.s32 $0x0;
	s23 =	simm.s32 $0x40;
	v4 =	vld [tilespmem:s11+$0x180]  }
.LBB2_15:
0x42a: {  	p3 =	sne.s32 s23, $0xC0  }
.Ltmp8:
0x42b: {  	_ = 	snop;
	(pc) =	sbr.rel @p3 .LBB2_15-.Ltmp8, $3  }
0x42c: {  	_ =	sdelay $0x1  }
0x42d: {  	[tilespmem:s11+$0x7600] =	vst v4;
	s11 =	sshra.s32 s23, $0x2;
	s23 =	sadd.s32 $0x40, s23  }
0x42e: {  	v4 =	vld [tilespmem:s11+$0x180]  }
0x42f: {  	_ =	sdelay $0x2  }
0x430: {  	v5 =	vmov s17  }
0x431: {  	s23 =	simm.s32 $0x4640;
	v5 =	vand.u32 $0x3E, v5;
	[tilespmem:s11+$0x7600] =	vst v4  }
0x432: {  	v6 =	vadd.s32 v3, v5;
	v8 =	vld [tilespmem:s23+$0x0]  }
0x433: {  	v7 =	vadd.s32 v2, v5;
	v9 =	vld [tilespmem:s23+$0x10]  }
0x434: {  	s1 =	simm.s32 $0x1;
	v5 =	vadd.s32 v0, v5;
	v17 =	vld [tilespmem:s23+$0x30]  }
0x435: {  	v4 =	vmov s1;
	v19 =	vld [tilespmem:s23+$0xFFFFFFD0]  }
0x436: {  	v4 =	vand.u32 $0x3F, v4;
	v20 =	vld [tilespmem:s23+$0xFFFFFFC0]  }
0x437: {  	v11 =	vld.idx.msk [tilespmem:v6+s13+$0x0], $0xffff;
	v6 =	vadd.s32 v0, v4  }
0x438: {  	v12 =	vld.idx.msk [tilespmem:v7+s13+$0x0], $0xffff  }
0x439: {  	v13 =	vld.idx.msk [tilespmem:v5+s22+$0x0], $0xffff;
	v7 =	vadd.s32 v2, v4;
	v4 =	vadd.s32 v3, v4  }
0x43a: {  	v14 =	vld.idx.msk [tilespmem:v5+s13+$0x0], $0xffff  }
0x43b: {  	v5 =	vld [tilespmem:s23+$0x20]  }
0x43c: {  	s30 =	simm.s32 $0x2;
	v10 =	vld.idx.msk [tilespmem:v6+s22+$0x0], $0xffff  }
0x43d: {  	v15 =	vmov s30;
	v6 =	vld.idx.msk [tilespmem:v6+s13+$0x0], $0xffff  }
0x43e: {  	v15 =	vand.u32 $0x3E, v15;
	v16 =	vld.idx.msk [tilespmem:v4+s13+$0x0], $0xffff  }
0x43f: {  	v7 =	vld.idx.msk [tilespmem:v7+s13+$0x0], $0xffff;
	v4 =	vadd.s32 v3, v15  }
0x440: {  	v18 =	vadd.s32 v2, v15;
	v29 =	vmul.f32 v14, v19;
	v14 =	vmul.f32 v14, v20  }
0x441: {  	s17 =	simm.s32 $0x3;
	v24 =	vld [tilespmem:s23+$0xFFFFFFE0];
	v15 =	vadd.s32 v0, v15;
	v19 =	vmul.f32 v13, v19;
	v21 =	vmul.f32 v10, v8  }
0x442: {  	v23 =	vmov s17;
	s11 =	simm.s32 $0x46C0;
	v26 =	vld [tilespmem:s23+$0xFFFFFFF0];
	v22 =	vmul.f32 v6, v9;
	v25 =	vmul.f32 v6, v8  }
0x443: {  	v23 =	vand.u32 $0x3F, v23;
	v30 =	vld [tilespmem:s11+$0x10];
	v9 =	vmul.f32 v10, v9;
	v27 =	vmul.f32 v16, v17  }
0x444: {  	v4 =	vld.idx.msk [tilespmem:v4+s13+$0x0], $0xffff;
	v16 =	vmul.f32 v16, v8;
	v21 =	vadd.f32 v22, v21;
	v22 =	vmul.f32 v7, v5  }
0x445: {  	v28 =	vadd.s32 v0, v23;
	v6 =	vld.idx.msk [tilespmem:v18+s13+$0x0], $0xffff;
	v17 =	vmul.f32 v10, v17;
	v7 =	vmul.f32 v7, v8  }
0x446: {  	v8 =	vld.idx.msk [tilespmem:v15+s13+$0x0], $0xffff;
	v18 =	vadd.f32 v22, v21;
	v21 =	vmul.f32 v10, v5;
	v22 =	vmul.f32 v13, v20  }
0x447: {  	v25 =	vadd.f32 v25, v9;
	v5 =	vld.idx.msk [tilespmem:v15+s22+$0x0], $0xffff;
	v15 =	vmul.f32 v12, v24;
	v24 =	vmul.f32 v13, v24  }
0x448: {  	v9 =	vld [tilespmem:s11+$0x20];
	v18 =	vadd.f32 v27, v18;
	v7 =	vadd.f32 v7, v21;
	v21 =	vadd.s32 v2, v23  }
0x449: {  	v10 =	vld [tilespmem:s11+$0x0];
	v13 =	vmul.f32 v13, v26;
	v22 =	vadd.f32 v29, v22;
	v23 =	vadd.s32 v3, v23  }
0x44a: {  	s23 =	simm.s32 $0x4;
	v27 =	vmul.f32 v11, v26;
	v11 =	vmul.f32 v11, v20;
	v18 =	vpsel p0, v18, v7;
	v7 =	vld.idx.msk [tilespmem:v28+s22+$0x0], $0xffff  }
0x44b: {  	v62 =	vmov s23;
	v15 =	vadd.f32 v15, v22;
	v22 =	vld.idx.msk [tilespmem:v28+s13+$0x0], $0xffff  }
0x44c: {  	v12 =	vmul.f32 v12, v20;
	v20 =	vadd.f32 v14, v19;
	v14 =	vld [tilespmem:s11+$0x30];
	v13 =	vadd.f32 v11, v13  }
0x44d: {  	v63 =	vadd.f32 v16, v17;
	v15 =	vadd.f32 v27, v15;
	v16 =	vld.idx.msk [tilespmem:v21+s13+$0x0], $0xffff;
	v21 =	vand.u32 $0x3E, v62  }
0x44e: {  	s17 =	simm.s32 $0x6620;
	v20 =	vpsel p0, v20, v13;
	v17 =	vld.idx.msk [tilespmem:v23+s13+$0x0], $0xffff;
	v23 =	vadd.f32 v12, v24;
	v19 =	vadd.s32 v3, v21  }
0x44f: {  	v11 =	vld [tilespmem:s11+$0xFFFFFFC0];
	[tilespmem:s17+$0x0] =	vst v18;
	v24 =	vpsel p0, v25, v63;
	v18 =	vadd.s32 v0, v21;
	v21 =	vadd.s32 v2, v21  }
0x450: {  	s30 =	simm.s32 $0x5;
	v12 =	vld [tilespmem:s11+$0xFFFFFFD0];
	[tilespmem:s17+$0x10] =	vst v24;
	v15 =	vpsel p0, v15, v23;
	v24 =	vmul.f32 v7, v10;
	v25 =	vmul.f32 v22, v30  }
0x451: {  	v13 =	vld [tilespmem:s11+$0xFFFFFFE0];
	v22 =	vmul.f32 v22, v10;
	v23 =	vmul.f32 v7, v30;
	[tilespmem:s17+$0xFFFFFFE0] =	vst v15;
	v15 =	vmov s30  }
0x452: {  	s23 =	simm.s32 $0x6;
	[tilespmem:s17+$0xFFFFFFF0] =	vst v20;
	v20 =	vand.u32 $0x3F, v15;
	v15 =	vld [tilespmem:s11+$0xFFFFFFF0];
	v24 =	vadd.f32 v25, v24;
	v25 =	vmul.f32 v16, v9  }
.LBB2_17:
0x453: {  	p3 =	slt.u32 s23, $0x3E;
	v19 =	vld.idx.msk [tilespmem:v19+s13+$0x0], $0xffff;
	v26 =	vadd.s32 v0, v20;
	v27 =	vmul.f32 v17, v14;
	v17 =	vmul.f32 v17, v10  }
0x454: {  	v10 =	vmul.f32 v16, v10;
	v9 =	vmul.f32 v7, v9;
	v21 =	vld.idx.msk [tilespmem:v21+s13+$0x0], $0xffff;
	v24 =	vadd.f32 v25, v24  }
0x455: {  	v22 =	vadd.f32 v22, v23;
	v28 =	vmul.f32 v8, v12;
	v25 =	vld.idx.msk [tilespmem:v18+s22+$0x0], $0xffff;
	v16 =	vmul.f32 v5, v11  }
0x456: {  	s11 =	sadd.s32 $0x80, s11;
	v18 =	vld.idx.msk [tilespmem:v18+s13+$0x0], $0xffff;
	v23 =	vmul.f32 v6, v13;
	v24 =	vadd.f32 v27, v24;
	v27 =	vadd.f32 v10, v9  }
0x457: {  	v29 =	vadd.s32 v2, v20;
	v14 =	vmul.f32 v7, v14;
	v9 =	vld [tilespmem:s11+$0x20];
	v16 =	vadd.f32 v28, v16  }
0x458: {  	v20 =	vadd.s32 v3, v20;
	s17 =	sadd.s32 $0x40, s17;
	v28 =	vmul.f32 v4, v15;
	v10 =	vld [tilespmem:s11+$0x0];
	v24 =	vpsel p0, v24, v27  }
0x459: {  	v8 =	vmul.f32 v8, v11;
	v27 =	vmov s23;
	v7 =	vld.idx.msk [tilespmem:v26+s22+$0x0], $0xffff;
	v16 =	vadd.f32 v23, v16;
	[tilespmem:s17+$0x0] =	vst v24  }
0x45a: {  	v12 =	vmul.f32 v5, v12;
	v30 =	vmul.f32 v6, v11;
	v14 =	vadd.f32 v17, v14;
	v23 =	vld.idx.msk [tilespmem:v26+s13+$0x0], $0xffff  }
0x45b: {  	v11 =	vmul.f32 v4, v11;
	v13 =	vmul.f32 v5, v13;
	v4 =	vmovc v19;
	v24 =	vld [tilespmem:s11+$0x10];
	v26 =	vadd.f32 v28, v16  }
0x45c: {  	v14 =	vpsel p0, v22, v14;
	v28 =	vadd.f32 v8, v12;
	v16 =	vld.idx.msk [tilespmem:v29+s13+$0x0], $0xffff;
	v29 =	vmul.f32 v5, v15  }
0x45d: {  	v13 =	vadd.f32 v30, v13;
	v6 =	vmovc v21;
	v12 =	vand.u32 $0x3E, v27;
	v5 =	vmov v25;
	v17 =	vld.idx.msk [tilespmem:v20+s13+$0x0], $0xffff;
	[tilespmem:s17+$0x10] =	vst v14  }
.Ltmp9:
0x45e: {  	v8 =	vmov v18;
	v19 =	vadd.s32 v3, v12;
	v14 =	vld [tilespmem:s11+$0x30];
	v15 =	vadd.f32 v11, v29;
	(pc) =	sbr.rel @p3 .LBB2_17-.Ltmp9, $4  }
0x45f: {  	v18 =	vadd.s32 v0, v12;
	v21 =	vadd.s32 v2, v12;
	v13 =	vpsel p0, v26, v13;
	v12 =	vld [tilespmem:s11+$0xFFFFFFD0]  }
0x460: {  	s1 =	sadd.s32 $0x1, s23;
	v25 =	vmul.f32 v7, v10;
	v11 =	vld [tilespmem:s11+$0xFFFFFFC0];
	v26 =	vmul.f32 v23, v24;
	[tilespmem:s17+$0xFFFFFFE0] =	vst v13;
	v15 =	vpsel p0, v28, v15  }
0x461: {  	v20 =	vmov s1;
	v22 =	vmul.f32 v23, v10;
	v23 =	vmul.f32 v7, v24;
	v13 =	vld [tilespmem:s11+$0xFFFFFFE0];
	[tilespmem:s17+$0xFFFFFFF0] =	vst v15  }
0x462: {  	s23 =	sadd.s32 $0x2, s23;
	v20 =	vand.u32 $0x3F, v20;
	v15 =	vld [tilespmem:s11+$0xFFFFFFF0];
	v24 =	vadd.f32 v26, v25;
	v25 =	vmul.f32 v16, v9  }
0x463: {  	_ =	sdelay $0x3  }
0x464: {  	v19 =	vld.idx.msk [tilespmem:v19+s13+$0x0], $0xffff  }
0x465: {  	v21 =	vld.idx.msk [tilespmem:v21+s13+$0x0], $0xffff  }
0x466: {  	v27 =	vld.idx.msk [tilespmem:v18+s22+$0x0], $0xffff  }
0x467: {  	v26 =	vadd.s32 v0, v20;
	v18 =	vld.idx.msk [tilespmem:v18+s13+$0x0], $0xffff;
	s1 =	sadd.s32 $0x80, s11  }
0x468: {  	v28 =	vmul.f32 v17, v14;
	v60 =	vmul.f32 v17, v10;
	v30 =	vadd.s32 v2, v20;
	v29 =	vld [tilespmem:s1+$0x20]  }
0x469: {  	v61 =	vadd.s32 v3, v20;
	v62 =	vmul.f32 v16, v10;
	v9 =	vmul.f32 v7, v9;
	v33 =	vld [tilespmem:s1+$0x0]  }
0x46a: {  	v22 =	vadd.f32 v22, v23;
	v7 =	vmul.f32 v7, v14;
	v32 =	vmul.f32 v8, v12;
	v44 =	vld [tilespmem:s1+$0xFFFFFFD0]  }
0x46b: {  	v24 =	vadd.f32 v25, v24;
	v41 =	vmul.f32 v5, v12;
	v45 =	vld [tilespmem:s1+$0xFFFFFFC0];
	v31 =	vmul.f32 v5, v11  }
0x46c: {  	v49 =	vld [tilespmem:s1+$0xFFFFFFF0];
	v9 =	vadd.f32 v62, v9;
	v39 =	vmul.f32 v8, v11;
	v7 =	vadd.f32 v60, v7  }
0x46d: {  	v36 =	vld [tilespmem:s1+$0x10];
	v35 =	vmul.f32 v6, v13;
	v24 =	vadd.f32 v28, v24;
	v6 =	vmul.f32 v6, v11  }
0x46e: {  	v42 =	vmul.f32 v5, v13;
	v34 =	vadd.f32 v32, v31;
	v38 =	vmul.f32 v4, v15;
	v63 =	vld.idx.msk [tilespmem:v26+s22+$0x0], $0xffff  }
0x46f: {  	v4 =	vmul.f32 v4, v11;
	v8 =	vadd.f32 v39, v41;
	v5 =	vmul.f32 v5, v15;
	v26 =	vld.idx.msk [tilespmem:v26+s13+$0x0], $0xffff  }
0x470: {  	v43 =	vld [tilespmem:s1+$0x30];
	v7 =	vpsel p0, v22, v7;
	v9 =	vpsel p0, v24, v9;
	v54 =	vmul.f32 v27, v45  }
0x471: {  	v40 =	vld.idx.msk [tilespmem:v30+s13+$0x0], $0xffff;
	v6 =	vadd.f32 v6, v42;
	v55 =	vmul.f32 v18, v44;
	v58 =	vmul.f32 v19, v49  }
0x472: {  	v20 =	vld.idx.msk [tilespmem:v61+s13+$0x0], $0xffff;
	v37 =	vadd.f32 v35, v34;
	v60 =	vmul.f32 v18, v45;
	v11 =	vmul.f32 v27, v44  }
0x473: {  	v4 =	vadd.f32 v4, v5;
	v5 =	vld [tilespmem:s1+$0xFFFFFFE0];
	v61 =	vmul.f32 v21, v45;
	v12 =	vmul.f32 v19, v45  }
0x474: {  	v14 =	vadd.f32 v38, v37;
	v46 =	vmul.f32 v63, v33;
	v47 =	vmul.f32 v26, v36  }
0x475: {  	v4 =	vpsel p0, v8, v4;
	v8 =	vadd.f32 v55, v54;
	v48 =	vmul.f32 v26, v33  }
0x476: {  	v10 =	vmul.f32 v63, v36;
	v50 =	vmul.f32 v40, v29;
	v15 =	vadd.f32 v47, v46  }
0x477: {  	v6 =	vpsel p0, v14, v6;
	v52 =	vmul.f32 v40, v33;
	v53 =	vmul.f32 v63, v29  }
0x478: {  	s23 =	sadd.s32 $0x40, s17;
	v51 =	vmul.f32 v20, v43;
	v56 =	vmul.f32 v21, v5;
	v15 =	vadd.f32 v50, v15  }
0x479: {  	[tilespmem:s23+$0x10] =	vst v7;
	v20 =	vmul.f32 v20, v33;
	v57 =	vmul.f32 v63, v43;
	v59 =	vadd.f32 v52, v53  }
0x47a: {  	[tilespmem:s23+$0x0] =	vst v9;
	v5 =	vmul.f32 v27, v5;
	v7 =	vadd.f32 v56, v8;
	v14 =	vadd.f32 v51, v15  }
0x47b: {  	v62 =	vmul.f32 v27, v49;
	[tilespmem:s23+$0xFFFFFFE0] =	vst v6;
	v10 =	vadd.f32 v48, v10;
	v6 =	vadd.f32 v20, v57  }
0x47c: {  	s1 =	sadd.s32 $0x40, s23;
	[tilespmem:s23+$0xFFFFFFF0] =	vst v4;
	v5 =	vadd.f32 v61, v5;
	v7 =	vadd.f32 v58, v7;
	v4 =	vpsel p0, v14, v59  }
0x47d: {  	v63 =	vadd.f32 v12, v62;
	v6 =	vpsel p0, v10, v6;
	[tilespmem:s1+$0x0] =	vst v4;
	v4 =	vadd.f32 v60, v11  }
0x47e: {  	[tilespmem:s1+$0x10] =	vst v6;
	v5 =	vpsel p0, v7, v5  }
0x47f: {  	[tilespmem:s1+$0xFFFFFFE0] =	vst v5;
	v4 =	vpsel p0, v4, v63  }
0x480: {  	s30 =	simm.s32 $0x7600;
	[tilespmem:s1+$0xFFFFFFF0] =	vst v4;
	s1 =	simm.s32 @!p2 $0x1  }
0x481: {  	[spmem:s6] =	stream.indirect.scatter.add.f32 [tilespmem:s28], [sflag:$0x7], $0x20, s30, s14, $0xb8;
	[tilespmem:$0x1FD80] =	vst v63  }
0x482: {  	_ =	swait.ge @!p2 [sflag:s1], $0x80  }
0x483: {  	[sflag:s1] =	ssyncset.done @!p2 $0x0  }
0x484: {  	[sflag:s1] =	ssyncadd.s32 @!p2 $0xFFFFFF80  }
0x485: {  	_ =	swait.ge @!p2 [sflag:s1], $0x40  }
0x486: {  	[sflag:s1] =	ssyncset.done @!p2 $0x0  }
0x487: {  	[sflag:s1] =	ssyncadd.s32 @!p2 $0xFFFFFFC0  }
0x488: {  	_ =	swait.ge @!p2 [sflag:s1], $0x40  }
0x489: {  	s11 =	simm.s32 @!p2 $0x0;
	[sflag:s1] =	ssyncset.done @!p2 $0x0  }
0x48a: {  	s17 =	simm.s32 @!p2 $0x4600;
	[sflag:s1] =	ssyncadd.s32 @!p2 $0xFFFFFFC0;
	s1 =	simm.s32 @!p2 $0x40  }
0x48b: {  	[tilespmem:s17], [sflag:$0x5] =	stream.indirect.gather @!p2 [hbm4b:s8+s1], $0x40, s11, s1, $0xb8;
	[tilespmem:$0x1FD80] =	vst v63  }
0x48c: {  	_ =	swait.ge [sflag:s26], $0x1000  }
0x48d: {  	[sflag:s26] =	ssyncset.done $0x0  }
0x48e: {  	[sflag:s26] =	ssyncadd.s32 $0xFFFFF000  }
0x48f: {  	_ =	swait.ge [sflag:s0], $0x800  }
0x490: {  	[sflag:s0] =	ssyncset.done $0x0  }
0x491: {  	s11 =	simm.s32 $0x0;
	[sflag:s0] =	ssyncadd.s32 $0xFFFFF800  }
0x492: {  	s17 =	simm.s32 $0x40;
	v4 =	vld [tilespmem:s11+$0x1C0]  }
.LBB2_19:
0x493: {  	p2 =	sne.s32 s17, $0xC0  }
.Ltmp10:
0x494: {  	_ = 	snop;
	(pc) =	sbr.rel @p2 .LBB2_19-.Ltmp10, $3  }
0x495: {  	_ =	sdelay $0x1  }
0x496: {  	[tilespmem:s11+$0x7640] =	vst v4;
	s11 =	sshra.s32 s17, $0x2;
	s17 =	sadd.s32 $0x40, s17  }
0x497: {  	v4 =	vld [tilespmem:s11+$0x1C0]  }
0x498: {  	s1 =	simm.s32 $0x40  }
0x499: {  	v5 =	vmov s1  }
0x49a: {  	v5 =	vand.u32 $0x7E, v5  }
0x49b: {  	v6 =	vadd.s32 v3, v5  }
0x49c: {  	s30 =	simm.s32 $0x41;
	s17 =	simm.s32 $0x5640;
	v7 =	vadd.s32 v2, v5;
	[tilespmem:s11+$0x7640] =	vst v4  }
0x49d: {  	v8 =	vadd.s32 v0, v5;
	v4 =	vmov s30;
	v11 =	vld [tilespmem:s17+$0x20]  }
0x49e: {  	v9 =	vand.u32 $0x7F, v4;
	v13 =	vld [tilespmem:s17+$0x0]  }
0x49f: {  	v14 =	vld [tilespmem:s17+$0x10];
	v10 =	vadd.s32 v0, v9  }
0x4a0: {  	v4 =	vld.idx.msk [tilespmem:v6+s13+$0x0], $0xffff  }
0x4a1: {  	v5 =	vld.idx.msk [tilespmem:v7+s13+$0x0], $0xffff;
	v7 =	vadd.s32 v2, v9  }
0x4a2: {  	v6 =	vld.idx.msk [tilespmem:v8+s22+$0x0], $0xffff;
	v9 =	vadd.s32 v3, v9  }
0x4a3: {  	v22 =	vld.idx.msk [tilespmem:v8+s13+$0x0], $0xffff  }
0x4a4: {  	v8 =	vld.idx.msk [tilespmem:v10+s22+$0x0], $0xffff  }
0x4a5: {  	s23 =	simm.s32 $0x42;
	v10 =	vld.idx.msk [tilespmem:v10+s13+$0x0], $0xffff  }
0x4a6: {  	v12 =	vmov s23;
	v18 =	vld.idx.msk [tilespmem:v7+s13+$0x0], $0xffff  }
0x4a7: {  	v12 =	vand.u32 $0x7E, v12;
	v9 =	vld.idx.msk [tilespmem:v9+s13+$0x0], $0xffff  }
0x4a8: {  	v16 =	vadd.s32 v3, v12;
	v7 =	vld [tilespmem:s17+$0x30]  }
0x4a9: {  	v17 =	vadd.s32 v2, v12;
	v23 =	vadd.s32 v0, v12;
	s30 =	simm.s32 $0x43;
	v15 =	vld [tilespmem:s17+$0xFFFFFFD0]  }
0x4aa: {  	v12 =	vld [tilespmem:s17+$0xFFFFFFC0];
	v20 =	vmov s30;
	v21 =	vmul.f32 v8, v13;
	v24 =	vmul.f32 v10, v14  }
0x4ab: {  	v19 =	vld [tilespmem:s17+$0xFFFFFFE0];
	v29 =	vand.u32 $0x7F, v20;
	v25 =	vmul.f32 v10, v13  }
0x4ac: {  	v20 =	vld [tilespmem:s17+$0xFFFFFFF0];
	v14 =	vmul.f32 v8, v14;
	v24 =	vadd.f32 v24, v21;
	v26 =	vmul.f32 v18, v11  }
0x4ad: {  	v10 =	vld.idx.msk [tilespmem:v16+s13+$0x0], $0xffff;
	v21 =	vadd.s32 v0, v29;
	v28 =	vmul.f32 v9, v7;
	v16 =	vmul.f32 v9, v13  }
0x4ae: {  	v17 =	vld.idx.msk [tilespmem:v17+s13+$0x0], $0xffff;
	v13 =	vmul.f32 v18, v13;
	v9 =	vadd.f32 v26, v24;
	v24 =	vmul.f32 v8, v11  }
0x4af: {  	v30 =	vmul.f32 v22, v15;
	v14 =	vadd.f32 v25, v14;
	v18 =	vld.idx.msk [tilespmem:v23+s13+$0x0], $0xffff;
	v26 =	vmul.f32 v6, v12  }
0x4b0: {  	s11 =	simm.s32 $0x56C0;
	v27 =	vmul.f32 v5, v19;
	v11 =	vld.idx.msk [tilespmem:v23+s22+$0x0], $0xffff;
	v31 =	vadd.f32 v28, v9;
	v32 =	vadd.f32 v13, v24  }
0x4b1: {  	v25 =	vadd.s32 v3, v29;
	v23 =	vadd.s32 v2, v29;
	v9 =	vld [tilespmem:s11+$0x20];
	v28 =	vadd.f32 v30, v26  }
0x4b2: {  	s23 =	simm.s32 $0x2;
	s17 =	simm.s32 $0x6E20;
	v26 =	vmul.f32 v4, v20;
	v13 =	vld [tilespmem:s11+$0x0];
	v24 =	vmul.f32 v22, v12;
	v22 =	vpsel p0, v31, v32  }
.LBB2_21:
0x4b3: {  	s1 =	sadd.s32 $0x42, s23;
	v29 =	vld.idx.msk [tilespmem:v21+s22+$0x0], $0xffff;
	v27 =	vadd.f32 v27, v28;
	v15 =	vmul.f32 v6, v15;
	[tilespmem:s17+$0x0] =	vst v22  }
0x4b4: {  	v28 =	vmul.f32 v5, v12;
	v19 =	vmul.f32 v6, v19;
	v5 =	vmovc v17;
	v22 =	vmov s1;
	v21 =	vld.idx.msk [tilespmem:v21+s13+$0x0], $0xffff  }
0x4b5: {  	v12 =	vmul.f32 v4, v12;
	v20 =	vmul.f32 v6, v20;
	v4 =	vmovc v10;
	v17 =	vld [tilespmem:s11+$0x10];
	v26 =	vadd.f32 v26, v27  }
0x4b6: {  	v8 =	vmul.f32 v8, v7;
	v10 =	vadd.f32 v24, v15;
	v15 =	vadd.f32 v28, v19;
	v23 =	vld.idx.msk [tilespmem:v23+s13+$0x0], $0xffff  }
0x4b7: {  	v6 =	vmovc v11;
	v19 =	vand.u32 $0x7E, v22;
	v12 =	vadd.f32 v12, v20;
	v24 =	vmov v18;
	v22 =	vld.idx.msk [tilespmem:v25+s13+$0x0], $0xffff  }
0x4b8: {  	v28 =	vadd.f32 v16, v8;
	v11 =	vadd.s32 v3, v19;
	v18 =	vpsel p0, v26, v15;
	v7 =	vld [tilespmem:s11+$0x30]  }
0x4b9: {  	v25 =	vadd.s32 v0, v19;
	v26 =	vadd.s32 v2, v19;
	v10 =	vpsel p0, v10, v12;
	v15 =	vld [tilespmem:s11+$0xFFFFFFD0];
	[tilespmem:s17+$0xFFFFFFE0] =	vst v18  }
0x4ba: {  	s1 =	sadd.s32 $0x43, s23;
	v20 =	vpsel p0, v14, v28;
	v16 =	vmul.f32 v29, v13;
	v12 =	vld [tilespmem:s11+$0xFFFFFFC0];
	v18 =	vmul.f32 v21, v17;
	[tilespmem:s17+$0xFFFFFFF0] =	vst v10  }
0x4bb: {  	v8 =	vmovc v29;
	v14 =	vmul.f32 v21, v13;
	v10 =	vmov s1;
	v27 =	vmul.f32 v29, v17;
	v19 =	vld [tilespmem:s11+$0xFFFFFFE0];
	[tilespmem:s17+$0x10] =	vst v20  }
0x4bc: {  	s23 =	sadd.s32 $0x2, s23;
	v29 =	vand.u32 $0x7F, v10;
	v28 =	vmul.f32 v23, v9;
	v20 =	vld [tilespmem:s11+$0xFFFFFFF0];
	v18 =	vadd.f32 v18, v16  }
0x4bd: {  	p2 =	slt.u32 s23, $0x3E;
	v21 =	vadd.s32 v0, v29;
	v16 =	vmul.f32 v22, v13;
	v10 =	vld.idx.msk [tilespmem:v11+s13+$0x0], $0xffff;
	v30 =	vmul.f32 v22, v7  }
.Ltmp11:
0x4be: {  	v9 =	vmul.f32 v8, v9;
	v13 =	vmul.f32 v23, v13;
	v17 =	vld.idx.msk [tilespmem:v26+s13+$0x0], $0xffff;
	v22 =	vadd.f32 v28, v18;
	(pc) =	sbr.rel @p2 .LBB2_21-.Ltmp11, $4  }
0x4bf: {  	v14 =	vadd.f32 v14, v27;
	v28 =	vmul.f32 v24, v15;
	v11 =	vld.idx.msk [tilespmem:v25+s22+$0x0], $0xffff;
	v26 =	vmul.f32 v6, v12  }
0x4c0: {  	s11 =	sadd.s32 $0x80, s11;
	v18 =	vld.idx.msk [tilespmem:v25+s13+$0x0], $0xffff;
	v27 =	vmul.f32 v5, v19;
	v22 =	vadd.f32 v30, v22;
	v30 =	vadd.f32 v13, v9  }
0x4c1: {  	v23 =	vadd.s32 v2, v29;
	v9 =	vld [tilespmem:s11+$0x20];
	v28 =	vadd.f32 v28, v26;
	v26 =	vmul.f32 v4, v20  }
0x4c2: {  	s17 =	sadd.s32 $0x40, s17;
	v24 =	vmul.f32 v24, v12;
	v25 =	vadd.s32 v3, v29;
	v13 =	vld [tilespmem:s11+$0x0];
	v22 =	vpsel p0, v22, v30  }
0x4c3: {  	_ =	sdelay $0x3  }
0x4c4: {  	v29 =	vld.idx.msk [tilespmem:v21+s22+$0x0], $0xffff  }
0x4c5: {  	v36 =	vld.idx.msk [tilespmem:v21+s13+$0x0], $0xffff  }
0x4c6: {  	v30 =	vld [tilespmem:s11+$0x10]  }
0x4c7: {  	v23 =	vld.idx.msk [tilespmem:v23+s13+$0x0], $0xffff  }
0x4c8: {  	v27 =	vadd.f32 v27, v28;
	v5 =	vmul.f32 v5, v12;
	v25 =	vld.idx.msk [tilespmem:v25+s13+$0x0], $0xffff  }
0x4c9: {  	v19 =	vmul.f32 v6, v19;
	v15 =	vmul.f32 v6, v15;
	v37 =	vld [tilespmem:s11+$0x30]  }
0x4ca: {  	v4 =	vmul.f32 v4, v12;
	v38 =	vmul.f32 v6, v20;
	v40 =	vld [tilespmem:s11+$0xFFFFFFC0];
	v26 =	vadd.f32 v26, v27  }
0x4cb: {  	v39 =	vld [tilespmem:s11+$0xFFFFFFD0];
	v7 =	vmul.f32 v8, v7;
	v5 =	vadd.f32 v5, v19;
	v15 =	vadd.f32 v24, v15  }
0x4cc: {  	v42 =	vld [tilespmem:s11+$0xFFFFFFE0];
	v4 =	vadd.f32 v4, v38;
	v41 =	vmul.f32 v29, v13;
	v43 =	vmul.f32 v36, v30  }
0x4cd: {  	v45 =	vld [tilespmem:s11+$0xFFFFFFF0];
	v7 =	vadd.f32 v16, v7;
	v44 =	vmul.f32 v36, v13;
	v46 =	vmul.f32 v29, v30  }
0x4ce: {  	v5 =	vpsel p0, v26, v5;
	v47 =	vmul.f32 v23, v9;
	v48 =	vmul.f32 v25, v37  }
0x4cf: {  	v4 =	vpsel p0, v15, v4;
	v25 =	vmul.f32 v25, v13;
	v49 =	vmul.f32 v11, v40  }
0x4d0: {  	v7 =	vpsel p0, v14, v7;
	v50 =	vmul.f32 v18, v39;
	v51 =	vmul.f32 v23, v13  }
0x4d1: {  	v52 =	vmul.f32 v29, v9;
	v53 =	vmul.f32 v17, v42;
	v6 =	vadd.f32 v43, v41  }
0x4d2: {  	v54 =	vmul.f32 v10, v45;
	v55 =	vmul.f32 v18, v40;
	v14 =	vadd.f32 v50, v49  }
0x4d3: {  	v12 =	vmul.f32 v11, v39;
	v56 =	vmul.f32 v17, v40;
	v6 =	vadd.f32 v47, v6  }
0x4d4: {  	[tilespmem:s17+$0x0] =	vst v22;
	v57 =	vmul.f32 v11, v42;
	v8 =	vmul.f32 v10, v40;
	v14 =	vadd.f32 v53, v14  }
0x4d5: {  	[tilespmem:s17+$0xFFFFFFE0] =	vst v5;
	v58 =	vmul.f32 v11, v45;
	v5 =	vadd.f32 v51, v52;
	v6 =	vadd.f32 v48, v6  }
0x4d6: {  	s9 =	sadd.s32 $0x1, s9;
	[tilespmem:s17+$0xFFFFFFF0] =	vst v4;
	v60 =	vmul.f32 v29, v37;
	v59 =	vadd.f32 v56, v57;
	v4 =	vadd.f32 v54, v14  }
0x4d7: {  	s1 =	sadd.s32 $0x40, s17;
	p2 =	sne.s32 s9, $0xC3;
	[tilespmem:s17+$0x10] =	vst v7;
	v61 =	vadd.f32 v55, v12;
	v62 =	vadd.f32 v8, v58;
	v5 =	vpsel p0, v6, v5  }
.Ltmp12:
0x4d8: {  	v63 =	vadd.f32 v44, v46;
	v4 =	vpsel p0, v4, v59;
	[tilespmem:s1+$0x0] =	vst v5;
	v5 =	vadd.f32 v25, v60;
	(pc) =	sbr.rel @p2 .LBB2_4-.Ltmp12, $4  }
0x4d9: {  	[tilespmem:s1+$0xFFFFFFE0] =	vst v4;
	v4 =	vpsel p0, v61, v62  }
0x4da: {  	[tilespmem:s1+$0xFFFFFFF0] =	vst v4;
	v4 =	vpsel p0, v63, v5  }
0x4db: {  	s30 =	simm.s32 $0x7640;
	[tilespmem:s1+$0x10] =	vst v4  }
0x4dc: {  	[spmem:s6] =	stream.indirect.scatter.add.f32 [tilespmem:s31], [sflag:$0x8], $0x20, s30, s14, $0xb8;
	[tilespmem:$0x1FD80] =	vst v63  }
.Ltmp13:
0x4dd: {  	(pc) =	sbr.rel @p1 .LBB2_33-.Ltmp13, $3  }
0x4de: {  	_ =	sdelay $0x1  }
0x4df: {  	s23 =	rddreg [dreg:$0x13]  }
0x4e0: {  	s17 =	sld [smem:$0x79E]  }
0x4e1: {  	s1 =	simm.s32 $0x5600  }
0x4e2: {  	[tilespmem:s1], [sflag:$0x6] =	stream.indirect.gather [hbm4b:s8+s14], $0x40, s14, s14, $0xb8;
	[tilespmem:$0x1FD80] =	vst v63  }
0x4e3: {  	_ =	swait.ge [sflag:s18], $0x1000  }
0x4e4: {  	[sflag:s18] =	ssyncset.done $0x0  }
0x4e5: {  	[sflag:s18] =	ssyncadd.s32 $0xFFFFF000  }
0x4e6: {  	_ =	swait.ge [sflag:s15], $0x800  }
0x4e7: {  	[sflag:s15] =	ssyncset.done $0x0  }
0x4e8: {  	[sflag:s15] =	ssyncadd.s32 $0xFFFFF800  }
0x4e9: {  	_ =	swait.ge [sflag:s19], $0x400  }
0x4ea: {  	[sflag:s19] =	ssyncset.done $0x0  }
0x4eb: {  	[sflag:s19] =	ssyncadd.s32 $0xFFFFFC00  }
0x4ec: {  	_ =	swait.ge [sflag:s19], $0x400  }
0x4ed: {  	[sflag:s19] =	ssyncset.done $0x0  }
0x4ee: {  	[sflag:s19] =	ssyncadd.s32 $0xFFFFFC00  }
0x4ef: {  	_ =	swait.ge [sflag:s19], $0x400  }
0x4f0: {  	[sflag:s19] =	ssyncset.done $0x0  }
0x4f1: {  	[sflag:s19] =	ssyncadd.s32 $0xFFFFFC00  }
0x4f2: {  	_ =	swait.ge [sflag:s19], $0x400  }
0x4f3: {  	[sflag:s19] =	ssyncset.done $0x0  }
0x4f4: {  	[sflag:s19] =	ssyncadd.s32 $0xFFFFFC00  }
0x4f5: {  	_ =	swait.ge [sflag:s19], $0x400  }
0x4f6: {  	[sflag:s19] =	ssyncset.done $0x0  }
0x4f7: {  	[sflag:s19] =	ssyncadd.s32 $0xFFFFFC00  }
0x4f8: {  	_ =	swait.ge [sflag:s19], $0x400  }
0x4f9: {  	[sflag:s19] =	ssyncset.done $0x0  }
0x4fa: {  	[sflag:s19] =	ssyncadd.s32 $0xFFFFFC00  }
0x4fb: {  	_ =	swait.ge [sflag:s19], $0x400  }
0x4fc: {  	[sflag:s19] =	ssyncset.done $0x0  }
0x4fd: {  	[sflag:s19] =	ssyncadd.s32 $0xFFFFFC00  }
0x4fe: {  	_ =	swait.ge [sflag:s19], $0x400  }
0x4ff: {  	[sflag:s19] =	ssyncset.done $0x0  }
0x500: {  	s9 =	simm.s32 $0x0;
	[sflag:s19] =	ssyncadd.s32 $0xFFFFFC00  }
0x501: {  	s11 =	simm.s32 $0x0;
	s17 =	simm.s32 $0x40;
	v4 =	vld [tilespmem:s9+$0x100]  }
.LBB2_25:
0x502: {  	p2 =	sne.s32 s17, $0xC0  }
.Ltmp14:
0x503: {  	_ = 	snop;
	(pc) =	sbr.rel @p2 .LBB2_25-.Ltmp14, $3  }
0x504: {  	_ =	sdelay $0x1  }
0x505: {  	[tilespmem:s9+$0x7600] =	vst v4;
	s9 =	sshra.s32 s17, $0x2;
	s17 =	sadd.s32 $0x40, s17  }
0x506: {  	v4 =	vld [tilespmem:s9+$0x100]  }
0x507: {  	_ =	sdelay $0x2  }
0x508: {  	v5 =	vmov s11  }
0x509: {  	s17 =	simm.s32 $0x4640;
	v5 =	vand.u32 $0x3E, v5;
	[tilespmem:s9+$0x7600] =	vst v4  }
0x50a: {  	v6 =	vadd.s32 v3, v5;
	v8 =	vld [tilespmem:s17+$0x0]  }
0x50b: {  	v7 =	vadd.s32 v2, v5;
	v9 =	vld [tilespmem:s17+$0x10]  }
0x50c: {  	s1 =	simm.s32 $0x1;
	v5 =	vadd.s32 v0, v5;
	v17 =	vld [tilespmem:s17+$0x30]  }
0x50d: {  	v4 =	vmov s1;
	v19 =	vld [tilespmem:s17+$0xFFFFFFD0]  }
0x50e: {  	v4 =	vand.u32 $0x3F, v4;
	v20 =	vld [tilespmem:s17+$0xFFFFFFC0]  }
0x50f: {  	v11 =	vld.idx.msk [tilespmem:v6+s4+$0x0], $0xffff;
	v6 =	vadd.s32 v0, v4  }
0x510: {  	v12 =	vld.idx.msk [tilespmem:v7+s4+$0x0], $0xffff  }
0x511: {  	v13 =	vld.idx.msk [tilespmem:v5+s10+$0x0], $0xffff;
	v7 =	vadd.s32 v2, v4;
	v4 =	vadd.s32 v3, v4  }
0x512: {  	v14 =	vld.idx.msk [tilespmem:v5+s4+$0x0], $0xffff  }
0x513: {  	v5 =	vld [tilespmem:s17+$0x20]  }
0x514: {  	s30 =	simm.s32 $0x2;
	v10 =	vld.idx.msk [tilespmem:v6+s10+$0x0], $0xffff  }
0x515: {  	v15 =	vmov s30;
	v6 =	vld.idx.msk [tilespmem:v6+s4+$0x0], $0xffff  }
0x516: {  	v15 =	vand.u32 $0x3E, v15;
	v16 =	vld.idx.msk [tilespmem:v4+s4+$0x0], $0xffff  }
0x517: {  	v7 =	vld.idx.msk [tilespmem:v7+s4+$0x0], $0xffff;
	v4 =	vadd.s32 v3, v15  }
0x518: {  	v18 =	vadd.s32 v2, v15;
	v29 =	vmul.f32 v14, v19;
	v14 =	vmul.f32 v14, v20  }
0x519: {  	s11 =	simm.s32 $0x3;
	v24 =	vld [tilespmem:s17+$0xFFFFFFE0];
	v15 =	vadd.s32 v0, v15;
	v19 =	vmul.f32 v13, v19;
	v21 =	vmul.f32 v10, v8  }
0x51a: {  	v23 =	vmov s11;
	s11 =	simm.s32 $0x46C0;
	v26 =	vld [tilespmem:s17+$0xFFFFFFF0];
	v22 =	vmul.f32 v6, v9;
	v25 =	vmul.f32 v6, v8  }
0x51b: {  	v23 =	vand.u32 $0x3F, v23;
	v30 =	vld [tilespmem:s11+$0x10];
	v9 =	vmul.f32 v10, v9;
	v27 =	vmul.f32 v16, v17  }
0x51c: {  	v4 =	vld.idx.msk [tilespmem:v4+s4+$0x0], $0xffff;
	v16 =	vmul.f32 v16, v8;
	v21 =	vadd.f32 v22, v21;
	v22 =	vmul.f32 v7, v5  }
0x51d: {  	v28 =	vadd.s32 v0, v23;
	v6 =	vld.idx.msk [tilespmem:v18+s4+$0x0], $0xffff;
	v17 =	vmul.f32 v10, v17;
	v7 =	vmul.f32 v7, v8  }
0x51e: {  	v8 =	vld.idx.msk [tilespmem:v15+s4+$0x0], $0xffff;
	v18 =	vadd.f32 v22, v21;
	v21 =	vmul.f32 v10, v5;
	v22 =	vmul.f32 v13, v20  }
0x51f: {  	v25 =	vadd.f32 v25, v9;
	v5 =	vld.idx.msk [tilespmem:v15+s10+$0x0], $0xffff;
	v15 =	vmul.f32 v12, v24;
	v24 =	vmul.f32 v13, v24  }
0x520: {  	v9 =	vld [tilespmem:s11+$0x20];
	v18 =	vadd.f32 v27, v18;
	v7 =	vadd.f32 v7, v21;
	v21 =	vadd.s32 v2, v23  }
0x521: {  	v10 =	vld [tilespmem:s11+$0x0];
	v13 =	vmul.f32 v13, v26;
	v22 =	vadd.f32 v29, v22;
	v23 =	vadd.s32 v3, v23  }
0x522: {  	s17 =	simm.s32 $0x4;
	v27 =	vmul.f32 v11, v26;
	v11 =	vmul.f32 v11, v20;
	v18 =	vpsel p0, v18, v7;
	v7 =	vld.idx.msk [tilespmem:v28+s10+$0x0], $0xffff  }
0x523: {  	v62 =	vmov s17;
	v15 =	vadd.f32 v15, v22;
	v22 =	vld.idx.msk [tilespmem:v28+s4+$0x0], $0xffff  }
0x524: {  	v12 =	vmul.f32 v12, v20;
	v20 =	vadd.f32 v14, v19;
	v14 =	vld [tilespmem:s11+$0x30];
	v13 =	vadd.f32 v11, v13  }
0x525: {  	v63 =	vadd.f32 v16, v17;
	v15 =	vadd.f32 v27, v15;
	v16 =	vld.idx.msk [tilespmem:v21+s4+$0x0], $0xffff;
	v21 =	vand.u32 $0x3E, v62  }
0x526: {  	s9 =	simm.s32 $0x6620;
	v20 =	vpsel p0, v20, v13;
	v17 =	vld.idx.msk [tilespmem:v23+s4+$0x0], $0xffff;
	v23 =	vadd.f32 v12, v24;
	v19 =	vadd.s32 v3, v21  }
0x527: {  	v11 =	vld [tilespmem:s11+$0xFFFFFFC0];
	[tilespmem:s9+$0x0] =	vst v18;
	v24 =	vpsel p0, v25, v63;
	v18 =	vadd.s32 v0, v21;
	v21 =	vadd.s32 v2, v21  }
0x528: {  	s30 =	simm.s32 $0x5;
	v12 =	vld [tilespmem:s11+$0xFFFFFFD0];
	[tilespmem:s9+$0x10] =	vst v24;
	v15 =	vpsel p0, v15, v23;
	v24 =	vmul.f32 v7, v10;
	v25 =	vmul.f32 v22, v30  }
0x529: {  	v13 =	vld [tilespmem:s11+$0xFFFFFFE0];
	v22 =	vmul.f32 v22, v10;
	v23 =	vmul.f32 v7, v30;
	[tilespmem:s9+$0xFFFFFFE0] =	vst v15;
	v15 =	vmov s30  }
0x52a: {  	s17 =	simm.s32 $0x6;
	[tilespmem:s9+$0xFFFFFFF0] =	vst v20;
	v20 =	vand.u32 $0x3F, v15;
	v15 =	vld [tilespmem:s11+$0xFFFFFFF0];
	v24 =	vadd.f32 v25, v24;
	v25 =	vmul.f32 v16, v9  }
.LBB2_27:
0x52b: {  	p2 =	slt.u32 s17, $0x3E;
	v19 =	vld.idx.msk [tilespmem:v19+s4+$0x0], $0xffff;
	v26 =	vadd.s32 v0, v20;
	v27 =	vmul.f32 v17, v14;
	v17 =	vmul.f32 v17, v10  }
0x52c: {  	v10 =	vmul.f32 v16, v10;
	v9 =	vmul.f32 v7, v9;
	v21 =	vld.idx.msk [tilespmem:v21+s4+$0x0], $0xffff;
	v24 =	vadd.f32 v25, v24  }
0x52d: {  	v22 =	vadd.f32 v22, v23;
	v28 =	vmul.f32 v8, v12;
	v25 =	vld.idx.msk [tilespmem:v18+s10+$0x0], $0xffff;
	v16 =	vmul.f32 v5, v11  }
0x52e: {  	s11 =	sadd.s32 $0x80, s11;
	v18 =	vld.idx.msk [tilespmem:v18+s4+$0x0], $0xffff;
	v23 =	vmul.f32 v6, v13;
	v24 =	vadd.f32 v27, v24;
	v27 =	vadd.f32 v10, v9  }
0x52f: {  	v29 =	vadd.s32 v2, v20;
	v14 =	vmul.f32 v7, v14;
	v9 =	vld [tilespmem:s11+$0x20];
	v16 =	vadd.f32 v28, v16  }
0x530: {  	v20 =	vadd.s32 v3, v20;
	s9 =	sadd.s32 $0x40, s9;
	v28 =	vmul.f32 v4, v15;
	v10 =	vld [tilespmem:s11+$0x0];
	v24 =	vpsel p0, v24, v27  }
0x531: {  	v8 =	vmul.f32 v8, v11;
	v27 =	vmov s17;
	v7 =	vld.idx.msk [tilespmem:v26+s10+$0x0], $0xffff;
	v16 =	vadd.f32 v23, v16;
	[tilespmem:s9+$0x0] =	vst v24  }
0x532: {  	v12 =	vmul.f32 v5, v12;
	v30 =	vmul.f32 v6, v11;
	v14 =	vadd.f32 v17, v14;
	v23 =	vld.idx.msk [tilespmem:v26+s4+$0x0], $0xffff  }
0x533: {  	v11 =	vmul.f32 v4, v11;
	v13 =	vmul.f32 v5, v13;
	v4 =	vmovc v19;
	v24 =	vld [tilespmem:s11+$0x10];
	v26 =	vadd.f32 v28, v16  }
0x534: {  	v14 =	vpsel p0, v22, v14;
	v28 =	vadd.f32 v8, v12;
	v16 =	vld.idx.msk [tilespmem:v29+s4+$0x0], $0xffff;
	v29 =	vmul.f32 v5, v15  }
0x535: {  	v13 =	vadd.f32 v30, v13;
	v6 =	vmovc v21;
	v12 =	vand.u32 $0x3E, v27;
	v5 =	vmov v25;
	v17 =	vld.idx.msk [tilespmem:v20+s4+$0x0], $0xffff;
	[tilespmem:s9+$0x10] =	vst v14  }
.Ltmp15:
0x536: {  	v8 =	vmov v18;
	v19 =	vadd.s32 v3, v12;
	v14 =	vld [tilespmem:s11+$0x30];
	v15 =	vadd.f32 v11, v29;
	(pc) =	sbr.rel @p2 .LBB2_27-.Ltmp15, $4  }
0x537: {  	v18 =	vadd.s32 v0, v12;
	v21 =	vadd.s32 v2, v12;
	v13 =	vpsel p0, v26, v13;
	v12 =	vld [tilespmem:s11+$0xFFFFFFD0]  }
0x538: {  	s1 =	sadd.s32 $0x1, s17;
	v25 =	vmul.f32 v7, v10;
	v11 =	vld [tilespmem:s11+$0xFFFFFFC0];
	v26 =	vmul.f32 v23, v24;
	[tilespmem:s9+$0xFFFFFFE0] =	vst v13;
	v15 =	vpsel p0, v28, v15  }
0x539: {  	v20 =	vmov s1;
	v22 =	vmul.f32 v23, v10;
	v23 =	vmul.f32 v7, v24;
	v13 =	vld [tilespmem:s11+$0xFFFFFFE0];
	[tilespmem:s9+$0xFFFFFFF0] =	vst v15  }
0x53a: {  	s17 =	sadd.s32 $0x2, s17;
	v20 =	vand.u32 $0x3F, v20;
	v15 =	vld [tilespmem:s11+$0xFFFFFFF0];
	v24 =	vadd.f32 v26, v25;
	v25 =	vmul.f32 v16, v9  }
0x53b: {  	_ =	sdelay $0x3  }
0x53c: {  	v19 =	vld.idx.msk [tilespmem:v19+s4+$0x0], $0xffff  }
0x53d: {  	v21 =	vld.idx.msk [tilespmem:v21+s4+$0x0], $0xffff  }
0x53e: {  	v27 =	vld.idx.msk [tilespmem:v18+s10+$0x0], $0xffff  }
0x53f: {  	v26 =	vadd.s32 v0, v20;
	v18 =	vld.idx.msk [tilespmem:v18+s4+$0x0], $0xffff;
	s1 =	sadd.s32 $0x80, s11  }
0x540: {  	v28 =	vmul.f32 v17, v14;
	v60 =	vmul.f32 v17, v10;
	v30 =	vadd.s32 v2, v20;
	v29 =	vld [tilespmem:s1+$0x20]  }
0x541: {  	v61 =	vadd.s32 v3, v20;
	v62 =	vmul.f32 v16, v10;
	v9 =	vmul.f32 v7, v9;
	v33 =	vld [tilespmem:s1+$0x0]  }
0x542: {  	v22 =	vadd.f32 v22, v23;
	v7 =	vmul.f32 v7, v14;
	v32 =	vmul.f32 v8, v12;
	v44 =	vld [tilespmem:s1+$0xFFFFFFD0]  }
0x543: {  	v24 =	vadd.f32 v25, v24;
	v41 =	vmul.f32 v5, v12;
	v45 =	vld [tilespmem:s1+$0xFFFFFFC0];
	v31 =	vmul.f32 v5, v11  }
0x544: {  	v49 =	vld [tilespmem:s1+$0xFFFFFFF0];
	v9 =	vadd.f32 v62, v9;
	v39 =	vmul.f32 v8, v11;
	v7 =	vadd.f32 v60, v7  }
0x545: {  	v36 =	vld [tilespmem:s1+$0x10];
	v35 =	vmul.f32 v6, v13;
	v24 =	vadd.f32 v28, v24;
	v6 =	vmul.f32 v6, v11  }
0x546: {  	v42 =	vmul.f32 v5, v13;
	v34 =	vadd.f32 v32, v31;
	v38 =	vmul.f32 v4, v15;
	v63 =	vld.idx.msk [tilespmem:v26+s10+$0x0], $0xffff  }
0x547: {  	v4 =	vmul.f32 v4, v11;
	v8 =	vadd.f32 v39, v41;
	v5 =	vmul.f32 v5, v15;
	v26 =	vld.idx.msk [tilespmem:v26+s4+$0x0], $0xffff  }
0x548: {  	v43 =	vld [tilespmem:s1+$0x30];
	v7 =	vpsel p0, v22, v7;
	v9 =	vpsel p0, v24, v9;
	v54 =	vmul.f32 v27, v45  }
0x549: {  	v40 =	vld.idx.msk [tilespmem:v30+s4+$0x0], $0xffff;
	v6 =	vadd.f32 v6, v42;
	v55 =	vmul.f32 v18, v44;
	v58 =	vmul.f32 v19, v49  }
0x54a: {  	v20 =	vld.idx.msk [tilespmem:v61+s4+$0x0], $0xffff;
	v37 =	vadd.f32 v35, v34;
	v60 =	vmul.f32 v18, v45;
	v11 =	vmul.f32 v27, v44  }
0x54b: {  	v4 =	vadd.f32 v4, v5;
	v5 =	vld [tilespmem:s1+$0xFFFFFFE0];
	v61 =	vmul.f32 v21, v45;
	v12 =	vmul.f32 v19, v45  }
0x54c: {  	v14 =	vadd.f32 v38, v37;
	v46 =	vmul.f32 v63, v33;
	v47 =	vmul.f32 v26, v36  }
0x54d: {  	v4 =	vpsel p0, v8, v4;
	v8 =	vadd.f32 v55, v54;
	v48 =	vmul.f32 v26, v33  }
0x54e: {  	v10 =	vmul.f32 v63, v36;
	v50 =	vmul.f32 v40, v29;
	v15 =	vadd.f32 v47, v46  }
0x54f: {  	v6 =	vpsel p0, v14, v6;
	v52 =	vmul.f32 v40, v33;
	v53 =	vmul.f32 v63, v29  }
0x550: {  	s17 =	sadd.s32 $0x40, s9;
	v51 =	vmul.f32 v20, v43;
	v56 =	vmul.f32 v21, v5;
	v15 =	vadd.f32 v50, v15  }
0x551: {  	[tilespmem:s17+$0x10] =	vst v7;
	v20 =	vmul.f32 v20, v33;
	v57 =	vmul.f32 v63, v43;
	v59 =	vadd.f32 v52, v53  }
0x552: {  	[tilespmem:s17+$0x0] =	vst v9;
	v5 =	vmul.f32 v27, v5;
	v7 =	vadd.f32 v56, v8;
	v14 =	vadd.f32 v51, v15  }
0x553: {  	v62 =	vmul.f32 v27, v49;
	[tilespmem:s17+$0xFFFFFFE0] =	vst v6;
	v10 =	vadd.f32 v48, v10;
	v6 =	vadd.f32 v20, v57  }
0x554: {  	s1 =	sadd.s32 $0x40, s17;
	[tilespmem:s17+$0xFFFFFFF0] =	vst v4;
	v5 =	vadd.f32 v61, v5;
	v7 =	vadd.f32 v58, v7;
	v4 =	vpsel p0, v14, v59  }
0x555: {  	v63 =	vadd.f32 v12, v62;
	v6 =	vpsel p0, v10, v6;
	[tilespmem:s1+$0x0] =	vst v4;
	v4 =	vadd.f32 v60, v11  }
0x556: {  	[tilespmem:s1+$0x10] =	vst v6;
	v5 =	vpsel p0, v7, v5  }
0x557: {  	[tilespmem:s1+$0xFFFFFFE0] =	vst v5;
	v4 =	vpsel p0, v4, v63  }
0x558: {  	s30 =	simm.s32 $0x7600;
	[tilespmem:s1+$0xFFFFFFF0] =	vst v4  }
0x559: {  	[spmem:s6] =	stream.indirect.scatter.add.f32 [tilespmem:s28], [sflag:$0x7], $0x20, s30, s14, $0xb8;
	[tilespmem:$0x1FD80] =	vst v63  }
0x55a: {  	_ =	swait.ge [sflag:s26], $0x1000  }
0x55b: {  	[sflag:s26] =	ssyncset.done $0x0  }
0x55c: {  	[sflag:s26] =	ssyncadd.s32 $0xFFFFF000  }
0x55d: {  	_ =	swait.ge [sflag:s0], $0x800  }
0x55e: {  	[sflag:s0] =	ssyncset.done $0x0  }
0x55f: {  	s9 =	simm.s32 $0x0;
	[sflag:s0] =	ssyncadd.s32 $0xFFFFF800  }
0x560: {  	s11 =	simm.s32 $0x40;
	v4 =	vld [tilespmem:s9+$0x140]  }
.LBB2_29:
0x561: {  	p2 =	sne.s32 s11, $0xC0  }
.Ltmp16:
0x562: {  	_ = 	snop;
	(pc) =	sbr.rel @p2 .LBB2_29-.Ltmp16, $3  }
0x563: {  	_ =	sdelay $0x1  }
0x564: {  	[tilespmem:s9+$0x7640] =	vst v4;
	s9 =	sshra.s32 s11, $0x2;
	s11 =	sadd.s32 $0x40, s11  }
0x565: {  	v4 =	vld [tilespmem:s9+$0x140]  }
0x566: {  	s1 =	simm.s32 $0x40  }
0x567: {  	v5 =	vmov s1  }
0x568: {  	v5 =	vand.u32 $0x7E, v5  }
0x569: {  	v6 =	vadd.s32 v3, v5  }
0x56a: {  	s30 =	simm.s32 $0x41;
	s11 =	simm.s32 $0x5640;
	v7 =	vadd.s32 v2, v5;
	[tilespmem:s9+$0x7640] =	vst v4  }
0x56b: {  	v8 =	vadd.s32 v0, v5;
	v4 =	vmov s30;
	v11 =	vld [tilespmem:s11+$0x20]  }
0x56c: {  	v9 =	vand.u32 $0x7F, v4;
	v13 =	vld [tilespmem:s11+$0x0]  }
0x56d: {  	v14 =	vld [tilespmem:s11+$0x10];
	v10 =	vadd.s32 v0, v9  }
0x56e: {  	v4 =	vld.idx.msk [tilespmem:v6+s4+$0x0], $0xffff  }
0x56f: {  	v5 =	vld.idx.msk [tilespmem:v7+s4+$0x0], $0xffff;
	v7 =	vadd.s32 v2, v9  }
0x570: {  	v6 =	vld.idx.msk [tilespmem:v8+s10+$0x0], $0xffff;
	v9 =	vadd.s32 v3, v9  }
0x571: {  	v22 =	vld.idx.msk [tilespmem:v8+s4+$0x0], $0xffff  }
0x572: {  	v8 =	vld.idx.msk [tilespmem:v10+s10+$0x0], $0xffff  }
0x573: {  	s17 =	simm.s32 $0x42;
	v10 =	vld.idx.msk [tilespmem:v10+s4+$0x0], $0xffff  }
0x574: {  	v12 =	vmov s17;
	v18 =	vld.idx.msk [tilespmem:v7+s4+$0x0], $0xffff  }
0x575: {  	v12 =	vand.u32 $0x7E, v12;
	v9 =	vld.idx.msk [tilespmem:v9+s4+$0x0], $0xffff  }
0x576: {  	v16 =	vadd.s32 v3, v12;
	v7 =	vld [tilespmem:s11+$0x30]  }
0x577: {  	v17 =	vadd.s32 v2, v12;
	v23 =	vadd.s32 v0, v12;
	s30 =	simm.s32 $0x43;
	v15 =	vld [tilespmem:s11+$0xFFFFFFD0]  }
0x578: {  	v12 =	vld [tilespmem:s11+$0xFFFFFFC0];
	v20 =	vmov s30;
	v21 =	vmul.f32 v8, v13;
	v24 =	vmul.f32 v10, v14  }
0x579: {  	v19 =	vld [tilespmem:s11+$0xFFFFFFE0];
	v29 =	vand.u32 $0x7F, v20;
	v25 =	vmul.f32 v10, v13  }
0x57a: {  	v20 =	vld [tilespmem:s11+$0xFFFFFFF0];
	v14 =	vmul.f32 v8, v14;
	v24 =	vadd.f32 v24, v21;
	v26 =	vmul.f32 v18, v11  }
0x57b: {  	v10 =	vld.idx.msk [tilespmem:v16+s4+$0x0], $0xffff;
	v21 =	vadd.s32 v0, v29;
	v28 =	vmul.f32 v9, v7;
	v16 =	vmul.f32 v9, v13  }
0x57c: {  	v17 =	vld.idx.msk [tilespmem:v17+s4+$0x0], $0xffff;
	v13 =	vmul.f32 v18, v13;
	v9 =	vadd.f32 v26, v24;
	v24 =	vmul.f32 v8, v11  }
0x57d: {  	v30 =	vmul.f32 v22, v15;
	v14 =	vadd.f32 v25, v14;
	v18 =	vld.idx.msk [tilespmem:v23+s4+$0x0], $0xffff;
	v26 =	vmul.f32 v6, v12  }
0x57e: {  	v27 =	vmul.f32 v5, v19;
	s11 =	simm.s32 $0x56C0;
	v11 =	vld.idx.msk [tilespmem:v23+s10+$0x0], $0xffff;
	v31 =	vadd.f32 v28, v9;
	v32 =	vadd.f32 v13, v24  }
0x57f: {  	v25 =	vadd.s32 v3, v29;
	v23 =	vadd.s32 v2, v29;
	v9 =	vld [tilespmem:s11+$0x20];
	v28 =	vadd.f32 v30, v26  }
0x580: {  	s17 =	simm.s32 $0x2;
	s9 =	simm.s32 $0x6E20;
	v26 =	vmul.f32 v4, v20;
	v13 =	vld [tilespmem:s11+$0x0];
	v24 =	vmul.f32 v22, v12;
	v22 =	vpsel p0, v31, v32  }
.LBB2_31:
0x581: {  	s1 =	sadd.s32 $0x42, s17;
	v29 =	vld.idx.msk [tilespmem:v21+s10+$0x0], $0xffff;
	v27 =	vadd.f32 v27, v28;
	v15 =	vmul.f32 v6, v15;
	[tilespmem:s9+$0x0] =	vst v22  }
0x582: {  	v28 =	vmul.f32 v5, v12;
	v19 =	vmul.f32 v6, v19;
	v5 =	vmovc v17;
	v22 =	vmov s1;
	v21 =	vld.idx.msk [tilespmem:v21+s4+$0x0], $0xffff  }
0x583: {  	v12 =	vmul.f32 v4, v12;
	v20 =	vmul.f32 v6, v20;
	v4 =	vmovc v10;
	v17 =	vld [tilespmem:s11+$0x10];
	v26 =	vadd.f32 v26, v27  }
0x584: {  	v8 =	vmul.f32 v8, v7;
	v10 =	vadd.f32 v24, v15;
	v15 =	vadd.f32 v28, v19;
	v23 =	vld.idx.msk [tilespmem:v23+s4+$0x0], $0xffff  }
0x585: {  	v6 =	vmovc v11;
	v19 =	vand.u32 $0x7E, v22;
	v12 =	vadd.f32 v12, v20;
	v24 =	vmov v18;
	v22 =	vld.idx.msk [tilespmem:v25+s4+$0x0], $0xffff  }
0x586: {  	v28 =	vadd.f32 v16, v8;
	v11 =	vadd.s32 v3, v19;
	v18 =	vpsel p0, v26, v15;
	v7 =	vld [tilespmem:s11+$0x30]  }
0x587: {  	v25 =	vadd.s32 v0, v19;
	v26 =	vadd.s32 v2, v19;
	v10 =	vpsel p0, v10, v12;
	v15 =	vld [tilespmem:s11+$0xFFFFFFD0];
	[tilespmem:s9+$0xFFFFFFE0] =	vst v18  }
0x588: {  	s1 =	sadd.s32 $0x43, s17;
	v20 =	vpsel p0, v14, v28;
	v16 =	vmul.f32 v29, v13;
	v12 =	vld [tilespmem:s11+$0xFFFFFFC0];
	v18 =	vmul.f32 v21, v17;
	[tilespmem:s9+$0xFFFFFFF0] =	vst v10  }
0x589: {  	v8 =	vmovc v29;
	v14 =	vmul.f32 v21, v13;
	v10 =	vmov s1;
	v27 =	vmul.f32 v29, v17;
	v19 =	vld [tilespmem:s11+$0xFFFFFFE0];
	[tilespmem:s9+$0x10] =	vst v20  }
0x58a: {  	s17 =	sadd.s32 $0x2, s17;
	v29 =	vand.u32 $0x7F, v10;
	v28 =	vmul.f32 v23, v9;
	v20 =	vld [tilespmem:s11+$0xFFFFFFF0];
	v18 =	vadd.f32 v18, v16  }
0x58b: {  	p2 =	slt.u32 s17, $0x3E;
	v21 =	vadd.s32 v0, v29;
	v16 =	vmul.f32 v22, v13;
	v10 =	vld.idx.msk [tilespmem:v11+s4+$0x0], $0xffff;
	v30 =	vmul.f32 v22, v7  }
.Ltmp17:
0x58c: {  	v9 =	vmul.f32 v8, v9;
	v13 =	vmul.f32 v23, v13;
	v17 =	vld.idx.msk [tilespmem:v26+s4+$0x0], $0xffff;
	v22 =	vadd.f32 v28, v18;
	(pc) =	sbr.rel @p2 .LBB2_31-.Ltmp17, $4  }
0x58d: {  	v14 =	vadd.f32 v14, v27;
	v28 =	vmul.f32 v24, v15;
	v11 =	vld.idx.msk [tilespmem:v25+s10+$0x0], $0xffff;
	v26 =	vmul.f32 v6, v12  }
0x58e: {  	s11 =	sadd.s32 $0x80, s11;
	v18 =	vld.idx.msk [tilespmem:v25+s4+$0x0], $0xffff;
	v27 =	vmul.f32 v5, v19;
	v22 =	vadd.f32 v30, v22;
	v30 =	vadd.f32 v13, v9  }
0x58f: {  	v23 =	vadd.s32 v2, v29;
	v9 =	vld [tilespmem:s11+$0x20];
	v28 =	vadd.f32 v28, v26;
	v26 =	vmul.f32 v4, v20  }
0x590: {  	s9 =	sadd.s32 $0x40, s9;
	v24 =	vmul.f32 v24, v12;
	v25 =	vadd.s32 v3, v29;
	v13 =	vld [tilespmem:s11+$0x0];
	v22 =	vpsel p0, v22, v30  }
0x591: {  	_ =	sdelay $0x3  }
0x592: {  	v29 =	vld.idx.msk [tilespmem:v21+s10+$0x0], $0xffff  }
0x593: {  	v36 =	vld.idx.msk [tilespmem:v21+s4+$0x0], $0xffff  }
0x594: {  	v30 =	vld [tilespmem:s11+$0x10]  }
0x595: {  	v23 =	vld.idx.msk [tilespmem:v23+s4+$0x0], $0xffff  }
0x596: {  	v27 =	vadd.f32 v27, v28;
	v5 =	vmul.f32 v5, v12;
	v25 =	vld.idx.msk [tilespmem:v25+s4+$0x0], $0xffff  }
0x597: {  	v19 =	vmul.f32 v6, v19;
	v15 =	vmul.f32 v6, v15;
	v37 =	vld [tilespmem:s11+$0x30]  }
0x598: {  	v4 =	vmul.f32 v4, v12;
	v38 =	vmul.f32 v6, v20;
	v40 =	vld [tilespmem:s11+$0xFFFFFFC0];
	v26 =	vadd.f32 v26, v27  }
0x599: {  	v39 =	vld [tilespmem:s11+$0xFFFFFFD0];
	v7 =	vmul.f32 v8, v7;
	v5 =	vadd.f32 v5, v19;
	v15 =	vadd.f32 v24, v15  }
0x59a: {  	v42 =	vld [tilespmem:s11+$0xFFFFFFE0];
	v4 =	vadd.f32 v4, v38;
	v41 =	vmul.f32 v29, v13;
	v43 =	vmul.f32 v36, v30  }
0x59b: {  	v45 =	vld [tilespmem:s11+$0xFFFFFFF0];
	v7 =	vadd.f32 v16, v7;
	v44 =	vmul.f32 v36, v13;
	v46 =	vmul.f32 v29, v30  }
0x59c: {  	v5 =	vpsel p0, v26, v5;
	v47 =	vmul.f32 v23, v9;
	v48 =	vmul.f32 v25, v37  }
0x59d: {  	v4 =	vpsel p0, v15, v4;
	v25 =	vmul.f32 v25, v13;
	v49 =	vmul.f32 v11, v40  }
0x59e: {  	v7 =	vpsel p0, v14, v7;
	v50 =	vmul.f32 v18, v39;
	v51 =	vmul.f32 v23, v13  }
0x59f: {  	v52 =	vmul.f32 v29, v9;
	v53 =	vmul.f32 v17, v42;
	v6 =	vadd.f32 v43, v41  }
0x5a0: {  	v54 =	vmul.f32 v10, v45;
	v55 =	vmul.f32 v18, v40;
	v14 =	vadd.f32 v50, v49  }
0x5a1: {  	v12 =	vmul.f32 v11, v39;
	v56 =	vmul.f32 v17, v40;
	v6 =	vadd.f32 v47, v6  }
0x5a2: {  	[tilespmem:s9+$0x0] =	vst v22;
	v57 =	vmul.f32 v11, v42;
	v8 =	vmul.f32 v10, v40;
	v14 =	vadd.f32 v53, v14  }
0x5a3: {  	[tilespmem:s9+$0xFFFFFFE0] =	vst v5;
	v58 =	vmul.f32 v11, v45;
	v5 =	vadd.f32 v51, v52;
	v6 =	vadd.f32 v48, v6  }
0x5a4: {  	[tilespmem:s9+$0xFFFFFFF0] =	vst v4;
	v60 =	vmul.f32 v29, v37;
	v59 =	vadd.f32 v56, v57;
	v4 =	vadd.f32 v54, v14  }
0x5a5: {  	s1 =	sadd.s32 $0x40, s9;
	[tilespmem:s9+$0x10] =	vst v7;
	v61 =	vadd.f32 v55, v12;
	v62 =	vadd.f32 v8, v58;
	v5 =	vpsel p0, v6, v5  }
0x5a6: {  	v63 =	vadd.f32 v44, v46;
	v4 =	vpsel p0, v4, v59;
	[tilespmem:s1+$0x0] =	vst v5;
	v5 =	vadd.f32 v25, v60  }
.Ltmp18:
0x5a7: {  	[tilespmem:s1+$0xFFFFFFE0] =	vst v4;
	v4 =	vpsel p0, v61, v62;
	(pc) =	sbr.rel .LBB2_33-.Ltmp18, $4  }
0x5a8: {  	[tilespmem:s1+$0xFFFFFFF0] =	vst v4;
	v4 =	vpsel p0, v63, v5  }
0x5a9: {  	s30 =	simm.s32 $0x7640;
	[tilespmem:s1+$0x10] =	vst v4  }
0x5aa: {  	[spmem:s6] =	stream.indirect.scatter.add.f32 [tilespmem:s31], [sflag:$0x8], $0x20, s30, s14, $0xb8;
	[tilespmem:$0x1FD80] =	vst v63  }
0x5ab: {  	s17 =	sld [smem:$0x79E]  }
.LBB2_34:
0x5ac: {  	_ =	sfence.sel $0x180000  }
0x5ad: {  	[bflag:$0x0] =	sbarrier.arrive $0xFFFF  }
0x5ae: {  	_ =	strace $0x90000047  }
0x5af: {  	s0 =	stileid.u32;
	[bflag:$0x2] =	sbarrier.arrive $0xFFFF  }
0x5b0: {  	p0 =	sne.s32 s0, $0x0;
	s0 =	rddreg [dreg:$0x6]  }
0x5b1: {  	s0 =	sadd.s32 @!p0 $0x100000, s0  }
0x5b2: {  	[sflag:s0] =	ssyncadd.tile.s32 @!p0 $0x1;
	_ =	shalt  }
.Lfunc_end2:
_tile_overlayer_lowered:
.L_overlay_start_2:
0x5b3: {  	(tag) =	ssettag $0x2  }
0x5b4: {  	s0 =	rddreg [dreg:$0x0];
	s2 =	stileid.u32  }
0x5b5: {  	s1 =	rddreg [dreg:$0x1];
	p0 =	sne.s32 s2, $0x0  }
0x5b6: {  	s3 =	rddreg [dreg:$0x2];
	[bflag:$0x3] =	sbarrier.arrive $0xFFFF;
	s2 =	simm.s32 @!p0 $0x1C09  }
0x5b7: {  	[timem:s3], [sflag:s2] =	dma.local @!p0 [hbm:s0], s1  }
0x5b8: {  	s0 =	simm.s32 @!p0 $0x9  }
0x5b9: {  	_ =	swait.ge @!p0 [sflag:s0], s1  }
0x5ba: {  	s1 =	ssub.s32 @!p0 $0x0, s1;
	[sflag:s0] =	ssyncset.done @!p0 $0x0  }
0x5bb: {  	[sflag:s0] =	ssyncadd.s32 @!p0 s1  }
0x5bc: {  	[bflag:$0x3] =	sbarrier.arrive $0xFFFF  }
0x5bd: {  	_ =	shalt  }

</sc_bundles>
